<compile_context>
chip_gen: v7x
topology: tpu7x:2x2x1
jax: 0.10.2.dev20260603
libtpu: 0.0.44.dev20260713+nightly
codegen_flags: <defaults>
</compile_context>

<pallas_src>
import jax
import jax.numpy as jnp
from jax import lax
from jax.experimental import pallas as pl
from jax.experimental.pallas import tpu as pltpu
from jax.experimental.pallas import tpu_sc as plsc

BATCH = 4096
EXP_DIM = 8192
NSEL = 32
CHUNK = 256
POOL = 1024.0
A_MULT = 2654435761.0
M_MOD = 1000000007.0

NC, NS, L = 2, 16, 16
NW = NC * NS

SC_ROWS = 1792
TC_ROWS = BATCH - SC_ROWS
ROWS_PER_W = SC_ROWS // NW
RBLK = 4
NBLK = ROWS_PER_W // RBLK
TC_BLK = 256


def _sc_body(x_hbm, out_hbm, buf0, buf1, outb, sem0, sem1):
    cid = lax.axis_index("c")
    sid = lax.axis_index("s")
    wid = sid * NC + cid
    row0 = wid * ROWS_PER_W

    lane = lax.iota(jnp.int32, L)
    wvs = []
    for k in range(16):
        pos = (lane + k * L).astype(jnp.float32)
        wvs.append(jnp.mod(pos * A_MULT, M_MOD))

    bufs = (buf0, buf1)
    sems = (sem0, sem1)

    def dma_in(g, b):
        return pltpu.async_copy(
            x_hbm.at[pl.ds(row0 + g * RBLK, RBLK)], bufs[b], sems[b])

    dma_in(0, 0)
    dma_in(1, 1)

    def compute_block(g, b):
        buf = bufs[b]

        def row_body(r, _):
            def chunk_body(c, carry):
                lo, hi = carry

                def csum(coff):
                    ps = [buf[r, pl.ds(coff + k * L, L)] * wvs[k]
                          for k in range(16)]
                    while len(ps) > 1:
                        ps = [a + b2 for a, b2 in zip(ps[::2], ps[1::2])]
                    return jnp.sum(ps[0])

                s_lo = csum(c * CHUNK)
                s_hi = csum(c * CHUNK + 16 * CHUNK)
                lo = jnp.where(lane == c, s_lo, lo)
                hi = jnp.where(lane == c, s_hi, hi)
                return lo, hi

            z = jnp.zeros((L,), jnp.float32)
            lo, hi = lax.fori_loop(0, 16, chunk_body, (z, z), unroll=4)
            row_l = g * RBLK + r
            outb[row_l, pl.ds(0, L)] = jnp.mod(lo, POOL).astype(jnp.int32)
            outb[row_l, pl.ds(L, L)] = jnp.mod(hi, POOL).astype(jnp.int32)
            return 0

        lax.fori_loop(0, RBLK, row_body, 0)

    def pair_body(p, _):
        for b in range(2):
            g = 2 * p + b
            pltpu.make_async_copy(
                x_hbm.at[pl.ds(0, RBLK)], bufs[b], sems[b]).wait()
            compute_block(g, b)

            @pl.when(g + 2 < NBLK)
            def _():
                dma_in(g + 2, b)
        return 0

    lax.fori_loop(0, NBLK // 2, pair_body, 0)
    pltpu.sync_copy(outb, out_hbm.at[pl.ds(row0, ROWS_PER_W)])


_sc_call_cache = None


def _get_sc_call():
    global _sc_call_cache
    if _sc_call_cache is None:
        mesh = plsc.VectorSubcoreMesh(
            core_axis_name="c", subcore_axis_name="s",
            num_cores=NC, num_subcores=NS)
        _sc_call_cache = pl.kernel(
            _sc_body,
            out_type=jax.ShapeDtypeStruct((SC_ROWS, NSEL), jnp.int32),
            mesh=mesh,
            scratch_types=[
                pltpu.VMEM((RBLK, EXP_DIM), jnp.float32),
                pltpu.VMEM((RBLK, EXP_DIM), jnp.float32),
                pltpu.VMEM((ROWS_PER_W, NSEL), jnp.int32),
                pltpu.SemaphoreType.DMA,
                pltpu.SemaphoreType.DMA,
            ],
            compiler_params=pltpu.CompilerParams(needs_layout_passes=False),
        )
    return _sc_call_cache


def _tc_body(x_ref, o_ref):
    pos = lax.broadcasted_iota(jnp.int32, (1, CHUNK), 1).astype(jnp.float32)
    w = jnp.mod(pos * A_MULT, M_MOD)
    for i in range(NSEL):
        chunk = x_ref[:, i * CHUNK:(i + 1) * CHUNK]
        h = jnp.sum(chunk * w, axis=1)
        o_ref[:, i] = jnp.mod(h, POOL).astype(jnp.int32)


_TC_OFF = SC_ROWS // TC_BLK


def _tc_call(x):
    return pl.pallas_call(
        _tc_body,
        grid=(TC_ROWS // TC_BLK,),
        in_specs=[pl.BlockSpec((TC_BLK, EXP_DIM), lambda i: (i + _TC_OFF, 0))],
        out_specs=pl.BlockSpec((TC_BLK, NSEL), lambda i: (i, 0)),
        out_shape=jax.ShapeDtypeStruct((TC_ROWS, NSEL), jnp.int32),
    )(x)


def kernel(sparse_code):
    y_sc = _get_sc_call()(sparse_code)
    y_tc = _tc_call(sparse_code)
    return jnp.concatenate([y_sc, y_tc], axis=0)

# --- scband reference (transcript-rebuilt; emitter-appended) ---
"""Pipeline reference for scband-bio-lsh-79963701116970 (READ-ONLY COPY).

The authoritative reference and input builder live on the scoring server;
editing this copy changes nothing except your own understanding.
"""

import jax, jax.numpy as jnp
import numpy as np

EXPANSION_DIM = 8192
POOL_SIZE = 1024
SELECTION_SIZE = 32
CHUNK_SIZE = max(1, EXPANSION_DIM // SELECTION_SIZE)
BATCH = 4096


def setup_inputs(seed: int = 0) -> dict:
    key = jax.random.key(seed)
    sparse_code = jax.random.uniform(key, (BATCH, EXPANSION_DIM), dtype=jnp.float32)
    return {"sparse_code": sparse_code}


def reference(sparse_code):
    B, D = sparse_code.shape
    indices = []
    for i in range(SELECTION_SIZE):
        start_idx = i * CHUNK_SIZE
        end_idx = min(start_idx + CHUNK_SIZE, D)
        chunk = sparse_code[:, start_idx:end_idx]
        positions = jnp.arange(end_idx - start_idx, dtype=jnp.float32)
        weights = positions * 2654435761.0 % 1000000007.0
        hash_values = (chunk * weights[None, :]).sum(axis=1)
        prompt_idx = jnp.mod(hash_values, float(POOL_SIZE)).astype(jnp.int32)
        indices.append(prompt_idx)
    return jnp.stack(indices, axis=1)

if __name__ == "__main__":
    import jax
    _d = setup_inputs()
    print(jax.jit(kernel)(*tuple(_d.values())))

</pallas_src>

<mosaic_0001>
#map = affine_map<(d0, d1) -> (0, 0)>
module attributes {stable_mosaic.version = 14 : i64} {
  func.func @_sc_body(%arg0: i32, %arg1: i32, %arg2: memref<4096x8192xf32, #tpu.memory_space<hbm>>, %arg3: memref<1792x32xi32, #tpu.memory_space<hbm>>, %arg4: memref<4x8192xf32, #tpu.memory_space<vmem>>, %arg5: memref<4x8192xf32, #tpu.memory_space<vmem>>, %arg6: memref<56x32xi32, #tpu.memory_space<vmem>>, %arg7: memref<!tpu.dma_semaphore, #tpu.memory_space<semaphore_mem>>, %arg8: memref<!tpu.dma_semaphore, #tpu.memory_space<semaphore_mem>>) attributes {dimension_semantics = [#tpu.dimension_semantics<core_parallel>, #tpu.dimension_semantics<subcore_parallel>], iteration_bounds = array<i64: 2, 16>, scalar_prefetch = 0 : i64, scratch_operands = 5 : i64, tpu.core_type = #tpu.core_type<sc_vector_subcore>, window_params = [{transform_indices = #map}, {transform_indices = #map}]} {
    %mul3A = arith.constant 2 : i32
    %mul3A_0 = arith.muli %arg1, %mul3A : i32
    %add3A = arith.addi %mul3A_0, %arg0 : i32
    %mul3A_1 = arith.constant 56 : i32
    %mul3A_2 = arith.muli %add3A, %mul3A_1 : i32
    %iota3A = tpu.iota {dimensions = array<i32: 0>} : vector<16xi32>
    %add3A_3 = arith.constant 0 : i32
    %add3A_4 = vector.broadcast %add3A_3 : i32 to vector<16xi32>
    %add3A_5 = arith.addi %iota3A, %add3A_4 : vector<16xi32>
    %convert_element_type3A = arith.sitofp %add3A_5 : vector<16xi32> to vector<16xf32>
    %mul3A_6 = arith.constant 2.65443584E+9 : f32
    %mul3A_7 = vector.broadcast %mul3A_6 : f32 to vector<16xf32>
    %mul3A_8 = arith.mulf %convert_element_type3A, %mul3A_7 : vector<16xf32>
    %jit3A = arith.constant 1.000000e+09 : f32
    %rem3A = vector.broadcast %jit3A : f32 to vector<16xf32>
    %rem3A_9 = arith.remf %mul3A_8, %rem3A : vector<16xf32>
    %ne3A = arith.constant 0.000000e+00 : f32
    %ne3A_10 = vector.broadcast %ne3A : f32 to vector<16xf32>
    %ne3A_11 = arith.cmpf one, %rem3A_9, %ne3A_10 : vector<16xf32>
    %lt3A = arith.constant 0.000000e+00 : f32
    %lt3A_12 = vector.broadcast %lt3A : f32 to vector<16xf32>
    %lt3A_13 = arith.cmpf olt, %rem3A_9, %lt3A_12 : vector<16xf32>
    %lt3A_14 = arith.constant 0.000000e+00 : f32
    %lt3A_15 = arith.cmpf olt, %jit3A, %lt3A_14 : f32
    %ne3A_16 = vector.broadcast %lt3A_15 : i1 to vector<16xi1>
    %ne3A_17 = vector.broadcast %ne3A_16 : vector<16xi1> to vector<16xi1>
    %ne3A_18 = arith.xori %lt3A_13, %ne3A_17 : vector<16xi1>
    %and3A = arith.andi %ne3A_18, %ne3A_11 : vector<16xi1>
    %add3A_19 = vector.broadcast %jit3A : f32 to vector<16xf32>
    %add3A_20 = arith.addf %rem3A_9, %add3A_19 : vector<16xf32>
    %select_n3A = arith.select %and3A, %add3A_20, %rem3A_9 : vector<16xi1>, vector<16xf32>
    %add3A_21 = arith.constant 16 : i32
    %add3A_22 = vector.broadcast %add3A_21 : i32 to vector<16xi32>
    %add3A_23 = arith.addi %iota3A, %add3A_22 : vector<16xi32>
    %convert_element_type3A_24 = arith.sitofp %add3A_23 : vector<16xi32> to vector<16xf32>
    %mul3A_25 = arith.constant 2.65443584E+9 : f32
    %mul3A_26 = vector.broadcast %mul3A_25 : f32 to vector<16xf32>
    %mul3A_27 = arith.mulf %convert_element_type3A_24, %mul3A_26 : vector<16xf32>
    %jit3A_28 = arith.constant 1.000000e+09 : f32
    %rem3A_29 = vector.broadcast %jit3A_28 : f32 to vector<16xf32>
    %rem3A_30 = arith.remf %mul3A_27, %rem3A_29 : vector<16xf32>
    %ne3A_31 = arith.constant 0.000000e+00 : f32
    %ne3A_32 = vector.broadcast %ne3A_31 : f32 to vector<16xf32>
    %ne3A_33 = arith.cmpf one, %rem3A_30, %ne3A_32 : vector<16xf32>
    %lt3A_34 = arith.constant 0.000000e+00 : f32
    %lt3A_35 = vector.broadcast %lt3A_34 : f32 to vector<16xf32>
    %lt3A_36 = arith.cmpf olt, %rem3A_30, %lt3A_35 : vector<16xf32>
    %lt3A_37 = arith.constant 0.000000e+00 : f32
    %lt3A_38 = arith.cmpf olt, %jit3A_28, %lt3A_37 : f32
    %ne3A_39 = vector.broadcast %lt3A_38 : i1 to vector<16xi1>
    %ne3A_40 = vector.broadcast %ne3A_39 : vector<16xi1> to vector<16xi1>
    %ne3A_41 = arith.xori %lt3A_36, %ne3A_40 : vector<16xi1>
    %and3A_42 = arith.andi %ne3A_41, %ne3A_33 : vector<16xi1>
    %add3A_43 = vector.broadcast %jit3A_28 : f32 to vector<16xf32>
    %add3A_44 = arith.addf %rem3A_30, %add3A_43 : vector<16xf32>
    %select_n3A_45 = arith.select %and3A_42, %add3A_44, %rem3A_30 : vector<16xi1>, vector<16xf32>
    %add3A_46 = arith.constant 32 : i32
    %add3A_47 = vector.broadcast %add3A_46 : i32 to vector<16xi32>
    %add3A_48 = arith.addi %iota3A, %add3A_47 : vector<16xi32>
    %convert_element_type3A_49 = arith.sitofp %add3A_48 : vector<16xi32> to vector<16xf32>
    %mul3A_50 = arith.constant 2.65443584E+9 : f32
    %mul3A_51 = vector.broadcast %mul3A_50 : f32 to vector<16xf32>
    %mul3A_52 = arith.mulf %convert_element_type3A_49, %mul3A_51 : vector<16xf32>
    %jit3A_53 = arith.constant 1.000000e+09 : f32
    %rem3A_54 = vector.broadcast %jit3A_53 : f32 to vector<16xf32>
    %rem3A_55 = arith.remf %mul3A_52, %rem3A_54 : vector<16xf32>
    %ne3A_56 = arith.constant 0.000000e+00 : f32
    %ne3A_57 = vector.broadcast %ne3A_56 : f32 to vector<16xf32>
    %ne3A_58 = arith.cmpf one, %rem3A_55, %ne3A_57 : vector<16xf32>
    %lt3A_59 = arith.constant 0.000000e+00 : f32
    %lt3A_60 = vector.broadcast %lt3A_59 : f32 to vector<16xf32>
    %lt3A_61 = arith.cmpf olt, %rem3A_55, %lt3A_60 : vector<16xf32>
    %lt3A_62 = arith.constant 0.000000e+00 : f32
    %lt3A_63 = arith.cmpf olt, %jit3A_53, %lt3A_62 : f32
    %ne3A_64 = vector.broadcast %lt3A_63 : i1 to vector<16xi1>
    %ne3A_65 = vector.broadcast %ne3A_64 : vector<16xi1> to vector<16xi1>
    %ne3A_66 = arith.xori %lt3A_61, %ne3A_65 : vector<16xi1>
    %and3A_67 = arith.andi %ne3A_66, %ne3A_58 : vector<16xi1>
    %add3A_68 = vector.broadcast %jit3A_53 : f32 to vector<16xf32>
    %add3A_69 = arith.addf %rem3A_55, %add3A_68 : vector<16xf32>
    %select_n3A_70 = arith.select %and3A_67, %add3A_69, %rem3A_55 : vector<16xi1>, vector<16xf32>
    %add3A_71 = arith.constant 48 : i32
    %add3A_72 = vector.broadcast %add3A_71 : i32 to vector<16xi32>
    %add3A_73 = arith.addi %iota3A, %add3A_72 : vector<16xi32>
    %convert_element_type3A_74 = arith.sitofp %add3A_73 : vector<16xi32> to vector<16xf32>
    %mul3A_75 = arith.constant 2.65443584E+9 : f32
    %mul3A_76 = vector.broadcast %mul3A_75 : f32 to vector<16xf32>
    %mul3A_77 = arith.mulf %convert_element_type3A_74, %mul3A_76 : vector<16xf32>
    %jit3A_78 = arith.constant 1.000000e+09 : f32
    %rem3A_79 = vector.broadcast %jit3A_78 : f32 to vector<16xf32>
    %rem3A_80 = arith.remf %mul3A_77, %rem3A_79 : vector<16xf32>
    %ne3A_81 = arith.constant 0.000000e+00 : f32
    %ne3A_82 = vector.broadcast %ne3A_81 : f32 to vector<16xf32>
    %ne3A_83 = arith.cmpf one, %rem3A_80, %ne3A_82 : vector<16xf32>
    %lt3A_84 = arith.constant 0.000000e+00 : f32
    %lt3A_85 = vector.broadcast %lt3A_84 : f32 to vector<16xf32>
    %lt3A_86 = arith.cmpf olt, %rem3A_80, %lt3A_85 : vector<16xf32>
    %lt3A_87 = arith.constant 0.000000e+00 : f32
    %lt3A_88 = arith.cmpf olt, %jit3A_78, %lt3A_87 : f32
    %ne3A_89 = vector.broadcast %lt3A_88 : i1 to vector<16xi1>
    %ne3A_90 = vector.broadcast %ne3A_89 : vector<16xi1> to vector<16xi1>
    %ne3A_91 = arith.xori %lt3A_86, %ne3A_90 : vector<16xi1>
    %and3A_92 = arith.andi %ne3A_91, %ne3A_83 : vector<16xi1>
    %add3A_93 = vector.broadcast %jit3A_78 : f32 to vector<16xf32>
    %add3A_94 = arith.addf %rem3A_80, %add3A_93 : vector<16xf32>
    %select_n3A_95 = arith.select %and3A_92, %add3A_94, %rem3A_80 : vector<16xi1>, vector<16xf32>
    %add3A_96 = arith.constant 64 : i32
    %add3A_97 = vector.broadcast %add3A_96 : i32 to vector<16xi32>
    %add3A_98 = arith.addi %iota3A, %add3A_97 : vector<16xi32>
    %convert_element_type3A_99 = arith.sitofp %add3A_98 : vector<16xi32> to vector<16xf32>
    %mul3A_100 = arith.constant 2.65443584E+9 : f32
    %mul3A_101 = vector.broadcast %mul3A_100 : f32 to vector<16xf32>
    %mul3A_102 = arith.mulf %convert_element_type3A_99, %mul3A_101 : vector<16xf32>
    %jit3A_103 = arith.constant 1.000000e+09 : f32
    %rem3A_104 = vector.broadcast %jit3A_103 : f32 to vector<16xf32>
    %rem3A_105 = arith.remf %mul3A_102, %rem3A_104 : vector<16xf32>
    %ne3A_106 = arith.constant 0.000000e+00 : f32
    %ne3A_107 = vector.broadcast %ne3A_106 : f32 to vector<16xf32>
    %ne3A_108 = arith.cmpf one, %rem3A_105, %ne3A_107 : vector<16xf32>
    %lt3A_109 = arith.constant 0.000000e+00 : f32
    %lt3A_110 = vector.broadcast %lt3A_109 : f32 to vector<16xf32>
    %lt3A_111 = arith.cmpf olt, %rem3A_105, %lt3A_110 : vector<16xf32>
    %lt3A_112 = arith.constant 0.000000e+00 : f32
    %lt3A_113 = arith.cmpf olt, %jit3A_103, %lt3A_112 : f32
    %ne3A_114 = vector.broadcast %lt3A_113 : i1 to vector<16xi1>
    %ne3A_115 = vector.broadcast %ne3A_114 : vector<16xi1> to vector<16xi1>
    %ne3A_116 = arith.xori %lt3A_111, %ne3A_115 : vector<16xi1>
    %and3A_117 = arith.andi %ne3A_116, %ne3A_108 : vector<16xi1>
    %add3A_118 = vector.broadcast %jit3A_103 : f32 to vector<16xf32>
    %add3A_119 = arith.addf %rem3A_105, %add3A_118 : vector<16xf32>
    %select_n3A_120 = arith.select %and3A_117, %add3A_119, %rem3A_105 : vector<16xi1>, vector<16xf32>
    %add3A_121 = arith.constant 80 : i32
    %add3A_122 = vector.broadcast %add3A_121 : i32 to vector<16xi32>
    %add3A_123 = arith.addi %iota3A, %add3A_122 : vector<16xi32>
    %convert_element_type3A_124 = arith.sitofp %add3A_123 : vector<16xi32> to vector<16xf32>
    %mul3A_125 = arith.constant 2.65443584E+9 : f32
    %mul3A_126 = vector.broadcast %mul3A_125 : f32 to vector<16xf32>
    %mul3A_127 = arith.mulf %convert_element_type3A_124, %mul3A_126 : vector<16xf32>
    %jit3A_128 = arith.constant 1.000000e+09 : f32
    %rem3A_129 = vector.broadcast %jit3A_128 : f32 to vector<16xf32>
    %rem3A_130 = arith.remf %mul3A_127, %rem3A_129 : vector<16xf32>
    %ne3A_131 = arith.constant 0.000000e+00 : f32
    %ne3A_132 = vector.broadcast %ne3A_131 : f32 to vector<16xf32>
    %ne3A_133 = arith.cmpf one, %rem3A_130, %ne3A_132 : vector<16xf32>
    %lt3A_134 = arith.constant 0.000000e+00 : f32
    %lt3A_135 = vector.broadcast %lt3A_134 : f32 to vector<16xf32>
    %lt3A_136 = arith.cmpf olt, %rem3A_130, %lt3A_135 : vector<16xf32>
    %lt3A_137 = arith.constant 0.000000e+00 : f32
    %lt3A_138 = arith.cmpf olt, %jit3A_128, %lt3A_137 : f32
    %ne3A_139 = vector.broadcast %lt3A_138 : i1 to vector<16xi1>
    %ne3A_140 = vector.broadcast %ne3A_139 : vector<16xi1> to vector<16xi1>
    %ne3A_141 = arith.xori %lt3A_136, %ne3A_140 : vector<16xi1>
    %and3A_142 = arith.andi %ne3A_141, %ne3A_133 : vector<16xi1>
    %add3A_143 = vector.broadcast %jit3A_128 : f32 to vector<16xf32>
    %add3A_144 = arith.addf %rem3A_130, %add3A_143 : vector<16xf32>
    %select_n3A_145 = arith.select %and3A_142, %add3A_144, %rem3A_130 : vector<16xi1>, vector<16xf32>
    %add3A_146 = arith.constant 96 : i32
    %add3A_147 = vector.broadcast %add3A_146 : i32 to vector<16xi32>
    %add3A_148 = arith.addi %iota3A, %add3A_147 : vector<16xi32>
    %convert_element_type3A_149 = arith.sitofp %add3A_148 : vector<16xi32> to vector<16xf32>
    %mul3A_150 = arith.constant 2.65443584E+9 : f32
    %mul3A_151 = vector.broadcast %mul3A_150 : f32 to vector<16xf32>
    %mul3A_152 = arith.mulf %convert_element_type3A_149, %mul3A_151 : vector<16xf32>
    %jit3A_153 = arith.constant 1.000000e+09 : f32
    %rem3A_154 = vector.broadcast %jit3A_153 : f32 to vector<16xf32>
    %rem3A_155 = arith.remf %mul3A_152, %rem3A_154 : vector<16xf32>
    %ne3A_156 = arith.constant 0.000000e+00 : f32
    %ne3A_157 = vector.broadcast %ne3A_156 : f32 to vector<16xf32>
    %ne3A_158 = arith.cmpf one, %rem3A_155, %ne3A_157 : vector<16xf32>
    %lt3A_159 = arith.constant 0.000000e+00 : f32
    %lt3A_160 = vector.broadcast %lt3A_159 : f32 to vector<16xf32>
    %lt3A_161 = arith.cmpf olt, %rem3A_155, %lt3A_160 : vector<16xf32>
    %lt3A_162 = arith.constant 0.000000e+00 : f32
    %lt3A_163 = arith.cmpf olt, %jit3A_153, %lt3A_162 : f32
    %ne3A_164 = vector.broadcast %lt3A_163 : i1 to vector<16xi1>
    %ne3A_165 = vector.broadcast %ne3A_164 : vector<16xi1> to vector<16xi1>
    %ne3A_166 = arith.xori %lt3A_161, %ne3A_165 : vector<16xi1>
    %and3A_167 = arith.andi %ne3A_166, %ne3A_158 : vector<16xi1>
    %add3A_168 = vector.broadcast %jit3A_153 : f32 to vector<16xf32>
    %add3A_169 = arith.addf %rem3A_155, %add3A_168 : vector<16xf32>
    %select_n3A_170 = arith.select %and3A_167, %add3A_169, %rem3A_155 : vector<16xi1>, vector<16xf32>
    %add3A_171 = arith.constant 112 : i32
    %add3A_172 = vector.broadcast %add3A_171 : i32 to vector<16xi32>
    %add3A_173 = arith.addi %iota3A, %add3A_172 : vector<16xi32>
    %convert_element_type3A_174 = arith.sitofp %add3A_173 : vector<16xi32> to vector<16xf32>
    %mul3A_175 = arith.constant 2.65443584E+9 : f32
    %mul3A_176 = vector.broadcast %mul3A_175 : f32 to vector<16xf32>
    %mul3A_177 = arith.mulf %convert_element_type3A_174, %mul3A_176 : vector<16xf32>
    %jit3A_178 = arith.constant 1.000000e+09 : f32
    %rem3A_179 = vector.broadcast %jit3A_178 : f32 to vector<16xf32>
    %rem3A_180 = arith.remf %mul3A_177, %rem3A_179 : vector<16xf32>
    %ne3A_181 = arith.constant 0.000000e+00 : f32
    %ne3A_182 = vector.broadcast %ne3A_181 : f32 to vector<16xf32>
    %ne3A_183 = arith.cmpf one, %rem3A_180, %ne3A_182 : vector<16xf32>
    %lt3A_184 = arith.constant 0.000000e+00 : f32
    %lt3A_185 = vector.broadcast %lt3A_184 : f32 to vector<16xf32>
    %lt3A_186 = arith.cmpf olt, %rem3A_180, %lt3A_185 : vector<16xf32>
    %lt3A_187 = arith.constant 0.000000e+00 : f32
    %lt3A_188 = arith.cmpf olt, %jit3A_178, %lt3A_187 : f32
    %ne3A_189 = vector.broadcast %lt3A_188 : i1 to vector<16xi1>
    %ne3A_190 = vector.broadcast %ne3A_189 : vector<16xi1> to vector<16xi1>
    %ne3A_191 = arith.xori %lt3A_186, %ne3A_190 : vector<16xi1>
    %and3A_192 = arith.andi %ne3A_191, %ne3A_183 : vector<16xi1>
    %add3A_193 = vector.broadcast %jit3A_178 : f32 to vector<16xf32>
    %add3A_194 = arith.addf %rem3A_180, %add3A_193 : vector<16xf32>
    %select_n3A_195 = arith.select %and3A_192, %add3A_194, %rem3A_180 : vector<16xi1>, vector<16xf32>
    %add3A_196 = arith.constant 128 : i32
    %add3A_197 = vector.broadcast %add3A_196 : i32 to vector<16xi32>
    %add3A_198 = arith.addi %iota3A, %add3A_197 : vector<16xi32>
    %convert_element_type3A_199 = arith.sitofp %add3A_198 : vector<16xi32> to vector<16xf32>
    %mul3A_200 = arith.constant 2.65443584E+9 : f32
    %mul3A_201 = vector.broadcast %mul3A_200 : f32 to vector<16xf32>
    %mul3A_202 = arith.mulf %convert_element_type3A_199, %mul3A_201 : vector<16xf32>
    %jit3A_203 = arith.constant 1.000000e+09 : f32
    %rem3A_204 = vector.broadcast %jit3A_203 : f32 to vector<16xf32>
    %rem3A_205 = arith.remf %mul3A_202, %rem3A_204 : vector<16xf32>
    %ne3A_206 = arith.constant 0.000000e+00 : f32
    %ne3A_207 = vector.broadcast %ne3A_206 : f32 to vector<16xf32>
    %ne3A_208 = arith.cmpf one, %rem3A_205, %ne3A_207 : vector<16xf32>
    %lt3A_209 = arith.constant 0.000000e+00 : f32
    %lt3A_210 = vector.broadcast %lt3A_209 : f32 to vector<16xf32>
    %lt3A_211 = arith.cmpf olt, %rem3A_205, %lt3A_210 : vector<16xf32>
    %lt3A_212 = arith.constant 0.000000e+00 : f32
    %lt3A_213 = arith.cmpf olt, %jit3A_203, %lt3A_212 : f32
    %ne3A_214 = vector.broadcast %lt3A_213 : i1 to vector<16xi1>
    %ne3A_215 = vector.broadcast %ne3A_214 : vector<16xi1> to vector<16xi1>
    %ne3A_216 = arith.xori %lt3A_211, %ne3A_215 : vector<16xi1>
    %and3A_217 = arith.andi %ne3A_216, %ne3A_208 : vector<16xi1>
    %add3A_218 = vector.broadcast %jit3A_203 : f32 to vector<16xf32>
    %add3A_219 = arith.addf %rem3A_205, %add3A_218 : vector<16xf32>
    %select_n3A_220 = arith.select %and3A_217, %add3A_219, %rem3A_205 : vector<16xi1>, vector<16xf32>
    %add3A_221 = arith.constant 144 : i32
    %add3A_222 = vector.broadcast %add3A_221 : i32 to vector<16xi32>
    %add3A_223 = arith.addi %iota3A, %add3A_222 : vector<16xi32>
    %convert_element_type3A_224 = arith.sitofp %add3A_223 : vector<16xi32> to vector<16xf32>
    %mul3A_225 = arith.constant 2.65443584E+9 : f32
    %mul3A_226 = vector.broadcast %mul3A_225 : f32 to vector<16xf32>
    %mul3A_227 = arith.mulf %convert_element_type3A_224, %mul3A_226 : vector<16xf32>
    %jit3A_228 = arith.constant 1.000000e+09 : f32
    %rem3A_229 = vector.broadcast %jit3A_228 : f32 to vector<16xf32>
    %rem3A_230 = arith.remf %mul3A_227, %rem3A_229 : vector<16xf32>
    %ne3A_231 = arith.constant 0.000000e+00 : f32
    %ne3A_232 = vector.broadcast %ne3A_231 : f32 to vector<16xf32>
    %ne3A_233 = arith.cmpf one, %rem3A_230, %ne3A_232 : vector<16xf32>
    %lt3A_234 = arith.constant 0.000000e+00 : f32
    %lt3A_235 = vector.broadcast %lt3A_234 : f32 to vector<16xf32>
    %lt3A_236 = arith.cmpf olt, %rem3A_230, %lt3A_235 : vector<16xf32>
    %lt3A_237 = arith.constant 0.000000e+00 : f32
    %lt3A_238 = arith.cmpf olt, %jit3A_228, %lt3A_237 : f32
    %ne3A_239 = vector.broadcast %lt3A_238 : i1 to vector<16xi1>
    %ne3A_240 = vector.broadcast %ne3A_239 : vector<16xi1> to vector<16xi1>
    %ne3A_241 = arith.xori %lt3A_236, %ne3A_240 : vector<16xi1>
    %and3A_242 = arith.andi %ne3A_241, %ne3A_233 : vector<16xi1>
    %add3A_243 = vector.broadcast %jit3A_228 : f32 to vector<16xf32>
    %add3A_244 = arith.addf %rem3A_230, %add3A_243 : vector<16xf32>
    %select_n3A_245 = arith.select %and3A_242, %add3A_244, %rem3A_230 : vector<16xi1>, vector<16xf32>
    %add3A_246 = arith.constant 160 : i32
    %add3A_247 = vector.broadcast %add3A_246 : i32 to vector<16xi32>
    %add3A_248 = arith.addi %iota3A, %add3A_247 : vector<16xi32>
    %convert_element_type3A_249 = arith.sitofp %add3A_248 : vector<16xi32> to vector<16xf32>
    %mul3A_250 = arith.constant 2.65443584E+9 : f32
    %mul3A_251 = vector.broadcast %mul3A_250 : f32 to vector<16xf32>
    %mul3A_252 = arith.mulf %convert_element_type3A_249, %mul3A_251 : vector<16xf32>
    %jit3A_253 = arith.constant 1.000000e+09 : f32
    %rem3A_254 = vector.broadcast %jit3A_253 : f32 to vector<16xf32>
    %rem3A_255 = arith.remf %mul3A_252, %rem3A_254 : vector<16xf32>
    %ne3A_256 = arith.constant 0.000000e+00 : f32
    %ne3A_257 = vector.broadcast %ne3A_256 : f32 to vector<16xf32>
    %ne3A_258 = arith.cmpf one, %rem3A_255, %ne3A_257 : vector<16xf32>
    %lt3A_259 = arith.constant 0.000000e+00 : f32
    %lt3A_260 = vector.broadcast %lt3A_259 : f32 to vector<16xf32>
    %lt3A_261 = arith.cmpf olt, %rem3A_255, %lt3A_260 : vector<16xf32>
    %lt3A_262 = arith.constant 0.000000e+00 : f32
    %lt3A_263 = arith.cmpf olt, %jit3A_253, %lt3A_262 : f32
    %ne3A_264 = vector.broadcast %lt3A_263 : i1 to vector<16xi1>
    %ne3A_265 = vector.broadcast %ne3A_264 : vector<16xi1> to vector<16xi1>
    %ne3A_266 = arith.xori %lt3A_261, %ne3A_265 : vector<16xi1>
    %and3A_267 = arith.andi %ne3A_266, %ne3A_258 : vector<16xi1>
    %add3A_268 = vector.broadcast %jit3A_253 : f32 to vector<16xf32>
    %add3A_269 = arith.addf %rem3A_255, %add3A_268 : vector<16xf32>
    %select_n3A_270 = arith.select %and3A_267, %add3A_269, %rem3A_255 : vector<16xi1>, vector<16xf32>
    %add3A_271 = arith.constant 176 : i32
    %add3A_272 = vector.broadcast %add3A_271 : i32 to vector<16xi32>
    %add3A_273 = arith.addi %iota3A, %add3A_272 : vector<16xi32>
    %convert_element_type3A_274 = arith.sitofp %add3A_273 : vector<16xi32> to vector<16xf32>
    %mul3A_275 = arith.constant 2.65443584E+9 : f32
    %mul3A_276 = vector.broadcast %mul3A_275 : f32 to vector<16xf32>
    %mul3A_277 = arith.mulf %convert_element_type3A_274, %mul3A_276 : vector<16xf32>
    %jit3A_278 = arith.constant 1.000000e+09 : f32
    %rem3A_279 = vector.broadcast %jit3A_278 : f32 to vector<16xf32>
    %rem3A_280 = arith.remf %mul3A_277, %rem3A_279 : vector<16xf32>
    %ne3A_281 = arith.constant 0.000000e+00 : f32
    %ne3A_282 = vector.broadcast %ne3A_281 : f32 to vector<16xf32>
    %ne3A_283 = arith.cmpf one, %rem3A_280, %ne3A_282 : vector<16xf32>
    %lt3A_284 = arith.constant 0.000000e+00 : f32
    %lt3A_285 = vector.broadcast %lt3A_284 : f32 to vector<16xf32>
    %lt3A_286 = arith.cmpf olt, %rem3A_280, %lt3A_285 : vector<16xf32>
    %lt3A_287 = arith.constant 0.000000e+00 : f32
    %lt3A_288 = arith.cmpf olt, %jit3A_278, %lt3A_287 : f32
    %ne3A_289 = vector.broadcast %lt3A_288 : i1 to vector<16xi1>
    %ne3A_290 = vector.broadcast %ne3A_289 : vector<16xi1> to vector<16xi1>
    %ne3A_291 = arith.xori %lt3A_286, %ne3A_290 : vector<16xi1>
    %and3A_292 = arith.andi %ne3A_291, %ne3A_283 : vector<16xi1>
    %add3A_293 = vector.broadcast %jit3A_278 : f32 to vector<16xf32>
    %add3A_294 = arith.addf %rem3A_280, %add3A_293 : vector<16xf32>
    %select_n3A_295 = arith.select %and3A_292, %add3A_294, %rem3A_280 : vector<16xi1>, vector<16xf32>
    %add3A_296 = arith.constant 192 : i32
    %add3A_297 = vector.broadcast %add3A_296 : i32 to vector<16xi32>
    %add3A_298 = arith.addi %iota3A, %add3A_297 : vector<16xi32>
    %convert_element_type3A_299 = arith.sitofp %add3A_298 : vector<16xi32> to vector<16xf32>
    %mul3A_300 = arith.constant 2.65443584E+9 : f32
    %mul3A_301 = vector.broadcast %mul3A_300 : f32 to vector<16xf32>
    %mul3A_302 = arith.mulf %convert_element_type3A_299, %mul3A_301 : vector<16xf32>
    %jit3A_303 = arith.constant 1.000000e+09 : f32
    %rem3A_304 = vector.broadcast %jit3A_303 : f32 to vector<16xf32>
    %rem3A_305 = arith.remf %mul3A_302, %rem3A_304 : vector<16xf32>
    %ne3A_306 = arith.constant 0.000000e+00 : f32
    %ne3A_307 = vector.broadcast %ne3A_306 : f32 to vector<16xf32>
    %ne3A_308 = arith.cmpf one, %rem3A_305, %ne3A_307 : vector<16xf32>
    %lt3A_309 = arith.constant 0.000000e+00 : f32
    %lt3A_310 = vector.broadcast %lt3A_309 : f32 to vector<16xf32>
    %lt3A_311 = arith.cmpf olt, %rem3A_305, %lt3A_310 : vector<16xf32>
    %lt3A_312 = arith.constant 0.000000e+00 : f32
    %lt3A_313 = arith.cmpf olt, %jit3A_303, %lt3A_312 : f32
    %ne3A_314 = vector.broadcast %lt3A_313 : i1 to vector<16xi1>
    %ne3A_315 = vector.broadcast %ne3A_314 : vector<16xi1> to vector<16xi1>
    %ne3A_316 = arith.xori %lt3A_311, %ne3A_315 : vector<16xi1>
    %and3A_317 = arith.andi %ne3A_316, %ne3A_308 : vector<16xi1>
    %add3A_318 = vector.broadcast %jit3A_303 : f32 to vector<16xf32>
    %add3A_319 = arith.addf %rem3A_305, %add3A_318 : vector<16xf32>
    %select_n3A_320 = arith.select %and3A_317, %add3A_319, %rem3A_305 : vector<16xi1>, vector<16xf32>
    %add3A_321 = arith.constant 208 : i32
    %add3A_322 = vector.broadcast %add3A_321 : i32 to vector<16xi32>
    %add3A_323 = arith.addi %iota3A, %add3A_322 : vector<16xi32>
    %convert_element_type3A_324 = arith.sitofp %add3A_323 : vector<16xi32> to vector<16xf32>
    %mul3A_325 = arith.constant 2.65443584E+9 : f32
    %mul3A_326 = vector.broadcast %mul3A_325 : f32 to vector<16xf32>
    %mul3A_327 = arith.mulf %convert_element_type3A_324, %mul3A_326 : vector<16xf32>
    %jit3A_328 = arith.constant 1.000000e+09 : f32
    %rem3A_329 = vector.broadcast %jit3A_328 : f32 to vector<16xf32>
    %rem3A_330 = arith.remf %mul3A_327, %rem3A_329 : vector<16xf32>
    %ne3A_331 = arith.constant 0.000000e+00 : f32
    %ne3A_332 = vector.broadcast %ne3A_331 : f32 to vector<16xf32>
    %ne3A_333 = arith.cmpf one, %rem3A_330, %ne3A_332 : vector<16xf32>
    %lt3A_334 = arith.constant 0.000000e+00 : f32
    %lt3A_335 = vector.broadcast %lt3A_334 : f32 to vector<16xf32>
    %lt3A_336 = arith.cmpf olt, %rem3A_330, %lt3A_335 : vector<16xf32>
    %lt3A_337 = arith.constant 0.000000e+00 : f32
    %lt3A_338 = arith.cmpf olt, %jit3A_328, %lt3A_337 : f32
    %ne3A_339 = vector.broadcast %lt3A_338 : i1 to vector<16xi1>
    %ne3A_340 = vector.broadcast %ne3A_339 : vector<16xi1> to vector<16xi1>
    %ne3A_341 = arith.xori %lt3A_336, %ne3A_340 : vector<16xi1>
    %and3A_342 = arith.andi %ne3A_341, %ne3A_333 : vector<16xi1>
    %add3A_343 = vector.broadcast %jit3A_328 : f32 to vector<16xf32>
    %add3A_344 = arith.addf %rem3A_330, %add3A_343 : vector<16xf32>
    %select_n3A_345 = arith.select %and3A_342, %add3A_344, %rem3A_330 : vector<16xi1>, vector<16xf32>
    %add3A_346 = arith.constant 224 : i32
    %add3A_347 = vector.broadcast %add3A_346 : i32 to vector<16xi32>
    %add3A_348 = arith.addi %iota3A, %add3A_347 : vector<16xi32>
    %convert_element_type3A_349 = arith.sitofp %add3A_348 : vector<16xi32> to vector<16xf32>
    %mul3A_350 = arith.constant 2.65443584E+9 : f32
    %mul3A_351 = vector.broadcast %mul3A_350 : f32 to vector<16xf32>
    %mul3A_352 = arith.mulf %convert_element_type3A_349, %mul3A_351 : vector<16xf32>
    %jit3A_353 = arith.constant 1.000000e+09 : f32
    %rem3A_354 = vector.broadcast %jit3A_353 : f32 to vector<16xf32>
    %rem3A_355 = arith.remf %mul3A_352, %rem3A_354 : vector<16xf32>
    %ne3A_356 = arith.constant 0.000000e+00 : f32
    %ne3A_357 = vector.broadcast %ne3A_356 : f32 to vector<16xf32>
    %ne3A_358 = arith.cmpf one, %rem3A_355, %ne3A_357 : vector<16xf32>
    %lt3A_359 = arith.constant 0.000000e+00 : f32
    %lt3A_360 = vector.broadcast %lt3A_359 : f32 to vector<16xf32>
    %lt3A_361 = arith.cmpf olt, %rem3A_355, %lt3A_360 : vector<16xf32>
    %lt3A_362 = arith.constant 0.000000e+00 : f32
    %lt3A_363 = arith.cmpf olt, %jit3A_353, %lt3A_362 : f32
    %ne3A_364 = vector.broadcast %lt3A_363 : i1 to vector<16xi1>
    %ne3A_365 = vector.broadcast %ne3A_364 : vector<16xi1> to vector<16xi1>
    %ne3A_366 = arith.xori %lt3A_361, %ne3A_365 : vector<16xi1>
    %and3A_367 = arith.andi %ne3A_366, %ne3A_358 : vector<16xi1>
    %add3A_368 = vector.broadcast %jit3A_353 : f32 to vector<16xf32>
    %add3A_369 = arith.addf %rem3A_355, %add3A_368 : vector<16xf32>
    %select_n3A_370 = arith.select %and3A_367, %add3A_369, %rem3A_355 : vector<16xi1>, vector<16xf32>
    %add3A_371 = arith.constant 240 : i32
    %add3A_372 = vector.broadcast %add3A_371 : i32 to vector<16xi32>
    %add3A_373 = arith.addi %iota3A, %add3A_372 : vector<16xi32>
    %convert_element_type3A_374 = arith.sitofp %add3A_373 : vector<16xi32> to vector<16xf32>
    %mul3A_375 = arith.constant 2.65443584E+9 : f32
    %mul3A_376 = vector.broadcast %mul3A_375 : f32 to vector<16xf32>
    %mul3A_377 = arith.mulf %convert_element_type3A_374, %mul3A_376 : vector<16xf32>
    %jit3A_378 = arith.constant 1.000000e+09 : f32
    %rem3A_379 = vector.broadcast %jit3A_378 : f32 to vector<16xf32>
    %rem3A_380 = arith.remf %mul3A_377, %rem3A_379 : vector<16xf32>
    %ne3A_381 = arith.constant 0.000000e+00 : f32
    %ne3A_382 = vector.broadcast %ne3A_381 : f32 to vector<16xf32>
    %ne3A_383 = arith.cmpf one, %rem3A_380, %ne3A_382 : vector<16xf32>
    %lt3A_384 = arith.constant 0.000000e+00 : f32
    %lt3A_385 = vector.broadcast %lt3A_384 : f32 to vector<16xf32>
    %lt3A_386 = arith.cmpf olt, %rem3A_380, %lt3A_385 : vector<16xf32>
    %lt3A_387 = arith.constant 0.000000e+00 : f32
    %lt3A_388 = arith.cmpf olt, %jit3A_378, %lt3A_387 : f32
    %ne3A_389 = vector.broadcast %lt3A_388 : i1 to vector<16xi1>
    %ne3A_390 = vector.broadcast %ne3A_389 : vector<16xi1> to vector<16xi1>
    %ne3A_391 = arith.xori %lt3A_386, %ne3A_390 : vector<16xi1>
    %and3A_392 = arith.andi %ne3A_391, %ne3A_383 : vector<16xi1>
    %add3A_393 = vector.broadcast %jit3A_378 : f32 to vector<16xf32>
    %add3A_394 = arith.addf %rem3A_380, %add3A_393 : vector<16xf32>
    %select_n3A_395 = arith.select %and3A_392, %add3A_394, %rem3A_380 : vector<16xi1>, vector<16xf32>
    %add3A_396 = arith.constant 0 : i32
    %add3A_397 = arith.addi %mul3A_2, %add3A_396 : i32
    %dma_start3A = arith.constant 0 : i32
    %dma_start3A_398 = tpu.memref_slice %arg2[%add3A_397, %dma_start3A] : memref<4096x8192xf32, #tpu.memory_space<hbm>> -> memref<4x8192xf32, #tpu.memory_space<hbm>>
    %dma_start3A_399 = arith.constant 0 : i32
    %dma_start3A_400 = tpu.memref_slice %arg2[%add3A_397, %dma_start3A_399] : memref<4096x8192xf32, #tpu.memory_space<hbm>> -> memref<4x8192xf32, #tpu.memory_space<hbm>>
    tpu.enqueue_dma source(%dma_start3A_400 : memref<4x8192xf32, #tpu.memory_space<hbm>>) target(%arg4 : memref<4x8192xf32, #tpu.memory_space<vmem>>) target_semaphore(%arg7 : memref<!tpu.dma_semaphore, #tpu.memory_space<semaphore_mem>>)
    %add3A_401 = arith.constant 4 : i32
    %add3A_402 = arith.addi %mul3A_2, %add3A_401 : i32
    %dma_start3A_403 = arith.constant 0 : i32
    %dma_start3A_404 = tpu.memref_slice %arg2[%add3A_402, %dma_start3A_403] : memref<4096x8192xf32, #tpu.memory_space<hbm>> -> memref<4x8192xf32, #tpu.memory_space<hbm>>
    %dma_start3A_405 = arith.constant 0 : i32
    %dma_start3A_406 = tpu.memref_slice %arg2[%add3A_402, %dma_start3A_405] : memref<4096x8192xf32, #tpu.memory_space<hbm>> -> memref<4x8192xf32, #tpu.memory_space<hbm>>
    tpu.enqueue_dma source(%dma_start3A_406 : memref<4x8192xf32, #tpu.memory_space<hbm>>) target(%arg5 : memref<4x8192xf32, #tpu.memory_space<vmem>>) target_semaphore(%arg8 : memref<!tpu.dma_semaphore, #tpu.memory_space<semaphore_mem>>)
    %scan3A = arith.constant 0 : i32
    %scan3A_407 = arith.constant 0 : i32
    %scan3A_408 = arith.constant 7 : i32
    %scan3A_409 = arith.addi %scan3A_407, %scan3A_408 : i32
    %scan3A_410 = arith.constant 1 : i32
    %scan3A_411 = scf.for %scan3A_413 = %scan3A_407 to %scan3A_409 step %scan3A_410 iter_args(%scan3A_414 = %scan3A) -> (i32)  : i32 {
      %mul3A_415 = arith.constant 2 : i32
      %mul3A_416 = arith.muli %mul3A_415, %scan3A_413 : i32
      %add3A_417 = arith.constant 0 : i32
      %add3A_418 = arith.addi %mul3A_416, %add3A_417 : i32
      %dma_wait3A = arith.constant 0 : i32
      %dma_wait3A_419 = arith.constant 0 : i32
      %dma_wait3A_420 = tpu.memref_slice %arg2[%dma_wait3A, %dma_wait3A_419] : memref<4096x8192xf32, #tpu.memory_space<hbm>> -> memref<4x8192xf32, #tpu.memory_space<hbm>>
      %dma_wait3A_421 = arith.constant 0 : i32
      %dma_wait3A_422 = arith.constant 0 : i32
      %dma_wait3A_423 = tpu.memref_slice %arg2[%dma_wait3A_421, %dma_wait3A_422] : memref<4096x8192xf32, #tpu.memory_space<hbm>> -> memref<4x8192xf32, #tpu.memory_space<hbm>>
      tpu.wait_dma2 semaphore(%arg7 : memref<!tpu.dma_semaphore, #tpu.memory_space<semaphore_mem>>) src(%dma_wait3A_423 : memref<4x8192xf32, #tpu.memory_space<hbm>>) dst(%arg4 : memref<4x8192xf32, #tpu.memory_space<vmem>>)
      %scan3A_424 = arith.constant 0 : i32
      %scan3A_425 = arith.constant 0 : i32
      %scan3A_426 = arith.constant 4 : i32
      %scan3A_427 = arith.addi %scan3A_425, %scan3A_426 : i32
      %scan3A_428 = arith.constant 1 : i32
      %scan3A_429 = scf.for %scan3A_462 = %scan3A_425 to %scan3A_427 step %scan3A_428 iter_args(%scan3A_463 = %scan3A_424) -> (i32)  : i32 {
        %broadcast_in_dim3A = arith.constant 0.000000e+00 : f32
        %broadcast_in_dim3A_464 = vector.broadcast %broadcast_in_dim3A : f32 to vector<16xf32>
        %scan3A_465 = arith.constant 0 : i32
        %scan3A_466 = arith.constant 16 : i32
        %scan3A_467 = arith.addi %scan3A_465, %scan3A_466 : i32
        %scan3A_468 = arith.constant 4 : i32
        %scan3A_469:2 = scf.for %scan3A_518 = %scan3A_465 to %scan3A_467 step %scan3A_468 iter_args(%scan3A_519 = %broadcast_in_dim3A_464, %scan3A_520 = %broadcast_in_dim3A_464) -> (vector<16xf32>, vector<16xf32>)  : i32 {
          %mul3A_521 = arith.constant 256 : i32
          %mul3A_522 = arith.muli %scan3A_518, %mul3A_521 : i32
          %add3A_523 = arith.constant 0 : i32
          %add3A_524 = arith.addi %mul3A_522, %add3A_523 : i32
          %get3A = arith.index_cast %scan3A_462 : i32 to index
          %get3A_525 = arith.index_cast %add3A_524 : i32 to index
          %get3A_526 = tpu.vector_load %arg4[%get3A, %get3A_525] {strides = array<i32>} : memref<4x8192xf32, #tpu.memory_space<vmem>>, vector<16xf32>,
          %mul3A_527 = arith.mulf %get3A_526, %select_n3A : vector<16xf32>
          %add3A_528 = arith.constant 16 : i32
          %add3A_529 = arith.addi %mul3A_522, %add3A_528 : i32
          %get3A_530 = arith.index_cast %scan3A_462 : i32 to index
          %get3A_531 = arith.index_cast %add3A_529 : i32 to index
          %get3A_532 = tpu.vector_load %arg4[%get3A_530, %get3A_531] {strides = array<i32>} : memref<4x8192xf32, #tpu.memory_space<vmem>>, vector<16xf32>,
          %mul3A_533 = arith.mulf %get3A_532, %select_n3A_45 : vector<16xf32>
          %add3A_534 = arith.constant 32 : i32
          %add3A_535 = arith.addi %mul3A_522, %add3A_534 : i32
          %get3A_536 = arith.index_cast %scan3A_462 : i32 to index
          %get3A_537 = arith.index_cast %add3A_535 : i32 to index
          %get3A_538 = tpu.vector_load %arg4[%get3A_536, %get3A_537] {strides = array<i32>} : memref<4x8192xf32, #tpu.memory_space<vmem>>, vector<16xf32>,
          %mul3A_539 = arith.mulf %get3A_538, %select_n3A_70 : vector<16xf32>
          %add3A_540 = arith.constant 48 : i32
          %add3A_541 = arith.addi %mul3A_522, %add3A_540 : i32
          %get3A_542 = arith.index_cast %scan3A_462 : i32 to index
          %get3A_543 = arith.index_cast %add3A_541 : i32 to index
          %get3A_544 = tpu.vector_load %arg4[%get3A_542, %get3A_543] {strides = array<i32>} : memref<4x8192xf32, #tpu.memory_space<vmem>>, vector<16xf32>,
          %mul3A_545 = arith.mulf %get3A_544, %select_n3A_95 : vector<16xf32>
          %add3A_546 = arith.constant 64 : i32
          %add3A_547 = arith.addi %mul3A_522, %add3A_546 : i32
          %get3A_548 = arith.index_cast %scan3A_462 : i32 to index
          %get3A_549 = arith.index_cast %add3A_547 : i32 to index
          %get3A_550 = tpu.vector_load %arg4[%get3A_548, %get3A_549] {strides = array<i32>} : memref<4x8192xf32, #tpu.memory_space<vmem>>, vector<16xf32>,
          %mul3A_551 = arith.mulf %get3A_550, %select_n3A_120 : vector<16xf32>
          %add3A_552 = arith.constant 80 : i32
          %add3A_553 = arith.addi %mul3A_522, %add3A_552 : i32
          %get3A_554 = arith.index_cast %scan3A_462 : i32 to index
          %get3A_555 = arith.index_cast %add3A_553 : i32 to index
          %get3A_556 = tpu.vector_load %arg4[%get3A_554, %get3A_555] {strides = array<i32>} : memref<4x8192xf32, #tpu.memory_space<vmem>>, vector<16xf32>,
          %mul3A_557 = arith.mulf %get3A_556, %select_n3A_145 : vector<16xf32>
          %add3A_558 = arith.constant 96 : i32
          %add3A_559 = arith.addi %mul3A_522, %add3A_558 : i32
          %get3A_560 = arith.index_cast %scan3A_462 : i32 to index
          %get3A_561 = arith.index_cast %add3A_559 : i32 to index
          %get3A_562 = tpu.vector_load %arg4[%get3A_560, %get3A_561] {strides = array<i32>} : memref<4x8192xf32, #tpu.memory_space<vmem>>, vector<16xf32>,
          %mul3A_563 = arith.mulf %get3A_562, %select_n3A_170 : vector<16xf32>
          %add3A_564 = arith.constant 112 : i32
          %add3A_565 = arith.addi %mul3A_522, %add3A_564 : i32
          %get3A_566 = arith.index_cast %scan3A_462 : i32 to index
          %get3A_567 = arith.index_cast %add3A_565 : i32 to index
          %get3A_568 = tpu.vector_load %arg4[%get3A_566, %get3A_567] {strides = array<i32>} : memref<4x8192xf32, #tpu.memory_space<vmem>>, vector<16xf32>,
          %mul3A_569 = arith.mulf %get3A_568, %select_n3A_195 : vector<16xf32>
          %add3A_570 = arith.constant 128 : i32
          %add3A_571 = arith.addi %mul3A_522, %add3A_570 : i32
          %get3A_572 = arith.index_cast %scan3A_462 : i32 to index
          %get3A_573 = arith.index_cast %add3A_571 : i32 to index
          %get3A_574 = tpu.vector_load %arg4[%get3A_572, %get3A_573] {strides = array<i32>} : memref<4x8192xf32, #tpu.memory_space<vmem>>, vector<16xf32>,
          %mul3A_575 = arith.mulf %get3A_574, %select_n3A_220 : vector<16xf32>
          %add3A_576 = arith.constant 144 : i32
          %add3A_577 = arith.addi %mul3A_522, %add3A_576 : i32
          %get3A_578 = arith.index_cast %scan3A_462 : i32 to index
          %get3A_579 = arith.index_cast %add3A_577 : i32 to index
          %get3A_580 = tpu.vector_load %arg4[%get3A_578, %get3A_579] {strides = array<i32>} : memref<4x8192xf32, #tpu.memory_space<vmem>>, vector<16xf32>,
          %mul3A_581 = arith.mulf %get3A_580, %select_n3A_245 : vector<16xf32>
          %add3A_582 = arith.constant 160 : i32
          %add3A_583 = arith.addi %mul3A_522, %add3A_582 : i32
          %get3A_584 = arith.index_cast %scan3A_462 : i32 to index
          %get3A_585 = arith.index_cast %add3A_583 : i32 to index
          %get3A_586 = tpu.vector_load %arg4[%get3A_584, %get3A_585] {strides = array<i32>} : memref<4x8192xf32, #tpu.memory_space<vmem>>, vector<16xf32>,
          %mul3A_587 = arith.mulf %get3A_586, %select_n3A_270 : vector<16xf32>
          %add3A_588 = arith.constant 176 : i32
          %add3A_589 = arith.addi %mul3A_522, %add3A_588 : i32
          %get3A_590 = arith.index_cast %scan3A_462 : i32 to index
          %get3A_591 = arith.index_cast %add3A_589 : i32 to index
          %get3A_592 = tpu.vector_load %arg4[%get3A_590, %get3A_591] {strides = array<i32>} : memref<4x8192xf32, #tpu.memory_space<vmem>>, vector<16xf32>,
          %mul3A_593 = arith.mulf %get3A_592, %select_n3A_295 : vector<16xf32>
          %add3A_594 = arith.constant 192 : i32
          %add3A_595 = arith.addi %mul3A_522, %add3A_594 : i32
          %get3A_596 = arith.index_cast %scan3A_462 : i32 to index
          %get3A_597 = arith.index_cast %add3A_595 : i32 to index
          %get3A_598 = tpu.vector_load %arg4[%get3A_596, %get3A_597] {strides = array<i32>} : memref<4x8192xf32, #tpu.memory_space<vmem>>, vector<16xf32>,
          %mul3A_599 = arith.mulf %get3A_598, %select_n3A_320 : vector<16xf32>
          %add3A_600 = arith.constant 208 : i32
          %add3A_601 = arith.addi %mul3A_522, %add3A_600 : i32
          %get3A_602 = arith.index_cast %scan3A_462 : i32 to index
          %get3A_603 = arith.index_cast %add3A_601 : i32 to index
          %get3A_604 = tpu.vector_load %arg4[%get3A_602, %get3A_603] {strides = array<i32>} : memref<4x8192xf32, #tpu.memory_space<vmem>>, vector<16xf32>,
          %mul3A_605 = arith.mulf %get3A_604, %select_n3A_345 : vector<16xf32>
          %add3A_606 = arith.constant 224 : i32
          %add3A_607 = arith.addi %mul3A_522, %add3A_606 : i32
          %get3A_608 = arith.index_cast %scan3A_462 : i32 to index
          %get3A_609 = arith.index_cast %add3A_607 : i32 to index
          %get3A_610 = tpu.vector_load %arg4[%get3A_608, %get3A_609] {strides = array<i32>} : memref<4x8192xf32, #tpu.memory_space<vmem>>, vector<16xf32>,
          %mul3A_611 = arith.mulf %get3A_610, %select_n3A_370 : vector<16xf32>
          %add3A_612 = arith.constant 240 : i32
          %add3A_613 = arith.addi %mul3A_522, %add3A_612 : i32
          %get3A_614 = arith.index_cast %scan3A_462 : i32 to index
          %get3A_615 = arith.index_cast %add3A_613 : i32 to index
          %get3A_616 = tpu.vector_load %arg4[%get3A_614, %get3A_615] {strides = array<i32>} : memref<4x8192xf32, #tpu.memory_space<vmem>>, vector<16xf32>,
          %mul3A_617 = arith.mulf %get3A_616, %select_n3A_395 : vector<16xf32>
          %add3A_618 = arith.addf %mul3A_527, %mul3A_533 : vector<16xf32>
          %add3A_619 = arith.addf %mul3A_539, %mul3A_545 : vector<16xf32>
          %add3A_620 = arith.addf %mul3A_551, %mul3A_557 : vector<16xf32>
          %add3A_621 = arith.addf %mul3A_563, %mul3A_569 : vector<16xf32>
          %add3A_622 = arith.addf %mul3A_575, %mul3A_581 : vector<16xf32>
          %add3A_623 = arith.addf %mul3A_587, %mul3A_593 : vector<16xf32>
          %add3A_624 = arith.addf %mul3A_599, %mul3A_605 : vector<16xf32>
          %add3A_625 = arith.addf %mul3A_611, %mul3A_617 : vector<16xf32>
          %add3A_626 = arith.addf %add3A_618, %add3A_619 : vector<16xf32>
          %add3A_627 = arith.addf %add3A_620, %add3A_621 : vector<16xf32>
          %add3A_628 = arith.addf %add3A_622, %add3A_623 : vector<16xf32>
          %add3A_629 = arith.addf %add3A_624, %add3A_625 : vector<16xf32>
          %add3A_630 = arith.addf %add3A_626, %add3A_627 : vector<16xf32>
          %add3A_631 = arith.addf %add3A_628, %add3A_629 : vector<16xf32>
          %add3A_632 = arith.addf %add3A_630, %add3A_631 : vector<16xf32>
          %reduce_sum3A = arith.constant true
          %reduce_sum3A_633 = vector.broadcast %reduce_sum3A : i1 to vector<16xi1>
          %reduce_sum3A_634 = tpu.scan <sum>, %add3A_632 masked %reduce_sum3A_633 : vector<16xf32>, vector<16xi1> -> vector<16xf32>
          %reduce_sum3A_635 = vector.extract %reduce_sum3A_634[15] : f32 from vector<16xf32>
          %mul3A_636 = arith.constant 256 : i32
          %mul3A_637 = arith.muli %scan3A_518, %mul3A_636 : i32
          %add3A_638 = arith.constant 4096 : i32
          %add3A_639 = arith.addi %mul3A_637, %add3A_638 : i32
          %add3A_640 = arith.constant 0 : i32
          %add3A_641 = arith.addi %add3A_639, %add3A_640 : i32
          %get3A_642 = arith.index_cast %scan3A_462 : i32 to index
          %get3A_643 = arith.index_cast %add3A_641 : i32 to index
          %get3A_644 = tpu.vector_load %arg4[%get3A_642, %get3A_643] {strides = array<i32>} : memref<4x8192xf32, #tpu.memory_space<vmem>>, vector<16xf32>,
          %mul3A_645 = arith.mulf %get3A_644, %select_n3A : vector<16xf32>
          %add3A_646 = arith.constant 16 : i32
          %add3A_647 = arith.addi %add3A_639, %add3A_646 : i32
          %get3A_648 = arith.index_cast %scan3A_462 : i32 to index
          %get3A_649 = arith.index_cast %add3A_647 : i32 to index
          %get3A_650 = tpu.vector_load %arg4[%get3A_648, %get3A_649] {strides = array<i32>} : memref<4x8192xf32, #tpu.memory_space<vmem>>, vector<16xf32>,
          %mul3A_651 = arith.mulf %get3A_650, %select_n3A_45 : vector<16xf32>
          %add3A_652 = arith.constant 32 : i32
          %add3A_653 = arith.addi %add3A_639, %add3A_652 : i32
          %get3A_654 = arith.index_cast %scan3A_462 : i32 to index
          %get3A_655 = arith.index_cast %add3A_653 : i32 to index
          %get3A_656 = tpu.vector_load %arg4[%get3A_654, %get3A_655] {strides = array<i32>} : memref<4x8192xf32, #tpu.memory_space<vmem>>, vector<16xf32>,
          %mul3A_657 = arith.mulf %get3A_656, %select_n3A_70 : vector<16xf32>
          %add3A_658 = arith.constant 48 : i32
          %add3A_659 = arith.addi %add3A_639, %add3A_658 : i32
          %get3A_660 = arith.index_cast %scan3A_462 : i32 to index
          %get3A_661 = arith.index_cast %add3A_659 : i32 to index
          %get3A_662 = tpu.vector_load %arg4[%get3A_660, %get3A_661] {strides = array<i32>} : memref<4x8192xf32, #tpu.memory_space<vmem>>, vector<16xf32>,
          %mul3A_663 = arith.mulf %get3A_662, %select_n3A_95 : vector<16xf32>
          %add3A_664 = arith.constant 64 : i32
          %add3A_665 = arith.addi %add3A_639, %add3A_664 : i32
          %get3A_666 = arith.index_cast %scan3A_462 : i32 to index
          %get3A_667 = arith.index_cast %add3A_665 : i32 to index
          %get3A_668 = tpu.vector_load %arg4[%get3A_666, %get3A_667] {strides = array<i32>} : memref<4x8192xf32, #tpu.memory_space<vmem>>, vector<16xf32>,
          %mul3A_669 = arith.mulf %get3A_668, %select_n3A_120 : vector<16xf32>
          %add3A_670 = arith.constant 80 : i32
          %add3A_671 = arith.addi %add3A_639, %add3A_670 : i32
          %get3A_672 = arith.index_cast %scan3A_462 : i32 to index
          %get3A_673 = arith.index_cast %add3A_671 : i32 to index
          %get3A_674 = tpu.vector_load %arg4[%get3A_672, %get3A_673] {strides = array<i32>} : memref<4x8192xf32, #tpu.memory_space<vmem>>, vector<16xf32>,
          %mul3A_675 = arith.mulf %get3A_674, %select_n3A_145 : vector<16xf32>
          %add3A_676 = arith.constant 96 : i32
          %add3A_677 = arith.addi %add3A_639, %add3A_676 : i32
          %get3A_678 = arith.index_cast %scan3A_462 : i32 to index
          %get3A_679 = arith.index_cast %add3A_677 : i32 to index
          %get3A_680 = tpu.vector_load %arg4[%get3A_678, %get3A_679] {strides = array<i32>} : memref<4x8192xf32, #tpu.memory_space<vmem>>, vector<16xf32>,
          %mul3A_681 = arith.mulf %get3A_680, %select_n3A_170 : vector<16xf32>
          %add3A_682 = arith.constant 112 : i32
          %add3A_683 = arith.addi %add3A_639, %add3A_682 : i32
          %get3A_684 = arith.index_cast %scan3A_462 : i32 to index
          %get3A_685 = arith.index_cast %add3A_683 : i32 to index
          %get3A_686 = tpu.vector_load %arg4[%get3A_684, %get3A_685] {strides = array<i32>} : memref<4x8192xf32, #tpu.memory_space<vmem>>, vector<16xf32>,
          %mul3A_687 = arith.mulf %get3A_686, %select_n3A_195 : vector<16xf32>
          %add3A_688 = arith.constant 128 : i32
          %add3A_689 = arith.addi %add3A_639, %add3A_688 : i32
          %get3A_690 = arith.index_cast %scan3A_462 : i32 to index
          %get3A_691 = arith.index_cast %add3A_689 : i32 to index
          %get3A_692 = tpu.vector_load %arg4[%get3A_690, %get3A_691] {strides = array<i32>} : memref<4x8192xf32, #tpu.memory_space<vmem>>, vector<16xf32>,
          %mul3A_693 = arith.mulf %get3A_692, %select_n3A_220 : vector<16xf32>
          %add3A_694 = arith.constant 144 : i32
          %add3A_695 = arith.addi %add3A_639, %add3A_694 : i32
          %get3A_696 = arith.index_cast %scan3A_462 : i32 to index
          %get3A_697 = arith.index_cast %add3A_695 : i32 to index
          %get3A_698 = tpu.vector_load %arg4[%get3A_696, %get3A_697] {strides = array<i32>} : memref<4x8192xf32, #tpu.memory_space<vmem>>, vector<16xf32>,
          %mul3A_699 = arith.mulf %get3A_698, %select_n3A_245 : vector<16xf32>
          %add3A_700 = arith.constant 160 : i32
          %add3A_701 = arith.addi %add3A_639, %add3A_700 : i32
          %get3A_702 = arith.index_cast %scan3A_462 : i32 to index
          %get3A_703 = arith.index_cast %add3A_701 : i32 to index
          %get3A_704 = tpu.vector_load %arg4[%get3A_702, %get3A_703] {strides = array<i32>} : memref<4x8192xf32, #tpu.memory_space<vmem>>, vector<16xf32>,
          %mul3A_705 = arith.mulf %get3A_704, %select_n3A_270 : vector<16xf32>
          %add3A_706 = arith.constant 176 : i32
          %add3A_707 = arith.addi %add3A_639, %add3A_706 : i32
          %get3A_708 = arith.index_cast %scan3A_462 : i32 to index
          %get3A_709 = arith.index_cast %add3A_707 : i32 to index
          %get3A_710 = tpu.vector_load %arg4[%get3A_708, %get3A_709] {strides = array<i32>} : memref<4x8192xf32, #tpu.memory_space<vmem>>, vector<16xf32>,
          %mul3A_711 = arith.mulf %get3A_710, %select_n3A_295 : vector<16xf32>
          %add3A_712 = arith.constant 192 : i32
          %add3A_713 = arith.addi %add3A_639, %add3A_712 : i32
          %get3A_714 = arith.index_cast %scan3A_462 : i32 to index
          %get3A_715 = arith.index_cast %add3A_713 : i32 to index
          %get3A_716 = tpu.vector_load %arg4[%get3A_714, %get3A_715] {strides = array<i32>} : memref<4x8192xf32, #tpu.memory_space<vmem>>, vector<16xf32>,
          %mul3A_717 = arith.mulf %get3A_716, %select_n3A_320 : vector<16xf32>
          %add3A_718 = arith.constant 208 : i32
          %add3A_719 = arith.addi %add3A_639, %add3A_718 : i32
          %get3A_720 = arith.index_cast %scan3A_462 : i32 to index
          %get3A_721 = arith.index_cast %add3A_719 : i32 to index
          %get3A_722 = tpu.vector_load %arg4[%get3A_720, %get3A_721] {strides = array<i32>} : memref<4x8192xf32, #tpu.memory_space<vmem>>, vector<16xf32>,
          %mul3A_723 = arith.mulf %get3A_722, %select_n3A_345 : vector<16xf32>
          %add3A_724 = arith.constant 224 : i32
          %add3A_725 = arith.addi %add3A_639, %add3A_724 : i32
          %get3A_726 = arith.index_cast %scan3A_462 : i32 to index
          %get3A_727 = arith.index_cast %add3A_725 : i32 to index
          %get3A_728 = tpu.vector_load %arg4[%get3A_726, %get3A_727] {strides = array<i32>} : memref<4x8192xf32, #tpu.memory_space<vmem>>, vector<16xf32>,
          %mul3A_729 = arith.mulf %get3A_728, %select_n3A_370 : vector<16xf32>
          %add3A_730 = arith.constant 240 : i32
          %add3A_731 = arith.addi %add3A_639, %add3A_730 : i32
          %get3A_732 = arith.index_cast %scan3A_462 : i32 to index
          %get3A_733 = arith.index_cast %add3A_731 : i32 to index
          %get3A_734 = tpu.vector_load %arg4[%get3A_732, %get3A_733] {strides = array<i32>} : memref<4x8192xf32, #tpu.memory_space<vmem>>, vector<16xf32>,
          %mul3A_735 = arith.mulf %get3A_734, %select_n3A_395 : vector<16xf32>
          %add3A_736 = arith.addf %mul3A_645, %mul3A_651 : vector<16xf32>
          %add3A_737 = arith.addf %mul3A_657, %mul3A_663 : vector<16xf32>
          %add3A_738 = arith.addf %mul3A_669, %mul3A_675 : vector<16xf32>
          %add3A_739 = arith.addf %mul3A_681, %mul3A_687 : vector<16xf32>
          %add3A_740 = arith.addf %mul3A_693, %mul3A_699 : vector<16xf32>
          %add3A_741 = arith.addf %mul3A_705, %mul3A_711 : vector<16xf32>
          %add3A_742 = arith.addf %mul3A_717, %mul3A_723 : vector<16xf32>
          %add3A_743 = arith.addf %mul3A_729, %mul3A_735 : vector<16xf32>
          %add3A_744 = arith.addf %add3A_736, %add3A_737 : vector<16xf32>
          %add3A_745 = arith.addf %add3A_738, %add3A_739 : vector<16xf32>
          %add3A_746 = arith.addf %add3A_740, %add3A_741 : vector<16xf32>
          %add3A_747 = arith.addf %add3A_742, %add3A_743 : vector<16xf32>
          %add3A_748 = arith.addf %add3A_744, %add3A_745 : vector<16xf32>
          %add3A_749 = arith.addf %add3A_746, %add3A_747 : vector<16xf32>
          %add3A_750 = arith.addf %add3A_748, %add3A_749 : vector<16xf32>
          %reduce_sum3A_751 = arith.constant true
          %reduce_sum3A_752 = vector.broadcast %reduce_sum3A_751 : i1 to vector<16xi1>
          %reduce_sum3A_753 = tpu.scan <sum>, %add3A_750 masked %reduce_sum3A_752 : vector<16xf32>, vector<16xi1> -> vector<16xf32>
          %reduce_sum3A_754 = vector.extract %reduce_sum3A_753[15] : f32 from vector<16xf32>
          %eq3A = vector.broadcast %scan3A_518 : i32 to vector<16xi32>
          %eq3A_755 = arith.cmpi eq, %iota3A, %eq3A : vector<16xi32>
          %broadcast_in_dim3A_756 = vector.broadcast %reduce_sum3A_635 : f32 to vector<16xf32>
          %select_n3A_757 = arith.select %eq3A_755, %broadcast_in_dim3A_756, %scan3A_519 : vector<16xi1>, vector<16xf32>
          %eq3A_758 = vector.broadcast %scan3A_518 : i32 to vector<16xi32>
          %eq3A_759 = arith.cmpi eq, %iota3A, %eq3A_758 : vector<16xi32>
          %broadcast_in_dim3A_760 = vector.broadcast %reduce_sum3A_754 : f32 to vector<16xf32>
          %select_n3A_761 = arith.select %eq3A_759, %broadcast_in_dim3A_760, %scan3A_520 : vector<16xi1>, vector<16xf32>
          %scan3A_762 = arith.constant 1 : i32
          %scan3A_763 = arith.addi %scan3A_518, %scan3A_762 : i32
          %mul3A_764 = arith.constant 256 : i32
          %mul3A_765 = arith.muli %scan3A_763, %mul3A_764 : i32
          %add3A_766 = arith.constant 0 : i32
          %add3A_767 = arith.addi %mul3A_765, %add3A_766 : i32
          %get3A_768 = arith.index_cast %scan3A_462 : i32 to index
          %get3A_769 = arith.index_cast %add3A_767 : i32 to index
          %get3A_770 = tpu.vector_load %arg4[%get3A_768, %get3A_769] {strides = array<i32>} : memref<4x8192xf32, #tpu.memory_space<vmem>>, vector<16xf32>,
          %mul3A_771 = arith.mulf %get3A_770, %select_n3A : vector<16xf32>
          %add3A_772 = arith.constant 16 : i32
          %add3A_773 = arith.addi %mul3A_765, %add3A_772 : i32
          %get3A_774 = arith.index_cast %scan3A_462 : i32 to index
          %get3A_775 = arith.index_cast %add3A_773 : i32 to index
          %get3A_776 = tpu.vector_load %arg4[%get3A_774, %get3A_775] {strides = array<i32>} : memref<4x8192xf32, #tpu.memory_space<vmem>>, vector<16xf32>,
          %mul3A_777 = arith.mulf %get3A_776, %select_n3A_45 : vector<16xf32>
          %add3A_778 = arith.constant 32 : i32
          %add3A_779 = arith.addi %mul3A_765, %add3A_778 : i32
          %get3A_780 = arith.index_cast %scan3A_462 : i32 to index
          %get3A_781 = arith.index_cast %add3A_779 : i32 to index
          %get3A_782 = tpu.vector_load %arg4[%get3A_780, %get3A_781] {strides = array<i32>} : memref<4x8192xf32, #tpu.memory_space<vmem>>, vector<16xf32>,
          %mul3A_783 = arith.mulf %get3A_782, %select_n3A_70 : vector<16xf32>
          %add3A_784 = arith.constant 48 : i32
          %add3A_785 = arith.addi %mul3A_765, %add3A_784 : i32
          %get3A_786 = arith.index_cast %scan3A_462 : i32 to index
          %get3A_787 = arith.index_cast %add3A_785 : i32 to index
          %get3A_788 = tpu.vector_load %arg4[%get3A_786, %get3A_787] {strides = array<i32>} : memref<4x8192xf32, #tpu.memory_space<vmem>>, vector<16xf32>,
          %mul3A_789 = arith.mulf %get3A_788, %select_n3A_95 : vector<16xf32>
          %add3A_790 = arith.constant 64 : i32
          %add3A_791 = arith.addi %mul3A_765, %add3A_790 : i32
          %get3A_792 = arith.index_cast %scan3A_462 : i32 to index
          %get3A_793 = arith.index_cast %add3A_791 : i32 to index
          %get3A_794 = tpu.vector_load %arg4[%get3A_792, %get3A_793] {strides = array<i32>} : memref<4x8192xf32, #tpu.memory_space<vmem>>, vector<16xf32>,
          %mul3A_795 = arith.mulf %get3A_794, %select_n3A_120 : vector<16xf32>
          %add3A_796 = arith.constant 80 : i32
          %add3A_797 = arith.addi %mul3A_765, %add3A_796 : i32
          %get3A_798 = arith.index_cast %scan3A_462 : i32 to index
          %get3A_799 = arith.index_cast %add3A_797 : i32 to index
          %get3A_800 = tpu.vector_load %arg4[%get3A_798, %get3A_799] {strides = array<i32>} : memref<4x8192xf32, #tpu.memory_space<vmem>>, vector<16xf32>,
          %mul3A_801 = arith.mulf %get3A_800, %select_n3A_145 : vector<16xf32>
          %add3A_802 = arith.constant 96 : i32
          %add3A_803 = arith.addi %mul3A_765, %add3A_802 : i32
          %get3A_804 = arith.index_cast %scan3A_462 : i32 to index
          %get3A_805 = arith.index_cast %add3A_803 : i32 to index
          %get3A_806 = tpu.vector_load %arg4[%get3A_804, %get3A_805] {strides = array<i32>} : memref<4x8192xf32, #tpu.memory_space<vmem>>, vector<16xf32>,
          %mul3A_807 = arith.mulf %get3A_806, %select_n3A_170 : vector<16xf32>
          %add3A_808 = arith.constant 112 : i32
          %add3A_809 = arith.addi %mul3A_765, %add3A_808 : i32
          %get3A_810 = arith.index_cast %scan3A_462 : i32 to index
          %get3A_811 = arith.index_cast %add3A_809 : i32 to index
          %get3A_812 = tpu.vector_load %arg4[%get3A_810, %get3A_811] {strides = array<i32>} : memref<4x8192xf32, #tpu.memory_space<vmem>>, vector<16xf32>,
          %mul3A_813 = arith.mulf %get3A_812, %select_n3A_195 : vector<16xf32>
          %add3A_814 = arith.constant 128 : i32
          %add3A_815 = arith.addi %mul3A_765, %add3A_814 : i32
          %get3A_816 = arith.index_cast %scan3A_462 : i32 to index
          %get3A_817 = arith.index_cast %add3A_815 : i32 to index
          %get3A_818 = tpu.vector_load %arg4[%get3A_816, %get3A_817] {strides = array<i32>} : memref<4x8192xf32, #tpu.memory_space<vmem>>, vector<16xf32>,
          %mul3A_819 = arith.mulf %get3A_818, %select_n3A_220 : vector<16xf32>
          %add3A_820 = arith.constant 144 : i32
          %add3A_821 = arith.addi %mul3A_765, %add3A_820 : i32
          %get3A_822 = arith.index_cast %scan3A_462 : i32 to index
          %get3A_823 = arith.index_cast %add3A_821 : i32 to index
          %get3A_824 = tpu.vector_load %arg4[%get3A_822, %get3A_823] {strides = array<i32>} : memref<4x8192xf32, #tpu.memory_space<vmem>>, vector<16xf32>,
          %mul3A_825 = arith.mulf %get3A_824, %select_n3A_245 : vector<16xf32>
          %add3A_826 = arith.constant 160 : i32
          %add3A_827 = arith.addi %mul3A_765, %add3A_826 : i32
          %get3A_828 = arith.index_cast %scan3A_462 : i32 to index
          %get3A_829 = arith.index_cast %add3A_827 : i32 to index
          %get3A_830 = tpu.vector_load %arg4[%get3A_828, %get3A_829] {strides = array<i32>} : memref<4x8192xf32, #tpu.memory_space<vmem>>, vector<16xf32>,
          %mul3A_831 = arith.mulf %get3A_830, %select_n3A_270 : vector<16xf32>
          %add3A_832 = arith.constant 176 : i32
          %add3A_833 = arith.addi %mul3A_765, %add3A_832 : i32
          %get3A_834 = arith.index_cast %scan3A_462 : i32 to index
          %get3A_835 = arith.index_cast %add3A_833 : i32 to index
          %get3A_836 = tpu.vector_load %arg4[%get3A_834, %get3A_835] {strides = array<i32>} : memref<4x8192xf32, #tpu.memory_space<vmem>>, vector<16xf32>,
          %mul3A_837 = arith.mulf %get3A_836, %select_n3A_295 : vector<16xf32>
          %add3A_838 = arith.constant 192 : i32
          %add3A_839 = arith.addi %mul3A_765, %add3A_838 : i32
          %get3A_840 = arith.index_cast %scan3A_462 : i32 to index
          %get3A_841 = arith.index_cast %add3A_839 : i32 to index
          %get3A_842 = tpu.vector_load %arg4[%get3A_840, %get3A_841] {strides = array<i32>} : memref<4x8192xf32, #tpu.memory_space<vmem>>, vector<16xf32>,
          %mul3A_843 = arith.mulf %get3A_842, %select_n3A_320 : vector<16xf32>
          %add3A_844 = arith.constant 208 : i32
          %add3A_845 = arith.addi %mul3A_765, %add3A_844 : i32
          %get3A_846 = arith.index_cast %scan3A_462 : i32 to index
          %get3A_847 = arith.index_cast %add3A_845 : i32 to index
          %get3A_848 = tpu.vector_load %arg4[%get3A_846, %get3A_847] {strides = array<i32>} : memref<4x8192xf32, #tpu.memory_space<vmem>>, vector<16xf32>,
          %mul3A_849 = arith.mulf %get3A_848, %select_n3A_345 : vector<16xf32>
          %add3A_850 = arith.constant 224 : i32
          %add3A_851 = arith.addi %mul3A_765, %add3A_850 : i32
          %get3A_852 = arith.index_cast %scan3A_462 : i32 to index
          %get3A_853 = arith.index_cast %add3A_851 : i32 to index
          %get3A_854 = tpu.vector_load %arg4[%get3A_852, %get3A_853] {strides = array<i32>} : memref<4x8192xf32, #tpu.memory_space<vmem>>, vector<16xf32>,
          %mul3A_855 = arith.mulf %get3A_854, %select_n3A_370 : vector<16xf32>
          %add3A_856 = arith.constant 240 : i32
          %add3A_857 = arith.addi %mul3A_765, %add3A_856 : i32
          %get3A_858 = arith.index_cast %scan3A_462 : i32 to index
          %get3A_859 = arith.index_cast %add3A_857 : i32 to index
          %get3A_860 = tpu.vector_load %arg4[%get3A_858, %get3A_859] {strides = array<i32>} : memref<4x8192xf32, #tpu.memory_space<vmem>>, vector<16xf32>,
          %mul3A_861 = arith.mulf %get3A_860, %select_n3A_395 : vector<16xf32>
          %add3A_862 = arith.addf %mul3A_771, %mul3A_777 : vector<16xf32>
          %add3A_863 = arith.addf %mul3A_783, %mul3A_789 : vector<16xf32>
          %add3A_864 = arith.addf %mul3A_795, %mul3A_801 : vector<16xf32>
          %add3A_865 = arith.addf %mul3A_807, %mul3A_813 : vector<16xf32>
          %add3A_866 = arith.addf %mul3A_819, %mul3A_825 : vector<16xf32>
          %add3A_867 = arith.addf %mul3A_831, %mul3A_837 : vector<16xf32>
          %add3A_868 = arith.addf %mul3A_843, %mul3A_849 : vector<16xf32>
          %add3A_869 = arith.addf %mul3A_855, %mul3A_861 : vector<16xf32>
          %add3A_870 = arith.addf %add3A_862, %add3A_863 : vector<16xf32>
          %add3A_871 = arith.addf %add3A_864, %add3A_865 : vector<16xf32>
          %add3A_872 = arith.addf %add3A_866, %add3A_867 : vector<16xf32>
          %add3A_873 = arith.addf %add3A_868, %add3A_869 : vector<16xf32>
          %add3A_874 = arith.addf %add3A_870, %add3A_871 : vector<16xf32>
          %add3A_875 = arith.addf %add3A_872, %add3A_873 : vector<16xf32>
          %add3A_876 = arith.addf %add3A_874, %add3A_875 : vector<16xf32>
          %reduce_sum3A_877 = arith.constant true
          %reduce_sum3A_878 = vector.broadcast %reduce_sum3A_877 : i1 to vector<16xi1>
          %reduce_sum3A_879 = tpu.scan <sum>, %add3A_876 masked %reduce_sum3A_878 : vector<16xf32>, vector<16xi1> -> vector<16xf32>
          %reduce_sum3A_880 = vector.extract %reduce_sum3A_879[15] : f32 from vector<16xf32>
          %mul3A_881 = arith.constant 256 : i32
          %mul3A_882 = arith.muli %scan3A_763, %mul3A_881 : i32
          %add3A_883 = arith.constant 4096 : i32
          %add3A_884 = arith.addi %mul3A_882, %add3A_883 : i32
          %add3A_885 = arith.constant 0 : i32
          %add3A_886 = arith.addi %add3A_884, %add3A_885 : i32
          %get3A_887 = arith.index_cast %scan3A_462 : i32 to index
          %get3A_888 = arith.index_cast %add3A_886 : i32 to index
          %get3A_889 = tpu.vector_load %arg4[%get3A_887, %get3A_888] {strides = array<i32>} : memref<4x8192xf32, #tpu.memory_space<vmem>>, vector<16xf32>,
          %mul3A_890 = arith.mulf %get3A_889, %select_n3A : vector<16xf32>
          %add3A_891 = arith.constant 16 : i32
          %add3A_892 = arith.addi %add3A_884, %add3A_891 : i32
          %get3A_893 = arith.index_cast %scan3A_462 : i32 to index
          %get3A_894 = arith.index_cast %add3A_892 : i32 to index
          %get3A_895 = tpu.vector_load %arg4[%get3A_893, %get3A_894] {strides = array<i32>} : memref<4x8192xf32, #tpu.memory_space<vmem>>, vector<16xf32>,
          %mul3A_896 = arith.mulf %get3A_895, %select_n3A_45 : vector<16xf32>
          %add3A_897 = arith.constant 32 : i32
          %add3A_898 = arith.addi %add3A_884, %add3A_897 : i32
          %get3A_899 = arith.index_cast %scan3A_462 : i32 to index
          %get3A_900 = arith.index_cast %add3A_898 : i32 to index
          %get3A_901 = tpu.vector_load %arg4[%get3A_899, %get3A_900] {strides = array<i32>} : memref<4x8192xf32, #tpu.memory_space<vmem>>, vector<16xf32>,
          %mul3A_902 = arith.mulf %get3A_901, %select_n3A_70 : vector<16xf32>
          %add3A_903 = arith.constant 48 : i32
          %add3A_904 = arith.addi %add3A_884, %add3A_903 : i32
          %get3A_905 = arith.index_cast %scan3A_462 : i32 to index
          %get3A_906 = arith.index_cast %add3A_904 : i32 to index
          %get3A_907 = tpu.vector_load %arg4[%get3A_905, %get3A_906] {strides = array<i32>} : memref<4x8192xf32, #tpu.memory_space<vmem>>, vector<16xf32>,
          %mul3A_908 = arith.mulf %get3A_907, %select_n3A_95 : vector<16xf32>
          %add3A_909 = arith.constant 64 : i32
          %add3A_910 = arith.addi %add3A_884, %add3A_909 : i32
          %get3A_911 = arith.index_cast %scan3A_462 : i32 to index
          %get3A_912 = arith.index_cast %add3A_910 : i32 to index
          %get3A_913 = tpu.vector_load %arg4[%get3A_911, %get3A_912] {strides = array<i32>} : memref<4x8192xf32, #tpu.memory_space<vmem>>, vector<16xf32>,
          %mul3A_914 = arith.mulf %get3A_913, %select_n3A_120 : vector<16xf32>
          %add3A_915 = arith.constant 80 : i32
          %add3A_916 = arith.addi %add3A_884, %add3A_915 : i32
          %get3A_917 = arith.index_cast %scan3A_462 : i32 to index
          %get3A_918 = arith.index_cast %add3A_916 : i32 to index
          %get3A_919 = tpu.vector_load %arg4[%get3A_917, %get3A_918] {strides = array<i32>} : memref<4x8192xf32, #tpu.memory_space<vmem>>, vector<16xf32>,
          %mul3A_920 = arith.mulf %get3A_919, %select_n3A_145 : vector<16xf32>
          %add3A_921 = arith.constant 96 : i32
          %add3A_922 = arith.addi %add3A_884, %add3A_921 : i32
          %get3A_923 = arith.index_cast %scan3A_462 : i32 to index
          %get3A_924 = arith.index_cast %add3A_922 : i32 to index
          %get3A_925 = tpu.vector_load %arg4[%get3A_923, %get3A_924] {strides = array<i32>} : memref<4x8192xf32, #tpu.memory_space<vmem>>, vector<16xf32>,
          %mul3A_926 = arith.mulf %get3A_925, %select_n3A_170 : vector<16xf32>
          %add3A_927 = arith.constant 112 : i32
          %add3A_928 = arith.addi %add3A_884, %add3A_927 : i32
          %get3A_929 = arith.index_cast %scan3A_462 : i32 to index
          %get3A_930 = arith.index_cast %add3A_928 : i32 to index
          %get3A_931 = tpu.vector_load %arg4[%get3A_929, %get3A_930] {strides = array<i32>} : memref<4x8192xf32, #tpu.memory_space<vmem>>, vector<16xf32>,
          %mul3A_932 = arith.mulf %get3A_931, %select_n3A_195 : vector<16xf32>
          %add3A_933 = arith.constant 128 : i32
          %add3A_934 = arith.addi %add3A_884, %add3A_933 : i32
          %get3A_935 = arith.index_cast %scan3A_462 : i32 to index
          %get3A_936 = arith.index_cast %add3A_934 : i32 to index
          %get3A_937 = tpu.vector_load %arg4[%get3A_935, %get3A_936] {strides = array<i32>} : memref<4x8192xf32, #tpu.memory_space<vmem>>, vector<16xf32>,
          %mul3A_938 = arith.mulf %get3A_937, %select_n3A_220 : vector<16xf32>
          %add3A_939 = arith.constant 144 : i32
          %add3A_940 = arith.addi %add3A_884, %add3A_939 : i32
          %get3A_941 = arith.index_cast %scan3A_462 : i32 to index
          %get3A_942 = arith.index_cast %add3A_940 : i32 to index
          %get3A_943 = tpu.vector_load %arg4[%get3A_941, %get3A_942] {strides = array<i32>} : memref<4x8192xf32, #tpu.memory_space<vmem>>, vector<16xf32>,
          %mul3A_944 = arith.mulf %get3A_943, %select_n3A_245 : vector<16xf32>
          %add3A_945 = arith.constant 160 : i32
          %add3A_946 = arith.addi %add3A_884, %add3A_945 : i32
          %get3A_947 = arith.index_cast %scan3A_462 : i32 to index
          %get3A_948 = arith.index_cast %add3A_946 : i32 to index
          %get3A_949 = tpu.vector_load %arg4[%get3A_947, %get3A_948] {strides = array<i32>} : memref<4x8192xf32, #tpu.memory_space<vmem>>, vector<16xf32>,
          %mul3A_950 = arith.mulf %get3A_949, %select_n3A_270 : vector<16xf32>
          %add3A_951 = arith.constant 176 : i32
          %add3A_952 = arith.addi %add3A_884, %add3A_951 : i32
          %get3A_953 = arith.index_cast %scan3A_462 : i32 to index
          %get3A_954 = arith.index_cast %add3A_952 : i32 to index
          %get3A_955 = tpu.vector_load %arg4[%get3A_953, %get3A_954] {strides = array<i32>} : memref<4x8192xf32, #tpu.memory_space<vmem>>, vector<16xf32>,
          %mul3A_956 = arith.mulf %get3A_955, %select_n3A_295 : vector<16xf32>
          %add3A_957 = arith.constant 192 : i32
          %add3A_958 = arith.addi %add3A_884, %add3A_957 : i32
          %get3A_959 = arith.index_cast %scan3A_462 : i32 to index
          %get3A_960 = arith.index_cast %add3A_958 : i32 to index
          %get3A_961 = tpu.vector_load %arg4[%get3A_959, %get3A_960] {strides = array<i32>} : memref<4x8192xf32, #tpu.memory_space<vmem>>, vector<16xf32>,
          %mul3A_962 = arith.mulf %get3A_961, %select_n3A_320 : vector<16xf32>
          %add3A_963 = arith.constant 208 : i32
          %add3A_964 = arith.addi %add3A_884, %add3A_963 : i32
          %get3A_965 = arith.index_cast %scan3A_462 : i32 to index
          %get3A_966 = arith.index_cast %add3A_964 : i32 to index
          %get3A_967 = tpu.vector_load %arg4[%get3A_965, %get3A_966] {strides = array<i32>} : memref<4x8192xf32, #tpu.memory_space<vmem>>, vector<16xf32>,
          %mul3A_968 = arith.mulf %get3A_967, %select_n3A_345 : vector<16xf32>
          %add3A_969 = arith.constant 224 : i32
          %add3A_970 = arith.addi %add3A_884, %add3A_969 : i32
          %get3A_971 = arith.index_cast %scan3A_462 : i32 to index
          %get3A_972 = arith.index_cast %add3A_970 : i32 to index
          %get3A_973 = tpu.vector_load %arg4[%get3A_971, %get3A_972] {strides = array<i32>} : memref<4x8192xf32, #tpu.memory_space<vmem>>, vector<16xf32>,
          %mul3A_974 = arith.mulf %get3A_973, %select_n3A_370 : vector<16xf32>
          %add3A_975 = arith.constant 240 : i32
          %add3A_976 = arith.addi %add3A_884, %add3A_975 : i32
          %get3A_977 = arith.index_cast %scan3A_462 : i32 to index
          %get3A_978 = arith.index_cast %add3A_976 : i32 to index
          %get3A_979 = tpu.vector_load %arg4[%get3A_977, %get3A_978] {strides = array<i32>} : memref<4x8192xf32, #tpu.memory_space<vmem>>, vector<16xf32>,
          %mul3A_980 = arith.mulf %get3A_979, %select_n3A_395 : vector<16xf32>
          %add3A_981 = arith.addf %mul3A_890, %mul3A_896 : vector<16xf32>
          %add3A_982 = arith.addf %mul3A_902, %mul3A_908 : vector<16xf32>
          %add3A_983 = arith.addf %mul3A_914, %mul3A_920 : vector<16xf32>
          %add3A_984 = arith.addf %mul3A_926, %mul3A_932 : vector<16xf32>
          %add3A_985 = arith.addf %mul3A_938, %mul3A_944 : vector<16xf32>
          %add3A_986 = arith.addf %mul3A_950, %mul3A_956 : vector<16xf32>
          %add3A_987 = arith.addf %mul3A_962, %mul3A_968 : vector<16xf32>
          %add3A_988 = arith.addf %mul3A_974, %mul3A_980 : vector<16xf32>
          %add3A_989 = arith.addf %add3A_981, %add3A_982 : vector<16xf32>
          %add3A_990 = arith.addf %add3A_983, %add3A_984 : vector<16xf32>
          %add3A_991 = arith.addf %add3A_985, %add3A_986 : vector<16xf32>
          %add3A_992 = arith.addf %add3A_987, %add3A_988 : vector<16xf32>
          %add3A_993 = arith.addf %add3A_989, %add3A_990 : vector<16xf32>
          %add3A_994 = arith.addf %add3A_991, %add3A_992 : vector<16xf32>
          %add3A_995 = arith.addf %add3A_993, %add3A_994 : vector<16xf32>
          %reduce_sum3A_996 = arith.constant true
          %reduce_sum3A_997 = vector.broadcast %reduce_sum3A_996 : i1 to vector<16xi1>
          %reduce_sum3A_998 = tpu.scan <sum>, %add3A_995 masked %reduce_sum3A_997 : vector<16xf32>, vector<16xi1> -> vector<16xf32>
          %reduce_sum3A_999 = vector.extract %reduce_sum3A_998[15] : f32 from vector<16xf32>
          %eq3A_1000 = vector.broadcast %scan3A_763 : i32 to vector<16xi32>
          %eq3A_1001 = arith.cmpi eq, %iota3A, %eq3A_1000 : vector<16xi32>
          %broadcast_in_dim3A_1002 = vector.broadcast %reduce_sum3A_880 : f32 to vector<16xf32>
          %select_n3A_1003 = arith.select %eq3A_1001, %broadcast_in_dim3A_1002, %select_n3A_757 : vector<16xi1>, vector<16xf32>
          %eq3A_1004 = vector.broadcast %scan3A_763 : i32 to vector<16xi32>
          %eq3A_1005 = arith.cmpi eq, %iota3A, %eq3A_1004 : vector<16xi32>
          %broadcast_in_dim3A_1006 = vector.broadcast %reduce_sum3A_999 : f32 to vector<16xf32>
          %select_n3A_1007 = arith.select %eq3A_1005, %broadcast_in_dim3A_1006, %select_n3A_761 : vector<16xi1>, vector<16xf32>
          %scan3A_1008 = arith.constant 2 : i32
          %scan3A_1009 = arith.addi %scan3A_518, %scan3A_1008 : i32
          %mul3A_1010 = arith.constant 256 : i32
          %mul3A_1011 = arith.muli %scan3A_1009, %mul3A_1010 : i32
          %add3A_1012 = arith.constant 0 : i32
          %add3A_1013 = arith.addi %mul3A_1011, %add3A_1012 : i32
          %get3A_1014 = arith.index_cast %scan3A_462 : i32 to index
          %get3A_1015 = arith.index_cast %add3A_1013 : i32 to index
          %get3A_1016 = tpu.vector_load %arg4[%get3A_1014, %get3A_1015] {strides = array<i32>} : memref<4x8192xf32, #tpu.memory_space<vmem>>, vector<16xf32>,
          %mul3A_1017 = arith.mulf %get3A_1016, %select_n3A : vector<16xf32>
          %add3A_1018 = arith.constant 16 : i32
          %add3A_1019 = arith.addi %mul3A_1011, %add3A_1018 : i32
          %get3A_1020 = arith.index_cast %scan3A_462 : i32 to index
          %get3A_1021 = arith.index_cast %add3A_1019 : i32 to index
          %get3A_1022 = tpu.vector_load %arg4[%get3A_1020, %get3A_1021] {strides = array<i32>} : memref<4x8192xf32, #tpu.memory_space<vmem>>, vector<16xf32>,
          %mul3A_1023 = arith.mulf %get3A_1022, %select_n3A_45 : vector<16xf32>
          %add3A_1024 = arith.constant 32 : i32
          %add3A_1025 = arith.addi %mul3A_1011, %add3A_1024 : i32
          %get3A_1026 = arith.index_cast %scan3A_462 : i32 to index
          %get3A_1027 = arith.index_cast %add3A_1025 : i32 to index
          %get3A_1028 = tpu.vector_load %arg4[%get3A_1026, %get3A_1027] {strides = array<i32>} : memref<4x8192xf32, #tpu.memory_space<vmem>>, vector<16xf32>,
          %mul3A_1029 = arith.mulf %get3A_1028, %select_n3A_70 : vector<16xf32>
          %add3A_1030 = arith.constant 48 : i32
          %add3A_1031 = arith.addi %mul3A_1011, %add3A_1030 : i32
          %get3A_1032 = arith.index_cast %scan3A_462 : i32 to index
          %get3A_1033 = arith.index_cast %add3A_1031 : i32 to index
          %get3A_1034 = tpu.vector_load %arg4[%get3A_1032, %get3A_1033] {strides = array<i32>} : memref<4x8192xf32, #tpu.memory_space<vmem>>, vector<16xf32>,
          %mul3A_1035 = arith.mulf %get3A_1034, %select_n3A_95 : vector<16xf32>
          %add3A_1036 = arith.constant 64 : i32
          %add3A_1037 = arith.addi %mul3A_1011, %add3A_1036 : i32
          %get3A_1038 = arith.index_cast %scan3A_462 : i32 to index
          %get3A_1039 = arith.index_cast %add3A_1037 : i32 to index
          %get3A_1040 = tpu.vector_load %arg4[%get3A_1038, %get3A_1039] {strides = array<i32>} : memref<4x8192xf32, #tpu.memory_space<vmem>>, vector<16xf32>,
          %mul3A_1041 = arith.mulf %get3A_1040, %select_n3A_120 : vector<16xf32>
          %add3A_1042 = arith.constant 80 : i32
          %add3A_1043 = arith.addi %mul3A_1011, %add3A_1042 : i32
          %get3A_1044 = arith.index_cast %scan3A_462 : i32 to index
          %get3A_1045 = arith.index_cast %add3A_1043 : i32 to index
          %get3A_1046 = tpu.vector_load %arg4[%get3A_1044, %get3A_1045] {strides = array<i32>} : memref<4x8192xf32, #tpu.memory_space<vmem>>, vector<16xf32>,
          %mul3A_1047 = arith.mulf %get3A_1046, %select_n3A_145 : vector<16xf32>
          %add3A_1048 = arith.constant 96 : i32
          %add3A_1049 = arith.addi %mul3A_1011, %add3A_1048 : i32
          %get3A_1050 = arith.index_cast %scan3A_462 : i32 to index
          %get3A_1051 = arith.index_cast %add3A_1049 : i32 to index
          %get3A_1052 = tpu.vector_load %arg4[%get3A_1050, %get3A_1051] {strides = array<i32>} : memref<4x8192xf32, #tpu.memory_space<vmem>>, vector<16xf32>,
          %mul3A_1053 = arith.mulf %get3A_1052, %select_n3A_170 : vector<16xf32>
          %add3A_1054 = arith.constant 112 : i32
          %add3A_1055 = arith.addi %mul3A_1011, %add3A_1054 : i32
          %get3A_1056 = arith.index_cast %scan3A_462 : i32 to index
          %get3A_1057 = arith.index_cast %add3A_1055 : i32 to index
          %get3A_1058 = tpu.vector_load %arg4[%get3A_1056, %get3A_1057] {strides = array<i32>} : memref<4x8192xf32, #tpu.memory_space<vmem>>, vector<16xf32>,
          %mul3A_1059 = arith.mulf %get3A_1058, %select_n3A_195 : vector<16xf32>
          %add3A_1060 = arith.constant 128 : i32
          %add3A_1061 = arith.addi %mul3A_1011, %add3A_1060 : i32
          %get3A_1062 = arith.index_cast %scan3A_462 : i32 to index
          %get3A_1063 = arith.index_cast %add3A_1061 : i32 to index
          %get3A_1064 = tpu.vector_load %arg4[%get3A_1062, %get3A_1063] {strides = array<i32>} : memref<4x8192xf32, #tpu.memory_space<vmem>>, vector<16xf32>,
          %mul3A_1065 = arith.mulf %get3A_1064, %select_n3A_220 : vector<16xf32>
          %add3A_1066 = arith.constant 144 : i32
          %add3A_1067 = arith.addi %mul3A_1011, %add3A_1066 : i32
          %get3A_1068 = arith.index_cast %scan3A_462 : i32 to index
          %get3A_1069 = arith.index_cast %add3A_1067 : i32 to index
          %get3A_1070 = tpu.vector_load %arg4[%get3A_1068, %get3A_1069] {strides = array<i32>} : memref<4x8192xf32, #tpu.memory_space<vmem>>, vector<16xf32>,
          %mul3A_1071 = arith.mulf %get3A_1070, %select_n3A_245 : vector<16xf32>
          %add3A_1072 = arith.constant 160 : i32
          %add3A_1073 = arith.addi %mul3A_1011, %add3A_1072 : i32
          %get3A_1074 = arith.index_cast %scan3A_462 : i32 to index
          %get3A_1075 = arith.index_cast %add3A_1073 : i32 to index
          %get3A_1076 = tpu.vector_load %arg4[%get3A_1074, %get3A_1075] {strides = array<i32>} : memref<4x8192xf32, #tpu.memory_space<vmem>>, vector<16xf32>,
          %mul3A_1077 = arith.mulf %get3A_1076, %select_n3A_270 : vector<16xf32>
          %add3A_1078 = arith.constant 176 : i32
          %add3A_1079 = arith.addi %mul3A_1011, %add3A_1078 : i32
          %get3A_1080 = arith.index_cast %scan3A_462 : i32 to index
          %get3A_1081 = arith.index_cast %add3A_1079 : i32 to index
          %get3A_1082 = tpu.vector_load %arg4[%get3A_1080, %get3A_1081] {strides = array<i32>} : memref<4x8192xf32, #tpu.memory_space<vmem>>, vector<16xf32>,
          %mul3A_1083 = arith.mulf %get3A_1082, %select_n3A_295 : vector<16xf32>
          %add3A_1084 = arith.constant 192 : i32
          %add3A_1085 = arith.addi %mul3A_1011, %add3A_1084 : i32
          %get3A_1086 = arith.index_cast %scan3A_462 : i32 to index
          %get3A_1087 = arith.index_cast %add3A_1085 : i32 to index
          %get3A_1088 = tpu.vector_load %arg4[%get3A_1086, %get3A_1087] {strides = array<i32>} : memref<4x8192xf32, #tpu.memory_space<vmem>>, vector<16xf32>,
          %mul3A_1089 = arith.mulf %get3A_1088, %select_n3A_320 : vector<16xf32>
          %add3A_1090 = arith.constant 208 : i32
          %add3A_1091 = arith.addi %mul3A_1011, %add3A_1090 : i32
          %get3A_1092 = arith.index_cast %scan3A_462 : i32 to index
          %get3A_1093 = arith.index_cast %add3A_1091 : i32 to index
          %get3A_1094 = tpu.vector_load %arg4[%get3A_1092, %get3A_1093] {strides = array<i32>} : memref<4x8192xf32, #tpu.memory_space<vmem>>, vector<16xf32>,
          %mul3A_1095 = arith.mulf %get3A_1094, %select_n3A_345 : vector<16xf32>
          %add3A_1096 = arith.constant 224 : i32
          %add3A_1097 = arith.addi %mul3A_1011, %add3A_1096 : i32
          %get3A_1098 = arith.index_cast %scan3A_462 : i32 to index
          %get3A_1099 = arith.index_cast %add3A_1097 : i32 to index
          %get3A_1100 = tpu.vector_load %arg4[%get3A_1098, %get3A_1099] {strides = array<i32>} : memref<4x8192xf32, #tpu.memory_space<vmem>>, vector<16xf32>,
          %mul3A_1101 = arith.mulf %get3A_1100, %select_n3A_370 : vector<16xf32>
          %add3A_1102 = arith.constant 240 : i32
          %add3A_1103 = arith.addi %mul3A_1011, %add3A_1102 : i32
          %get3A_1104 = arith.index_cast %scan3A_462 : i32 to index
          %get3A_1105 = arith.index_cast %add3A_1103 : i32 to index
          %get3A_1106 = tpu.vector_load %arg4[%get3A_1104, %get3A_1105] {strides = array<i32>} : memref<4x8192xf32, #tpu.memory_space<vmem>>, vector<16xf32>,
          %mul3A_1107 = arith.mulf %get3A_1106, %select_n3A_395 : vector<16xf32>
          %add3A_1108 = arith.addf %mul3A_1017, %mul3A_1023 : vector<16xf32>
          %add3A_1109 = arith.addf %mul3A_1029, %mul3A_1035 : vector<16xf32>
          %add3A_1110 = arith.addf %mul3A_1041, %mul3A_1047 : vector<16xf32>
          %add3A_1111 = arith.addf %mul3A_1053, %mul3A_1059 : vector<16xf32>
          %add3A_1112 = arith.addf %mul3A_1065, %mul3A_1071 : vector<16xf32>
          %add3A_1113 = arith.addf %mul3A_1077, %mul3A_1083 : vector<16xf32>
          %add3A_1114 = arith.addf %mul3A_1089, %mul3A_1095 : vector<16xf32>
          %add3A_1115 = arith.addf %mul3A_1101, %mul3A_1107 : vector<16xf32>
          %add3A_1116 = arith.addf %add3A_1108, %add3A_1109 : vector<16xf32>
          %add3A_1117 = arith.addf %add3A_1110, %add3A_1111 : vector<16xf32>
          %add3A_1118 = arith.addf %add3A_1112, %add3A_1113 : vector<16xf32>
          %add3A_1119 = arith.addf %add3A_1114, %add3A_1115 : vector<16xf32>
          %add3A_1120 = arith.addf %add3A_1116, %add3A_1117 : vector<16xf32>
          %add3A_1121 = arith.addf %add3A_1118, %add3A_1119 : vector<16xf32>
          %add3A_1122 = arith.addf %add3A_1120, %add3A_1121 : vector<16xf32>
          %reduce_sum3A_1123 = arith.constant true
          %reduce_sum3A_1124 = vector.broadcast %reduce_sum3A_1123 : i1 to vector<16xi1>
          %reduce_sum3A_1125 = tpu.scan <sum>, %add3A_1122 masked %reduce_sum3A_1124 : vector<16xf32>, vector<16xi1> -> vector<16xf32>
          %reduce_sum3A_1126 = vector.extract %reduce_sum3A_1125[15] : f32 from vector<16xf32>
          %mul3A_1127 = arith.constant 256 : i32
          %mul3A_1128 = arith.muli %scan3A_1009, %mul3A_1127 : i32
          %add3A_1129 = arith.constant 4096 : i32
          %add3A_1130 = arith.addi %mul3A_1128, %add3A_1129 : i32
          %add3A_1131 = arith.constant 0 : i32
          %add3A_1132 = arith.addi %add3A_1130, %add3A_1131 : i32
          %get3A_1133 = arith.index_cast %scan3A_462 : i32 to index
          %get3A_1134 = arith.index_cast %add3A_1132 : i32 to index
          %get3A_1135 = tpu.vector_load %arg4[%get3A_1133, %get3A_1134] {strides = array<i32>} : memref<4x8192xf32, #tpu.memory_space<vmem>>, vector<16xf32>,
          %mul3A_1136 = arith.mulf %get3A_1135, %select_n3A : vector<16xf32>
          %add3A_1137 = arith.constant 16 : i32
          %add3A_1138 = arith.addi %add3A_1130, %add3A_1137 : i32
          %get3A_1139 = arith.index_cast %scan3A_462 : i32 to index
          %get3A_1140 = arith.index_cast %add3A_1138 : i32 to index
          %get3A_1141 = tpu.vector_load %arg4[%get3A_1139, %get3A_1140] {strides = array<i32>} : memref<4x8192xf32, #tpu.memory_space<vmem>>, vector<16xf32>,
          %mul3A_1142 = arith.mulf %get3A_1141, %select_n3A_45 : vector<16xf32>
          %add3A_1143 = arith.constant 32 : i32
          %add3A_1144 = arith.addi %add3A_1130, %add3A_1143 : i32
          %get3A_1145 = arith.index_cast %scan3A_462 : i32 to index
          %get3A_1146 = arith.index_cast %add3A_1144 : i32 to index
          %get3A_1147 = tpu.vector_load %arg4[%get3A_1145, %get3A_1146] {strides = array<i32>} : memref<4x8192xf32, #tpu.memory_space<vmem>>, vector<16xf32>,
          %mul3A_1148 = arith.mulf %get3A_1147, %select_n3A_70 : vector<16xf32>
          %add3A_1149 = arith.constant 48 : i32
          %add3A_1150 = arith.addi %add3A_1130, %add3A_1149 : i32
          %get3A_1151 = arith.index_cast %scan3A_462 : i32 to index
          %get3A_1152 = arith.index_cast %add3A_1150 : i32 to index
          %get3A_1153 = tpu.vector_load %arg4[%get3A_1151, %get3A_1152] {strides = array<i32>} : memref<4x8192xf32, #tpu.memory_space<vmem>>, vector<16xf32>,
          %mul3A_1154 = arith.mulf %get3A_1153, %select_n3A_95 : vector<16xf32>
          %add3A_1155 = arith.constant 64 : i32
          %add3A_1156 = arith.addi %add3A_1130, %add3A_1155 : i32
          %get3A_1157 = arith.index_cast %scan3A_462 : i32 to index
          %get3A_1158 = arith.index_cast %add3A_1156 : i32 to index
          %get3A_1159 = tpu.vector_load %arg4[%get3A_1157, %get3A_1158] {strides = array<i32>} : memref<4x8192xf32, #tpu.memory_space<vmem>>, vector<16xf32>,
          %mul3A_1160 = arith.mulf %get3A_1159, %select_n3A_120 : vector<16xf32>
          %add3A_1161 = arith.constant 80 : i32
          %add3A_1162 = arith.addi %add3A_1130, %add3A_1161 : i32
          %get3A_1163 = arith.index_cast %scan3A_462 : i32 to index
          %get3A_1164 = arith.index_cast %add3A_1162 : i32 to index
          %get3A_1165 = tpu.vector_load %arg4[%get3A_1163, %get3A_1164] {strides = array<i32>} : memref<4x8192xf32, #tpu.memory_space<vmem>>, vector<16xf32>,
          %mul3A_1166 = arith.mulf %get3A_1165, %select_n3A_145 : vector<16xf32>
          %add3A_1167 = arith.constant 96 : i32
          %add3A_1168 = arith.addi %add3A_1130, %add3A_1167 : i32
          %get3A_1169 = arith.index_cast %scan3A_462 : i32 to index
          %get3A_1170 = arith.index_cast %add3A_1168 : i32 to index
          %get3A_1171 = tpu.vector_load %arg4[%get3A_1169, %get3A_1170] {strides = array<i32>} : memref<4x8192xf32, #tpu.memory_space<vmem>>, vector<16xf32>,
          %mul3A_1172 = arith.mulf %get3A_1171, %select_n3A_170 : vector<16xf32>
          %add3A_1173 = arith.constant 112 : i32
          %add3A_1174 = arith.addi %add3A_1130, %add3A_1173 : i32
          %get3A_1175 = arith.index_cast %scan3A_462 : i32 to index
          %get3A_1176 = arith.index_cast %add3A_1174 : i32 to index
          %get3A_1177 = tpu.vector_load %arg4[%get3A_1175, %get3A_1176] {strides = array<i32>} : memref<4x8192xf32, #tpu.memory_space<vmem>>, vector<16xf32>,
          %mul3A_1178 = arith.mulf %get3A_1177, %select_n3A_195 : vector<16xf32>
          %add3A_1179 = arith.constant 128 : i32
          %add3A_1180 = arith.addi %add3A_1130, %add3A_1179 : i32
          %get3A_1181 = arith.index_cast %scan3A_462 : i32 to index
          %get3A_1182 = arith.index_cast %add3A_1180 : i32 to index
          %get3A_1183 = tpu.vector_load %arg4[%get3A_1181, %get3A_1182] {strides = array<i32>} : memref<4x8192xf32, #tpu.memory_space<vmem>>, vector<16xf32>,
          %mul3A_1184 = arith.mulf %get3A_1183, %select_n3A_220 : vector<16xf32>
          %add3A_1185 = arith.constant 144 : i32
          %add3A_1186 = arith.addi %add3A_1130, %add3A_1185 : i32
          %get3A_1187 = arith.index_cast %scan3A_462 : i32 to index
          %get3A_1188 = arith.index_cast %add3A_1186 : i32 to index
          %get3A_1189 = tpu.vector_load %arg4[%get3A_1187, %get3A_1188] {strides = array<i32>} : memref<4x8192xf32, #tpu.memory_space<vmem>>, vector<16xf32>,
          %mul3A_1190 = arith.mulf %get3A_1189, %select_n3A_245 : vector<16xf32>
          %add3A_1191 = arith.constant 160 : i32
          %add3A_1192 = arith.addi %add3A_1130, %add3A_1191 : i32
          %get3A_1193 = arith.index_cast %scan3A_462 : i32 to index
          %get3A_1194 = arith.index_cast %add3A_1192 : i32 to index
          %get3A_1195 = tpu.vector_load %arg4[%get3A_1193, %get3A_1194] {strides = array<i32>} : memref<4x8192xf32, #tpu.memory_space<vmem>>, vector<16xf32>,
          %mul3A_1196 = arith.mulf %get3A_1195, %select_n3A_270 : vector<16xf32>
          %add3A_1197 = arith.constant 176 : i32
          %add3A_1198 = arith.addi %add3A_1130, %add3A_1197 : i32
          %get3A_1199 = arith.index_cast %scan3A_462 : i32 to index
          %get3A_1200 = arith.index_cast %add3A_1198 : i32 to index
          %get3A_1201 = tpu.vector_load %arg4[%get3A_1199, %get3A_1200] {strides = array<i32>} : memref<4x8192xf32, #tpu.memory_space<vmem>>, vector<16xf32>,
          %mul3A_1202 = arith.mulf %get3A_1201, %select_n3A_295 : vector<16xf32>
          %add3A_1203 = arith.constant 192 : i32
          %add3A_1204 = arith.addi %add3A_1130, %add3A_1203 : i32
          %get3A_1205 = arith.index_cast %scan3A_462 : i32 to index
          %get3A_1206 = arith.index_cast %add3A_1204 : i32 to index
          %get3A_1207 = tpu.vector_load %arg4[%get3A_1205, %get3A_1206] {strides = array<i32>} : memref<4x8192xf32, #tpu.memory_space<vmem>>, vector<16xf32>,
          %mul3A_1208 = arith.mulf %get3A_1207, %select_n3A_320 : vector<16xf32>
          %add3A_1209 = arith.constant 208 : i32
          %add3A_1210 = arith.addi %add3A_1130, %add3A_1209 : i32
          %get3A_1211 = arith.index_cast %scan3A_462 : i32 to index
          %get3A_1212 = arith.index_cast %add3A_1210 : i32 to index
          %get3A_1213 = tpu.vector_load %arg4[%get3A_1211, %get3A_1212] {strides = array<i32>} : memref<4x8192xf32, #tpu.memory_space<vmem>>, vector<16xf32>,
          %mul3A_1214 = arith.mulf %get3A_1213, %select_n3A_345 : vector<16xf32>
          %add3A_1215 = arith.constant 224 : i32
          %add3A_1216 = arith.addi %add3A_1130, %add3A_1215 : i32
          %get3A_1217 = arith.index_cast %scan3A_462 : i32 to index
          %get3A_1218 = arith.index_cast %add3A_1216 : i32 to index
          %get3A_1219 = tpu.vector_load %arg4[%get3A_1217, %get3A_1218] {strides = array<i32>} : memref<4x8192xf32, #tpu.memory_space<vmem>>, vector<16xf32>,
          %mul3A_1220 = arith.mulf %get3A_1219, %select_n3A_370 : vector<16xf32>
          %add3A_1221 = arith.constant 240 : i32
          %add3A_1222 = arith.addi %add3A_1130, %add3A_1221 : i32
          %get3A_1223 = arith.index_cast %scan3A_462 : i32 to index
          %get3A_1224 = arith.index_cast %add3A_1222 : i32 to index
          %get3A_1225 = tpu.vector_load %arg4[%get3A_1223, %get3A_1224] {strides = array<i32>} : memref<4x8192xf32, #tpu.memory_space<vmem>>, vector<16xf32>,
          %mul3A_1226 = arith.mulf %get3A_1225, %select_n3A_395 : vector<16xf32>
          %add3A_1227 = arith.addf %mul3A_1136, %mul3A_1142 : vector<16xf32>
          %add3A_1228 = arith.addf %mul3A_1148, %mul3A_1154 : vector<16xf32>
          %add3A_1229 = arith.addf %mul3A_1160, %mul3A_1166 : vector<16xf32>
          %add3A_1230 = arith.addf %mul3A_1172, %mul3A_1178 : vector<16xf32>
          %add3A_1231 = arith.addf %mul3A_1184, %mul3A_1190 : vector<16xf32>
          %add3A_1232 = arith.addf %mul3A_1196, %mul3A_1202 : vector<16xf32>
          %add3A_1233 = arith.addf %mul3A_1208, %mul3A_1214 : vector<16xf32>
          %add3A_1234 = arith.addf %mul3A_1220, %mul3A_1226 : vector<16xf32>
          %add3A_1235 = arith.addf %add3A_1227, %add3A_1228 : vector<16xf32>
          %add3A_1236 = arith.addf %add3A_1229, %add3A_1230 : vector<16xf32>
          %add3A_1237 = arith.addf %add3A_1231, %add3A_1232 : vector<16xf32>
          %add3A_1238 = arith.addf %add3A_1233, %add3A_1234 : vector<16xf32>
          %add3A_1239 = arith.addf %add3A_1235, %add3A_1236 : vector<16xf32>
          %add3A_1240 = arith.addf %add3A_1237, %add3A_1238 : vector<16xf32>
          %add3A_1241 = arith.addf %add3A_1239, %add3A_1240 : vector<16xf32>
          %reduce_sum3A_1242 = arith.constant true
          %reduce_sum3A_1243 = vector.broadcast %reduce_sum3A_1242 : i1 to vector<16xi1>
          %reduce_sum3A_1244 = tpu.scan <sum>, %add3A_1241 masked %reduce_sum3A_1243 : vector<16xf32>, vector<16xi1> -> vector<16xf32>
          %reduce_sum3A_1245 = vector.extract %reduce_sum3A_1244[15] : f32 from vector<16xf32>
          %eq3A_1246 = vector.broadcast %scan3A_1009 : i32 to vector<16xi32>
          %eq3A_1247 = arith.cmpi eq, %iota3A, %eq3A_1246 : vector<16xi32>
          %broadcast_in_dim3A_1248 = vector.broadcast %reduce_sum3A_1126 : f32 to vector<16xf32>
          %select_n3A_1249 = arith.select %eq3A_1247, %broadcast_in_dim3A_1248, %select_n3A_1003 : vector<16xi1>, vector<16xf32>
          %eq3A_1250 = vector.broadcast %scan3A_1009 : i32 to vector<16xi32>
          %eq3A_1251 = arith.cmpi eq, %iota3A, %eq3A_1250 : vector<16xi32>
          %broadcast_in_dim3A_1252 = vector.broadcast %reduce_sum3A_1245 : f32 to vector<16xf32>
          %select_n3A_1253 = arith.select %eq3A_1251, %broadcast_in_dim3A_1252, %select_n3A_1007 : vector<16xi1>, vector<16xf32>
          %scan3A_1254 = arith.constant 3 : i32
          %scan3A_1255 = arith.addi %scan3A_518, %scan3A_1254 : i32
          %mul3A_1256 = arith.constant 256 : i32
          %mul3A_1257 = arith.muli %scan3A_1255, %mul3A_1256 : i32
          %add3A_1258 = arith.constant 0 : i32
          %add3A_1259 = arith.addi %mul3A_1257, %add3A_1258 : i32
          %get3A_1260 = arith.index_cast %scan3A_462 : i32 to index
          %get3A_1261 = arith.index_cast %add3A_1259 : i32 to index
          %get3A_1262 = tpu.vector_load %arg4[%get3A_1260, %get3A_1261] {strides = array<i32>} : memref<4x8192xf32, #tpu.memory_space<vmem>>, vector<16xf32>,
          %mul3A_1263 = arith.mulf %get3A_1262, %select_n3A : vector<16xf32>
          %add3A_1264 = arith.constant 16 : i32
          %add3A_1265 = arith.addi %mul3A_1257, %add3A_1264 : i32
          %get3A_1266 = arith.index_cast %scan3A_462 : i32 to index
          %get3A_1267 = arith.index_cast %add3A_1265 : i32 to index
          %get3A_1268 = tpu.vector_load %arg4[%get3A_1266, %get3A_1267] {strides = array<i32>} : memref<4x8192xf32, #tpu.memory_space<vmem>>, vector<16xf32>,
          %mul3A_1269 = arith.mulf %get3A_1268, %select_n3A_45 : vector<16xf32>
          %add3A_1270 = arith.constant 32 : i32
          %add3A_1271 = arith.addi %mul3A_1257, %add3A_1270 : i32
          %get3A_1272 = arith.index_cast %scan3A_462 : i32 to index
          %get3A_1273 = arith.index_cast %add3A_1271 : i32 to index
          %get3A_1274 = tpu.vector_load %arg4[%get3A_1272, %get3A_1273] {strides = array<i32>} : memref<4x8192xf32, #tpu.memory_space<vmem>>, vector<16xf32>,
          %mul3A_1275 = arith.mulf %get3A_1274, %select_n3A_70 : vector<16xf32>
          %add3A_1276 = arith.constant 48 : i32
          %add3A_1277 = arith.addi %mul3A_1257, %add3A_1276 : i32
          %get3A_1278 = arith.index_cast %scan3A_462 : i32 to index
          %get3A_1279 = arith.index_cast %add3A_1277 : i32 to index
          %get3A_1280 = tpu.vector_load %arg4[%get3A_1278, %get3A_1279] {strides = array<i32>} : memref<4x8192xf32, #tpu.memory_space<vmem>>, vector<16xf32>,
          %mul3A_1281 = arith.mulf %get3A_1280, %select_n3A_95 : vector<16xf32>
          %add3A_1282 = arith.constant 64 : i32
          %add3A_1283 = arith.addi %mul3A_1257, %add3A_1282 : i32
          %get3A_1284 = arith.index_cast %scan3A_462 : i32 to index
          %get3A_1285 = arith.index_cast %add3A_1283 : i32 to index
          %get3A_1286 = tpu.vector_load %arg4[%get3A_1284, %get3A_1285] {strides = array<i32>} : memref<4x8192xf32, #tpu.memory_space<vmem>>, vector<16xf32>,
          %mul3A_1287 = arith.mulf %get3A_1286, %select_n3A_120 : vector<16xf32>
          %add3A_1288 = arith.constant 80 : i32
          %add3A_1289 = arith.addi %mul3A_1257, %add3A_1288 : i32
          %get3A_1290 = arith.index_cast %scan3A_462 : i32 to index
          %get3A_1291 = arith.index_cast %add3A_1289 : i32 to index
          %get3A_1292 = tpu.vector_load %arg4[%get3A_1290, %get3A_1291] {strides = array<i32>} : memref<4x8192xf32, #tpu.memory_space<vmem>>, vector<16xf32>,
          %mul3A_1293 = arith.mulf %get3A_1292, %select_n3A_145 : vector<16xf32>
          %add3A_1294 = arith.constant 96 : i32
          %add3A_1295 = arith.addi %mul3A_1257, %add3A_1294 : i32
          %get3A_1296 = arith.index_cast %scan3A_462 : i32 to index
          %get3A_1297 = arith.index_cast %add3A_1295 : i32 to index
          %get3A_1298 = tpu.vector_load %arg4[%get3A_1296, %get3A_1297] {strides = array<i32>} : memref<4x8192xf32, #tpu.memory_space<vmem>>, vector<16xf32>,
          %mul3A_1299 = arith.mulf %get3A_1298, %select_n3A_170 : vector<16xf32>
          %add3A_1300 = arith.constant 112 : i32
          %add3A_1301 = arith.addi %mul3A_1257, %add3A_1300 : i32
          %get3A_1302 = arith.index_cast %scan3A_462 : i32 to index
          %get3A_1303 = arith.index_cast %add3A_1301 : i32 to index
          %get3A_1304 = tpu.vector_load %arg4[%get3A_1302, %get3A_1303] {strides = array<i32>} : memref<4x8192xf32, #tpu.memory_space<vmem>>, vector<16xf32>,
          %mul3A_1305 = arith.mulf %get3A_1304, %select_n3A_195 : vector<16xf32>
          %add3A_1306 = arith.constant 128 : i32
          %add3A_1307 = arith.addi %mul3A_1257, %add3A_1306 : i32
          %get3A_1308 = arith.index_cast %scan3A_462 : i32 to index
          %get3A_1309 = arith.index_cast %add3A_1307 : i32 to index
          %get3A_1310 = tpu.vector_load %arg4[%get3A_1308, %get3A_1309] {strides = array<i32>} : memref<4x8192xf32, #tpu.memory_space<vmem>>, vector<16xf32>,
          %mul3A_1311 = arith.mulf %get3A_1310, %select_n3A_220 : vector<16xf32>
          %add3A_1312 = arith.constant 144 : i32
          %add3A_1313 = arith.addi %mul3A_1257, %add3A_1312 : i32
          %get3A_1314 = arith.index_cast %scan3A_462 : i32 to index
          %get3A_1315 = arith.index_cast %add3A_1313 : i32 to index
          %get3A_1316 = tpu.vector_load %arg4[%get3A_1314, %get3A_1315] {strides = array<i32>} : memref<4x8192xf32, #tpu.memory_space<vmem>>, vector<16xf32>,
          %mul3A_1317 = arith.mulf %get3A_1316, %select_n3A_245 : vector<16xf32>
          %add3A_1318 = arith.constant 160 : i32
          %add3A_1319 = arith.addi %mul3A_1257, %add3A_1318 : i32
          %get3A_1320 = arith.index_cast %scan3A_462 : i32 to index
          %get3A_1321 = arith.index_cast %add3A_1319 : i32 to index
          %get3A_1322 = tpu.vector_load %arg4[%get3A_1320, %get3A_1321] {strides = array<i32>} : memref<4x8192xf32, #tpu.memory_space<vmem>>, vector<16xf32>,
          %mul3A_1323 = arith.mulf %get3A_1322, %select_n3A_270 : vector<16xf32>
          %add3A_1324 = arith.constant 176 : i32
          %add3A_1325 = arith.addi %mul3A_1257, %add3A_1324 : i32
          %get3A_1326 = arith.index_cast %scan3A_462 : i32 to index
          %get3A_1327 = arith.index_cast %add3A_1325 : i32 to index
          %get3A_1328 = tpu.vector_load %arg4[%get3A_1326, %get3A_1327] {strides = array<i32>} : memref<4x8192xf32, #tpu.memory_space<vmem>>, vector<16xf32>,
          %mul3A_1329 = arith.mulf %get3A_1328, %select_n3A_295 : vector<16xf32>
          %add3A_1330 = arith.constant 192 : i32
          %add3A_1331 = arith.addi %mul3A_1257, %add3A_1330 : i32
          %get3A_1332 = arith.index_cast %scan3A_462 : i32 to index
          %get3A_1333 = arith.index_cast %add3A_1331 : i32 to index
          %get3A_1334 = tpu.vector_load %arg4[%get3A_1332, %get3A_1333] {strides = array<i32>} : memref<4x8192xf32, #tpu.memory_space<vmem>>, vector<16xf32>,
          %mul3A_1335 = arith.mulf %get3A_1334, %select_n3A_320 : vector<16xf32>
          %add3A_1336 = arith.constant 208 : i32
          %add3A_1337 = arith.addi %mul3A_1257, %add3A_1336 : i32
          %get3A_1338 = arith.index_cast %scan3A_462 : i32 to index
          %get3A_1339 = arith.index_cast %add3A_1337 : i32 to index
          %get3A_1340 = tpu.vector_load %arg4[%get3A_1338, %get3A_1339] {strides = array<i32>} : memref<4x8192xf32, #tpu.memory_space<vmem>>, vector<16xf32>,
          %mul3A_1341 = arith.mulf %get3A_1340, %select_n3A_345 : vector<16xf32>
          %add3A_1342 = arith.constant 224 : i32
          %add3A_1343 = arith.addi %mul3A_1257, %add3A_1342 : i32
          %get3A_1344 = arith.index_cast %scan3A_462 : i32 to index
          %get3A_1345 = arith.index_cast %add3A_1343 : i32 to index
          %get3A_1346 = tpu.vector_load %arg4[%get3A_1344, %get3A_1345] {strides = array<i32>} : memref<4x8192xf32, #tpu.memory_space<vmem>>, vector<16xf32>,
          %mul3A_1347 = arith.mulf %get3A_1346, %select_n3A_370 : vector<16xf32>
          %add3A_1348 = arith.constant 240 : i32
          %add3A_1349 = arith.addi %mul3A_1257, %add3A_1348 : i32
          %get3A_1350 = arith.index_cast %scan3A_462 : i32 to index
          %get3A_1351 = arith.index_cast %add3A_1349 : i32 to index
          %get3A_1352 = tpu.vector_load %arg4[%get3A_1350, %get3A_1351] {strides = array<i32>} : memref<4x8192xf32, #tpu.memory_space<vmem>>, vector<16xf32>,
          %mul3A_1353 = arith.mulf %get3A_1352, %select_n3A_395 : vector<16xf32>
          %add3A_1354 = arith.addf %mul3A_1263, %mul3A_1269 : vector<16xf32>
          %add3A_1355 = arith.addf %mul3A_1275, %mul3A_1281 : vector<16xf32>
          %add3A_1356 = arith.addf %mul3A_1287, %mul3A_1293 : vector<16xf32>
          %add3A_1357 = arith.addf %mul3A_1299, %mul3A_1305 : vector<16xf32>
          %add3A_1358 = arith.addf %mul3A_1311, %mul3A_1317 : vector<16xf32>
          %add3A_1359 = arith.addf %mul3A_1323, %mul3A_1329 : vector<16xf32>
          %add3A_1360 = arith.addf %mul3A_1335, %mul3A_1341 : vector<16xf32>
          %add3A_1361 = arith.addf %mul3A_1347, %mul3A_1353 : vector<16xf32>
          %add3A_1362 = arith.addf %add3A_1354, %add3A_1355 : vector<16xf32>
          %add3A_1363 = arith.addf %add3A_1356, %add3A_1357 : vector<16xf32>
          %add3A_1364 = arith.addf %add3A_1358, %add3A_1359 : vector<16xf32>
          %add3A_1365 = arith.addf %add3A_1360, %add3A_1361 : vector<16xf32>
          %add3A_1366 = arith.addf %add3A_1362, %add3A_1363 : vector<16xf32>
          %add3A_1367 = arith.addf %add3A_1364, %add3A_1365 : vector<16xf32>
          %add3A_1368 = arith.addf %add3A_1366, %add3A_1367 : vector<16xf32>
          %reduce_sum3A_1369 = arith.constant true
          %reduce_sum3A_1370 = vector.broadcast %reduce_sum3A_1369 : i1 to vector<16xi1>
          %reduce_sum3A_1371 = tpu.scan <sum>, %add3A_1368 masked %reduce_sum3A_1370 : vector<16xf32>, vector<16xi1> -> vector<16xf32>
          %reduce_sum3A_1372 = vector.extract %reduce_sum3A_1371[15] : f32 from vector<16xf32>
          %mul3A_1373 = arith.constant 256 : i32
          %mul3A_1374 = arith.muli %scan3A_1255, %mul3A_1373 : i32
          %add3A_1375 = arith.constant 4096 : i32
          %add3A_1376 = arith.addi %mul3A_1374, %add3A_1375 : i32
          %add3A_1377 = arith.constant 0 : i32
          %add3A_1378 = arith.addi %add3A_1376, %add3A_1377 : i32
          %get3A_1379 = arith.index_cast %scan3A_462 : i32 to index
          %get3A_1380 = arith.index_cast %add3A_1378 : i32 to index
          %get3A_1381 = tpu.vector_load %arg4[%get3A_1379, %get3A_1380] {strides = array<i32>} : memref<4x8192xf32, #tpu.memory_space<vmem>>, vector<16xf32>,
          %mul3A_1382 = arith.mulf %get3A_1381, %select_n3A : vector<16xf32>
          %add3A_1383 = arith.constant 16 : i32
          %add3A_1384 = arith.addi %add3A_1376, %add3A_1383 : i32
          %get3A_1385 = arith.index_cast %scan3A_462 : i32 to index
          %get3A_1386 = arith.index_cast %add3A_1384 : i32 to index
          %get3A_1387 = tpu.vector_load %arg4[%get3A_1385, %get3A_1386] {strides = array<i32>} : memref<4x8192xf32, #tpu.memory_space<vmem>>, vector<16xf32>,
          %mul3A_1388 = arith.mulf %get3A_1387, %select_n3A_45 : vector<16xf32>
          %add3A_1389 = arith.constant 32 : i32
          %add3A_1390 = arith.addi %add3A_1376, %add3A_1389 : i32
          %get3A_1391 = arith.index_cast %scan3A_462 : i32 to index
          %get3A_1392 = arith.index_cast %add3A_1390 : i32 to index
          %get3A_1393 = tpu.vector_load %arg4[%get3A_1391, %get3A_1392] {strides = array<i32>} : memref<4x8192xf32, #tpu.memory_space<vmem>>, vector<16xf32>,
          %mul3A_1394 = arith.mulf %get3A_1393, %select_n3A_70 : vector<16xf32>
          %add3A_1395 = arith.constant 48 : i32
          %add3A_1396 = arith.addi %add3A_1376, %add3A_1395 : i32
          %get3A_1397 = arith.index_cast %scan3A_462 : i32 to index
          %get3A_1398 = arith.index_cast %add3A_1396 : i32 to index
          %get3A_1399 = tpu.vector_load %arg4[%get3A_1397, %get3A_1398] {strides = array<i32>} : memref<4x8192xf32, #tpu.memory_space<vmem>>, vector<16xf32>,
          %mul3A_1400 = arith.mulf %get3A_1399, %select_n3A_95 : vector<16xf32>
          %add3A_1401 = arith.constant 64 : i32
          %add3A_1402 = arith.addi %add3A_1376, %add3A_1401 : i32
          %get3A_1403 = arith.index_cast %scan3A_462 : i32 to index
          %get3A_1404 = arith.index_cast %add3A_1402 : i32 to index
          %get3A_1405 = tpu.vector_load %arg4[%get3A_1403, %get3A_1404] {strides = array<i32>} : memref<4x8192xf32, #tpu.memory_space<vmem>>, vector<16xf32>,
          %mul3A_1406 = arith.mulf %get3A_1405, %select_n3A_120 : vector<16xf32>
          %add3A_1407 = arith.constant 80 : i32
          %add3A_1408 = arith.addi %add3A_1376, %add3A_1407 : i32
          %get3A_1409 = arith.index_cast %scan3A_462 : i32 to index
          %get3A_1410 = arith.index_cast %add3A_1408 : i32 to index
          %get3A_1411 = tpu.vector_load %arg4[%get3A_1409, %get3A_1410] {strides = array<i32>} : memref<4x8192xf32, #tpu.memory_space<vmem>>, vector<16xf32>,
          %mul3A_1412 = arith.mulf %get3A_1411, %select_n3A_145 : vector<16xf32>
          %add3A_1413 = arith.constant 96 : i32
          %add3A_1414 = arith.addi %add3A_1376, %add3A_1413 : i32
          %get3A_1415 = arith.index_cast %scan3A_462 : i32 to index
          %get3A_1416 = arith.index_cast %add3A_1414 : i32 to index
          %get3A_1417 = tpu.vector_load %arg4[%get3A_1415, %get3A_1416] {strides = array<i32>} : memref<4x8192xf32, #tpu.memory_space<vmem>>, vector<16xf32>,
          %mul3A_1418 = arith.mulf %get3A_1417, %select_n3A_170 : vector<16xf32>
          %add3A_1419 = arith.constant 112 : i32
          %add3A_1420 = arith.addi %add3A_1376, %add3A_1419 : i32
          %get3A_1421 = arith.index_cast %scan3A_462 : i32 to index
          %get3A_1422 = arith.index_cast %add3A_1420 : i32 to index
          %get3A_1423 = tpu.vector_load %arg4[%get3A_1421, %get3A_1422] {strides = array<i32>} : memref<4x8192xf32, #tpu.memory_space<vmem>>, vector<16xf32>,
          %mul3A_1424 = arith.mulf %get3A_1423, %select_n3A_195 : vector<16xf32>
          %add3A_1425 = arith.constant 128 : i32
          %add3A_1426 = arith.addi %add3A_1376, %add3A_1425 : i32
          %get3A_1427 = arith.index_cast %scan3A_462 : i32 to index
          %get3A_1428 = arith.index_cast %add3A_1426 : i32 to index
          %get3A_1429 = tpu.vector_load %arg4[%get3A_1427, %get3A_1428] {strides = array<i32>} : memref<4x8192xf32, #tpu.memory_space<vmem>>, vector<16xf32>,
          %mul3A_1430 = arith.mulf %get3A_1429, %select_n3A_220 : vector<16xf32>
          %add3A_1431 = arith.constant 144 : i32
          %add3A_1432 = arith.addi %add3A_1376, %add3A_1431 : i32
          %get3A_1433 = arith.index_cast %scan3A_462 : i32 to index
          %get3A_1434 = arith.index_cast %add3A_1432 : i32 to index
          %get3A_1435 = tpu.vector_load %arg4[%get3A_1433, %get3A_1434] {strides = array<i32>} : memref<4x8192xf32, #tpu.memory_space<vmem>>, vector<16xf32>,
          %mul3A_1436 = arith.mulf %get3A_1435, %select_n3A_245 : vector<16xf32>
          %add3A_1437 = arith.constant 160 : i32
          %add3A_1438 = arith.addi %add3A_1376, %add3A_1437 : i32
          %get3A_1439 = arith.index_cast %scan3A_462 : i32 to index
          %get3A_1440 = arith.index_cast %add3A_1438 : i32 to index
          %get3A_1441 = tpu.vector_load %arg4[%get3A_1439, %get3A_1440] {strides = array<i32>} : memref<4x8192xf32, #tpu.memory_space<vmem>>, vector<16xf32>,
          %mul3A_1442 = arith.mulf %get3A_1441, %select_n3A_270 : vector<16xf32>
          %add3A_1443 = arith.constant 176 : i32
          %add3A_1444 = arith.addi %add3A_1376, %add3A_1443 : i32
          %get3A_1445 = arith.index_cast %scan3A_462 : i32 to index
          %get3A_1446 = arith.index_cast %add3A_1444 : i32 to index
          %get3A_1447 = tpu.vector_load %arg4[%get3A_1445, %get3A_1446] {strides = array<i32>} : memref<4x8192xf32, #tpu.memory_space<vmem>>, vector<16xf32>,
          %mul3A_1448 = arith.mulf %get3A_1447, %select_n3A_295 : vector<16xf32>
          %add3A_1449 = arith.constant 192 : i32
          %add3A_1450 = arith.addi %add3A_1376, %add3A_1449 : i32
          %get3A_1451 = arith.index_cast %scan3A_462 : i32 to index
          %get3A_1452 = arith.index_cast %add3A_1450 : i32 to index
          %get3A_1453 = tpu.vector_load %arg4[%get3A_1451, %get3A_1452] {strides = array<i32>} : memref<4x8192xf32, #tpu.memory_space<vmem>>, vector<16xf32>,
          %mul3A_1454 = arith.mulf %get3A_1453, %select_n3A_320 : vector<16xf32>
          %add3A_1455 = arith.constant 208 : i32
          %add3A_1456 = arith.addi %add3A_1376, %add3A_1455 : i32
          %get3A_1457 = arith.index_cast %scan3A_462 : i32 to index
          %get3A_1458 = arith.index_cast %add3A_1456 : i32 to index
          %get3A_1459 = tpu.vector_load %arg4[%get3A_1457, %get3A_1458] {strides = array<i32>} : memref<4x8192xf32, #tpu.memory_space<vmem>>, vector<16xf32>,
          %mul3A_1460 = arith.mulf %get3A_1459, %select_n3A_345 : vector<16xf32>
          %add3A_1461 = arith.constant 224 : i32
          %add3A_1462 = arith.addi %add3A_1376, %add3A_1461 : i32
          %get3A_1463 = arith.index_cast %scan3A_462 : i32 to index
          %get3A_1464 = arith.index_cast %add3A_1462 : i32 to index
          %get3A_1465 = tpu.vector_load %arg4[%get3A_1463, %get3A_1464] {strides = array<i32>} : memref<4x8192xf32, #tpu.memory_space<vmem>>, vector<16xf32>,
          %mul3A_1466 = arith.mulf %get3A_1465, %select_n3A_370 : vector<16xf32>
          %add3A_1467 = arith.constant 240 : i32
          %add3A_1468 = arith.addi %add3A_1376, %add3A_1467 : i32
          %get3A_1469 = arith.index_cast %scan3A_462 : i32 to index
          %get3A_1470 = arith.index_cast %add3A_1468 : i32 to index
          %get3A_1471 = tpu.vector_load %arg4[%get3A_1469, %get3A_1470] {strides = array<i32>} : memref<4x8192xf32, #tpu.memory_space<vmem>>, vector<16xf32>,
          %mul3A_1472 = arith.mulf %get3A_1471, %select_n3A_395 : vector<16xf32>
          %add3A_1473 = arith.addf %mul3A_1382, %mul3A_1388 : vector<16xf32>
          %add3A_1474 = arith.addf %mul3A_1394, %mul3A_1400 : vector<16xf32>
          %add3A_1475 = arith.addf %mul3A_1406, %mul3A_1412 : vector<16xf32>
          %add3A_1476 = arith.addf %mul3A_1418, %mul3A_1424 : vector<16xf32>
          %add3A_1477 = arith.addf %mul3A_1430, %mul3A_1436 : vector<16xf32>
          %add3A_1478 = arith.addf %mul3A_1442, %mul3A_1448 : vector<16xf32>
          %add3A_1479 = arith.addf %mul3A_1454, %mul3A_1460 : vector<16xf32>
          %add3A_1480 = arith.addf %mul3A_1466, %mul3A_1472 : vector<16xf32>
          %add3A_1481 = arith.addf %add3A_1473, %add3A_1474 : vector<16xf32>
          %add3A_1482 = arith.addf %add3A_1475, %add3A_1476 : vector<16xf32>
          %add3A_1483 = arith.addf %add3A_1477, %add3A_1478 : vector<16xf32>
          %add3A_1484 = arith.addf %add3A_1479, %add3A_1480 : vector<16xf32>
          %add3A_1485 = arith.addf %add3A_1481, %add3A_1482 : vector<16xf32>
          %add3A_1486 = arith.addf %add3A_1483, %add3A_1484 : vector<16xf32>
          %add3A_1487 = arith.addf %add3A_1485, %add3A_1486 : vector<16xf32>
          %reduce_sum3A_1488 = arith.constant true
          %reduce_sum3A_1489 = vector.broadcast %reduce_sum3A_1488 : i1 to vector<16xi1>
          %reduce_sum3A_1490 = tpu.scan <sum>, %add3A_1487 masked %reduce_sum3A_1489 : vector<16xf32>, vector<16xi1> -> vector<16xf32>
          %reduce_sum3A_1491 = vector.extract %reduce_sum3A_1490[15] : f32 from vector<16xf32>
          %eq3A_1492 = vector.broadcast %scan3A_1255 : i32 to vector<16xi32>
          %eq3A_1493 = arith.cmpi eq, %iota3A, %eq3A_1492 : vector<16xi32>
          %broadcast_in_dim3A_1494 = vector.broadcast %reduce_sum3A_1372 : f32 to vector<16xf32>
          %select_n3A_1495 = arith.select %eq3A_1493, %broadcast_in_dim3A_1494, %select_n3A_1249 : vector<16xi1>, vector<16xf32>
          %eq3A_1496 = vector.broadcast %scan3A_1255 : i32 to vector<16xi32>
          %eq3A_1497 = arith.cmpi eq, %iota3A, %eq3A_1496 : vector<16xi32>
          %broadcast_in_dim3A_1498 = vector.broadcast %reduce_sum3A_1491 : f32 to vector<16xf32>
          %select_n3A_1499 = arith.select %eq3A_1497, %broadcast_in_dim3A_1498, %select_n3A_1253 : vector<16xi1>, vector<16xf32>
          scf.yield %select_n3A_1495, %select_n3A_1499 : vector<16xf32>, vector<16xf32>
        }
        %scan3A_470 = arith.constant 16 : i32
        %mul3A_471 = arith.constant 4 : i32
        %mul3A_472 = arith.muli %add3A_418, %mul3A_471 : i32
        %add3A_473 = arith.addi %mul3A_472, %scan3A_462 : i32
        %jit3A_474 = arith.constant 1.024000e+03 : f32
        %rem3A_475 = vector.broadcast %jit3A_474 : f32 to vector<16xf32>
        %rem3A_476 = arith.remf %scan3A_469#0, %rem3A_475 : vector<16xf32>
        %ne3A_477 = arith.constant 0.000000e+00 : f32
        %ne3A_478 = vector.broadcast %ne3A_477 : f32 to vector<16xf32>
        %ne3A_479 = arith.cmpf one, %rem3A_476, %ne3A_478 : vector<16xf32>
        %lt3A_480 = arith.constant 0.000000e+00 : f32
        %lt3A_481 = vector.broadcast %lt3A_480 : f32 to vector<16xf32>
        %lt3A_482 = arith.cmpf olt, %rem3A_476, %lt3A_481 : vector<16xf32>
        %lt3A_483 = arith.constant 0.000000e+00 : f32
        %lt3A_484 = arith.cmpf olt, %jit3A_474, %lt3A_483 : f32
        %ne3A_485 = vector.broadcast %lt3A_484 : i1 to vector<16xi1>
        %ne3A_486 = vector.broadcast %ne3A_485 : vector<16xi1> to vector<16xi1>
        %ne3A_487 = arith.xori %lt3A_482, %ne3A_486 : vector<16xi1>
        %and3A_488 = arith.andi %ne3A_487, %ne3A_479 : vector<16xi1>
        %add3A_489 = vector.broadcast %jit3A_474 : f32 to vector<16xf32>
        %add3A_490 = arith.addf %rem3A_476, %add3A_489 : vector<16xf32>
        %select_n3A_491 = arith.select %and3A_488, %add3A_490, %rem3A_476 : vector<16xi1>, vector<16xf32>
        %convert_element_type3A_492 = arith.fptosi %select_n3A_491 : vector<16xf32> to vector<16xi32>
        %swap3A = arith.index_cast %add3A_473 : i32 to index
        %swap3A_493 = arith.constant 0 : index
        %swap3A_494 = tpu.vector_load %arg6[%swap3A, %swap3A_493] {strides = array<i32>} : memref<56x32xi32, #tpu.memory_space<vmem>>, vector<16xi32>,
        tpu.vector_store %arg6[%swap3A, %swap3A_493], %convert_element_type3A_492 {strides = array<i32>} : memref<56x32xi32, #tpu.memory_space<vmem>>, vector<16xi32>,
        %jit3A_495 = arith.constant 1.024000e+03 : f32
        %rem3A_496 = vector.broadcast %jit3A_495 : f32 to vector<16xf32>
        %rem3A_497 = arith.remf %scan3A_469#1, %rem3A_496 : vector<16xf32>
        %ne3A_498 = arith.constant 0.000000e+00 : f32
        %ne3A_499 = vector.broadcast %ne3A_498 : f32 to vector<16xf32>
        %ne3A_500 = arith.cmpf one, %rem3A_497, %ne3A_499 : vector<16xf32>
        %lt3A_501 = arith.constant 0.000000e+00 : f32
        %lt3A_502 = vector.broadcast %lt3A_501 : f32 to vector<16xf32>
        %lt3A_503 = arith.cmpf olt, %rem3A_497, %lt3A_502 : vector<16xf32>
        %lt3A_504 = arith.constant 0.000000e+00 : f32
        %lt3A_505 = arith.cmpf olt, %jit3A_495, %lt3A_504 : f32
        %ne3A_506 = vector.broadcast %lt3A_505 : i1 to vector<16xi1>
        %ne3A_507 = vector.broadcast %ne3A_506 : vector<16xi1> to vector<16xi1>
        %ne3A_508 = arith.xori %lt3A_503, %ne3A_507 : vector<16xi1>
        %and3A_509 = arith.andi %ne3A_508, %ne3A_500 : vector<16xi1>
        %add3A_510 = vector.broadcast %jit3A_495 : f32 to vector<16xf32>
        %add3A_511 = arith.addf %rem3A_497, %add3A_510 : vector<16xf32>
        %select_n3A_512 = arith.select %and3A_509, %add3A_511, %rem3A_497 : vector<16xi1>, vector<16xf32>
        %convert_element_type3A_513 = arith.fptosi %select_n3A_512 : vector<16xf32> to vector<16xi32>
        %swap3A_514 = arith.index_cast %add3A_473 : i32 to index
        %swap3A_515 = arith.constant 16 : index
        %swap3A_516 = tpu.vector_load %arg6[%swap3A_514, %swap3A_515] {strides = array<i32>} : memref<56x32xi32, #tpu.memory_space<vmem>>, vector<16xi32>,
        tpu.vector_store %arg6[%swap3A_514, %swap3A_515], %convert_element_type3A_513 {strides = array<i32>} : memref<56x32xi32, #tpu.memory_space<vmem>>, vector<16xi32>,
        %scan3A_517 = arith.constant 0 : i32
        scf.yield %scan3A_517 : i32
      }
      %scan3A_430 = arith.constant 4 : i32
      %add3A_431 = arith.constant 2 : i32
      %add3A_432 = arith.addi %add3A_418, %add3A_431 : i32
      %lt3A_433 = arith.constant 14 : i32
      %lt3A_434 = arith.cmpi slt, %add3A_432, %lt3A_433 : i32
      %convert_element_type3A_435 = arith.extui %lt3A_434 : i1 to i32
      %cond3A = arith.constant 0 : i32
      %cond3A_436 = arith.cmpi ne, %convert_element_type3A_435, %cond3A : i32
      scf.if %cond3A_436 {
        %add3A_462 = arith.constant 2 : i32
        %add3A_463 = arith.addi %add3A_418, %add3A_462 : i32
        %mul3A_464 = arith.constant 4 : i32
        %mul3A_465 = arith.muli %add3A_463, %mul3A_464 : i32
        %add3A_466 = arith.addi %mul3A_2, %mul3A_465 : i32
        %dma_start3A_467 = arith.constant 0 : i32
        %dma_start3A_468 = tpu.memref_slice %arg2[%add3A_466, %dma_start3A_467] : memref<4096x8192xf32, #tpu.memory_space<hbm>> -> memref<4x8192xf32, #tpu.memory_space<hbm>>
        %dma_start3A_469 = arith.constant 0 : i32
        %dma_start3A_470 = tpu.memref_slice %arg2[%add3A_466, %dma_start3A_469] : memref<4096x8192xf32, #tpu.memory_space<hbm>> -> memref<4x8192xf32, #tpu.memory_space<hbm>>
        tpu.enqueue_dma source(%dma_start3A_470 : memref<4x8192xf32, #tpu.memory_space<hbm>>) target(%arg4 : memref<4x8192xf32, #tpu.memory_space<vmem>>) target_semaphore(%arg7 : memref<!tpu.dma_semaphore, #tpu.memory_space<semaphore_mem>>)
      } else {
      }
      %mul3A_437 = arith.constant 2 : i32
      %mul3A_438 = arith.muli %mul3A_437, %scan3A_413 : i32
      %add3A_439 = arith.constant 1 : i32
      %add3A_440 = arith.addi %mul3A_438, %add3A_439 : i32
      %dma_wait3A_441 = arith.constant 0 : i32
      %dma_wait3A_442 = arith.constant 0 : i32
      %dma_wait3A_443 = tpu.memref_slice %arg2[%dma_wait3A_441, %dma_wait3A_442] : memref<4096x8192xf32, #tpu.memory_space<hbm>> -> memref<4x8192xf32, #tpu.memory_space<hbm>>
      %dma_wait3A_444 = arith.constant 0 : i32
      %dma_wait3A_445 = arith.constant 0 : i32
      %dma_wait3A_446 = tpu.memref_slice %arg2[%dma_wait3A_444, %dma_wait3A_445] : memref<4096x8192xf32, #tpu.memory_space<hbm>> -> memref<4x8192xf32, #tpu.memory_space<hbm>>
      tpu.wait_dma2 semaphore(%arg8 : memref<!tpu.dma_semaphore, #tpu.memory_space<semaphore_mem>>) src(%dma_wait3A_446 : memref<4x8192xf32, #tpu.memory_space<hbm>>) dst(%arg5 : memref<4x8192xf32, #tpu.memory_space<vmem>>)
      %scan3A_447 = arith.constant 0 : i32
      %scan3A_448 = arith.constant 0 : i32
      %scan3A_449 = arith.constant 4 : i32
      %scan3A_450 = arith.addi %scan3A_448, %scan3A_449 : i32
      %scan3A_451 = arith.constant 1 : i32
      %scan3A_452 = scf.for %scan3A_462 = %scan3A_448 to %scan3A_450 step %scan3A_451 iter_args(%scan3A_463 = %scan3A_447) -> (i32)  : i32 {
        %broadcast_in_dim3A = arith.constant 0.000000e+00 : f32
        %broadcast_in_dim3A_464 = vector.broadcast %broadcast_in_dim3A : f32 to vector<16xf32>
        %scan3A_465 = arith.constant 0 : i32
        %scan3A_466 = arith.constant 16 : i32
        %scan3A_467 = arith.addi %scan3A_465, %scan3A_466 : i32
        %scan3A_468 = arith.constant 4 : i32
        %scan3A_469:2 = scf.for %scan3A_518 = %scan3A_465 to %scan3A_467 step %scan3A_468 iter_args(%scan3A_519 = %broadcast_in_dim3A_464, %scan3A_520 = %broadcast_in_dim3A_464) -> (vector<16xf32>, vector<16xf32>)  : i32 {
          %mul3A_521 = arith.constant 256 : i32
          %mul3A_522 = arith.muli %scan3A_518, %mul3A_521 : i32
          %add3A_523 = arith.constant 0 : i32
          %add3A_524 = arith.addi %mul3A_522, %add3A_523 : i32
          %get3A = arith.index_cast %scan3A_462 : i32 to index
          %get3A_525 = arith.index_cast %add3A_524 : i32 to index
          %get3A_526 = tpu.vector_load %arg5[%get3A, %get3A_525] {strides = array<i32>} : memref<4x8192xf32, #tpu.memory_space<vmem>>, vector<16xf32>,
          %mul3A_527 = arith.mulf %get3A_526, %select_n3A : vector<16xf32>
          %add3A_528 = arith.constant 16 : i32
          %add3A_529 = arith.addi %mul3A_522, %add3A_528 : i32
          %get3A_530 = arith.index_cast %scan3A_462 : i32 to index
          %get3A_531 = arith.index_cast %add3A_529 : i32 to index
          %get3A_532 = tpu.vector_load %arg5[%get3A_530, %get3A_531] {strides = array<i32>} : memref<4x8192xf32, #tpu.memory_space<vmem>>, vector<16xf32>,
          %mul3A_533 = arith.mulf %get3A_532, %select_n3A_45 : vector<16xf32>
          %add3A_534 = arith.constant 32 : i32
          %add3A_535 = arith.addi %mul3A_522, %add3A_534 : i32
          %get3A_536 = arith.index_cast %scan3A_462 : i32 to index
          %get3A_537 = arith.index_cast %add3A_535 : i32 to index
          %get3A_538 = tpu.vector_load %arg5[%get3A_536, %get3A_537] {strides = array<i32>} : memref<4x8192xf32, #tpu.memory_space<vmem>>, vector<16xf32>,
          %mul3A_539 = arith.mulf %get3A_538, %select_n3A_70 : vector<16xf32>
          %add3A_540 = arith.constant 48 : i32
          %add3A_541 = arith.addi %mul3A_522, %add3A_540 : i32
          %get3A_542 = arith.index_cast %scan3A_462 : i32 to index
          %get3A_543 = arith.index_cast %add3A_541 : i32 to index
          %get3A_544 = tpu.vector_load %arg5[%get3A_542, %get3A_543] {strides = array<i32>} : memref<4x8192xf32, #tpu.memory_space<vmem>>, vector<16xf32>,
          %mul3A_545 = arith.mulf %get3A_544, %select_n3A_95 : vector<16xf32>
          %add3A_546 = arith.constant 64 : i32
          %add3A_547 = arith.addi %mul3A_522, %add3A_546 : i32
          %get3A_548 = arith.index_cast %scan3A_462 : i32 to index
          %get3A_549 = arith.index_cast %add3A_547 : i32 to index
          %get3A_550 = tpu.vector_load %arg5[%get3A_548, %get3A_549] {strides = array<i32>} : memref<4x8192xf32, #tpu.memory_space<vmem>>, vector<16xf32>,
          %mul3A_551 = arith.mulf %get3A_550, %select_n3A_120 : vector<16xf32>
          %add3A_552 = arith.constant 80 : i32
          %add3A_553 = arith.addi %mul3A_522, %add3A_552 : i32
          %get3A_554 = arith.index_cast %scan3A_462 : i32 to index
          %get3A_555 = arith.index_cast %add3A_553 : i32 to index
          %get3A_556 = tpu.vector_load %arg5[%get3A_554, %get3A_555] {strides = array<i32>} : memref<4x8192xf32, #tpu.memory_space<vmem>>, vector<16xf32>,
          %mul3A_557 = arith.mulf %get3A_556, %select_n3A_145 : vector<16xf32>
          %add3A_558 = arith.constant 96 : i32
          %add3A_559 = arith.addi %mul3A_522, %add3A_558 : i32
          %get3A_560 = arith.index_cast %scan3A_462 : i32 to index
          %get3A_561 = arith.index_cast %add3A_559 : i32 to index
          %get3A_562 = tpu.vector_load %arg5[%get3A_560, %get3A_561] {strides = array<i32>} : memref<4x8192xf32, #tpu.memory_space<vmem>>, vector<16xf32>,
          %mul3A_563 = arith.mulf %get3A_562, %select_n3A_170 : vector<16xf32>
          %add3A_564 = arith.constant 112 : i32
          %add3A_565 = arith.addi %mul3A_522, %add3A_564 : i32
          %get3A_566 = arith.index_cast %scan3A_462 : i32 to index
          %get3A_567 = arith.index_cast %add3A_565 : i32 to index
          %get3A_568 = tpu.vector_load %arg5[%get3A_566, %get3A_567] {strides = array<i32>} : memref<4x8192xf32, #tpu.memory_space<vmem>>, vector<16xf32>,
          %mul3A_569 = arith.mulf %get3A_568, %select_n3A_195 : vector<16xf32>
          %add3A_570 = arith.constant 128 : i32
          %add3A_571 = arith.addi %mul3A_522, %add3A_570 : i32
          %get3A_572 = arith.index_cast %scan3A_462 : i32 to index
          %get3A_573 = arith.index_cast %add3A_571 : i32 to index
          %get3A_574 = tpu.vector_load %arg5[%get3A_572, %get3A_573] {strides = array<i32>} : memref<4x8192xf32, #tpu.memory_space<vmem>>, vector<16xf32>,
          %mul3A_575 = arith.mulf %get3A_574, %select_n3A_220 : vector<16xf32>
          %add3A_576 = arith.constant 144 : i32
          %add3A_577 = arith.addi %mul3A_522, %add3A_576 : i32
          %get3A_578 = arith.index_cast %scan3A_462 : i32 to index
          %get3A_579 = arith.index_cast %add3A_577 : i32 to index
          %get3A_580 = tpu.vector_load %arg5[%get3A_578, %get3A_579] {strides = array<i32>} : memref<4x8192xf32, #tpu.memory_space<vmem>>, vector<16xf32>,
          %mul3A_581 = arith.mulf %get3A_580, %select_n3A_245 : vector<16xf32>
          %add3A_582 = arith.constant 160 : i32
          %add3A_583 = arith.addi %mul3A_522, %add3A_582 : i32
          %get3A_584 = arith.index_cast %scan3A_462 : i32 to index
          %get3A_585 = arith.index_cast %add3A_583 : i32 to index
          %get3A_586 = tpu.vector_load %arg5[%get3A_584, %get3A_585] {strides = array<i32>} : memref<4x8192xf32, #tpu.memory_space<vmem>>, vector<16xf32>,
          %mul3A_587 = arith.mulf %get3A_586, %select_n3A_270 : vector<16xf32>
          %add3A_588 = arith.constant 176 : i32
          %add3A_589 = arith.addi %mul3A_522, %add3A_588 : i32
          %get3A_590 = arith.index_cast %scan3A_462 : i32 to index
          %get3A_591 = arith.index_cast %add3A_589 : i32 to index
          %get3A_592 = tpu.vector_load %arg5[%get3A_590, %get3A_591] {strides = array<i32>} : memref<4x8192xf32, #tpu.memory_space<vmem>>, vector<16xf32>,
          %mul3A_593 = arith.mulf %get3A_592, %select_n3A_295 : vector<16xf32>
          %add3A_594 = arith.constant 192 : i32
          %add3A_595 = arith.addi %mul3A_522, %add3A_594 : i32
          %get3A_596 = arith.index_cast %scan3A_462 : i32 to index
          %get3A_597 = arith.index_cast %add3A_595 : i32 to index
          %get3A_598 = tpu.vector_load %arg5[%get3A_596, %get3A_597] {strides = array<i32>} : memref<4x8192xf32, #tpu.memory_space<vmem>>, vector<16xf32>,
          %mul3A_599 = arith.mulf %get3A_598, %select_n3A_320 : vector<16xf32>
          %add3A_600 = arith.constant 208 : i32
          %add3A_601 = arith.addi %mul3A_522, %add3A_600 : i32
          %get3A_602 = arith.index_cast %scan3A_462 : i32 to index
          %get3A_603 = arith.index_cast %add3A_601 : i32 to index
          %get3A_604 = tpu.vector_load %arg5[%get3A_602, %get3A_603] {strides = array<i32>} : memref<4x8192xf32, #tpu.memory_space<vmem>>, vector<16xf32>,
          %mul3A_605 = arith.mulf %get3A_604, %select_n3A_345 : vector<16xf32>
          %add3A_606 = arith.constant 224 : i32
          %add3A_607 = arith.addi %mul3A_522, %add3A_606 : i32
          %get3A_608 = arith.index_cast %scan3A_462 : i32 to index
          %get3A_609 = arith.index_cast %add3A_607 : i32 to index
          %get3A_610 = tpu.vector_load %arg5[%get3A_608, %get3A_609] {strides = array<i32>} : memref<4x8192xf32, #tpu.memory_space<vmem>>, vector<16xf32>,
          %mul3A_611 = arith.mulf %get3A_610, %select_n3A_370 : vector<16xf32>
          %add3A_612 = arith.constant 240 : i32
          %add3A_613 = arith.addi %mul3A_522, %add3A_612 : i32
          %get3A_614 = arith.index_cast %scan3A_462 : i32 to index
          %get3A_615 = arith.index_cast %add3A_613 : i32 to index
          %get3A_616 = tpu.vector_load %arg5[%get3A_614, %get3A_615] {strides = array<i32>} : memref<4x8192xf32, #tpu.memory_space<vmem>>, vector<16xf32>,
          %mul3A_617 = arith.mulf %get3A_616, %select_n3A_395 : vector<16xf32>
          %add3A_618 = arith.addf %mul3A_527, %mul3A_533 : vector<16xf32>
          %add3A_619 = arith.addf %mul3A_539, %mul3A_545 : vector<16xf32>
          %add3A_620 = arith.addf %mul3A_551, %mul3A_557 : vector<16xf32>
          %add3A_621 = arith.addf %mul3A_563, %mul3A_569 : vector<16xf32>
          %add3A_622 = arith.addf %mul3A_575, %mul3A_581 : vector<16xf32>
          %add3A_623 = arith.addf %mul3A_587, %mul3A_593 : vector<16xf32>
          %add3A_624 = arith.addf %mul3A_599, %mul3A_605 : vector<16xf32>
          %add3A_625 = arith.addf %mul3A_611, %mul3A_617 : vector<16xf32>
          %add3A_626 = arith.addf %add3A_618, %add3A_619 : vector<16xf32>
          %add3A_627 = arith.addf %add3A_620, %add3A_621 : vector<16xf32>
          %add3A_628 = arith.addf %add3A_622, %add3A_623 : vector<16xf32>
          %add3A_629 = arith.addf %add3A_624, %add3A_625 : vector<16xf32>
          %add3A_630 = arith.addf %add3A_626, %add3A_627 : vector<16xf32>
          %add3A_631 = arith.addf %add3A_628, %add3A_629 : vector<16xf32>
          %add3A_632 = arith.addf %add3A_630, %add3A_631 : vector<16xf32>
          %reduce_sum3A = arith.constant true
          %reduce_sum3A_633 = vector.broadcast %reduce_sum3A : i1 to vector<16xi1>
          %reduce_sum3A_634 = tpu.scan <sum>, %add3A_632 masked %reduce_sum3A_633 : vector<16xf32>, vector<16xi1> -> vector<16xf32>
          %reduce_sum3A_635 = vector.extract %reduce_sum3A_634[15] : f32 from vector<16xf32>
          %mul3A_636 = arith.constant 256 : i32
          %mul3A_637 = arith.muli %scan3A_518, %mul3A_636 : i32
          %add3A_638 = arith.constant 4096 : i32
          %add3A_639 = arith.addi %mul3A_637, %add3A_638 : i32
          %add3A_640 = arith.constant 0 : i32
          %add3A_641 = arith.addi %add3A_639, %add3A_640 : i32
          %get3A_642 = arith.index_cast %scan3A_462 : i32 to index
          %get3A_643 = arith.index_cast %add3A_641 : i32 to index
          %get3A_644 = tpu.vector_load %arg5[%get3A_642, %get3A_643] {strides = array<i32>} : memref<4x8192xf32, #tpu.memory_space<vmem>>, vector<16xf32>,
          %mul3A_645 = arith.mulf %get3A_644, %select_n3A : vector<16xf32>
          %add3A_646 = arith.constant 16 : i32
          %add3A_647 = arith.addi %add3A_639, %add3A_646 : i32
          %get3A_648 = arith.index_cast %scan3A_462 : i32 to index
          %get3A_649 = arith.index_cast %add3A_647 : i32 to index
          %get3A_650 = tpu.vector_load %arg5[%get3A_648, %get3A_649] {strides = array<i32>} : memref<4x8192xf32, #tpu.memory_space<vmem>>, vector<16xf32>,
          %mul3A_651 = arith.mulf %get3A_650, %select_n3A_45 : vector<16xf32>
          %add3A_652 = arith.constant 32 : i32
          %add3A_653 = arith.addi %add3A_639, %add3A_652 : i32
          %get3A_654 = arith.index_cast %scan3A_462 : i32 to index
          %get3A_655 = arith.index_cast %add3A_653 : i32 to index
          %get3A_656 = tpu.vector_load %arg5[%get3A_654, %get3A_655] {strides = array<i32>} : memref<4x8192xf32, #tpu.memory_space<vmem>>, vector<16xf32>,
          %mul3A_657 = arith.mulf %get3A_656, %select_n3A_70 : vector<16xf32>
          %add3A_658 = arith.constant 48 : i32
          %add3A_659 = arith.addi %add3A_639, %add3A_658 : i32
          %get3A_660 = arith.index_cast %scan3A_462 : i32 to index
          %get3A_661 = arith.index_cast %add3A_659 : i32 to index
          %get3A_662 = tpu.vector_load %arg5[%get3A_660, %get3A_661] {strides = array<i32>} : memref<4x8192xf32, #tpu.memory_space<vmem>>, vector<16xf32>,
          %mul3A_663 = arith.mulf %get3A_662, %select_n3A_95 : vector<16xf32>
          %add3A_664 = arith.constant 64 : i32
          %add3A_665 = arith.addi %add3A_639, %add3A_664 : i32
          %get3A_666 = arith.index_cast %scan3A_462 : i32 to index
          %get3A_667 = arith.index_cast %add3A_665 : i32 to index
          %get3A_668 = tpu.vector_load %arg5[%get3A_666, %get3A_667] {strides = array<i32>} : memref<4x8192xf32, #tpu.memory_space<vmem>>, vector<16xf32>,
          %mul3A_669 = arith.mulf %get3A_668, %select_n3A_120 : vector<16xf32>
          %add3A_670 = arith.constant 80 : i32
          %add3A_671 = arith.addi %add3A_639, %add3A_670 : i32
          %get3A_672 = arith.index_cast %scan3A_462 : i32 to index
          %get3A_673 = arith.index_cast %add3A_671 : i32 to index
          %get3A_674 = tpu.vector_load %arg5[%get3A_672, %get3A_673] {strides = array<i32>} : memref<4x8192xf32, #tpu.memory_space<vmem>>, vector<16xf32>,
          %mul3A_675 = arith.mulf %get3A_674, %select_n3A_145 : vector<16xf32>
          %add3A_676 = arith.constant 96 : i32
          %add3A_677 = arith.addi %add3A_639, %add3A_676 : i32
          %get3A_678 = arith.index_cast %scan3A_462 : i32 to index
          %get3A_679 = arith.index_cast %add3A_677 : i32 to index
          %get3A_680 = tpu.vector_load %arg5[%get3A_678, %get3A_679] {strides = array<i32>} : memref<4x8192xf32, #tpu.memory_space<vmem>>, vector<16xf32>,
          %mul3A_681 = arith.mulf %get3A_680, %select_n3A_170 : vector<16xf32>
          %add3A_682 = arith.constant 112 : i32
          %add3A_683 = arith.addi %add3A_639, %add3A_682 : i32
          %get3A_684 = arith.index_cast %scan3A_462 : i32 to index
          %get3A_685 = arith.index_cast %add3A_683 : i32 to index
          %get3A_686 = tpu.vector_load %arg5[%get3A_684, %get3A_685] {strides = array<i32>} : memref<4x8192xf32, #tpu.memory_space<vmem>>, vector<16xf32>,
          %mul3A_687 = arith.mulf %get3A_686, %select_n3A_195 : vector<16xf32>
          %add3A_688 = arith.constant 128 : i32
          %add3A_689 = arith.addi %add3A_639, %add3A_688 : i32
          %get3A_690 = arith.index_cast %scan3A_462 : i32 to index
          %get3A_691 = arith.index_cast %add3A_689 : i32 to index
          %get3A_692 = tpu.vector_load %arg5[%get3A_690, %get3A_691] {strides = array<i32>} : memref<4x8192xf32, #tpu.memory_space<vmem>>, vector<16xf32>,
          %mul3A_693 = arith.mulf %get3A_692, %select_n3A_220 : vector<16xf32>
          %add3A_694 = arith.constant 144 : i32
          %add3A_695 = arith.addi %add3A_639, %add3A_694 : i32
          %get3A_696 = arith.index_cast %scan3A_462 : i32 to index
          %get3A_697 = arith.index_cast %add3A_695 : i32 to index
          %get3A_698 = tpu.vector_load %arg5[%get3A_696, %get3A_697] {strides = array<i32>} : memref<4x8192xf32, #tpu.memory_space<vmem>>, vector<16xf32>,
          %mul3A_699 = arith.mulf %get3A_698, %select_n3A_245 : vector<16xf32>
          %add3A_700 = arith.constant 160 : i32
          %add3A_701 = arith.addi %add3A_639, %add3A_700 : i32
          %get3A_702 = arith.index_cast %scan3A_462 : i32 to index
          %get3A_703 = arith.index_cast %add3A_701 : i32 to index
          %get3A_704 = tpu.vector_load %arg5[%get3A_702, %get3A_703] {strides = array<i32>} : memref<4x8192xf32, #tpu.memory_space<vmem>>, vector<16xf32>,
          %mul3A_705 = arith.mulf %get3A_704, %select_n3A_270 : vector<16xf32>
          %add3A_706 = arith.constant 176 : i32
          %add3A_707 = arith.addi %add3A_639, %add3A_706 : i32
          %get3A_708 = arith.index_cast %scan3A_462 : i32 to index
          %get3A_709 = arith.index_cast %add3A_707 : i32 to index
          %get3A_710 = tpu.vector_load %arg5[%get3A_708, %get3A_709] {strides = array<i32>} : memref<4x8192xf32, #tpu.memory_space<vmem>>, vector<16xf32>,
          %mul3A_711 = arith.mulf %get3A_710, %select_n3A_295 : vector<16xf32>
          %add3A_712 = arith.constant 192 : i32
          %add3A_713 = arith.addi %add3A_639, %add3A_712 : i32
          %get3A_714 = arith.index_cast %scan3A_462 : i32 to index
          %get3A_715 = arith.index_cast %add3A_713 : i32 to index
          %get3A_716 = tpu.vector_load %arg5[%get3A_714, %get3A_715] {strides = array<i32>} : memref<4x8192xf32, #tpu.memory_space<vmem>>, vector<16xf32>,
          %mul3A_717 = arith.mulf %get3A_716, %select_n3A_320 : vector<16xf32>
          %add3A_718 = arith.constant 208 : i32
          %add3A_719 = arith.addi %add3A_639, %add3A_718 : i32
          %get3A_720 = arith.index_cast %scan3A_462 : i32 to index
          %get3A_721 = arith.index_cast %add3A_719 : i32 to index
          %get3A_722 = tpu.vector_load %arg5[%get3A_720, %get3A_721] {strides = array<i32>} : memref<4x8192xf32, #tpu.memory_space<vmem>>, vector<16xf32>,
          %mul3A_723 = arith.mulf %get3A_722, %select_n3A_345 : vector<16xf32>
          %add3A_724 = arith.constant 224 : i32
          %add3A_725 = arith.addi %add3A_639, %add3A_724 : i32
          %get3A_726 = arith.index_cast %scan3A_462 : i32 to index
          %get3A_727 = arith.index_cast %add3A_725 : i32 to index
          %get3A_728 = tpu.vector_load %arg5[%get3A_726, %get3A_727] {strides = array<i32>} : memref<4x8192xf32, #tpu.memory_space<vmem>>, vector<16xf32>,
          %mul3A_729 = arith.mulf %get3A_728, %select_n3A_370 : vector<16xf32>
          %add3A_730 = arith.constant 240 : i32
          %add3A_731 = arith.addi %add3A_639, %add3A_730 : i32
          %get3A_732 = arith.index_cast %scan3A_462 : i32 to index
          %get3A_733 = arith.index_cast %add3A_731 : i32 to index
          %get3A_734 = tpu.vector_load %arg5[%get3A_732, %get3A_733] {strides = array<i32>} : memref<4x8192xf32, #tpu.memory_space<vmem>>, vector<16xf32>,
          %mul3A_735 = arith.mulf %get3A_734, %select_n3A_395 : vector<16xf32>
          %add3A_736 = arith.addf %mul3A_645, %mul3A_651 : vector<16xf32>
          %add3A_737 = arith.addf %mul3A_657, %mul3A_663 : vector<16xf32>
          %add3A_738 = arith.addf %mul3A_669, %mul3A_675 : vector<16xf32>
          %add3A_739 = arith.addf %mul3A_681, %mul3A_687 : vector<16xf32>
          %add3A_740 = arith.addf %mul3A_693, %mul3A_699 : vector<16xf32>
          %add3A_741 = arith.addf %mul3A_705, %mul3A_711 : vector<16xf32>
          %add3A_742 = arith.addf %mul3A_717, %mul3A_723 : vector<16xf32>
          %add3A_743 = arith.addf %mul3A_729, %mul3A_735 : vector<16xf32>
          %add3A_744 = arith.addf %add3A_736, %add3A_737 : vector<16xf32>
          %add3A_745 = arith.addf %add3A_738, %add3A_739 : vector<16xf32>
          %add3A_746 = arith.addf %add3A_740, %add3A_741 : vector<16xf32>
          %add3A_747 = arith.addf %add3A_742, %add3A_743 : vector<16xf32>
          %add3A_748 = arith.addf %add3A_744, %add3A_745 : vector<16xf32>
          %add3A_749 = arith.addf %add3A_746, %add3A_747 : vector<16xf32>
          %add3A_750 = arith.addf %add3A_748, %add3A_749 : vector<16xf32>
          %reduce_sum3A_751 = arith.constant true
          %reduce_sum3A_752 = vector.broadcast %reduce_sum3A_751 : i1 to vector<16xi1>
          %reduce_sum3A_753 = tpu.scan <sum>, %add3A_750 masked %reduce_sum3A_752 : vector<16xf32>, vector<16xi1> -> vector<16xf32>
          %reduce_sum3A_754 = vector.extract %reduce_sum3A_753[15] : f32 from vector<16xf32>
          %eq3A = vector.broadcast %scan3A_518 : i32 to vector<16xi32>
          %eq3A_755 = arith.cmpi eq, %iota3A, %eq3A : vector<16xi32>
          %broadcast_in_dim3A_756 = vector.broadcast %reduce_sum3A_635 : f32 to vector<16xf32>
          %select_n3A_757 = arith.select %eq3A_755, %broadcast_in_dim3A_756, %scan3A_519 : vector<16xi1>, vector<16xf32>
          %eq3A_758 = vector.broadcast %scan3A_518 : i32 to vector<16xi32>
          %eq3A_759 = arith.cmpi eq, %iota3A, %eq3A_758 : vector<16xi32>
          %broadcast_in_dim3A_760 = vector.broadcast %reduce_sum3A_754 : f32 to vector<16xf32>
          %select_n3A_761 = arith.select %eq3A_759, %broadcast_in_dim3A_760, %scan3A_520 : vector<16xi1>, vector<16xf32>
          %scan3A_762 = arith.constant 1 : i32
          %scan3A_763 = arith.addi %scan3A_518, %scan3A_762 : i32
          %mul3A_764 = arith.constant 256 : i32
          %mul3A_765 = arith.muli %scan3A_763, %mul3A_764 : i32
          %add3A_766 = arith.constant 0 : i32
          %add3A_767 = arith.addi %mul3A_765, %add3A_766 : i32
          %get3A_768 = arith.index_cast %scan3A_462 : i32 to index
          %get3A_769 = arith.index_cast %add3A_767 : i32 to index
          %get3A_770 = tpu.vector_load %arg5[%get3A_768, %get3A_769] {strides = array<i32>} : memref<4x8192xf32, #tpu.memory_space<vmem>>, vector<16xf32>,
          %mul3A_771 = arith.mulf %get3A_770, %select_n3A : vector<16xf32>
          %add3A_772 = arith.constant 16 : i32
          %add3A_773 = arith.addi %mul3A_765, %add3A_772 : i32
          %get3A_774 = arith.index_cast %scan3A_462 : i32 to index
          %get3A_775 = arith.index_cast %add3A_773 : i32 to index
          %get3A_776 = tpu.vector_load %arg5[%get3A_774, %get3A_775] {strides = array<i32>} : memref<4x8192xf32, #tpu.memory_space<vmem>>, vector<16xf32>,
          %mul3A_777 = arith.mulf %get3A_776, %select_n3A_45 : vector<16xf32>
          %add3A_778 = arith.constant 32 : i32
          %add3A_779 = arith.addi %mul3A_765, %add3A_778 : i32
          %get3A_780 = arith.index_cast %scan3A_462 : i32 to index
          %get3A_781 = arith.index_cast %add3A_779 : i32 to index
          %get3A_782 = tpu.vector_load %arg5[%get3A_780, %get3A_781] {strides = array<i32>} : memref<4x8192xf32, #tpu.memory_space<vmem>>, vector<16xf32>,
          %mul3A_783 = arith.mulf %get3A_782, %select_n3A_70 : vector<16xf32>
          %add3A_784 = arith.constant 48 : i32
          %add3A_785 = arith.addi %mul3A_765, %add3A_784 : i32
          %get3A_786 = arith.index_cast %scan3A_462 : i32 to index
          %get3A_787 = arith.index_cast %add3A_785 : i32 to index
          %get3A_788 = tpu.vector_load %arg5[%get3A_786, %get3A_787] {strides = array<i32>} : memref<4x8192xf32, #tpu.memory_space<vmem>>, vector<16xf32>,
          %mul3A_789 = arith.mulf %get3A_788, %select_n3A_95 : vector<16xf32>
          %add3A_790 = arith.constant 64 : i32
          %add3A_791 = arith.addi %mul3A_765, %add3A_790 : i32
          %get3A_792 = arith.index_cast %scan3A_462 : i32 to index
          %get3A_793 = arith.index_cast %add3A_791 : i32 to index
          %get3A_794 = tpu.vector_load %arg5[%get3A_792, %get3A_793] {strides = array<i32>} : memref<4x8192xf32, #tpu.memory_space<vmem>>, vector<16xf32>,
          %mul3A_795 = arith.mulf %get3A_794, %select_n3A_120 : vector<16xf32>
          %add3A_796 = arith.constant 80 : i32
          %add3A_797 = arith.addi %mul3A_765, %add3A_796 : i32
          %get3A_798 = arith.index_cast %scan3A_462 : i32 to index
          %get3A_799 = arith.index_cast %add3A_797 : i32 to index
          %get3A_800 = tpu.vector_load %arg5[%get3A_798, %get3A_799] {strides = array<i32>} : memref<4x8192xf32, #tpu.memory_space<vmem>>, vector<16xf32>,
          %mul3A_801 = arith.mulf %get3A_800, %select_n3A_145 : vector<16xf32>
          %add3A_802 = arith.constant 96 : i32
          %add3A_803 = arith.addi %mul3A_765, %add3A_802 : i32
          %get3A_804 = arith.index_cast %scan3A_462 : i32 to index
          %get3A_805 = arith.index_cast %add3A_803 : i32 to index
          %get3A_806 = tpu.vector_load %arg5[%get3A_804, %get3A_805] {strides = array<i32>} : memref<4x8192xf32, #tpu.memory_space<vmem>>, vector<16xf32>,
          %mul3A_807 = arith.mulf %get3A_806, %select_n3A_170 : vector<16xf32>
          %add3A_808 = arith.constant 112 : i32
          %add3A_809 = arith.addi %mul3A_765, %add3A_808 : i32
          %get3A_810 = arith.index_cast %scan3A_462 : i32 to index
          %get3A_811 = arith.index_cast %add3A_809 : i32 to index
          %get3A_812 = tpu.vector_load %arg5[%get3A_810, %get3A_811] {strides = array<i32>} : memref<4x8192xf32, #tpu.memory_space<vmem>>, vector<16xf32>,
          %mul3A_813 = arith.mulf %get3A_812, %select_n3A_195 : vector<16xf32>
          %add3A_814 = arith.constant 128 : i32
          %add3A_815 = arith.addi %mul3A_765, %add3A_814 : i32
          %get3A_816 = arith.index_cast %scan3A_462 : i32 to index
          %get3A_817 = arith.index_cast %add3A_815 : i32 to index
          %get3A_818 = tpu.vector_load %arg5[%get3A_816, %get3A_817] {strides = array<i32>} : memref<4x8192xf32, #tpu.memory_space<vmem>>, vector<16xf32>,
          %mul3A_819 = arith.mulf %get3A_818, %select_n3A_220 : vector<16xf32>
          %add3A_820 = arith.constant 144 : i32
          %add3A_821 = arith.addi %mul3A_765, %add3A_820 : i32
          %get3A_822 = arith.index_cast %scan3A_462 : i32 to index
          %get3A_823 = arith.index_cast %add3A_821 : i32 to index
          %get3A_824 = tpu.vector_load %arg5[%get3A_822, %get3A_823] {strides = array<i32>} : memref<4x8192xf32, #tpu.memory_space<vmem>>, vector<16xf32>,
          %mul3A_825 = arith.mulf %get3A_824, %select_n3A_245 : vector<16xf32>
          %add3A_826 = arith.constant 160 : i32
          %add3A_827 = arith.addi %mul3A_765, %add3A_826 : i32
          %get3A_828 = arith.index_cast %scan3A_462 : i32 to index
          %get3A_829 = arith.index_cast %add3A_827 : i32 to index
          %get3A_830 = tpu.vector_load %arg5[%get3A_828, %get3A_829] {strides = array<i32>} : memref<4x8192xf32, #tpu.memory_space<vmem>>, vector<16xf32>,
          %mul3A_831 = arith.mulf %get3A_830, %select_n3A_270 : vector<16xf32>
          %add3A_832 = arith.constant 176 : i32
          %add3A_833 = arith.addi %mul3A_765, %add3A_832 : i32
          %get3A_834 = arith.index_cast %scan3A_462 : i32 to index
          %get3A_835 = arith.index_cast %add3A_833 : i32 to index
          %get3A_836 = tpu.vector_load %arg5[%get3A_834, %get3A_835] {strides = array<i32>} : memref<4x8192xf32, #tpu.memory_space<vmem>>, vector<16xf32>,
          %mul3A_837 = arith.mulf %get3A_836, %select_n3A_295 : vector<16xf32>
          %add3A_838 = arith.constant 192 : i32
          %add3A_839 = arith.addi %mul3A_765, %add3A_838 : i32
          %get3A_840 = arith.index_cast %scan3A_462 : i32 to index
          %get3A_841 = arith.index_cast %add3A_839 : i32 to index
          %get3A_842 = tpu.vector_load %arg5[%get3A_840, %get3A_841] {strides = array<i32>} : memref<4x8192xf32, #tpu.memory_space<vmem>>, vector<16xf32>,
          %mul3A_843 = arith.mulf %get3A_842, %select_n3A_320 : vector<16xf32>
          %add3A_844 = arith.constant 208 : i32
          %add3A_845 = arith.addi %mul3A_765, %add3A_844 : i32
          %get3A_846 = arith.index_cast %scan3A_462 : i32 to index
          %get3A_847 = arith.index_cast %add3A_845 : i32 to index
          %get3A_848 = tpu.vector_load %arg5[%get3A_846, %get3A_847] {strides = array<i32>} : memref<4x8192xf32, #tpu.memory_space<vmem>>, vector<16xf32>,
          %mul3A_849 = arith.mulf %get3A_848, %select_n3A_345 : vector<16xf32>
          %add3A_850 = arith.constant 224 : i32
          %add3A_851 = arith.addi %mul3A_765, %add3A_850 : i32
          %get3A_852 = arith.index_cast %scan3A_462 : i32 to index
          %get3A_853 = arith.index_cast %add3A_851 : i32 to index
          %get3A_854 = tpu.vector_load %arg5[%get3A_852, %get3A_853] {strides = array<i32>} : memref<4x8192xf32, #tpu.memory_space<vmem>>, vector<16xf32>,
          %mul3A_855 = arith.mulf %get3A_854, %select_n3A_370 : vector<16xf32>
          %add3A_856 = arith.constant 240 : i32
          %add3A_857 = arith.addi %mul3A_765, %add3A_856 : i32
          %get3A_858 = arith.index_cast %scan3A_462 : i32 to index
          %get3A_859 = arith.index_cast %add3A_857 : i32 to index
          %get3A_860 = tpu.vector_load %arg5[%get3A_858, %get3A_859] {strides = array<i32>} : memref<4x8192xf32, #tpu.memory_space<vmem>>, vector<16xf32>,
          %mul3A_861 = arith.mulf %get3A_860, %select_n3A_395 : vector<16xf32>
          %add3A_862 = arith.addf %mul3A_771, %mul3A_777 : vector<16xf32>
          %add3A_863 = arith.addf %mul3A_783, %mul3A_789 : vector<16xf32>
          %add3A_864 = arith.addf %mul3A_795, %mul3A_801 : vector<16xf32>
          %add3A_865 = arith.addf %mul3A_807, %mul3A_813 : vector<16xf32>
          %add3A_866 = arith.addf %mul3A_819, %mul3A_825 : vector<16xf32>
          %add3A_867 = arith.addf %mul3A_831, %mul3A_837 : vector<16xf32>
          %add3A_868 = arith.addf %mul3A_843, %mul3A_849 : vector<16xf32>
          %add3A_869 = arith.addf %mul3A_855, %mul3A_861 : vector<16xf32>
          %add3A_870 = arith.addf %add3A_862, %add3A_863 : vector<16xf32>
          %add3A_871 = arith.addf %add3A_864, %add3A_865 : vector<16xf32>
          %add3A_872 = arith.addf %add3A_866, %add3A_867 : vector<16xf32>
          %add3A_873 = arith.addf %add3A_868, %add3A_869 : vector<16xf32>
          %add3A_874 = arith.addf %add3A_870, %add3A_871 : vector<16xf32>
          %add3A_875 = arith.addf %add3A_872, %add3A_873 : vector<16xf32>
          %add3A_876 = arith.addf %add3A_874, %add3A_875 : vector<16xf32>
          %reduce_sum3A_877 = arith.constant true
          %reduce_sum3A_878 = vector.broadcast %reduce_sum3A_877 : i1 to vector<16xi1>
          %reduce_sum3A_879 = tpu.scan <sum>, %add3A_876 masked %reduce_sum3A_878 : vector<16xf32>, vector<16xi1> -> vector<16xf32>
          %reduce_sum3A_880 = vector.extract %reduce_sum3A_879[15] : f32 from vector<16xf32>
          %mul3A_881 = arith.constant 256 : i32
          %mul3A_882 = arith.muli %scan3A_763, %mul3A_881 : i32
          %add3A_883 = arith.constant 4096 : i32
          %add3A_884 = arith.addi %mul3A_882, %add3A_883 : i32
          %add3A_885 = arith.constant 0 : i32
          %add3A_886 = arith.addi %add3A_884, %add3A_885 : i32
          %get3A_887 = arith.index_cast %scan3A_462 : i32 to index
          %get3A_888 = arith.index_cast %add3A_886 : i32 to index
          %get3A_889 = tpu.vector_load %arg5[%get3A_887, %get3A_888] {strides = array<i32>} : memref<4x8192xf32, #tpu.memory_space<vmem>>, vector<16xf32>,
          %mul3A_890 = arith.mulf %get3A_889, %select_n3A : vector<16xf32>
          %add3A_891 = arith.constant 16 : i32
          %add3A_892 = arith.addi %add3A_884, %add3A_891 : i32
          %get3A_893 = arith.index_cast %scan3A_462 : i32 to index
          %get3A_894 = arith.index_cast %add3A_892 : i32 to index
          %get3A_895 = tpu.vector_load %arg5[%get3A_893, %get3A_894] {strides = array<i32>} : memref<4x8192xf32, #tpu.memory_space<vmem>>, vector<16xf32>,
          %mul3A_896 = arith.mulf %get3A_895, %select_n3A_45 : vector<16xf32>
          %add3A_897 = arith.constant 32 : i32
          %add3A_898 = arith.addi %add3A_884, %add3A_897 : i32
          %get3A_899 = arith.index_cast %scan3A_462 : i32 to index
          %get3A_900 = arith.index_cast %add3A_898 : i32 to index
          %get3A_901 = tpu.vector_load %arg5[%get3A_899, %get3A_900] {strides = array<i32>} : memref<4x8192xf32, #tpu.memory_space<vmem>>, vector<16xf32>,
          %mul3A_902 = arith.mulf %get3A_901, %select_n3A_70 : vector<16xf32>
          %add3A_903 = arith.constant 48 : i32
          %add3A_904 = arith.addi %add3A_884, %add3A_903 : i32
          %get3A_905 = arith.index_cast %scan3A_462 : i32 to index
          %get3A_906 = arith.index_cast %add3A_904 : i32 to index
          %get3A_907 = tpu.vector_load %arg5[%get3A_905, %get3A_906] {strides = array<i32>} : memref<4x8192xf32, #tpu.memory_space<vmem>>, vector<16xf32>,
          %mul3A_908 = arith.mulf %get3A_907, %select_n3A_95 : vector<16xf32>
          %add3A_909 = arith.constant 64 : i32
          %add3A_910 = arith.addi %add3A_884, %add3A_909 : i32
          %get3A_911 = arith.index_cast %scan3A_462 : i32 to index
          %get3A_912 = arith.index_cast %add3A_910 : i32 to index
          %get3A_913 = tpu.vector_load %arg5[%get3A_911, %get3A_912] {strides = array<i32>} : memref<4x8192xf32, #tpu.memory_space<vmem>>, vector<16xf32>,
          %mul3A_914 = arith.mulf %get3A_913, %select_n3A_120 : vector<16xf32>
          %add3A_915 = arith.constant 80 : i32
          %add3A_916 = arith.addi %add3A_884, %add3A_915 : i32
          %get3A_917 = arith.index_cast %scan3A_462 : i32 to index
          %get3A_918 = arith.index_cast %add3A_916 : i32 to index
          %get3A_919 = tpu.vector_load %arg5[%get3A_917, %get3A_918] {strides = array<i32>} : memref<4x8192xf32, #tpu.memory_space<vmem>>, vector<16xf32>,
          %mul3A_920 = arith.mulf %get3A_919, %select_n3A_145 : vector<16xf32>
          %add3A_921 = arith.constant 96 : i32
          %add3A_922 = arith.addi %add3A_884, %add3A_921 : i32
          %get3A_923 = arith.index_cast %scan3A_462 : i32 to index
          %get3A_924 = arith.index_cast %add3A_922 : i32 to index
          %get3A_925 = tpu.vector_load %arg5[%get3A_923, %get3A_924] {strides = array<i32>} : memref<4x8192xf32, #tpu.memory_space<vmem>>, vector<16xf32>,
          %mul3A_926 = arith.mulf %get3A_925, %select_n3A_170 : vector<16xf32>
          %add3A_927 = arith.constant 112 : i32
          %add3A_928 = arith.addi %add3A_884, %add3A_927 : i32
          %get3A_929 = arith.index_cast %scan3A_462 : i32 to index
          %get3A_930 = arith.index_cast %add3A_928 : i32 to index
          %get3A_931 = tpu.vector_load %arg5[%get3A_929, %get3A_930] {strides = array<i32>} : memref<4x8192xf32, #tpu.memory_space<vmem>>, vector<16xf32>,
          %mul3A_932 = arith.mulf %get3A_931, %select_n3A_195 : vector<16xf32>
          %add3A_933 = arith.constant 128 : i32
          %add3A_934 = arith.addi %add3A_884, %add3A_933 : i32
          %get3A_935 = arith.index_cast %scan3A_462 : i32 to index
          %get3A_936 = arith.index_cast %add3A_934 : i32 to index
          %get3A_937 = tpu.vector_load %arg5[%get3A_935, %get3A_936] {strides = array<i32>} : memref<4x8192xf32, #tpu.memory_space<vmem>>, vector<16xf32>,
          %mul3A_938 = arith.mulf %get3A_937, %select_n3A_220 : vector<16xf32>
          %add3A_939 = arith.constant 144 : i32
          %add3A_940 = arith.addi %add3A_884, %add3A_939 : i32
          %get3A_941 = arith.index_cast %scan3A_462 : i32 to index
          %get3A_942 = arith.index_cast %add3A_940 : i32 to index
          %get3A_943 = tpu.vector_load %arg5[%get3A_941, %get3A_942] {strides = array<i32>} : memref<4x8192xf32, #tpu.memory_space<vmem>>, vector<16xf32>,
          %mul3A_944 = arith.mulf %get3A_943, %select_n3A_245 : vector<16xf32>
          %add3A_945 = arith.constant 160 : i32
          %add3A_946 = arith.addi %add3A_884, %add3A_945 : i32
          %get3A_947 = arith.index_cast %scan3A_462 : i32 to index
          %get3A_948 = arith.index_cast %add3A_946 : i32 to index
          %get3A_949 = tpu.vector_load %arg5[%get3A_947, %get3A_948] {strides = array<i32>} : memref<4x8192xf32, #tpu.memory_space<vmem>>, vector<16xf32>,
          %mul3A_950 = arith.mulf %get3A_949, %select_n3A_270 : vector<16xf32>
          %add3A_951 = arith.constant 176 : i32
          %add3A_952 = arith.addi %add3A_884, %add3A_951 : i32
          %get3A_953 = arith.index_cast %scan3A_462 : i32 to index
          %get3A_954 = arith.index_cast %add3A_952 : i32 to index
          %get3A_955 = tpu.vector_load %arg5[%get3A_953, %get3A_954] {strides = array<i32>} : memref<4x8192xf32, #tpu.memory_space<vmem>>, vector<16xf32>,
          %mul3A_956 = arith.mulf %get3A_955, %select_n3A_295 : vector<16xf32>
          %add3A_957 = arith.constant 192 : i32
          %add3A_958 = arith.addi %add3A_884, %add3A_957 : i32
          %get3A_959 = arith.index_cast %scan3A_462 : i32 to index
          %get3A_960 = arith.index_cast %add3A_958 : i32 to index
          %get3A_961 = tpu.vector_load %arg5[%get3A_959, %get3A_960] {strides = array<i32>} : memref<4x8192xf32, #tpu.memory_space<vmem>>, vector<16xf32>,
          %mul3A_962 = arith.mulf %get3A_961, %select_n3A_320 : vector<16xf32>
          %add3A_963 = arith.constant 208 : i32
          %add3A_964 = arith.addi %add3A_884, %add3A_963 : i32
          %get3A_965 = arith.index_cast %scan3A_462 : i32 to index
          %get3A_966 = arith.index_cast %add3A_964 : i32 to index
          %get3A_967 = tpu.vector_load %arg5[%get3A_965, %get3A_966] {strides = array<i32>} : memref<4x8192xf32, #tpu.memory_space<vmem>>, vector<16xf32>,
          %mul3A_968 = arith.mulf %get3A_967, %select_n3A_345 : vector<16xf32>
          %add3A_969 = arith.constant 224 : i32
          %add3A_970 = arith.addi %add3A_884, %add3A_969 : i32
          %get3A_971 = arith.index_cast %scan3A_462 : i32 to index
          %get3A_972 = arith.index_cast %add3A_970 : i32 to index
          %get3A_973 = tpu.vector_load %arg5[%get3A_971, %get3A_972] {strides = array<i32>} : memref<4x8192xf32, #tpu.memory_space<vmem>>, vector<16xf32>,
          %mul3A_974 = arith.mulf %get3A_973, %select_n3A_370 : vector<16xf32>
          %add3A_975 = arith.constant 240 : i32
          %add3A_976 = arith.addi %add3A_884, %add3A_975 : i32
          %get3A_977 = arith.index_cast %scan3A_462 : i32 to index
          %get3A_978 = arith.index_cast %add3A_976 : i32 to index
          %get3A_979 = tpu.vector_load %arg5[%get3A_977, %get3A_978] {strides = array<i32>} : memref<4x8192xf32, #tpu.memory_space<vmem>>, vector<16xf32>,
          %mul3A_980 = arith.mulf %get3A_979, %select_n3A_395 : vector<16xf32>
          %add3A_981 = arith.addf %mul3A_890, %mul3A_896 : vector<16xf32>
          %add3A_982 = arith.addf %mul3A_902, %mul3A_908 : vector<16xf32>
          %add3A_983 = arith.addf %mul3A_914, %mul3A_920 : vector<16xf32>
          %add3A_984 = arith.addf %mul3A_926, %mul3A_932 : vector<16xf32>
          %add3A_985 = arith.addf %mul3A_938, %mul3A_944 : vector<16xf32>
          %add3A_986 = arith.addf %mul3A_950, %mul3A_956 : vector<16xf32>
          %add3A_987 = arith.addf %mul3A_962, %mul3A_968 : vector<16xf32>
          %add3A_988 = arith.addf %mul3A_974, %mul3A_980 : vector<16xf32>
          %add3A_989 = arith.addf %add3A_981, %add3A_982 : vector<16xf32>
          %add3A_990 = arith.addf %add3A_983, %add3A_984 : vector<16xf32>
          %add3A_991 = arith.addf %add3A_985, %add3A_986 : vector<16xf32>
          %add3A_992 = arith.addf %add3A_987, %add3A_988 : vector<16xf32>
          %add3A_993 = arith.addf %add3A_989, %add3A_990 : vector<16xf32>
          %add3A_994 = arith.addf %add3A_991, %add3A_992 : vector<16xf32>
          %add3A_995 = arith.addf %add3A_993, %add3A_994 : vector<16xf32>
          %reduce_sum3A_996 = arith.constant true
          %reduce_sum3A_997 = vector.broadcast %reduce_sum3A_996 : i1 to vector<16xi1>
          %reduce_sum3A_998 = tpu.scan <sum>, %add3A_995 masked %reduce_sum3A_997 : vector<16xf32>, vector<16xi1> -> vector<16xf32>
          %reduce_sum3A_999 = vector.extract %reduce_sum3A_998[15] : f32 from vector<16xf32>
          %eq3A_1000 = vector.broadcast %scan3A_763 : i32 to vector<16xi32>
          %eq3A_1001 = arith.cmpi eq, %iota3A, %eq3A_1000 : vector<16xi32>
          %broadcast_in_dim3A_1002 = vector.broadcast %reduce_sum3A_880 : f32 to vector<16xf32>
          %select_n3A_1003 = arith.select %eq3A_1001, %broadcast_in_dim3A_1002, %select_n3A_757 : vector<16xi1>, vector<16xf32>
          %eq3A_1004 = vector.broadcast %scan3A_763 : i32 to vector<16xi32>
          %eq3A_1005 = arith.cmpi eq, %iota3A, %eq3A_1004 : vector<16xi32>
          %broadcast_in_dim3A_1006 = vector.broadcast %reduce_sum3A_999 : f32 to vector<16xf32>
          %select_n3A_1007 = arith.select %eq3A_1005, %broadcast_in_dim3A_1006, %select_n3A_761 : vector<16xi1>, vector<16xf32>
          %scan3A_1008 = arith.constant 2 : i32
          %scan3A_1009 = arith.addi %scan3A_518, %scan3A_1008 : i32
          %mul3A_1010 = arith.constant 256 : i32
          %mul3A_1011 = arith.muli %scan3A_1009, %mul3A_1010 : i32
          %add3A_1012 = arith.constant 0 : i32
          %add3A_1013 = arith.addi %mul3A_1011, %add3A_1012 : i32
          %get3A_1014 = arith.index_cast %scan3A_462 : i32 to index
          %get3A_1015 = arith.index_cast %add3A_1013 : i32 to index
          %get3A_1016 = tpu.vector_load %arg5[%get3A_1014, %get3A_1015] {strides = array<i32>} : memref<4x8192xf32, #tpu.memory_space<vmem>>, vector<16xf32>,
          %mul3A_1017 = arith.mulf %get3A_1016, %select_n3A : vector<16xf32>
          %add3A_1018 = arith.constant 16 : i32
          %add3A_1019 = arith.addi %mul3A_1011, %add3A_1018 : i32
          %get3A_1020 = arith.index_cast %scan3A_462 : i32 to index
          %get3A_1021 = arith.index_cast %add3A_1019 : i32 to index
          %get3A_1022 = tpu.vector_load %arg5[%get3A_1020, %get3A_1021] {strides = array<i32>} : memref<4x8192xf32, #tpu.memory_space<vmem>>, vector<16xf32>,
          %mul3A_1023 = arith.mulf %get3A_1022, %select_n3A_45 : vector<16xf32>
          %add3A_1024 = arith.constant 32 : i32
          %add3A_1025 = arith.addi %mul3A_1011, %add3A_1024 : i32
          %get3A_1026 = arith.index_cast %scan3A_462 : i32 to index
          %get3A_1027 = arith.index_cast %add3A_1025 : i32 to index
          %get3A_1028 = tpu.vector_load %arg5[%get3A_1026, %get3A_1027] {strides = array<i32>} : memref<4x8192xf32, #tpu.memory_space<vmem>>, vector<16xf32>,
          %mul3A_1029 = arith.mulf %get3A_1028, %select_n3A_70 : vector<16xf32>
          %add3A_1030 = arith.constant 48 : i32
          %add3A_1031 = arith.addi %mul3A_1011, %add3A_1030 : i32
          %get3A_1032 = arith.index_cast %scan3A_462 : i32 to index
          %get3A_1033 = arith.index_cast %add3A_1031 : i32 to index
          %get3A_1034 = tpu.vector_load %arg5[%get3A_1032, %get3A_1033] {strides = array<i32>} : memref<4x8192xf32, #tpu.memory_space<vmem>>, vector<16xf32>,
          %mul3A_1035 = arith.mulf %get3A_1034, %select_n3A_95 : vector<16xf32>
          %add3A_1036 = arith.constant 64 : i32
          %add3A_1037 = arith.addi %mul3A_1011, %add3A_1036 : i32
          %get3A_1038 = arith.index_cast %scan3A_462 : i32 to index
          %get3A_1039 = arith.index_cast %add3A_1037 : i32 to index
          %get3A_1040 = tpu.vector_load %arg5[%get3A_1038, %get3A_1039] {strides = array<i32>} : memref<4x8192xf32, #tpu.memory_space<vmem>>, vector<16xf32>,
          %mul3A_1041 = arith.mulf %get3A_1040, %select_n3A_120 : vector<16xf32>
          %add3A_1042 = arith.constant 80 : i32
          %add3A_1043 = arith.addi %mul3A_1011, %add3A_1042 : i32
          %get3A_1044 = arith.index_cast %scan3A_462 : i32 to index
          %get3A_1045 = arith.index_cast %add3A_1043 : i32 to index
          %get3A_1046 = tpu.vector_load %arg5[%get3A_1044, %get3A_1045] {strides = array<i32>} : memref<4x8192xf32, #tpu.memory_space<vmem>>, vector<16xf32>,
          %mul3A_1047 = arith.mulf %get3A_1046, %select_n3A_145 : vector<16xf32>
          %add3A_1048 = arith.constant 96 : i32
          %add3A_1049 = arith.addi %mul3A_1011, %add3A_1048 : i32
          %get3A_1050 = arith.index_cast %scan3A_462 : i32 to index
          %get3A_1051 = arith.index_cast %add3A_1049 : i32 to index
          %get3A_1052 = tpu.vector_load %arg5[%get3A_1050, %get3A_1051] {strides = array<i32>} : memref<4x8192xf32, #tpu.memory_space<vmem>>, vector<16xf32>,
          %mul3A_1053 = arith.mulf %get3A_1052, %select_n3A_170 : vector<16xf32>
          %add3A_1054 = arith.constant 112 : i32
          %add3A_1055 = arith.addi %mul3A_1011, %add3A_1054 : i32
          %get3A_1056 = arith.index_cast %scan3A_462 : i32 to index
          %get3A_1057 = arith.index_cast %add3A_1055 : i32 to index
          %get3A_1058 = tpu.vector_load %arg5[%get3A_1056, %get3A_1057] {strides = array<i32>} : memref<4x8192xf32, #tpu.memory_space<vmem>>, vector<16xf32>,
          %mul3A_1059 = arith.mulf %get3A_1058, %select_n3A_195 : vector<16xf32>
          %add3A_1060 = arith.constant 128 : i32
          %add3A_1061 = arith.addi %mul3A_1011, %add3A_1060 : i32
          %get3A_1062 = arith.index_cast %scan3A_462 : i32 to index
          %get3A_1063 = arith.index_cast %add3A_1061 : i32 to index
          %get3A_1064 = tpu.vector_load %arg5[%get3A_1062, %get3A_1063] {strides = array<i32>} : memref<4x8192xf32, #tpu.memory_space<vmem>>, vector<16xf32>,
          %mul3A_1065 = arith.mulf %get3A_1064, %select_n3A_220 : vector<16xf32>
          %add3A_1066 = arith.constant 144 : i32
          %add3A_1067 = arith.addi %mul3A_1011, %add3A_1066 : i32
          %get3A_1068 = arith.index_cast %scan3A_462 : i32 to index
          %get3A_1069 = arith.index_cast %add3A_1067 : i32 to index
          %get3A_1070 = tpu.vector_load %arg5[%get3A_1068, %get3A_1069] {strides = array<i32>} : memref<4x8192xf32, #tpu.memory_space<vmem>>, vector<16xf32>,
          %mul3A_1071 = arith.mulf %get3A_1070, %select_n3A_245 : vector<16xf32>
          %add3A_1072 = arith.constant 160 : i32
          %add3A_1073 = arith.addi %mul3A_1011, %add3A_1072 : i32
          %get3A_1074 = arith.index_cast %scan3A_462 : i32 to index
          %get3A_1075 = arith.index_cast %add3A_1073 : i32 to index
          %get3A_1076 = tpu.vector_load %arg5[%get3A_1074, %get3A_1075] {strides = array<i32>} : memref<4x8192xf32, #tpu.memory_space<vmem>>, vector<16xf32>,
          %mul3A_1077 = arith.mulf %get3A_1076, %select_n3A_270 : vector<16xf32>
          %add3A_1078 = arith.constant 176 : i32
          %add3A_1079 = arith.addi %mul3A_1011, %add3A_1078 : i32
          %get3A_1080 = arith.index_cast %scan3A_462 : i32 to index
          %get3A_1081 = arith.index_cast %add3A_1079 : i32 to index
          %get3A_1082 = tpu.vector_load %arg5[%get3A_1080, %get3A_1081] {strides = array<i32>} : memref<4x8192xf32, #tpu.memory_space<vmem>>, vector<16xf32>,
          %mul3A_1083 = arith.mulf %get3A_1082, %select_n3A_295 : vector<16xf32>
          %add3A_1084 = arith.constant 192 : i32
          %add3A_1085 = arith.addi %mul3A_1011, %add3A_1084 : i32
          %get3A_1086 = arith.index_cast %scan3A_462 : i32 to index
          %get3A_1087 = arith.index_cast %add3A_1085 : i32 to index
          %get3A_1088 = tpu.vector_load %arg5[%get3A_1086, %get3A_1087] {strides = array<i32>} : memref<4x8192xf32, #tpu.memory_space<vmem>>, vector<16xf32>,
          %mul3A_1089 = arith.mulf %get3A_1088, %select_n3A_320 : vector<16xf32>
          %add3A_1090 = arith.constant 208 : i32
          %add3A_1091 = arith.addi %mul3A_1011, %add3A_1090 : i32
          %get3A_1092 = arith.index_cast %scan3A_462 : i32 to index
          %get3A_1093 = arith.index_cast %add3A_1091 : i32 to index
          %get3A_1094 = tpu.vector_load %arg5[%get3A_1092, %get3A_1093] {strides = array<i32>} : memref<4x8192xf32, #tpu.memory_space<vmem>>, vector<16xf32>,
          %mul3A_1095 = arith.mulf %get3A_1094, %select_n3A_345 : vector<16xf32>
          %add3A_1096 = arith.constant 224 : i32
          %add3A_1097 = arith.addi %mul3A_1011, %add3A_1096 : i32
          %get3A_1098 = arith.index_cast %scan3A_462 : i32 to index
          %get3A_1099 = arith.index_cast %add3A_1097 : i32 to index
          %get3A_1100 = tpu.vector_load %arg5[%get3A_1098, %get3A_1099] {strides = array<i32>} : memref<4x8192xf32, #tpu.memory_space<vmem>>, vector<16xf32>,
          %mul3A_1101 = arith.mulf %get3A_1100, %select_n3A_370 : vector<16xf32>
          %add3A_1102 = arith.constant 240 : i32
          %add3A_1103 = arith.addi %mul3A_1011, %add3A_1102 : i32
          %get3A_1104 = arith.index_cast %scan3A_462 : i32 to index
          %get3A_1105 = arith.index_cast %add3A_1103 : i32 to index
          %get3A_1106 = tpu.vector_load %arg5[%get3A_1104, %get3A_1105] {strides = array<i32>} : memref<4x8192xf32, #tpu.memory_space<vmem>>, vector<16xf32>,
          %mul3A_1107 = arith.mulf %get3A_1106, %select_n3A_395 : vector<16xf32>
          %add3A_1108 = arith.addf %mul3A_1017, %mul3A_1023 : vector<16xf32>
          %add3A_1109 = arith.addf %mul3A_1029, %mul3A_1035 : vector<16xf32>
          %add3A_1110 = arith.addf %mul3A_1041, %mul3A_1047 : vector<16xf32>
          %add3A_1111 = arith.addf %mul3A_1053, %mul3A_1059 : vector<16xf32>
          %add3A_1112 = arith.addf %mul3A_1065, %mul3A_1071 : vector<16xf32>
          %add3A_1113 = arith.addf %mul3A_1077, %mul3A_1083 : vector<16xf32>
          %add3A_1114 = arith.addf %mul3A_1089, %mul3A_1095 : vector<16xf32>
          %add3A_1115 = arith.addf %mul3A_1101, %mul3A_1107 : vector<16xf32>
          %add3A_1116 = arith.addf %add3A_1108, %add3A_1109 : vector<16xf32>
          %add3A_1117 = arith.addf %add3A_1110, %add3A_1111 : vector<16xf32>
          %add3A_1118 = arith.addf %add3A_1112, %add3A_1113 : vector<16xf32>
          %add3A_1119 = arith.addf %add3A_1114, %add3A_1115 : vector<16xf32>
          %add3A_1120 = arith.addf %add3A_1116, %add3A_1117 : vector<16xf32>
          %add3A_1121 = arith.addf %add3A_1118, %add3A_1119 : vector<16xf32>
          %add3A_1122 = arith.addf %add3A_1120, %add3A_1121 : vector<16xf32>
          %reduce_sum3A_1123 = arith.constant true
          %reduce_sum3A_1124 = vector.broadcast %reduce_sum3A_1123 : i1 to vector<16xi1>
          %reduce_sum3A_1125 = tpu.scan <sum>, %add3A_1122 masked %reduce_sum3A_1124 : vector<16xf32>, vector<16xi1> -> vector<16xf32>
          %reduce_sum3A_1126 = vector.extract %reduce_sum3A_1125[15] : f32 from vector<16xf32>
          %mul3A_1127 = arith.constant 256 : i32
          %mul3A_1128 = arith.muli %scan3A_1009, %mul3A_1127 : i32
          %add3A_1129 = arith.constant 4096 : i32
          %add3A_1130 = arith.addi %mul3A_1128, %add3A_1129 : i32
          %add3A_1131 = arith.constant 0 : i32
          %add3A_1132 = arith.addi %add3A_1130, %add3A_1131 : i32
          %get3A_1133 = arith.index_cast %scan3A_462 : i32 to index
          %get3A_1134 = arith.index_cast %add3A_1132 : i32 to index
          %get3A_1135 = tpu.vector_load %arg5[%get3A_1133, %get3A_1134] {strides = array<i32>} : memref<4x8192xf32, #tpu.memory_space<vmem>>, vector<16xf32>,
          %mul3A_1136 = arith.mulf %get3A_1135, %select_n3A : vector<16xf32>
          %add3A_1137 = arith.constant 16 : i32
          %add3A_1138 = arith.addi %add3A_1130, %add3A_1137 : i32
          %get3A_1139 = arith.index_cast %scan3A_462 : i32 to index
          %get3A_1140 = arith.index_cast %add3A_1138 : i32 to index
          %get3A_1141 = tpu.vector_load %arg5[%get3A_1139, %get3A_1140] {strides = array<i32>} : memref<4x8192xf32, #tpu.memory_space<vmem>>, vector<16xf32>,
          %mul3A_1142 = arith.mulf %get3A_1141, %select_n3A_45 : vector<16xf32>
          %add3A_1143 = arith.constant 32 : i32
          %add3A_1144 = arith.addi %add3A_1130, %add3A_1143 : i32
          %get3A_1145 = arith.index_cast %scan3A_462 : i32 to index
          %get3A_1146 = arith.index_cast %add3A_1144 : i32 to index
          %get3A_1147 = tpu.vector_load %arg5[%get3A_1145, %get3A_1146] {strides = array<i32>} : memref<4x8192xf32, #tpu.memory_space<vmem>>, vector<16xf32>,
          %mul3A_1148 = arith.mulf %get3A_1147, %select_n3A_70 : vector<16xf32>
          %add3A_1149 = arith.constant 48 : i32
          %add3A_1150 = arith.addi %add3A_1130, %add3A_1149 : i32
          %get3A_1151 = arith.index_cast %scan3A_462 : i32 to index
          %get3A_1152 = arith.index_cast %add3A_1150 : i32 to index
          %get3A_1153 = tpu.vector_load %arg5[%get3A_1151, %get3A_1152] {strides = array<i32>} : memref<4x8192xf32, #tpu.memory_space<vmem>>, vector<16xf32>,
          %mul3A_1154 = arith.mulf %get3A_1153, %select_n3A_95 : vector<16xf32>
          %add3A_1155 = arith.constant 64 : i32
          %add3A_1156 = arith.addi %add3A_1130, %add3A_1155 : i32
          %get3A_1157 = arith.index_cast %scan3A_462 : i32 to index
          %get3A_1158 = arith.index_cast %add3A_1156 : i32 to index
          %get3A_1159 = tpu.vector_load %arg5[%get3A_1157, %get3A_1158] {strides = array<i32>} : memref<4x8192xf32, #tpu.memory_space<vmem>>, vector<16xf32>,
          %mul3A_1160 = arith.mulf %get3A_1159, %select_n3A_120 : vector<16xf32>
          %add3A_1161 = arith.constant 80 : i32
          %add3A_1162 = arith.addi %add3A_1130, %add3A_1161 : i32
          %get3A_1163 = arith.index_cast %scan3A_462 : i32 to index
          %get3A_1164 = arith.index_cast %add3A_1162 : i32 to index
          %get3A_1165 = tpu.vector_load %arg5[%get3A_1163, %get3A_1164] {strides = array<i32>} : memref<4x8192xf32, #tpu.memory_space<vmem>>, vector<16xf32>,
          %mul3A_1166 = arith.mulf %get3A_1165, %select_n3A_145 : vector<16xf32>
          %add3A_1167 = arith.constant 96 : i32
          %add3A_1168 = arith.addi %add3A_1130, %add3A_1167 : i32
          %get3A_1169 = arith.index_cast %scan3A_462 : i32 to index
          %get3A_1170 = arith.index_cast %add3A_1168 : i32 to index
          %get3A_1171 = tpu.vector_load %arg5[%get3A_1169, %get3A_1170] {strides = array<i32>} : memref<4x8192xf32, #tpu.memory_space<vmem>>, vector<16xf32>,
          %mul3A_1172 = arith.mulf %get3A_1171, %select_n3A_170 : vector<16xf32>
          %add3A_1173 = arith.constant 112 : i32
          %add3A_1174 = arith.addi %add3A_1130, %add3A_1173 : i32
          %get3A_1175 = arith.index_cast %scan3A_462 : i32 to index
          %get3A_1176 = arith.index_cast %add3A_1174 : i32 to index
          %get3A_1177 = tpu.vector_load %arg5[%get3A_1175, %get3A_1176] {strides = array<i32>} : memref<4x8192xf32, #tpu.memory_space<vmem>>, vector<16xf32>,
          %mul3A_1178 = arith.mulf %get3A_1177, %select_n3A_195 : vector<16xf32>
          %add3A_1179 = arith.constant 128 : i32
          %add3A_1180 = arith.addi %add3A_1130, %add3A_1179 : i32
          %get3A_1181 = arith.index_cast %scan3A_462 : i32 to index
          %get3A_1182 = arith.index_cast %add3A_1180 : i32 to index
          %get3A_1183 = tpu.vector_load %arg5[%get3A_1181, %get3A_1182] {strides = array<i32>} : memref<4x8192xf32, #tpu.memory_space<vmem>>, vector<16xf32>,
          %mul3A_1184 = arith.mulf %get3A_1183, %select_n3A_220 : vector<16xf32>
          %add3A_1185 = arith.constant 144 : i32
          %add3A_1186 = arith.addi %add3A_1130, %add3A_1185 : i32
          %get3A_1187 = arith.index_cast %scan3A_462 : i32 to index
          %get3A_1188 = arith.index_cast %add3A_1186 : i32 to index
          %get3A_1189 = tpu.vector_load %arg5[%get3A_1187, %get3A_1188] {strides = array<i32>} : memref<4x8192xf32, #tpu.memory_space<vmem>>, vector<16xf32>,
          %mul3A_1190 = arith.mulf %get3A_1189, %select_n3A_245 : vector<16xf32>
          %add3A_1191 = arith.constant 160 : i32
          %add3A_1192 = arith.addi %add3A_1130, %add3A_1191 : i32
          %get3A_1193 = arith.index_cast %scan3A_462 : i32 to index
          %get3A_1194 = arith.index_cast %add3A_1192 : i32 to index
          %get3A_1195 = tpu.vector_load %arg5[%get3A_1193, %get3A_1194] {strides = array<i32>} : memref<4x8192xf32, #tpu.memory_space<vmem>>, vector<16xf32>,
          %mul3A_1196 = arith.mulf %get3A_1195, %select_n3A_270 : vector<16xf32>
          %add3A_1197 = arith.constant 176 : i32
          %add3A_1198 = arith.addi %add3A_1130, %add3A_1197 : i32
          %get3A_1199 = arith.index_cast %scan3A_462 : i32 to index
          %get3A_1200 = arith.index_cast %add3A_1198 : i32 to index
          %get3A_1201 = tpu.vector_load %arg5[%get3A_1199, %get3A_1200] {strides = array<i32>} : memref<4x8192xf32, #tpu.memory_space<vmem>>, vector<16xf32>,
          %mul3A_1202 = arith.mulf %get3A_1201, %select_n3A_295 : vector<16xf32>
          %add3A_1203 = arith.constant 192 : i32
          %add3A_1204 = arith.addi %add3A_1130, %add3A_1203 : i32
          %get3A_1205 = arith.index_cast %scan3A_462 : i32 to index
          %get3A_1206 = arith.index_cast %add3A_1204 : i32 to index
          %get3A_1207 = tpu.vector_load %arg5[%get3A_1205, %get3A_1206] {strides = array<i32>} : memref<4x8192xf32, #tpu.memory_space<vmem>>, vector<16xf32>,
          %mul3A_1208 = arith.mulf %get3A_1207, %select_n3A_320 : vector<16xf32>
          %add3A_1209 = arith.constant 208 : i32
          %add3A_1210 = arith.addi %add3A_1130, %add3A_1209 : i32
          %get3A_1211 = arith.index_cast %scan3A_462 : i32 to index
          %get3A_1212 = arith.index_cast %add3A_1210 : i32 to index
          %get3A_1213 = tpu.vector_load %arg5[%get3A_1211, %get3A_1212] {strides = array<i32>} : memref<4x8192xf32, #tpu.memory_space<vmem>>, vector<16xf32>,
          %mul3A_1214 = arith.mulf %get3A_1213, %select_n3A_345 : vector<16xf32>
          %add3A_1215 = arith.constant 224 : i32
          %add3A_1216 = arith.addi %add3A_1130, %add3A_1215 : i32
          %get3A_1217 = arith.index_cast %scan3A_462 : i32 to index
          %get3A_1218 = arith.index_cast %add3A_1216 : i32 to index
          %get3A_1219 = tpu.vector_load %arg5[%get3A_1217, %get3A_1218] {strides = array<i32>} : memref<4x8192xf32, #tpu.memory_space<vmem>>, vector<16xf32>,
          %mul3A_1220 = arith.mulf %get3A_1219, %select_n3A_370 : vector<16xf32>
          %add3A_1221 = arith.constant 240 : i32
          %add3A_1222 = arith.addi %add3A_1130, %add3A_1221 : i32
          %get3A_1223 = arith.index_cast %scan3A_462 : i32 to index
          %get3A_1224 = arith.index_cast %add3A_1222 : i32 to index
          %get3A_1225 = tpu.vector_load %arg5[%get3A_1223, %get3A_1224] {strides = array<i32>} : memref<4x8192xf32, #tpu.memory_space<vmem>>, vector<16xf32>,
          %mul3A_1226 = arith.mulf %get3A_1225, %select_n3A_395 : vector<16xf32>
          %add3A_1227 = arith.addf %mul3A_1136, %mul3A_1142 : vector<16xf32>
          %add3A_1228 = arith.addf %mul3A_1148, %mul3A_1154 : vector<16xf32>
          %add3A_1229 = arith.addf %mul3A_1160, %mul3A_1166 : vector<16xf32>
          %add3A_1230 = arith.addf %mul3A_1172, %mul3A_1178 : vector<16xf32>
          %add3A_1231 = arith.addf %mul3A_1184, %mul3A_1190 : vector<16xf32>
          %add3A_1232 = arith.addf %mul3A_1196, %mul3A_1202 : vector<16xf32>
          %add3A_1233 = arith.addf %mul3A_1208, %mul3A_1214 : vector<16xf32>
          %add3A_1234 = arith.addf %mul3A_1220, %mul3A_1226 : vector<16xf32>
          %add3A_1235 = arith.addf %add3A_1227, %add3A_1228 : vector<16xf32>
          %add3A_1236 = arith.addf %add3A_1229, %add3A_1230 : vector<16xf32>
          %add3A_1237 = arith.addf %add3A_1231, %add3A_1232 : vector<16xf32>
          %add3A_1238 = arith.addf %add3A_1233, %add3A_1234 : vector<16xf32>
          %add3A_1239 = arith.addf %add3A_1235, %add3A_1236 : vector<16xf32>
          %add3A_1240 = arith.addf %add3A_1237, %add3A_1238 : vector<16xf32>
          %add3A_1241 = arith.addf %add3A_1239, %add3A_1240 : vector<16xf32>
          %reduce_sum3A_1242 = arith.constant true
          %reduce_sum3A_1243 = vector.broadcast %reduce_sum3A_1242 : i1 to vector<16xi1>
          %reduce_sum3A_1244 = tpu.scan <sum>, %add3A_1241 masked %reduce_sum3A_1243 : vector<16xf32>, vector<16xi1> -> vector<16xf32>
          %reduce_sum3A_1245 = vector.extract %reduce_sum3A_1244[15] : f32 from vector<16xf32>
          %eq3A_1246 = vector.broadcast %scan3A_1009 : i32 to vector<16xi32>
          %eq3A_1247 = arith.cmpi eq, %iota3A, %eq3A_1246 : vector<16xi32>
          %broadcast_in_dim3A_1248 = vector.broadcast %reduce_sum3A_1126 : f32 to vector<16xf32>
          %select_n3A_1249 = arith.select %eq3A_1247, %broadcast_in_dim3A_1248, %select_n3A_1003 : vector<16xi1>, vector<16xf32>
          %eq3A_1250 = vector.broadcast %scan3A_1009 : i32 to vector<16xi32>
          %eq3A_1251 = arith.cmpi eq, %iota3A, %eq3A_1250 : vector<16xi32>
          %broadcast_in_dim3A_1252 = vector.broadcast %reduce_sum3A_1245 : f32 to vector<16xf32>
          %select_n3A_1253 = arith.select %eq3A_1251, %broadcast_in_dim3A_1252, %select_n3A_1007 : vector<16xi1>, vector<16xf32>
          %scan3A_1254 = arith.constant 3 : i32
          %scan3A_1255 = arith.addi %scan3A_518, %scan3A_1254 : i32
          %mul3A_1256 = arith.constant 256 : i32
          %mul3A_1257 = arith.muli %scan3A_1255, %mul3A_1256 : i32
          %add3A_1258 = arith.constant 0 : i32
          %add3A_1259 = arith.addi %mul3A_1257, %add3A_1258 : i32
          %get3A_1260 = arith.index_cast %scan3A_462 : i32 to index
          %get3A_1261 = arith.index_cast %add3A_1259 : i32 to index
          %get3A_1262 = tpu.vector_load %arg5[%get3A_1260, %get3A_1261] {strides = array<i32>} : memref<4x8192xf32, #tpu.memory_space<vmem>>, vector<16xf32>,
          %mul3A_1263 = arith.mulf %get3A_1262, %select_n3A : vector<16xf32>
          %add3A_1264 = arith.constant 16 : i32
          %add3A_1265 = arith.addi %mul3A_1257, %add3A_1264 : i32
          %get3A_1266 = arith.index_cast %scan3A_462 : i32 to index
          %get3A_1267 = arith.index_cast %add3A_1265 : i32 to index
          %get3A_1268 = tpu.vector_load %arg5[%get3A_1266, %get3A_1267] {strides = array<i32>} : memref<4x8192xf32, #tpu.memory_space<vmem>>, vector<16xf32>,
          %mul3A_1269 = arith.mulf %get3A_1268, %select_n3A_45 : vector<16xf32>
          %add3A_1270 = arith.constant 32 : i32
          %add3A_1271 = arith.addi %mul3A_1257, %add3A_1270 : i32
          %get3A_1272 = arith.index_cast %scan3A_462 : i32 to index
          %get3A_1273 = arith.index_cast %add3A_1271 : i32 to index
          %get3A_1274 = tpu.vector_load %arg5[%get3A_1272, %get3A_1273] {strides = array<i32>} : memref<4x8192xf32, #tpu.memory_space<vmem>>, vector<16xf32>,
          %mul3A_1275 = arith.mulf %get3A_1274, %select_n3A_70 : vector<16xf32>
          %add3A_1276 = arith.constant 48 : i32
          %add3A_1277 = arith.addi %mul3A_1257, %add3A_1276 : i32
          %get3A_1278 = arith.index_cast %scan3A_462 : i32 to index
          %get3A_1279 = arith.index_cast %add3A_1277 : i32 to index
          %get3A_1280 = tpu.vector_load %arg5[%get3A_1278, %get3A_1279] {strides = array<i32>} : memref<4x8192xf32, #tpu.memory_space<vmem>>, vector<16xf32>,
          %mul3A_1281 = arith.mulf %get3A_1280, %select_n3A_95 : vector<16xf32>
          %add3A_1282 = arith.constant 64 : i32
          %add3A_1283 = arith.addi %mul3A_1257, %add3A_1282 : i32
          %get3A_1284 = arith.index_cast %scan3A_462 : i32 to index
          %get3A_1285 = arith.index_cast %add3A_1283 : i32 to index
          %get3A_1286 = tpu.vector_load %arg5[%get3A_1284, %get3A_1285] {strides = array<i32>} : memref<4x8192xf32, #tpu.memory_space<vmem>>, vector<16xf32>,
          %mul3A_1287 = arith.mulf %get3A_1286, %select_n3A_120 : vector<16xf32>
          %add3A_1288 = arith.constant 80 : i32
          %add3A_1289 = arith.addi %mul3A_1257, %add3A_1288 : i32
          %get3A_1290 = arith.index_cast %scan3A_462 : i32 to index
          %get3A_1291 = arith.index_cast %add3A_1289 : i32 to index
          %get3A_1292 = tpu.vector_load %arg5[%get3A_1290, %get3A_1291] {strides = array<i32>} : memref<4x8192xf32, #tpu.memory_space<vmem>>, vector<16xf32>,
          %mul3A_1293 = arith.mulf %get3A_1292, %select_n3A_145 : vector<16xf32>
          %add3A_1294 = arith.constant 96 : i32
          %add3A_1295 = arith.addi %mul3A_1257, %add3A_1294 : i32
          %get3A_1296 = arith.index_cast %scan3A_462 : i32 to index
          %get3A_1297 = arith.index_cast %add3A_1295 : i32 to index
          %get3A_1298 = tpu.vector_load %arg5[%get3A_1296, %get3A_1297] {strides = array<i32>} : memref<4x8192xf32, #tpu.memory_space<vmem>>, vector<16xf32>,
          %mul3A_1299 = arith.mulf %get3A_1298, %select_n3A_170 : vector<16xf32>
          %add3A_1300 = arith.constant 112 : i32
          %add3A_1301 = arith.addi %mul3A_1257, %add3A_1300 : i32
          %get3A_1302 = arith.index_cast %scan3A_462 : i32 to index
          %get3A_1303 = arith.index_cast %add3A_1301 : i32 to index
          %get3A_1304 = tpu.vector_load %arg5[%get3A_1302, %get3A_1303] {strides = array<i32>} : memref<4x8192xf32, #tpu.memory_space<vmem>>, vector<16xf32>,
          %mul3A_1305 = arith.mulf %get3A_1304, %select_n3A_195 : vector<16xf32>
          %add3A_1306 = arith.constant 128 : i32
          %add3A_1307 = arith.addi %mul3A_1257, %add3A_1306 : i32
          %get3A_1308 = arith.index_cast %scan3A_462 : i32 to index
          %get3A_1309 = arith.index_cast %add3A_1307 : i32 to index
          %get3A_1310 = tpu.vector_load %arg5[%get3A_1308, %get3A_1309] {strides = array<i32>} : memref<4x8192xf32, #tpu.memory_space<vmem>>, vector<16xf32>,
          %mul3A_1311 = arith.mulf %get3A_1310, %select_n3A_220 : vector<16xf32>
          %add3A_1312 = arith.constant 144 : i32
          %add3A_1313 = arith.addi %mul3A_1257, %add3A_1312 : i32
          %get3A_1314 = arith.index_cast %scan3A_462 : i32 to index
          %get3A_1315 = arith.index_cast %add3A_1313 : i32 to index
          %get3A_1316 = tpu.vector_load %arg5[%get3A_1314, %get3A_1315] {strides = array<i32>} : memref<4x8192xf32, #tpu.memory_space<vmem>>, vector<16xf32>,
          %mul3A_1317 = arith.mulf %get3A_1316, %select_n3A_245 : vector<16xf32>
          %add3A_1318 = arith.constant 160 : i32
          %add3A_1319 = arith.addi %mul3A_1257, %add3A_1318 : i32
          %get3A_1320 = arith.index_cast %scan3A_462 : i32 to index
          %get3A_1321 = arith.index_cast %add3A_1319 : i32 to index
          %get3A_1322 = tpu.vector_load %arg5[%get3A_1320, %get3A_1321] {strides = array<i32>} : memref<4x8192xf32, #tpu.memory_space<vmem>>, vector<16xf32>,
          %mul3A_1323 = arith.mulf %get3A_1322, %select_n3A_270 : vector<16xf32>
          %add3A_1324 = arith.constant 176 : i32
          %add3A_1325 = arith.addi %mul3A_1257, %add3A_1324 : i32
          %get3A_1326 = arith.index_cast %scan3A_462 : i32 to index
          %get3A_1327 = arith.index_cast %add3A_1325 : i32 to index
          %get3A_1328 = tpu.vector_load %arg5[%get3A_1326, %get3A_1327] {strides = array<i32>} : memref<4x8192xf32, #tpu.memory_space<vmem>>, vector<16xf32>,
          %mul3A_1329 = arith.mulf %get3A_1328, %select_n3A_295 : vector<16xf32>
          %add3A_1330 = arith.constant 192 : i32
          %add3A_1331 = arith.addi %mul3A_1257, %add3A_1330 : i32
          %get3A_1332 = arith.index_cast %scan3A_462 : i32 to index
          %get3A_1333 = arith.index_cast %add3A_1331 : i32 to index
          %get3A_1334 = tpu.vector_load %arg5[%get3A_1332, %get3A_1333] {strides = array<i32>} : memref<4x8192xf32, #tpu.memory_space<vmem>>, vector<16xf32>,
          %mul3A_1335 = arith.mulf %get3A_1334, %select_n3A_320 : vector<16xf32>
          %add3A_1336 = arith.constant 208 : i32
          %add3A_1337 = arith.addi %mul3A_1257, %add3A_1336 : i32
          %get3A_1338 = arith.index_cast %scan3A_462 : i32 to index
          %get3A_1339 = arith.index_cast %add3A_1337 : i32 to index
          %get3A_1340 = tpu.vector_load %arg5[%get3A_1338, %get3A_1339] {strides = array<i32>} : memref<4x8192xf32, #tpu.memory_space<vmem>>, vector<16xf32>,
          %mul3A_1341 = arith.mulf %get3A_1340, %select_n3A_345 : vector<16xf32>
          %add3A_1342 = arith.constant 224 : i32
          %add3A_1343 = arith.addi %mul3A_1257, %add3A_1342 : i32
          %get3A_1344 = arith.index_cast %scan3A_462 : i32 to index
          %get3A_1345 = arith.index_cast %add3A_1343 : i32 to index
          %get3A_1346 = tpu.vector_load %arg5[%get3A_1344, %get3A_1345] {strides = array<i32>} : memref<4x8192xf32, #tpu.memory_space<vmem>>, vector<16xf32>,
          %mul3A_1347 = arith.mulf %get3A_1346, %select_n3A_370 : vector<16xf32>
          %add3A_1348 = arith.constant 240 : i32
          %add3A_1349 = arith.addi %mul3A_1257, %add3A_1348 : i32
          %get3A_1350 = arith.index_cast %scan3A_462 : i32 to index
          %get3A_1351 = arith.index_cast %add3A_1349 : i32 to index
          %get3A_1352 = tpu.vector_load %arg5[%get3A_1350, %get3A_1351] {strides = array<i32>} : memref<4x8192xf32, #tpu.memory_space<vmem>>, vector<16xf32>,
          %mul3A_1353 = arith.mulf %get3A_1352, %select_n3A_395 : vector<16xf32>
          %add3A_1354 = arith.addf %mul3A_1263, %mul3A_1269 : vector<16xf32>
          %add3A_1355 = arith.addf %mul3A_1275, %mul3A_1281 : vector<16xf32>
          %add3A_1356 = arith.addf %mul3A_1287, %mul3A_1293 : vector<16xf32>
          %add3A_1357 = arith.addf %mul3A_1299, %mul3A_1305 : vector<16xf32>
          %add3A_1358 = arith.addf %mul3A_1311, %mul3A_1317 : vector<16xf32>
          %add3A_1359 = arith.addf %mul3A_1323, %mul3A_1329 : vector<16xf32>
          %add3A_1360 = arith.addf %mul3A_1335, %mul3A_1341 : vector<16xf32>
          %add3A_1361 = arith.addf %mul3A_1347, %mul3A_1353 : vector<16xf32>
          %add3A_1362 = arith.addf %add3A_1354, %add3A_1355 : vector<16xf32>
          %add3A_1363 = arith.addf %add3A_1356, %add3A_1357 : vector<16xf32>
          %add3A_1364 = arith.addf %add3A_1358, %add3A_1359 : vector<16xf32>
          %add3A_1365 = arith.addf %add3A_1360, %add3A_1361 : vector<16xf32>
          %add3A_1366 = arith.addf %add3A_1362, %add3A_1363 : vector<16xf32>
          %add3A_1367 = arith.addf %add3A_1364, %add3A_1365 : vector<16xf32>
          %add3A_1368 = arith.addf %add3A_1366, %add3A_1367 : vector<16xf32>
          %reduce_sum3A_1369 = arith.constant true
          %reduce_sum3A_1370 = vector.broadcast %reduce_sum3A_1369 : i1 to vector<16xi1>
          %reduce_sum3A_1371 = tpu.scan <sum>, %add3A_1368 masked %reduce_sum3A_1370 : vector<16xf32>, vector<16xi1> -> vector<16xf32>
          %reduce_sum3A_1372 = vector.extract %reduce_sum3A_1371[15] : f32 from vector<16xf32>
          %mul3A_1373 = arith.constant 256 : i32
          %mul3A_1374 = arith.muli %scan3A_1255, %mul3A_1373 : i32
          %add3A_1375 = arith.constant 4096 : i32
          %add3A_1376 = arith.addi %mul3A_1374, %add3A_1375 : i32
          %add3A_1377 = arith.constant 0 : i32
          %add3A_1378 = arith.addi %add3A_1376, %add3A_1377 : i32
          %get3A_1379 = arith.index_cast %scan3A_462 : i32 to index
          %get3A_1380 = arith.index_cast %add3A_1378 : i32 to index
          %get3A_1381 = tpu.vector_load %arg5[%get3A_1379, %get3A_1380] {strides = array<i32>} : memref<4x8192xf32, #tpu.memory_space<vmem>>, vector<16xf32>,
          %mul3A_1382 = arith.mulf %get3A_1381, %select_n3A : vector<16xf32>
          %add3A_1383 = arith.constant 16 : i32
          %add3A_1384 = arith.addi %add3A_1376, %add3A_1383 : i32
          %get3A_1385 = arith.index_cast %scan3A_462 : i32 to index
          %get3A_1386 = arith.index_cast %add3A_1384 : i32 to index
          %get3A_1387 = tpu.vector_load %arg5[%get3A_1385, %get3A_1386] {strides = array<i32>} : memref<4x8192xf32, #tpu.memory_space<vmem>>, vector<16xf32>,
          %mul3A_1388 = arith.mulf %get3A_1387, %select_n3A_45 : vector<16xf32>
          %add3A_1389 = arith.constant 32 : i32
          %add3A_1390 = arith.addi %add3A_1376, %add3A_1389 : i32
          %get3A_1391 = arith.index_cast %scan3A_462 : i32 to index
          %get3A_1392 = arith.index_cast %add3A_1390 : i32 to index
          %get3A_1393 = tpu.vector_load %arg5[%get3A_1391, %get3A_1392] {strides = array<i32>} : memref<4x8192xf32, #tpu.memory_space<vmem>>, vector<16xf32>,
          %mul3A_1394 = arith.mulf %get3A_1393, %select_n3A_70 : vector<16xf32>
          %add3A_1395 = arith.constant 48 : i32
          %add3A_1396 = arith.addi %add3A_1376, %add3A_1395 : i32
          %get3A_1397 = arith.index_cast %scan3A_462 : i32 to index
          %get3A_1398 = arith.index_cast %add3A_1396 : i32 to index
          %get3A_1399 = tpu.vector_load %arg5[%get3A_1397, %get3A_1398] {strides = array<i32>} : memref<4x8192xf32, #tpu.memory_space<vmem>>, vector<16xf32>,
          %mul3A_1400 = arith.mulf %get3A_1399, %select_n3A_95 : vector<16xf32>
          %add3A_1401 = arith.constant 64 : i32
          %add3A_1402 = arith.addi %add3A_1376, %add3A_1401 : i32
          %get3A_1403 = arith.index_cast %scan3A_462 : i32 to index
          %get3A_1404 = arith.index_cast %add3A_1402 : i32 to index
          %get3A_1405 = tpu.vector_load %arg5[%get3A_1403, %get3A_1404] {strides = array<i32>} : memref<4x8192xf32, #tpu.memory_space<vmem>>, vector<16xf32>,
          %mul3A_1406 = arith.mulf %get3A_1405, %select_n3A_120 : vector<16xf32>
          %add3A_1407 = arith.constant 80 : i32
          %add3A_1408 = arith.addi %add3A_1376, %add3A_1407 : i32
          %get3A_1409 = arith.index_cast %scan3A_462 : i32 to index
          %get3A_1410 = arith.index_cast %add3A_1408 : i32 to index
          %get3A_1411 = tpu.vector_load %arg5[%get3A_1409, %get3A_1410] {strides = array<i32>} : memref<4x8192xf32, #tpu.memory_space<vmem>>, vector<16xf32>,
          %mul3A_1412 = arith.mulf %get3A_1411, %select_n3A_145 : vector<16xf32>
          %add3A_1413 = arith.constant 96 : i32
          %add3A_1414 = arith.addi %add3A_1376, %add3A_1413 : i32
          %get3A_1415 = arith.index_cast %scan3A_462 : i32 to index
          %get3A_1416 = arith.index_cast %add3A_1414 : i32 to index
          %get3A_1417 = tpu.vector_load %arg5[%get3A_1415, %get3A_1416] {strides = array<i32>} : memref<4x8192xf32, #tpu.memory_space<vmem>>, vector<16xf32>,
          %mul3A_1418 = arith.mulf %get3A_1417, %select_n3A_170 : vector<16xf32>
          %add3A_1419 = arith.constant 112 : i32
          %add3A_1420 = arith.addi %add3A_1376, %add3A_1419 : i32
          %get3A_1421 = arith.index_cast %scan3A_462 : i32 to index
          %get3A_1422 = arith.index_cast %add3A_1420 : i32 to index
          %get3A_1423 = tpu.vector_load %arg5[%get3A_1421, %get3A_1422] {strides = array<i32>} : memref<4x8192xf32, #tpu.memory_space<vmem>>, vector<16xf32>,
          %mul3A_1424 = arith.mulf %get3A_1423, %select_n3A_195 : vector<16xf32>
          %add3A_1425 = arith.constant 128 : i32
          %add3A_1426 = arith.addi %add3A_1376, %add3A_1425 : i32
          %get3A_1427 = arith.index_cast %scan3A_462 : i32 to index
          %get3A_1428 = arith.index_cast %add3A_1426 : i32 to index
          %get3A_1429 = tpu.vector_load %arg5[%get3A_1427, %get3A_1428] {strides = array<i32>} : memref<4x8192xf32, #tpu.memory_space<vmem>>, vector<16xf32>,
          %mul3A_1430 = arith.mulf %get3A_1429, %select_n3A_220 : vector<16xf32>
          %add3A_1431 = arith.constant 144 : i32
          %add3A_1432 = arith.addi %add3A_1376, %add3A_1431 : i32
          %get3A_1433 = arith.index_cast %scan3A_462 : i32 to index
          %get3A_1434 = arith.index_cast %add3A_1432 : i32 to index
          %get3A_1435 = tpu.vector_load %arg5[%get3A_1433, %get3A_1434] {strides = array<i32>} : memref<4x8192xf32, #tpu.memory_space<vmem>>, vector<16xf32>,
          %mul3A_1436 = arith.mulf %get3A_1435, %select_n3A_245 : vector<16xf32>
          %add3A_1437 = arith.constant 160 : i32
          %add3A_1438 = arith.addi %add3A_1376, %add3A_1437 : i32
          %get3A_1439 = arith.index_cast %scan3A_462 : i32 to index
          %get3A_1440 = arith.index_cast %add3A_1438 : i32 to index
          %get3A_1441 = tpu.vector_load %arg5[%get3A_1439, %get3A_1440] {strides = array<i32>} : memref<4x8192xf32, #tpu.memory_space<vmem>>, vector<16xf32>,
          %mul3A_1442 = arith.mulf %get3A_1441, %select_n3A_270 : vector<16xf32>
          %add3A_1443 = arith.constant 176 : i32
          %add3A_1444 = arith.addi %add3A_1376, %add3A_1443 : i32
          %get3A_1445 = arith.index_cast %scan3A_462 : i32 to index
          %get3A_1446 = arith.index_cast %add3A_1444 : i32 to index
          %get3A_1447 = tpu.vector_load %arg5[%get3A_1445, %get3A_1446] {strides = array<i32>} : memref<4x8192xf32, #tpu.memory_space<vmem>>, vector<16xf32>,
          %mul3A_1448 = arith.mulf %get3A_1447, %select_n3A_295 : vector<16xf32>
          %add3A_1449 = arith.constant 192 : i32
          %add3A_1450 = arith.addi %add3A_1376, %add3A_1449 : i32
          %get3A_1451 = arith.index_cast %scan3A_462 : i32 to index
          %get3A_1452 = arith.index_cast %add3A_1450 : i32 to index
          %get3A_1453 = tpu.vector_load %arg5[%get3A_1451, %get3A_1452] {strides = array<i32>} : memref<4x8192xf32, #tpu.memory_space<vmem>>, vector<16xf32>,
          %mul3A_1454 = arith.mulf %get3A_1453, %select_n3A_320 : vector<16xf32>
          %add3A_1455 = arith.constant 208 : i32
          %add3A_1456 = arith.addi %add3A_1376, %add3A_1455 : i32
          %get3A_1457 = arith.index_cast %scan3A_462 : i32 to index
          %get3A_1458 = arith.index_cast %add3A_1456 : i32 to index
          %get3A_1459 = tpu.vector_load %arg5[%get3A_1457, %get3A_1458] {strides = array<i32>} : memref<4x8192xf32, #tpu.memory_space<vmem>>, vector<16xf32>,
          %mul3A_1460 = arith.mulf %get3A_1459, %select_n3A_345 : vector<16xf32>
          %add3A_1461 = arith.constant 224 : i32
          %add3A_1462 = arith.addi %add3A_1376, %add3A_1461 : i32
          %get3A_1463 = arith.index_cast %scan3A_462 : i32 to index
          %get3A_1464 = arith.index_cast %add3A_1462 : i32 to index
          %get3A_1465 = tpu.vector_load %arg5[%get3A_1463, %get3A_1464] {strides = array<i32>} : memref<4x8192xf32, #tpu.memory_space<vmem>>, vector<16xf32>,
          %mul3A_1466 = arith.mulf %get3A_1465, %select_n3A_370 : vector<16xf32>
          %add3A_1467 = arith.constant 240 : i32
          %add3A_1468 = arith.addi %add3A_1376, %add3A_1467 : i32
          %get3A_1469 = arith.index_cast %scan3A_462 : i32 to index
          %get3A_1470 = arith.index_cast %add3A_1468 : i32 to index
          %get3A_1471 = tpu.vector_load %arg5[%get3A_1469, %get3A_1470] {strides = array<i32>} : memref<4x8192xf32, #tpu.memory_space<vmem>>, vector<16xf32>,
          %mul3A_1472 = arith.mulf %get3A_1471, %select_n3A_395 : vector<16xf32>
          %add3A_1473 = arith.addf %mul3A_1382, %mul3A_1388 : vector<16xf32>
          %add3A_1474 = arith.addf %mul3A_1394, %mul3A_1400 : vector<16xf32>
          %add3A_1475 = arith.addf %mul3A_1406, %mul3A_1412 : vector<16xf32>
          %add3A_1476 = arith.addf %mul3A_1418, %mul3A_1424 : vector<16xf32>
          %add3A_1477 = arith.addf %mul3A_1430, %mul3A_1436 : vector<16xf32>
          %add3A_1478 = arith.addf %mul3A_1442, %mul3A_1448 : vector<16xf32>
          %add3A_1479 = arith.addf %mul3A_1454, %mul3A_1460 : vector<16xf32>
          %add3A_1480 = arith.addf %mul3A_1466, %mul3A_1472 : vector<16xf32>
          %add3A_1481 = arith.addf %add3A_1473, %add3A_1474 : vector<16xf32>
          %add3A_1482 = arith.addf %add3A_1475, %add3A_1476 : vector<16xf32>
          %add3A_1483 = arith.addf %add3A_1477, %add3A_1478 : vector<16xf32>
          %add3A_1484 = arith.addf %add3A_1479, %add3A_1480 : vector<16xf32>
          %add3A_1485 = arith.addf %add3A_1481, %add3A_1482 : vector<16xf32>
          %add3A_1486 = arith.addf %add3A_1483, %add3A_1484 : vector<16xf32>
          %add3A_1487 = arith.addf %add3A_1485, %add3A_1486 : vector<16xf32>
          %reduce_sum3A_1488 = arith.constant true
          %reduce_sum3A_1489 = vector.broadcast %reduce_sum3A_1488 : i1 to vector<16xi1>
          %reduce_sum3A_1490 = tpu.scan <sum>, %add3A_1487 masked %reduce_sum3A_1489 : vector<16xf32>, vector<16xi1> -> vector<16xf32>
          %reduce_sum3A_1491 = vector.extract %reduce_sum3A_1490[15] : f32 from vector<16xf32>
          %eq3A_1492 = vector.broadcast %scan3A_1255 : i32 to vector<16xi32>
          %eq3A_1493 = arith.cmpi eq, %iota3A, %eq3A_1492 : vector<16xi32>
          %broadcast_in_dim3A_1494 = vector.broadcast %reduce_sum3A_1372 : f32 to vector<16xf32>
          %select_n3A_1495 = arith.select %eq3A_1493, %broadcast_in_dim3A_1494, %select_n3A_1249 : vector<16xi1>, vector<16xf32>
          %eq3A_1496 = vector.broadcast %scan3A_1255 : i32 to vector<16xi32>
          %eq3A_1497 = arith.cmpi eq, %iota3A, %eq3A_1496 : vector<16xi32>
          %broadcast_in_dim3A_1498 = vector.broadcast %reduce_sum3A_1491 : f32 to vector<16xf32>
          %select_n3A_1499 = arith.select %eq3A_1497, %broadcast_in_dim3A_1498, %select_n3A_1253 : vector<16xi1>, vector<16xf32>
          scf.yield %select_n3A_1495, %select_n3A_1499 : vector<16xf32>, vector<16xf32>
        }
        %scan3A_470 = arith.constant 16 : i32
        %mul3A_471 = arith.constant 4 : i32
        %mul3A_472 = arith.muli %add3A_440, %mul3A_471 : i32
        %add3A_473 = arith.addi %mul3A_472, %scan3A_462 : i32
        %jit3A_474 = arith.constant 1.024000e+03 : f32
        %rem3A_475 = vector.broadcast %jit3A_474 : f32 to vector<16xf32>
        %rem3A_476 = arith.remf %scan3A_469#0, %rem3A_475 : vector<16xf32>
        %ne3A_477 = arith.constant 0.000000e+00 : f32
        %ne3A_478 = vector.broadcast %ne3A_477 : f32 to vector<16xf32>
        %ne3A_479 = arith.cmpf one, %rem3A_476, %ne3A_478 : vector<16xf32>
        %lt3A_480 = arith.constant 0.000000e+00 : f32
        %lt3A_481 = vector.broadcast %lt3A_480 : f32 to vector<16xf32>
        %lt3A_482 = arith.cmpf olt, %rem3A_476, %lt3A_481 : vector<16xf32>
        %lt3A_483 = arith.constant 0.000000e+00 : f32
        %lt3A_484 = arith.cmpf olt, %jit3A_474, %lt3A_483 : f32
        %ne3A_485 = vector.broadcast %lt3A_484 : i1 to vector<16xi1>
        %ne3A_486 = vector.broadcast %ne3A_485 : vector<16xi1> to vector<16xi1>
        %ne3A_487 = arith.xori %lt3A_482, %ne3A_486 : vector<16xi1>
        %and3A_488 = arith.andi %ne3A_487, %ne3A_479 : vector<16xi1>
        %add3A_489 = vector.broadcast %jit3A_474 : f32 to vector<16xf32>
        %add3A_490 = arith.addf %rem3A_476, %add3A_489 : vector<16xf32>
        %select_n3A_491 = arith.select %and3A_488, %add3A_490, %rem3A_476 : vector<16xi1>, vector<16xf32>
        %convert_element_type3A_492 = arith.fptosi %select_n3A_491 : vector<16xf32> to vector<16xi32>
        %swap3A = arith.index_cast %add3A_473 : i32 to index
        %swap3A_493 = arith.constant 0 : index
        %swap3A_494 = tpu.vector_load %arg6[%swap3A, %swap3A_493] {strides = array<i32>} : memref<56x32xi32, #tpu.memory_space<vmem>>, vector<16xi32>,
        tpu.vector_store %arg6[%swap3A, %swap3A_493], %convert_element_type3A_492 {strides = array<i32>} : memref<56x32xi32, #tpu.memory_space<vmem>>, vector<16xi32>,
        %jit3A_495 = arith.constant 1.024000e+03 : f32
        %rem3A_496 = vector.broadcast %jit3A_495 : f32 to vector<16xf32>
        %rem3A_497 = arith.remf %scan3A_469#1, %rem3A_496 : vector<16xf32>
        %ne3A_498 = arith.constant 0.000000e+00 : f32
        %ne3A_499 = vector.broadcast %ne3A_498 : f32 to vector<16xf32>
        %ne3A_500 = arith.cmpf one, %rem3A_497, %ne3A_499 : vector<16xf32>
        %lt3A_501 = arith.constant 0.000000e+00 : f32
        %lt3A_502 = vector.broadcast %lt3A_501 : f32 to vector<16xf32>
        %lt3A_503 = arith.cmpf olt, %rem3A_497, %lt3A_502 : vector<16xf32>
        %lt3A_504 = arith.constant 0.000000e+00 : f32
        %lt3A_505 = arith.cmpf olt, %jit3A_495, %lt3A_504 : f32
        %ne3A_506 = vector.broadcast %lt3A_505 : i1 to vector<16xi1>
        %ne3A_507 = vector.broadcast %ne3A_506 : vector<16xi1> to vector<16xi1>
        %ne3A_508 = arith.xori %lt3A_503, %ne3A_507 : vector<16xi1>
        %and3A_509 = arith.andi %ne3A_508, %ne3A_500 : vector<16xi1>
        %add3A_510 = vector.broadcast %jit3A_495 : f32 to vector<16xf32>
        %add3A_511 = arith.addf %rem3A_497, %add3A_510 : vector<16xf32>
        %select_n3A_512 = arith.select %and3A_509, %add3A_511, %rem3A_497 : vector<16xi1>, vector<16xf32>
        %convert_element_type3A_513 = arith.fptosi %select_n3A_512 : vector<16xf32> to vector<16xi32>
        %swap3A_514 = arith.index_cast %add3A_473 : i32 to index
        %swap3A_515 = arith.constant 16 : index
        %swap3A_516 = tpu.vector_load %arg6[%swap3A_514, %swap3A_515] {strides = array<i32>} : memref<56x32xi32, #tpu.memory_space<vmem>>, vector<16xi32>,
        tpu.vector_store %arg6[%swap3A_514, %swap3A_515], %convert_element_type3A_513 {strides = array<i32>} : memref<56x32xi32, #tpu.memory_space<vmem>>, vector<16xi32>,
        %scan3A_517 = arith.constant 0 : i32
        scf.yield %scan3A_517 : i32
      }
      %scan3A_453 = arith.constant 4 : i32
      %add3A_454 = arith.constant 2 : i32
      %add3A_455 = arith.addi %add3A_440, %add3A_454 : i32
      %lt3A_456 = arith.constant 14 : i32
      %lt3A_457 = arith.cmpi slt, %add3A_455, %lt3A_456 : i32
      %convert_element_type3A_458 = arith.extui %lt3A_457 : i1 to i32
      %cond3A_459 = arith.constant 0 : i32
      %cond3A_460 = arith.cmpi ne, %convert_element_type3A_458, %cond3A_459 : i32
      scf.if %cond3A_460 {
        %add3A_462 = arith.constant 2 : i32
        %add3A_463 = arith.addi %add3A_440, %add3A_462 : i32
        %mul3A_464 = arith.constant 4 : i32
        %mul3A_465 = arith.muli %add3A_463, %mul3A_464 : i32
        %add3A_466 = arith.addi %mul3A_2, %mul3A_465 : i32
        %dma_start3A_467 = arith.constant 0 : i32
        %dma_start3A_468 = tpu.memref_slice %arg2[%add3A_466, %dma_start3A_467] : memref<4096x8192xf32, #tpu.memory_space<hbm>> -> memref<4x8192xf32, #tpu.memory_space<hbm>>
        %dma_start3A_469 = arith.constant 0 : i32
        %dma_start3A_470 = tpu.memref_slice %arg2[%add3A_466, %dma_start3A_469] : memref<4096x8192xf32, #tpu.memory_space<hbm>> -> memref<4x8192xf32, #tpu.memory_space<hbm>>
        tpu.enqueue_dma source(%dma_start3A_470 : memref<4x8192xf32, #tpu.memory_space<hbm>>) target(%arg5 : memref<4x8192xf32, #tpu.memory_space<vmem>>) target_semaphore(%arg8 : memref<!tpu.dma_semaphore, #tpu.memory_space<semaphore_mem>>)
      } else {
      }
      %scan3A_461 = arith.constant 0 : i32
      scf.yield %scan3A_461 : i32
    }
    %scan3A_412 = arith.constant 7 : i32
    "tpu.region"() ({
      %run_scoped3A = tpu.sem_alloc : memref<!tpu.dma_semaphore, #tpu.memory_space<semaphore_mem>>
      %dma_start3A_413 = arith.constant 0 : i32
      %dma_start3A_414 = tpu.memref_slice %arg3[%mul3A_2, %dma_start3A_413] : memref<1792x32xi32, #tpu.memory_space<hbm>> -> memref<56x32xi32, #tpu.memory_space<hbm>>
      %dma_start3A_415 = arith.constant 0 : i32
      %dma_start3A_416 = tpu.memref_slice %arg3[%mul3A_2, %dma_start3A_415] : memref<1792x32xi32, #tpu.memory_space<hbm>> -> memref<56x32xi32, #tpu.memory_space<hbm>>
      tpu.enqueue_dma source(%arg6 : memref<56x32xi32, #tpu.memory_space<vmem>>) target(%dma_start3A_416 : memref<56x32xi32, #tpu.memory_space<hbm>>) target_semaphore(%run_scoped3A : memref<!tpu.dma_semaphore, #tpu.memory_space<semaphore_mem>>)
      %dma_wait3A = arith.constant 0 : i32
      %dma_wait3A_417 = tpu.memref_slice %arg3[%mul3A_2, %dma_wait3A] : memref<1792x32xi32, #tpu.memory_space<hbm>> -> memref<56x32xi32, #tpu.memory_space<hbm>>
      %dma_wait3A_418 = arith.constant 0 : i32
      %dma_wait3A_419 = tpu.memref_slice %arg3[%mul3A_2, %dma_wait3A_418] : memref<1792x32xi32, #tpu.memory_space<hbm>> -> memref<56x32xi32, #tpu.memory_space<hbm>>
      tpu.wait_dma2 semaphore(%run_scoped3A : memref<!tpu.dma_semaphore, #tpu.memory_space<semaphore_mem>>) src(%arg6 : memref<56x32xi32, #tpu.memory_space<vmem>>) dst(%dma_wait3A_419 : memref<56x32xi32, #tpu.memory_space<hbm>>)
      tpu.yield
    }) : () -> ()
    return
  }
}

module attributes {stable_mosaic.version = 14 : i64} {
  func.func @_tc_body(%arg0: i32, %arg1: memref<256x8192xf32, #tpu.memory_space<vmem>>, %arg2: memref<256x32xi32, #tpu.memory_space<vmem>>) attributes {dimension_semantics = [#tpu.dimension_semantics<arbitrary>], iteration_bounds = array<i64: 9>, scalar_prefetch = 0 : i64, scratch_operands = 0 : i64, tpu.core_type = #tpu.core_type<tc>, window_params = [{transform_indices = @transform_0, window_bounds = array<i64: 256, 8192>}, {transform_indices = @transform_1, window_bounds = array<i64: 256, 32>}]} {
    %iota3A = tpu.iota {dimensions = array<i32: 1>} : vector<1x256xi32>
    %convert_element_type3A = arith.sitofp %iota3A : vector<1x256xi32> to vector<1x256xf32>
    %mul3A = arith.constant 2.65443584E+9 : f32
    %mul3A_0 = vector.broadcast %mul3A : f32 to vector<1x256xf32>
    %mul3A_1 = arith.mulf %convert_element_type3A, %mul3A_0 : vector<1x256xf32>
    %jit3A = arith.constant 1.000000e+09 : f32
    %rem3A = vector.broadcast %jit3A : f32 to vector<1x256xf32>
    %rem3A_2 = arith.remf %mul3A_1, %rem3A : vector<1x256xf32>
    %ne3A = arith.constant 0.000000e+00 : f32
    %ne3A_3 = vector.broadcast %ne3A : f32 to vector<1x256xf32>
    %ne3A_4 = arith.cmpf one, %rem3A_2, %ne3A_3 : vector<1x256xf32>
    %lt3A = arith.constant 0.000000e+00 : f32
    %lt3A_5 = vector.broadcast %lt3A : f32 to vector<1x256xf32>
    %lt3A_6 = arith.cmpf olt, %rem3A_2, %lt3A_5 : vector<1x256xf32>
    %lt3A_7 = arith.constant 0.000000e+00 : f32
    %lt3A_8 = arith.cmpf olt, %jit3A, %lt3A_7 : f32
    %ne3A_9 = vector.broadcast %lt3A_8 : i1 to vector<1x256xi1>
    %ne3A_10 = vector.broadcast %ne3A_9 : vector<1x256xi1> to vector<1x256xi1>
    %ne3A_11 = arith.xori %lt3A_6, %ne3A_10 : vector<1x256xi1>
    %and3A = arith.andi %ne3A_11, %ne3A_4 : vector<1x256xi1>
    %add3A = vector.broadcast %jit3A : f32 to vector<1x256xf32>
    %add3A_12 = arith.addf %rem3A_2, %add3A : vector<1x256xf32>
    %select_n3A = arith.select %and3A, %add3A_12, %rem3A_2 : vector<1x256xi1>, vector<1x256xf32>
    %get3A = arith.constant 0 : index
    %get3A_13 = arith.constant 0 : index
    %get3A_14 = vector.load %arg1[%get3A, %get3A_13] : memref<256x8192xf32, #tpu.memory_space<vmem>>, vector<256x256xf32>
    %mul3A_15 = vector.broadcast %select_n3A : vector<1x256xf32> to vector<256x256xf32>
    %mul3A_16 = arith.mulf %get3A_14, %mul3A_15 : vector<256x256xf32>
    %reduce_sum3A = arith.constant dense<0.000000e+00> : vector<256xf32>
    %reduce_sum3A_17 = vector.multi_reduction <add>, %mul3A_16, %reduce_sum3A [1] : vector<256x256xf32> to vector<256xf32>
    %jit3A_18 = arith.constant 1.024000e+03 : f32
    %rem3A_19 = vector.broadcast %jit3A_18 : f32 to vector<256xf32>
    %rem3A_20 = arith.remf %reduce_sum3A_17, %rem3A_19 : vector<256xf32>
    %ne3A_21 = arith.constant 0.000000e+00 : f32
    %ne3A_22 = vector.broadcast %ne3A_21 : f32 to vector<256xf32>
    %ne3A_23 = arith.cmpf one, %rem3A_20, %ne3A_22 : vector<256xf32>
    %lt3A_24 = arith.constant 0.000000e+00 : f32
    %lt3A_25 = vector.broadcast %lt3A_24 : f32 to vector<256xf32>
    %lt3A_26 = arith.cmpf olt, %rem3A_20, %lt3A_25 : vector<256xf32>
    %lt3A_27 = arith.constant 0.000000e+00 : f32
    %lt3A_28 = arith.cmpf olt, %jit3A_18, %lt3A_27 : f32
    %ne3A_29 = vector.broadcast %lt3A_28 : i1 to vector<256xi1>
    %ne3A_30 = vector.broadcast %ne3A_29 : vector<256xi1> to vector<256xi1>
    %ne3A_31 = arith.xori %lt3A_26, %ne3A_30 : vector<256xi1>
    %and3A_32 = arith.andi %ne3A_31, %ne3A_23 : vector<256xi1>
    %add3A_33 = vector.broadcast %jit3A_18 : f32 to vector<256xf32>
    %add3A_34 = arith.addf %rem3A_20, %add3A_33 : vector<256xf32>
    %select_n3A_35 = arith.select %and3A_32, %add3A_34, %rem3A_20 : vector<256xi1>, vector<256xf32>
    %convert_element_type3A_36 = arith.fptosi %select_n3A_35 : vector<256xf32> to vector<256xi32>
    %swap3A = arith.constant 0 : index
    %swap3A_37 = arith.constant 0 : index
    %swap3A_38 = vector.load %arg2[%swap3A, %swap3A_37] : memref<256x32xi32, #tpu.memory_space<vmem>>, vector<256x1xi32>
    %swap3A_39 = vector.shape_cast %swap3A_38 : vector<256x1xi32> to vector<256xi32>
    %swap3A_40 = vector.shape_cast %convert_element_type3A_36 : vector<256xi32> to vector<256x1xi32>
    tpu.vector_store %arg2[%swap3A, %swap3A_37], %swap3A_40 {strides = array<i32>} : memref<256x32xi32, #tpu.memory_space<vmem>>, vector<256x1xi32>,
    %get3A_41 = arith.constant 0 : index
    %get3A_42 = arith.constant 256 : index
    %get3A_43 = vector.load %arg1[%get3A_41, %get3A_42] : memref<256x8192xf32, #tpu.memory_space<vmem>>, vector<256x256xf32>
    %mul3A_44 = vector.broadcast %select_n3A : vector<1x256xf32> to vector<256x256xf32>
    %mul3A_45 = arith.mulf %get3A_43, %mul3A_44 : vector<256x256xf32>
    %reduce_sum3A_46 = arith.constant dense<0.000000e+00> : vector<256xf32>
    %reduce_sum3A_47 = vector.multi_reduction <add>, %mul3A_45, %reduce_sum3A_46 [1] : vector<256x256xf32> to vector<256xf32>
    %jit3A_48 = arith.constant 1.024000e+03 : f32
    %rem3A_49 = vector.broadcast %jit3A_48 : f32 to vector<256xf32>
    %rem3A_50 = arith.remf %reduce_sum3A_47, %rem3A_49 : vector<256xf32>
    %ne3A_51 = arith.constant 0.000000e+00 : f32
    %ne3A_52 = vector.broadcast %ne3A_51 : f32 to vector<256xf32>
    %ne3A_53 = arith.cmpf one, %rem3A_50, %ne3A_52 : vector<256xf32>
    %lt3A_54 = arith.constant 0.000000e+00 : f32
    %lt3A_55 = vector.broadcast %lt3A_54 : f32 to vector<256xf32>
    %lt3A_56 = arith.cmpf olt, %rem3A_50, %lt3A_55 : vector<256xf32>
    %lt3A_57 = arith.constant 0.000000e+00 : f32
    %lt3A_58 = arith.cmpf olt, %jit3A_48, %lt3A_57 : f32
    %ne3A_59 = vector.broadcast %lt3A_58 : i1 to vector<256xi1>
    %ne3A_60 = vector.broadcast %ne3A_59 : vector<256xi1> to vector<256xi1>
    %ne3A_61 = arith.xori %lt3A_56, %ne3A_60 : vector<256xi1>
    %and3A_62 = arith.andi %ne3A_61, %ne3A_53 : vector<256xi1>
    %add3A_63 = vector.broadcast %jit3A_48 : f32 to vector<256xf32>
    %add3A_64 = arith.addf %rem3A_50, %add3A_63 : vector<256xf32>
    %select_n3A_65 = arith.select %and3A_62, %add3A_64, %rem3A_50 : vector<256xi1>, vector<256xf32>
    %convert_element_type3A_66 = arith.fptosi %select_n3A_65 : vector<256xf32> to vector<256xi32>
    %swap3A_67 = arith.constant 0 : index
    %swap3A_68 = arith.constant 1 : index
    %swap3A_69 = vector.load %arg2[%swap3A_67, %swap3A_68] : memref<256x32xi32, #tpu.memory_space<vmem>>, vector<256x1xi32>
    %swap3A_70 = vector.shape_cast %swap3A_69 : vector<256x1xi32> to vector<256xi32>
    %swap3A_71 = vector.shape_cast %convert_element_type3A_66 : vector<256xi32> to vector<256x1xi32>
    tpu.vector_store %arg2[%swap3A_67, %swap3A_68], %swap3A_71 {strides = array<i32>} : memref<256x32xi32, #tpu.memory_space<vmem>>, vector<256x1xi32>,
    %get3A_72 = arith.constant 0 : index
    %get3A_73 = arith.constant 512 : index
    %get3A_74 = vector.load %arg1[%get3A_72, %get3A_73] : memref<256x8192xf32, #tpu.memory_space<vmem>>, vector<256x256xf32>
    %mul3A_75 = vector.broadcast %select_n3A : vector<1x256xf32> to vector<256x256xf32>
    %mul3A_76 = arith.mulf %get3A_74, %mul3A_75 : vector<256x256xf32>
    %reduce_sum3A_77 = arith.constant dense<0.000000e+00> : vector<256xf32>
    %reduce_sum3A_78 = vector.multi_reduction <add>, %mul3A_76, %reduce_sum3A_77 [1] : vector<256x256xf32> to vector<256xf32>
    %jit3A_79 = arith.constant 1.024000e+03 : f32
    %rem3A_80 = vector.broadcast %jit3A_79 : f32 to vector<256xf32>
    %rem3A_81 = arith.remf %reduce_sum3A_78, %rem3A_80 : vector<256xf32>
    %ne3A_82 = arith.constant 0.000000e+00 : f32
    %ne3A_83 = vector.broadcast %ne3A_82 : f32 to vector<256xf32>
    %ne3A_84 = arith.cmpf one, %rem3A_81, %ne3A_83 : vector<256xf32>
    %lt3A_85 = arith.constant 0.000000e+00 : f32
    %lt3A_86 = vector.broadcast %lt3A_85 : f32 to vector<256xf32>
    %lt3A_87 = arith.cmpf olt, %rem3A_81, %lt3A_86 : vector<256xf32>
    %lt3A_88 = arith.constant 0.000000e+00 : f32
    %lt3A_89 = arith.cmpf olt, %jit3A_79, %lt3A_88 : f32
    %ne3A_90 = vector.broadcast %lt3A_89 : i1 to vector<256xi1>
    %ne3A_91 = vector.broadcast %ne3A_90 : vector<256xi1> to vector<256xi1>
    %ne3A_92 = arith.xori %lt3A_87, %ne3A_91 : vector<256xi1>
    %and3A_93 = arith.andi %ne3A_92, %ne3A_84 : vector<256xi1>
    %add3A_94 = vector.broadcast %jit3A_79 : f32 to vector<256xf32>
    %add3A_95 = arith.addf %rem3A_81, %add3A_94 : vector<256xf32>
    %select_n3A_96 = arith.select %and3A_93, %add3A_95, %rem3A_81 : vector<256xi1>, vector<256xf32>
    %convert_element_type3A_97 = arith.fptosi %select_n3A_96 : vector<256xf32> to vector<256xi32>
    %swap3A_98 = arith.constant 0 : index
    %swap3A_99 = arith.constant 2 : index
    %swap3A_100 = vector.load %arg2[%swap3A_98, %swap3A_99] : memref<256x32xi32, #tpu.memory_space<vmem>>, vector<256x1xi32>
    %swap3A_101 = vector.shape_cast %swap3A_100 : vector<256x1xi32> to vector<256xi32>
    %swap3A_102 = vector.shape_cast %convert_element_type3A_97 : vector<256xi32> to vector<256x1xi32>
    tpu.vector_store %arg2[%swap3A_98, %swap3A_99], %swap3A_102 {strides = array<i32>} : memref<256x32xi32, #tpu.memory_space<vmem>>, vector<256x1xi32>,
    %get3A_103 = arith.constant 0 : index
    %get3A_104 = arith.constant 768 : index
    %get3A_105 = vector.load %arg1[%get3A_103, %get3A_104] : memref<256x8192xf32, #tpu.memory_space<vmem>>, vector<256x256xf32>
    %mul3A_106 = vector.broadcast %select_n3A : vector<1x256xf32> to vector<256x256xf32>
    %mul3A_107 = arith.mulf %get3A_105, %mul3A_106 : vector<256x256xf32>
    %reduce_sum3A_108 = arith.constant dense<0.000000e+00> : vector<256xf32>
    %reduce_sum3A_109 = vector.multi_reduction <add>, %mul3A_107, %reduce_sum3A_108 [1] : vector<256x256xf32> to vector<256xf32>
    %jit3A_110 = arith.constant 1.024000e+03 : f32
    %rem3A_111 = vector.broadcast %jit3A_110 : f32 to vector<256xf32>
    %rem3A_112 = arith.remf %reduce_sum3A_109, %rem3A_111 : vector<256xf32>
    %ne3A_113 = arith.constant 0.000000e+00 : f32
    %ne3A_114 = vector.broadcast %ne3A_113 : f32 to vector<256xf32>
    %ne3A_115 = arith.cmpf one, %rem3A_112, %ne3A_114 : vector<256xf32>
    %lt3A_116 = arith.constant 0.000000e+00 : f32
    %lt3A_117 = vector.broadcast %lt3A_116 : f32 to vector<256xf32>
    %lt3A_118 = arith.cmpf olt, %rem3A_112, %lt3A_117 : vector<256xf32>
    %lt3A_119 = arith.constant 0.000000e+00 : f32
    %lt3A_120 = arith.cmpf olt, %jit3A_110, %lt3A_119 : f32
    %ne3A_121 = vector.broadcast %lt3A_120 : i1 to vector<256xi1>
    %ne3A_122 = vector.broadcast %ne3A_121 : vector<256xi1> to vector<256xi1>
    %ne3A_123 = arith.xori %lt3A_118, %ne3A_122 : vector<256xi1>
    %and3A_124 = arith.andi %ne3A_123, %ne3A_115 : vector<256xi1>
    %add3A_125 = vector.broadcast %jit3A_110 : f32 to vector<256xf32>
    %add3A_126 = arith.addf %rem3A_112, %add3A_125 : vector<256xf32>
    %select_n3A_127 = arith.select %and3A_124, %add3A_126, %rem3A_112 : vector<256xi1>, vector<256xf32>
    %convert_element_type3A_128 = arith.fptosi %select_n3A_127 : vector<256xf32> to vector<256xi32>
    %swap3A_129 = arith.constant 0 : index
    %swap3A_130 = arith.constant 3 : index
    %swap3A_131 = vector.load %arg2[%swap3A_129, %swap3A_130] : memref<256x32xi32, #tpu.memory_space<vmem>>, vector<256x1xi32>
    %swap3A_132 = vector.shape_cast %swap3A_131 : vector<256x1xi32> to vector<256xi32>
    %swap3A_133 = vector.shape_cast %convert_element_type3A_128 : vector<256xi32> to vector<256x1xi32>
    tpu.vector_store %arg2[%swap3A_129, %swap3A_130], %swap3A_133 {strides = array<i32>} : memref<256x32xi32, #tpu.memory_space<vmem>>, vector<256x1xi32>,
    %get3A_134 = arith.constant 0 : index
    %get3A_135 = arith.constant 1024 : index
    %get3A_136 = vector.load %arg1[%get3A_134, %get3A_135] : memref<256x8192xf32, #tpu.memory_space<vmem>>, vector<256x256xf32>
    %mul3A_137 = vector.broadcast %select_n3A : vector<1x256xf32> to vector<256x256xf32>
    %mul3A_138 = arith.mulf %get3A_136, %mul3A_137 : vector<256x256xf32>
    %reduce_sum3A_139 = arith.constant dense<0.000000e+00> : vector<256xf32>
    %reduce_sum3A_140 = vector.multi_reduction <add>, %mul3A_138, %reduce_sum3A_139 [1] : vector<256x256xf32> to vector<256xf32>
    %jit3A_141 = arith.constant 1.024000e+03 : f32
    %rem3A_142 = vector.broadcast %jit3A_141 : f32 to vector<256xf32>
    %rem3A_143 = arith.remf %reduce_sum3A_140, %rem3A_142 : vector<256xf32>
    %ne3A_144 = arith.constant 0.000000e+00 : f32
    %ne3A_145 = vector.broadcast %ne3A_144 : f32 to vector<256xf32>
    %ne3A_146 = arith.cmpf one, %rem3A_143, %ne3A_145 : vector<256xf32>
    %lt3A_147 = arith.constant 0.000000e+00 : f32
    %lt3A_148 = vector.broadcast %lt3A_147 : f32 to vector<256xf32>
    %lt3A_149 = arith.cmpf olt, %rem3A_143, %lt3A_148 : vector<256xf32>
    %lt3A_150 = arith.constant 0.000000e+00 : f32
    %lt3A_151 = arith.cmpf olt, %jit3A_141, %lt3A_150 : f32
    %ne3A_152 = vector.broadcast %lt3A_151 : i1 to vector<256xi1>
    %ne3A_153 = vector.broadcast %ne3A_152 : vector<256xi1> to vector<256xi1>
    %ne3A_154 = arith.xori %lt3A_149, %ne3A_153 : vector<256xi1>
    %and3A_155 = arith.andi %ne3A_154, %ne3A_146 : vector<256xi1>
    %add3A_156 = vector.broadcast %jit3A_141 : f32 to vector<256xf32>
    %add3A_157 = arith.addf %rem3A_143, %add3A_156 : vector<256xf32>
    %select_n3A_158 = arith.select %and3A_155, %add3A_157, %rem3A_143 : vector<256xi1>, vector<256xf32>
    %convert_element_type3A_159 = arith.fptosi %select_n3A_158 : vector<256xf32> to vector<256xi32>
    %swap3A_160 = arith.constant 0 : index
    %swap3A_161 = arith.constant 4 : index
    %swap3A_162 = vector.load %arg2[%swap3A_160, %swap3A_161] : memref<256x32xi32, #tpu.memory_space<vmem>>, vector<256x1xi32>
    %swap3A_163 = vector.shape_cast %swap3A_162 : vector<256x1xi32> to vector<256xi32>
    %swap3A_164 = vector.shape_cast %convert_element_type3A_159 : vector<256xi32> to vector<256x1xi32>
    tpu.vector_store %arg2[%swap3A_160, %swap3A_161], %swap3A_164 {strides = array<i32>} : memref<256x32xi32, #tpu.memory_space<vmem>>, vector<256x1xi32>,
    %get3A_165 = arith.constant 0 : index
    %get3A_166 = arith.constant 1280 : index
    %get3A_167 = vector.load %arg1[%get3A_165, %get3A_166] : memref<256x8192xf32, #tpu.memory_space<vmem>>, vector<256x256xf32>
    %mul3A_168 = vector.broadcast %select_n3A : vector<1x256xf32> to vector<256x256xf32>
    %mul3A_169 = arith.mulf %get3A_167, %mul3A_168 : vector<256x256xf32>
    %reduce_sum3A_170 = arith.constant dense<0.000000e+00> : vector<256xf32>
    %reduce_sum3A_171 = vector.multi_reduction <add>, %mul3A_169, %reduce_sum3A_170 [1] : vector<256x256xf32> to vector<256xf32>
    %jit3A_172 = arith.constant 1.024000e+03 : f32
    %rem3A_173 = vector.broadcast %jit3A_172 : f32 to vector<256xf32>
    %rem3A_174 = arith.remf %reduce_sum3A_171, %rem3A_173 : vector<256xf32>
    %ne3A_175 = arith.constant 0.000000e+00 : f32
    %ne3A_176 = vector.broadcast %ne3A_175 : f32 to vector<256xf32>
    %ne3A_177 = arith.cmpf one, %rem3A_174, %ne3A_176 : vector<256xf32>
    %lt3A_178 = arith.constant 0.000000e+00 : f32
    %lt3A_179 = vector.broadcast %lt3A_178 : f32 to vector<256xf32>
    %lt3A_180 = arith.cmpf olt, %rem3A_174, %lt3A_179 : vector<256xf32>
    %lt3A_181 = arith.constant 0.000000e+00 : f32
    %lt3A_182 = arith.cmpf olt, %jit3A_172, %lt3A_181 : f32
    %ne3A_183 = vector.broadcast %lt3A_182 : i1 to vector<256xi1>
    %ne3A_184 = vector.broadcast %ne3A_183 : vector<256xi1> to vector<256xi1>
    %ne3A_185 = arith.xori %lt3A_180, %ne3A_184 : vector<256xi1>
    %and3A_186 = arith.andi %ne3A_185, %ne3A_177 : vector<256xi1>
    %add3A_187 = vector.broadcast %jit3A_172 : f32 to vector<256xf32>
    %add3A_188 = arith.addf %rem3A_174, %add3A_187 : vector<256xf32>
    %select_n3A_189 = arith.select %and3A_186, %add3A_188, %rem3A_174 : vector<256xi1>, vector<256xf32>
    %convert_element_type3A_190 = arith.fptosi %select_n3A_189 : vector<256xf32> to vector<256xi32>
    %swap3A_191 = arith.constant 0 : index
    %swap3A_192 = arith.constant 5 : index
    %swap3A_193 = vector.load %arg2[%swap3A_191, %swap3A_192] : memref<256x32xi32, #tpu.memory_space<vmem>>, vector<256x1xi32>
    %swap3A_194 = vector.shape_cast %swap3A_193 : vector<256x1xi32> to vector<256xi32>
    %swap3A_195 = vector.shape_cast %convert_element_type3A_190 : vector<256xi32> to vector<256x1xi32>
    tpu.vector_store %arg2[%swap3A_191, %swap3A_192], %swap3A_195 {strides = array<i32>} : memref<256x32xi32, #tpu.memory_space<vmem>>, vector<256x1xi32>,
    %get3A_196 = arith.constant 0 : index
    %get3A_197 = arith.constant 1536 : index
    %get3A_198 = vector.load %arg1[%get3A_196, %get3A_197] : memref<256x8192xf32, #tpu.memory_space<vmem>>, vector<256x256xf32>
    %mul3A_199 = vector.broadcast %select_n3A : vector<1x256xf32> to vector<256x256xf32>
    %mul3A_200 = arith.mulf %get3A_198, %mul3A_199 : vector<256x256xf32>
    %reduce_sum3A_201 = arith.constant dense<0.000000e+00> : vector<256xf32>
    %reduce_sum3A_202 = vector.multi_reduction <add>, %mul3A_200, %reduce_sum3A_201 [1] : vector<256x256xf32> to vector<256xf32>
    %jit3A_203 = arith.constant 1.024000e+03 : f32
    %rem3A_204 = vector.broadcast %jit3A_203 : f32 to vector<256xf32>
    %rem3A_205 = arith.remf %reduce_sum3A_202, %rem3A_204 : vector<256xf32>
    %ne3A_206 = arith.constant 0.000000e+00 : f32
    %ne3A_207 = vector.broadcast %ne3A_206 : f32 to vector<256xf32>
    %ne3A_208 = arith.cmpf one, %rem3A_205, %ne3A_207 : vector<256xf32>
    %lt3A_209 = arith.constant 0.000000e+00 : f32
    %lt3A_210 = vector.broadcast %lt3A_209 : f32 to vector<256xf32>
    %lt3A_211 = arith.cmpf olt, %rem3A_205, %lt3A_210 : vector<256xf32>
    %lt3A_212 = arith.constant 0.000000e+00 : f32
    %lt3A_213 = arith.cmpf olt, %jit3A_203, %lt3A_212 : f32
    %ne3A_214 = vector.broadcast %lt3A_213 : i1 to vector<256xi1>
    %ne3A_215 = vector.broadcast %ne3A_214 : vector<256xi1> to vector<256xi1>
    %ne3A_216 = arith.xori %lt3A_211, %ne3A_215 : vector<256xi1>
    %and3A_217 = arith.andi %ne3A_216, %ne3A_208 : vector<256xi1>
    %add3A_218 = vector.broadcast %jit3A_203 : f32 to vector<256xf32>
    %add3A_219 = arith.addf %rem3A_205, %add3A_218 : vector<256xf32>
    %select_n3A_220 = arith.select %and3A_217, %add3A_219, %rem3A_205 : vector<256xi1>, vector<256xf32>
    %convert_element_type3A_221 = arith.fptosi %select_n3A_220 : vector<256xf32> to vector<256xi32>
    %swap3A_222 = arith.constant 0 : index
    %swap3A_223 = arith.constant 6 : index
    %swap3A_224 = vector.load %arg2[%swap3A_222, %swap3A_223] : memref<256x32xi32, #tpu.memory_space<vmem>>, vector<256x1xi32>
    %swap3A_225 = vector.shape_cast %swap3A_224 : vector<256x1xi32> to vector<256xi32>
    %swap3A_226 = vector.shape_cast %convert_element_type3A_221 : vector<256xi32> to vector<256x1xi32>
    tpu.vector_store %arg2[%swap3A_222, %swap3A_223], %swap3A_226 {strides = array<i32>} : memref<256x32xi32, #tpu.memory_space<vmem>>, vector<256x1xi32>,
    %get3A_227 = arith.constant 0 : index
    %get3A_228 = arith.constant 1792 : index
    %get3A_229 = vector.load %arg1[%get3A_227, %get3A_228] : memref<256x8192xf32, #tpu.memory_space<vmem>>, vector<256x256xf32>
    %mul3A_230 = vector.broadcast %select_n3A : vector<1x256xf32> to vector<256x256xf32>
    %mul3A_231 = arith.mulf %get3A_229, %mul3A_230 : vector<256x256xf32>
    %reduce_sum3A_232 = arith.constant dense<0.000000e+00> : vector<256xf32>
    %reduce_sum3A_233 = vector.multi_reduction <add>, %mul3A_231, %reduce_sum3A_232 [1] : vector<256x256xf32> to vector<256xf32>
    %jit3A_234 = arith.constant 1.024000e+03 : f32
    %rem3A_235 = vector.broadcast %jit3A_234 : f32 to vector<256xf32>
    %rem3A_236 = arith.remf %reduce_sum3A_233, %rem3A_235 : vector<256xf32>
    %ne3A_237 = arith.constant 0.000000e+00 : f32
    %ne3A_238 = vector.broadcast %ne3A_237 : f32 to vector<256xf32>
    %ne3A_239 = arith.cmpf one, %rem3A_236, %ne3A_238 : vector<256xf32>
    %lt3A_240 = arith.constant 0.000000e+00 : f32
    %lt3A_241 = vector.broadcast %lt3A_240 : f32 to vector<256xf32>
    %lt3A_242 = arith.cmpf olt, %rem3A_236, %lt3A_241 : vector<256xf32>
    %lt3A_243 = arith.constant 0.000000e+00 : f32
    %lt3A_244 = arith.cmpf olt, %jit3A_234, %lt3A_243 : f32
    %ne3A_245 = vector.broadcast %lt3A_244 : i1 to vector<256xi1>
    %ne3A_246 = vector.broadcast %ne3A_245 : vector<256xi1> to vector<256xi1>
    %ne3A_247 = arith.xori %lt3A_242, %ne3A_246 : vector<256xi1>
    %and3A_248 = arith.andi %ne3A_247, %ne3A_239 : vector<256xi1>
    %add3A_249 = vector.broadcast %jit3A_234 : f32 to vector<256xf32>
    %add3A_250 = arith.addf %rem3A_236, %add3A_249 : vector<256xf32>
    %select_n3A_251 = arith.select %and3A_248, %add3A_250, %rem3A_236 : vector<256xi1>, vector<256xf32>
    %convert_element_type3A_252 = arith.fptosi %select_n3A_251 : vector<256xf32> to vector<256xi32>
    %swap3A_253 = arith.constant 0 : index
    %swap3A_254 = arith.constant 7 : index
    %swap3A_255 = vector.load %arg2[%swap3A_253, %swap3A_254] : memref<256x32xi32, #tpu.memory_space<vmem>>, vector<256x1xi32>
    %swap3A_256 = vector.shape_cast %swap3A_255 : vector<256x1xi32> to vector<256xi32>
    %swap3A_257 = vector.shape_cast %convert_element_type3A_252 : vector<256xi32> to vector<256x1xi32>
    tpu.vector_store %arg2[%swap3A_253, %swap3A_254], %swap3A_257 {strides = array<i32>} : memref<256x32xi32, #tpu.memory_space<vmem>>, vector<256x1xi32>,
    %get3A_258 = arith.constant 0 : index
    %get3A_259 = arith.constant 2048 : index
    %get3A_260 = vector.load %arg1[%get3A_258, %get3A_259] : memref<256x8192xf32, #tpu.memory_space<vmem>>, vector<256x256xf32>
    %mul3A_261 = vector.broadcast %select_n3A : vector<1x256xf32> to vector<256x256xf32>
    %mul3A_262 = arith.mulf %get3A_260, %mul3A_261 : vector<256x256xf32>
    %reduce_sum3A_263 = arith.constant dense<0.000000e+00> : vector<256xf32>
    %reduce_sum3A_264 = vector.multi_reduction <add>, %mul3A_262, %reduce_sum3A_263 [1] : vector<256x256xf32> to vector<256xf32>
    %jit3A_265 = arith.constant 1.024000e+03 : f32
    %rem3A_266 = vector.broadcast %jit3A_265 : f32 to vector<256xf32>
    %rem3A_267 = arith.remf %reduce_sum3A_264, %rem3A_266 : vector<256xf32>
    %ne3A_268 = arith.constant 0.000000e+00 : f32
    %ne3A_269 = vector.broadcast %ne3A_268 : f32 to vector<256xf32>
    %ne3A_270 = arith.cmpf one, %rem3A_267, %ne3A_269 : vector<256xf32>
    %lt3A_271 = arith.constant 0.000000e+00 : f32
    %lt3A_272 = vector.broadcast %lt3A_271 : f32 to vector<256xf32>
    %lt3A_273 = arith.cmpf olt, %rem3A_267, %lt3A_272 : vector<256xf32>
    %lt3A_274 = arith.constant 0.000000e+00 : f32
    %lt3A_275 = arith.cmpf olt, %jit3A_265, %lt3A_274 : f32
    %ne3A_276 = vector.broadcast %lt3A_275 : i1 to vector<256xi1>
    %ne3A_277 = vector.broadcast %ne3A_276 : vector<256xi1> to vector<256xi1>
    %ne3A_278 = arith.xori %lt3A_273, %ne3A_277 : vector<256xi1>
    %and3A_279 = arith.andi %ne3A_278, %ne3A_270 : vector<256xi1>
    %add3A_280 = vector.broadcast %jit3A_265 : f32 to vector<256xf32>
    %add3A_281 = arith.addf %rem3A_267, %add3A_280 : vector<256xf32>
    %select_n3A_282 = arith.select %and3A_279, %add3A_281, %rem3A_267 : vector<256xi1>, vector<256xf32>
    %convert_element_type3A_283 = arith.fptosi %select_n3A_282 : vector<256xf32> to vector<256xi32>
    %swap3A_284 = arith.constant 0 : index
    %swap3A_285 = arith.constant 8 : index
    %swap3A_286 = vector.load %arg2[%swap3A_284, %swap3A_285] : memref<256x32xi32, #tpu.memory_space<vmem>>, vector<256x1xi32>
    %swap3A_287 = vector.shape_cast %swap3A_286 : vector<256x1xi32> to vector<256xi32>
    %swap3A_288 = vector.shape_cast %convert_element_type3A_283 : vector<256xi32> to vector<256x1xi32>
    tpu.vector_store %arg2[%swap3A_284, %swap3A_285], %swap3A_288 {strides = array<i32>} : memref<256x32xi32, #tpu.memory_space<vmem>>, vector<256x1xi32>,
    %get3A_289 = arith.constant 0 : index
    %get3A_290 = arith.constant 2304 : index
    %get3A_291 = vector.load %arg1[%get3A_289, %get3A_290] : memref<256x8192xf32, #tpu.memory_space<vmem>>, vector<256x256xf32>
    %mul3A_292 = vector.broadcast %select_n3A : vector<1x256xf32> to vector<256x256xf32>
    %mul3A_293 = arith.mulf %get3A_291, %mul3A_292 : vector<256x256xf32>
    %reduce_sum3A_294 = arith.constant dense<0.000000e+00> : vector<256xf32>
    %reduce_sum3A_295 = vector.multi_reduction <add>, %mul3A_293, %reduce_sum3A_294 [1] : vector<256x256xf32> to vector<256xf32>
    %jit3A_296 = arith.constant 1.024000e+03 : f32
    %rem3A_297 = vector.broadcast %jit3A_296 : f32 to vector<256xf32>
    %rem3A_298 = arith.remf %reduce_sum3A_295, %rem3A_297 : vector<256xf32>
    %ne3A_299 = arith.constant 0.000000e+00 : f32
    %ne3A_300 = vector.broadcast %ne3A_299 : f32 to vector<256xf32>
    %ne3A_301 = arith.cmpf one, %rem3A_298, %ne3A_300 : vector<256xf32>
    %lt3A_302 = arith.constant 0.000000e+00 : f32
    %lt3A_303 = vector.broadcast %lt3A_302 : f32 to vector<256xf32>
    %lt3A_304 = arith.cmpf olt, %rem3A_298, %lt3A_303 : vector<256xf32>
    %lt3A_305 = arith.constant 0.000000e+00 : f32
    %lt3A_306 = arith.cmpf olt, %jit3A_296, %lt3A_305 : f32
    %ne3A_307 = vector.broadcast %lt3A_306 : i1 to vector<256xi1>
    %ne3A_308 = vector.broadcast %ne3A_307 : vector<256xi1> to vector<256xi1>
    %ne3A_309 = arith.xori %lt3A_304, %ne3A_308 : vector<256xi1>
    %and3A_310 = arith.andi %ne3A_309, %ne3A_301 : vector<256xi1>
    %add3A_311 = vector.broadcast %jit3A_296 : f32 to vector<256xf32>
    %add3A_312 = arith.addf %rem3A_298, %add3A_311 : vector<256xf32>
    %select_n3A_313 = arith.select %and3A_310, %add3A_312, %rem3A_298 : vector<256xi1>, vector<256xf32>
    %convert_element_type3A_314 = arith.fptosi %select_n3A_313 : vector<256xf32> to vector<256xi32>
    %swap3A_315 = arith.constant 0 : index
    %swap3A_316 = arith.constant 9 : index
    %swap3A_317 = vector.load %arg2[%swap3A_315, %swap3A_316] : memref<256x32xi32, #tpu.memory_space<vmem>>, vector<256x1xi32>
    %swap3A_318 = vector.shape_cast %swap3A_317 : vector<256x1xi32> to vector<256xi32>
    %swap3A_319 = vector.shape_cast %convert_element_type3A_314 : vector<256xi32> to vector<256x1xi32>
    tpu.vector_store %arg2[%swap3A_315, %swap3A_316], %swap3A_319 {strides = array<i32>} : memref<256x32xi32, #tpu.memory_space<vmem>>, vector<256x1xi32>,
    %get3A_320 = arith.constant 0 : index
    %get3A_321 = arith.constant 2560 : index
    %get3A_322 = vector.load %arg1[%get3A_320, %get3A_321] : memref<256x8192xf32, #tpu.memory_space<vmem>>, vector<256x256xf32>
    %mul3A_323 = vector.broadcast %select_n3A : vector<1x256xf32> to vector<256x256xf32>
    %mul3A_324 = arith.mulf %get3A_322, %mul3A_323 : vector<256x256xf32>
    %reduce_sum3A_325 = arith.constant dense<0.000000e+00> : vector<256xf32>
    %reduce_sum3A_326 = vector.multi_reduction <add>, %mul3A_324, %reduce_sum3A_325 [1] : vector<256x256xf32> to vector<256xf32>
    %jit3A_327 = arith.constant 1.024000e+03 : f32
    %rem3A_328 = vector.broadcast %jit3A_327 : f32 to vector<256xf32>
    %rem3A_329 = arith.remf %reduce_sum3A_326, %rem3A_328 : vector<256xf32>
    %ne3A_330 = arith.constant 0.000000e+00 : f32
    %ne3A_331 = vector.broadcast %ne3A_330 : f32 to vector<256xf32>
    %ne3A_332 = arith.cmpf one, %rem3A_329, %ne3A_331 : vector<256xf32>
    %lt3A_333 = arith.constant 0.000000e+00 : f32
    %lt3A_334 = vector.broadcast %lt3A_333 : f32 to vector<256xf32>
    %lt3A_335 = arith.cmpf olt, %rem3A_329, %lt3A_334 : vector<256xf32>
    %lt3A_336 = arith.constant 0.000000e+00 : f32
    %lt3A_337 = arith.cmpf olt, %jit3A_327, %lt3A_336 : f32
    %ne3A_338 = vector.broadcast %lt3A_337 : i1 to vector<256xi1>
    %ne3A_339 = vector.broadcast %ne3A_338 : vector<256xi1> to vector<256xi1>
    %ne3A_340 = arith.xori %lt3A_335, %ne3A_339 : vector<256xi1>
    %and3A_341 = arith.andi %ne3A_340, %ne3A_332 : vector<256xi1>
    %add3A_342 = vector.broadcast %jit3A_327 : f32 to vector<256xf32>
    %add3A_343 = arith.addf %rem3A_329, %add3A_342 : vector<256xf32>
    %select_n3A_344 = arith.select %and3A_341, %add3A_343, %rem3A_329 : vector<256xi1>, vector<256xf32>
    %convert_element_type3A_345 = arith.fptosi %select_n3A_344 : vector<256xf32> to vector<256xi32>
    %swap3A_346 = arith.constant 0 : index
    %swap3A_347 = arith.constant 10 : index
    %swap3A_348 = vector.load %arg2[%swap3A_346, %swap3A_347] : memref<256x32xi32, #tpu.memory_space<vmem>>, vector<256x1xi32>
    %swap3A_349 = vector.shape_cast %swap3A_348 : vector<256x1xi32> to vector<256xi32>
    %swap3A_350 = vector.shape_cast %convert_element_type3A_345 : vector<256xi32> to vector<256x1xi32>
    tpu.vector_store %arg2[%swap3A_346, %swap3A_347], %swap3A_350 {strides = array<i32>} : memref<256x32xi32, #tpu.memory_space<vmem>>, vector<256x1xi32>,
    %get3A_351 = arith.constant 0 : index
    %get3A_352 = arith.constant 2816 : index
    %get3A_353 = vector.load %arg1[%get3A_351, %get3A_352] : memref<256x8192xf32, #tpu.memory_space<vmem>>, vector<256x256xf32>
    %mul3A_354 = vector.broadcast %select_n3A : vector<1x256xf32> to vector<256x256xf32>
    %mul3A_355 = arith.mulf %get3A_353, %mul3A_354 : vector<256x256xf32>
    %reduce_sum3A_356 = arith.constant dense<0.000000e+00> : vector<256xf32>
    %reduce_sum3A_357 = vector.multi_reduction <add>, %mul3A_355, %reduce_sum3A_356 [1] : vector<256x256xf32> to vector<256xf32>
    %jit3A_358 = arith.constant 1.024000e+03 : f32
    %rem3A_359 = vector.broadcast %jit3A_358 : f32 to vector<256xf32>
    %rem3A_360 = arith.remf %reduce_sum3A_357, %rem3A_359 : vector<256xf32>
    %ne3A_361 = arith.constant 0.000000e+00 : f32
    %ne3A_362 = vector.broadcast %ne3A_361 : f32 to vector<256xf32>
    %ne3A_363 = arith.cmpf one, %rem3A_360, %ne3A_362 : vector<256xf32>
    %lt3A_364 = arith.constant 0.000000e+00 : f32
    %lt3A_365 = vector.broadcast %lt3A_364 : f32 to vector<256xf32>
    %lt3A_366 = arith.cmpf olt, %rem3A_360, %lt3A_365 : vector<256xf32>
    %lt3A_367 = arith.constant 0.000000e+00 : f32
    %lt3A_368 = arith.cmpf olt, %jit3A_358, %lt3A_367 : f32
    %ne3A_369 = vector.broadcast %lt3A_368 : i1 to vector<256xi1>
    %ne3A_370 = vector.broadcast %ne3A_369 : vector<256xi1> to vector<256xi1>
    %ne3A_371 = arith.xori %lt3A_366, %ne3A_370 : vector<256xi1>
    %and3A_372 = arith.andi %ne3A_371, %ne3A_363 : vector<256xi1>
    %add3A_373 = vector.broadcast %jit3A_358 : f32 to vector<256xf32>
    %add3A_374 = arith.addf %rem3A_360, %add3A_373 : vector<256xf32>
    %select_n3A_375 = arith.select %and3A_372, %add3A_374, %rem3A_360 : vector<256xi1>, vector<256xf32>
    %convert_element_type3A_376 = arith.fptosi %select_n3A_375 : vector<256xf32> to vector<256xi32>
    %swap3A_377 = arith.constant 0 : index
    %swap3A_378 = arith.constant 11 : index
    %swap3A_379 = vector.load %arg2[%swap3A_377, %swap3A_378] : memref<256x32xi32, #tpu.memory_space<vmem>>, vector<256x1xi32>
    %swap3A_380 = vector.shape_cast %swap3A_379 : vector<256x1xi32> to vector<256xi32>
    %swap3A_381 = vector.shape_cast %convert_element_type3A_376 : vector<256xi32> to vector<256x1xi32>
    tpu.vector_store %arg2[%swap3A_377, %swap3A_378], %swap3A_381 {strides = array<i32>} : memref<256x32xi32, #tpu.memory_space<vmem>>, vector<256x1xi32>,
    %get3A_382 = arith.constant 0 : index
    %get3A_383 = arith.constant 3072 : index
    %get3A_384 = vector.load %arg1[%get3A_382, %get3A_383] : memref<256x8192xf32, #tpu.memory_space<vmem>>, vector<256x256xf32>
    %mul3A_385 = vector.broadcast %select_n3A : vector<1x256xf32> to vector<256x256xf32>
    %mul3A_386 = arith.mulf %get3A_384, %mul3A_385 : vector<256x256xf32>
    %reduce_sum3A_387 = arith.constant dense<0.000000e+00> : vector<256xf32>
    %reduce_sum3A_388 = vector.multi_reduction <add>, %mul3A_386, %reduce_sum3A_387 [1] : vector<256x256xf32> to vector<256xf32>
    %jit3A_389 = arith.constant 1.024000e+03 : f32
    %rem3A_390 = vector.broadcast %jit3A_389 : f32 to vector<256xf32>
    %rem3A_391 = arith.remf %reduce_sum3A_388, %rem3A_390 : vector<256xf32>
    %ne3A_392 = arith.constant 0.000000e+00 : f32
    %ne3A_393 = vector.broadcast %ne3A_392 : f32 to vector<256xf32>
    %ne3A_394 = arith.cmpf one, %rem3A_391, %ne3A_393 : vector<256xf32>
    %lt3A_395 = arith.constant 0.000000e+00 : f32
    %lt3A_396 = vector.broadcast %lt3A_395 : f32 to vector<256xf32>
    %lt3A_397 = arith.cmpf olt, %rem3A_391, %lt3A_396 : vector<256xf32>
    %lt3A_398 = arith.constant 0.000000e+00 : f32
    %lt3A_399 = arith.cmpf olt, %jit3A_389, %lt3A_398 : f32
    %ne3A_400 = vector.broadcast %lt3A_399 : i1 to vector<256xi1>
    %ne3A_401 = vector.broadcast %ne3A_400 : vector<256xi1> to vector<256xi1>
    %ne3A_402 = arith.xori %lt3A_397, %ne3A_401 : vector<256xi1>
    %and3A_403 = arith.andi %ne3A_402, %ne3A_394 : vector<256xi1>
    %add3A_404 = vector.broadcast %jit3A_389 : f32 to vector<256xf32>
    %add3A_405 = arith.addf %rem3A_391, %add3A_404 : vector<256xf32>
    %select_n3A_406 = arith.select %and3A_403, %add3A_405, %rem3A_391 : vector<256xi1>, vector<256xf32>
    %convert_element_type3A_407 = arith.fptosi %select_n3A_406 : vector<256xf32> to vector<256xi32>
    %swap3A_408 = arith.constant 0 : index
    %swap3A_409 = arith.constant 12 : index
    %swap3A_410 = vector.load %arg2[%swap3A_408, %swap3A_409] : memref<256x32xi32, #tpu.memory_space<vmem>>, vector<256x1xi32>
    %swap3A_411 = vector.shape_cast %swap3A_410 : vector<256x1xi32> to vector<256xi32>
    %swap3A_412 = vector.shape_cast %convert_element_type3A_407 : vector<256xi32> to vector<256x1xi32>
    tpu.vector_store %arg2[%swap3A_408, %swap3A_409], %swap3A_412 {strides = array<i32>} : memref<256x32xi32, #tpu.memory_space<vmem>>, vector<256x1xi32>,
    %get3A_413 = arith.constant 0 : index
    %get3A_414 = arith.constant 3328 : index
    %get3A_415 = vector.load %arg1[%get3A_413, %get3A_414] : memref<256x8192xf32, #tpu.memory_space<vmem>>, vector<256x256xf32>
    %mul3A_416 = vector.broadcast %select_n3A : vector<1x256xf32> to vector<256x256xf32>
    %mul3A_417 = arith.mulf %get3A_415, %mul3A_416 : vector<256x256xf32>
    %reduce_sum3A_418 = arith.constant dense<0.000000e+00> : vector<256xf32>
    %reduce_sum3A_419 = vector.multi_reduction <add>, %mul3A_417, %reduce_sum3A_418 [1] : vector<256x256xf32> to vector<256xf32>
    %jit3A_420 = arith.constant 1.024000e+03 : f32
    %rem3A_421 = vector.broadcast %jit3A_420 : f32 to vector<256xf32>
    %rem3A_422 = arith.remf %reduce_sum3A_419, %rem3A_421 : vector<256xf32>
    %ne3A_423 = arith.constant 0.000000e+00 : f32
    %ne3A_424 = vector.broadcast %ne3A_423 : f32 to vector<256xf32>
    %ne3A_425 = arith.cmpf one, %rem3A_422, %ne3A_424 : vector<256xf32>
    %lt3A_426 = arith.constant 0.000000e+00 : f32
    %lt3A_427 = vector.broadcast %lt3A_426 : f32 to vector<256xf32>
    %lt3A_428 = arith.cmpf olt, %rem3A_422, %lt3A_427 : vector<256xf32>
    %lt3A_429 = arith.constant 0.000000e+00 : f32
    %lt3A_430 = arith.cmpf olt, %jit3A_420, %lt3A_429 : f32
    %ne3A_431 = vector.broadcast %lt3A_430 : i1 to vector<256xi1>
    %ne3A_432 = vector.broadcast %ne3A_431 : vector<256xi1> to vector<256xi1>
    %ne3A_433 = arith.xori %lt3A_428, %ne3A_432 : vector<256xi1>
    %and3A_434 = arith.andi %ne3A_433, %ne3A_425 : vector<256xi1>
    %add3A_435 = vector.broadcast %jit3A_420 : f32 to vector<256xf32>
    %add3A_436 = arith.addf %rem3A_422, %add3A_435 : vector<256xf32>
    %select_n3A_437 = arith.select %and3A_434, %add3A_436, %rem3A_422 : vector<256xi1>, vector<256xf32>
    %convert_element_type3A_438 = arith.fptosi %select_n3A_437 : vector<256xf32> to vector<256xi32>
    %swap3A_439 = arith.constant 0 : index
    %swap3A_440 = arith.constant 13 : index
    %swap3A_441 = vector.load %arg2[%swap3A_439, %swap3A_440] : memref<256x32xi32, #tpu.memory_space<vmem>>, vector<256x1xi32>
    %swap3A_442 = vector.shape_cast %swap3A_441 : vector<256x1xi32> to vector<256xi32>
    %swap3A_443 = vector.shape_cast %convert_element_type3A_438 : vector<256xi32> to vector<256x1xi32>
    tpu.vector_store %arg2[%swap3A_439, %swap3A_440], %swap3A_443 {strides = array<i32>} : memref<256x32xi32, #tpu.memory_space<vmem>>, vector<256x1xi32>,
    %get3A_444 = arith.constant 0 : index
    %get3A_445 = arith.constant 3584 : index
    %get3A_446 = vector.load %arg1[%get3A_444, %get3A_445] : memref<256x8192xf32, #tpu.memory_space<vmem>>, vector<256x256xf32>
    %mul3A_447 = vector.broadcast %select_n3A : vector<1x256xf32> to vector<256x256xf32>
    %mul3A_448 = arith.mulf %get3A_446, %mul3A_447 : vector<256x256xf32>
    %reduce_sum3A_449 = arith.constant dense<0.000000e+00> : vector<256xf32>
    %reduce_sum3A_450 = vector.multi_reduction <add>, %mul3A_448, %reduce_sum3A_449 [1] : vector<256x256xf32> to vector<256xf32>
    %jit3A_451 = arith.constant 1.024000e+03 : f32
    %rem3A_452 = vector.broadcast %jit3A_451 : f32 to vector<256xf32>
    %rem3A_453 = arith.remf %reduce_sum3A_450, %rem3A_452 : vector<256xf32>
    %ne3A_454 = arith.constant 0.000000e+00 : f32
    %ne3A_455 = vector.broadcast %ne3A_454 : f32 to vector<256xf32>
    %ne3A_456 = arith.cmpf one, %rem3A_453, %ne3A_455 : vector<256xf32>
    %lt3A_457 = arith.constant 0.000000e+00 : f32
    %lt3A_458 = vector.broadcast %lt3A_457 : f32 to vector<256xf32>
    %lt3A_459 = arith.cmpf olt, %rem3A_453, %lt3A_458 : vector<256xf32>
    %lt3A_460 = arith.constant 0.000000e+00 : f32
    %lt3A_461 = arith.cmpf olt, %jit3A_451, %lt3A_460 : f32
    %ne3A_462 = vector.broadcast %lt3A_461 : i1 to vector<256xi1>
    %ne3A_463 = vector.broadcast %ne3A_462 : vector<256xi1> to vector<256xi1>
    %ne3A_464 = arith.xori %lt3A_459, %ne3A_463 : vector<256xi1>
    %and3A_465 = arith.andi %ne3A_464, %ne3A_456 : vector<256xi1>
    %add3A_466 = vector.broadcast %jit3A_451 : f32 to vector<256xf32>
    %add3A_467 = arith.addf %rem3A_453, %add3A_466 : vector<256xf32>
    %select_n3A_468 = arith.select %and3A_465, %add3A_467, %rem3A_453 : vector<256xi1>, vector<256xf32>
    %convert_element_type3A_469 = arith.fptosi %select_n3A_468 : vector<256xf32> to vector<256xi32>
    %swap3A_470 = arith.constant 0 : index
    %swap3A_471 = arith.constant 14 : index
    %swap3A_472 = vector.load %arg2[%swap3A_470, %swap3A_471] : memref<256x32xi32, #tpu.memory_space<vmem>>, vector<256x1xi32>
    %swap3A_473 = vector.shape_cast %swap3A_472 : vector<256x1xi32> to vector<256xi32>
    %swap3A_474 = vector.shape_cast %convert_element_type3A_469 : vector<256xi32> to vector<256x1xi32>
    tpu.vector_store %arg2[%swap3A_470, %swap3A_471], %swap3A_474 {strides = array<i32>} : memref<256x32xi32, #tpu.memory_space<vmem>>, vector<256x1xi32>,
    %get3A_475 = arith.constant 0 : index
    %get3A_476 = arith.constant 3840 : index
    %get3A_477 = vector.load %arg1[%get3A_475, %get3A_476] : memref<256x8192xf32, #tpu.memory_space<vmem>>, vector<256x256xf32>
    %mul3A_478 = vector.broadcast %select_n3A : vector<1x256xf32> to vector<256x256xf32>
    %mul3A_479 = arith.mulf %get3A_477, %mul3A_478 : vector<256x256xf32>
    %reduce_sum3A_480 = arith.constant dense<0.000000e+00> : vector<256xf32>
    %reduce_sum3A_481 = vector.multi_reduction <add>, %mul3A_479, %reduce_sum3A_480 [1] : vector<256x256xf32> to vector<256xf32>
    %jit3A_482 = arith.constant 1.024000e+03 : f32
    %rem3A_483 = vector.broadcast %jit3A_482 : f32 to vector<256xf32>
    %rem3A_484 = arith.remf %reduce_sum3A_481, %rem3A_483 : vector<256xf32>
    %ne3A_485 = arith.constant 0.000000e+00 : f32
    %ne3A_486 = vector.broadcast %ne3A_485 : f32 to vector<256xf32>
    %ne3A_487 = arith.cmpf one, %rem3A_484, %ne3A_486 : vector<256xf32>
    %lt3A_488 = arith.constant 0.000000e+00 : f32
    %lt3A_489 = vector.broadcast %lt3A_488 : f32 to vector<256xf32>
    %lt3A_490 = arith.cmpf olt, %rem3A_484, %lt3A_489 : vector<256xf32>
    %lt3A_491 = arith.constant 0.000000e+00 : f32
    %lt3A_492 = arith.cmpf olt, %jit3A_482, %lt3A_491 : f32
    %ne3A_493 = vector.broadcast %lt3A_492 : i1 to vector<256xi1>
    %ne3A_494 = vector.broadcast %ne3A_493 : vector<256xi1> to vector<256xi1>
    %ne3A_495 = arith.xori %lt3A_490, %ne3A_494 : vector<256xi1>
    %and3A_496 = arith.andi %ne3A_495, %ne3A_487 : vector<256xi1>
    %add3A_497 = vector.broadcast %jit3A_482 : f32 to vector<256xf32>
    %add3A_498 = arith.addf %rem3A_484, %add3A_497 : vector<256xf32>
    %select_n3A_499 = arith.select %and3A_496, %add3A_498, %rem3A_484 : vector<256xi1>, vector<256xf32>
    %convert_element_type3A_500 = arith.fptosi %select_n3A_499 : vector<256xf32> to vector<256xi32>
    %swap3A_501 = arith.constant 0 : index
    %swap3A_502 = arith.constant 15 : index
    %swap3A_503 = vector.load %arg2[%swap3A_501, %swap3A_502] : memref<256x32xi32, #tpu.memory_space<vmem>>, vector<256x1xi32>
    %swap3A_504 = vector.shape_cast %swap3A_503 : vector<256x1xi32> to vector<256xi32>
    %swap3A_505 = vector.shape_cast %convert_element_type3A_500 : vector<256xi32> to vector<256x1xi32>
    tpu.vector_store %arg2[%swap3A_501, %swap3A_502], %swap3A_505 {strides = array<i32>} : memref<256x32xi32, #tpu.memory_space<vmem>>, vector<256x1xi32>,
    %get3A_506 = arith.constant 0 : index
    %get3A_507 = arith.constant 4096 : index
    %get3A_508 = vector.load %arg1[%get3A_506, %get3A_507] : memref<256x8192xf32, #tpu.memory_space<vmem>>, vector<256x256xf32>
    %mul3A_509 = vector.broadcast %select_n3A : vector<1x256xf32> to vector<256x256xf32>
    %mul3A_510 = arith.mulf %get3A_508, %mul3A_509 : vector<256x256xf32>
    %reduce_sum3A_511 = arith.constant dense<0.000000e+00> : vector<256xf32>
    %reduce_sum3A_512 = vector.multi_reduction <add>, %mul3A_510, %reduce_sum3A_511 [1] : vector<256x256xf32> to vector<256xf32>
    %jit3A_513 = arith.constant 1.024000e+03 : f32
    %rem3A_514 = vector.broadcast %jit3A_513 : f32 to vector<256xf32>
    %rem3A_515 = arith.remf %reduce_sum3A_512, %rem3A_514 : vector<256xf32>
    %ne3A_516 = arith.constant 0.000000e+00 : f32
    %ne3A_517 = vector.broadcast %ne3A_516 : f32 to vector<256xf32>
    %ne3A_518 = arith.cmpf one, %rem3A_515, %ne3A_517 : vector<256xf32>
    %lt3A_519 = arith.constant 0.000000e+00 : f32
    %lt3A_520 = vector.broadcast %lt3A_519 : f32 to vector<256xf32>
    %lt3A_521 = arith.cmpf olt, %rem3A_515, %lt3A_520 : vector<256xf32>
    %lt3A_522 = arith.constant 0.000000e+00 : f32
    %lt3A_523 = arith.cmpf olt, %jit3A_513, %lt3A_522 : f32
    %ne3A_524 = vector.broadcast %lt3A_523 : i1 to vector<256xi1>
    %ne3A_525 = vector.broadcast %ne3A_524 : vector<256xi1> to vector<256xi1>
    %ne3A_526 = arith.xori %lt3A_521, %ne3A_525 : vector<256xi1>
    %and3A_527 = arith.andi %ne3A_526, %ne3A_518 : vector<256xi1>
    %add3A_528 = vector.broadcast %jit3A_513 : f32 to vector<256xf32>
    %add3A_529 = arith.addf %rem3A_515, %add3A_528 : vector<256xf32>
    %select_n3A_530 = arith.select %and3A_527, %add3A_529, %rem3A_515 : vector<256xi1>, vector<256xf32>
    %convert_element_type3A_531 = arith.fptosi %select_n3A_530 : vector<256xf32> to vector<256xi32>
    %swap3A_532 = arith.constant 0 : index
    %swap3A_533 = arith.constant 16 : index
    %swap3A_534 = vector.load %arg2[%swap3A_532, %swap3A_533] : memref<256x32xi32, #tpu.memory_space<vmem>>, vector<256x1xi32>
    %swap3A_535 = vector.shape_cast %swap3A_534 : vector<256x1xi32> to vector<256xi32>
    %swap3A_536 = vector.shape_cast %convert_element_type3A_531 : vector<256xi32> to vector<256x1xi32>
    tpu.vector_store %arg2[%swap3A_532, %swap3A_533], %swap3A_536 {strides = array<i32>} : memref<256x32xi32, #tpu.memory_space<vmem>>, vector<256x1xi32>,
    %get3A_537 = arith.constant 0 : index
    %get3A_538 = arith.constant 4352 : index
    %get3A_539 = vector.load %arg1[%get3A_537, %get3A_538] : memref<256x8192xf32, #tpu.memory_space<vmem>>, vector<256x256xf32>
    %mul3A_540 = vector.broadcast %select_n3A : vector<1x256xf32> to vector<256x256xf32>
    %mul3A_541 = arith.mulf %get3A_539, %mul3A_540 : vector<256x256xf32>
    %reduce_sum3A_542 = arith.constant dense<0.000000e+00> : vector<256xf32>
    %reduce_sum3A_543 = vector.multi_reduction <add>, %mul3A_541, %reduce_sum3A_542 [1] : vector<256x256xf32> to vector<256xf32>
    %jit3A_544 = arith.constant 1.024000e+03 : f32
    %rem3A_545 = vector.broadcast %jit3A_544 : f32 to vector<256xf32>
    %rem3A_546 = arith.remf %reduce_sum3A_543, %rem3A_545 : vector<256xf32>
    %ne3A_547 = arith.constant 0.000000e+00 : f32
    %ne3A_548 = vector.broadcast %ne3A_547 : f32 to vector<256xf32>
    %ne3A_549 = arith.cmpf one, %rem3A_546, %ne3A_548 : vector<256xf32>
    %lt3A_550 = arith.constant 0.000000e+00 : f32
    %lt3A_551 = vector.broadcast %lt3A_550 : f32 to vector<256xf32>
    %lt3A_552 = arith.cmpf olt, %rem3A_546, %lt3A_551 : vector<256xf32>
    %lt3A_553 = arith.constant 0.000000e+00 : f32
    %lt3A_554 = arith.cmpf olt, %jit3A_544, %lt3A_553 : f32
    %ne3A_555 = vector.broadcast %lt3A_554 : i1 to vector<256xi1>
    %ne3A_556 = vector.broadcast %ne3A_555 : vector<256xi1> to vector<256xi1>
    %ne3A_557 = arith.xori %lt3A_552, %ne3A_556 : vector<256xi1>
    %and3A_558 = arith.andi %ne3A_557, %ne3A_549 : vector<256xi1>
    %add3A_559 = vector.broadcast %jit3A_544 : f32 to vector<256xf32>
    %add3A_560 = arith.addf %rem3A_546, %add3A_559 : vector<256xf32>
    %select_n3A_561 = arith.select %and3A_558, %add3A_560, %rem3A_546 : vector<256xi1>, vector<256xf32>
    %convert_element_type3A_562 = arith.fptosi %select_n3A_561 : vector<256xf32> to vector<256xi32>
    %swap3A_563 = arith.constant 0 : index
    %swap3A_564 = arith.constant 17 : index
    %swap3A_565 = vector.load %arg2[%swap3A_563, %swap3A_564] : memref<256x32xi32, #tpu.memory_space<vmem>>, vector<256x1xi32>
    %swap3A_566 = vector.shape_cast %swap3A_565 : vector<256x1xi32> to vector<256xi32>
    %swap3A_567 = vector.shape_cast %convert_element_type3A_562 : vector<256xi32> to vector<256x1xi32>
    tpu.vector_store %arg2[%swap3A_563, %swap3A_564], %swap3A_567 {strides = array<i32>} : memref<256x32xi32, #tpu.memory_space<vmem>>, vector<256x1xi32>,
    %get3A_568 = arith.constant 0 : index
    %get3A_569 = arith.constant 4608 : index
    %get3A_570 = vector.load %arg1[%get3A_568, %get3A_569] : memref<256x8192xf32, #tpu.memory_space<vmem>>, vector<256x256xf32>
    %mul3A_571 = vector.broadcast %select_n3A : vector<1x256xf32> to vector<256x256xf32>
    %mul3A_572 = arith.mulf %get3A_570, %mul3A_571 : vector<256x256xf32>
    %reduce_sum3A_573 = arith.constant dense<0.000000e+00> : vector<256xf32>
    %reduce_sum3A_574 = vector.multi_reduction <add>, %mul3A_572, %reduce_sum3A_573 [1] : vector<256x256xf32> to vector<256xf32>
    %jit3A_575 = arith.constant 1.024000e+03 : f32
    %rem3A_576 = vector.broadcast %jit3A_575 : f32 to vector<256xf32>
    %rem3A_577 = arith.remf %reduce_sum3A_574, %rem3A_576 : vector<256xf32>
    %ne3A_578 = arith.constant 0.000000e+00 : f32
    %ne3A_579 = vector.broadcast %ne3A_578 : f32 to vector<256xf32>
    %ne3A_580 = arith.cmpf one, %rem3A_577, %ne3A_579 : vector<256xf32>
    %lt3A_581 = arith.constant 0.000000e+00 : f32
    %lt3A_582 = vector.broadcast %lt3A_581 : f32 to vector<256xf32>
    %lt3A_583 = arith.cmpf olt, %rem3A_577, %lt3A_582 : vector<256xf32>
    %lt3A_584 = arith.constant 0.000000e+00 : f32
    %lt3A_585 = arith.cmpf olt, %jit3A_575, %lt3A_584 : f32
    %ne3A_586 = vector.broadcast %lt3A_585 : i1 to vector<256xi1>
    %ne3A_587 = vector.broadcast %ne3A_586 : vector<256xi1> to vector<256xi1>
    %ne3A_588 = arith.xori %lt3A_583, %ne3A_587 : vector<256xi1>
    %and3A_589 = arith.andi %ne3A_588, %ne3A_580 : vector<256xi1>
    %add3A_590 = vector.broadcast %jit3A_575 : f32 to vector<256xf32>
    %add3A_591 = arith.addf %rem3A_577, %add3A_590 : vector<256xf32>
    %select_n3A_592 = arith.select %and3A_589, %add3A_591, %rem3A_577 : vector<256xi1>, vector<256xf32>
    %convert_element_type3A_593 = arith.fptosi %select_n3A_592 : vector<256xf32> to vector<256xi32>
    %swap3A_594 = arith.constant 0 : index
    %swap3A_595 = arith.constant 18 : index
    %swap3A_596 = vector.load %arg2[%swap3A_594, %swap3A_595] : memref<256x32xi32, #tpu.memory_space<vmem>>, vector<256x1xi32>
    %swap3A_597 = vector.shape_cast %swap3A_596 : vector<256x1xi32> to vector<256xi32>
    %swap3A_598 = vector.shape_cast %convert_element_type3A_593 : vector<256xi32> to vector<256x1xi32>
    tpu.vector_store %arg2[%swap3A_594, %swap3A_595], %swap3A_598 {strides = array<i32>} : memref<256x32xi32, #tpu.memory_space<vmem>>, vector<256x1xi32>,
    %get3A_599 = arith.constant 0 : index
    %get3A_600 = arith.constant 4864 : index
    %get3A_601 = vector.load %arg1[%get3A_599, %get3A_600] : memref<256x8192xf32, #tpu.memory_space<vmem>>, vector<256x256xf32>
    %mul3A_602 = vector.broadcast %select_n3A : vector<1x256xf32> to vector<256x256xf32>
    %mul3A_603 = arith.mulf %get3A_601, %mul3A_602 : vector<256x256xf32>
    %reduce_sum3A_604 = arith.constant dense<0.000000e+00> : vector<256xf32>
    %reduce_sum3A_605 = vector.multi_reduction <add>, %mul3A_603, %reduce_sum3A_604 [1] : vector<256x256xf32> to vector<256xf32>
    %jit3A_606 = arith.constant 1.024000e+03 : f32
    %rem3A_607 = vector.broadcast %jit3A_606 : f32 to vector<256xf32>
    %rem3A_608 = arith.remf %reduce_sum3A_605, %rem3A_607 : vector<256xf32>
    %ne3A_609 = arith.constant 0.000000e+00 : f32
    %ne3A_610 = vector.broadcast %ne3A_609 : f32 to vector<256xf32>
    %ne3A_611 = arith.cmpf one, %rem3A_608, %ne3A_610 : vector<256xf32>
    %lt3A_612 = arith.constant 0.000000e+00 : f32
    %lt3A_613 = vector.broadcast %lt3A_612 : f32 to vector<256xf32>
    %lt3A_614 = arith.cmpf olt, %rem3A_608, %lt3A_613 : vector<256xf32>
    %lt3A_615 = arith.constant 0.000000e+00 : f32
    %lt3A_616 = arith.cmpf olt, %jit3A_606, %lt3A_615 : f32
    %ne3A_617 = vector.broadcast %lt3A_616 : i1 to vector<256xi1>
    %ne3A_618 = vector.broadcast %ne3A_617 : vector<256xi1> to vector<256xi1>
    %ne3A_619 = arith.xori %lt3A_614, %ne3A_618 : vector<256xi1>
    %and3A_620 = arith.andi %ne3A_619, %ne3A_611 : vector<256xi1>
    %add3A_621 = vector.broadcast %jit3A_606 : f32 to vector<256xf32>
    %add3A_622 = arith.addf %rem3A_608, %add3A_621 : vector<256xf32>
    %select_n3A_623 = arith.select %and3A_620, %add3A_622, %rem3A_608 : vector<256xi1>, vector<256xf32>
    %convert_element_type3A_624 = arith.fptosi %select_n3A_623 : vector<256xf32> to vector<256xi32>
    %swap3A_625 = arith.constant 0 : index
    %swap3A_626 = arith.constant 19 : index
    %swap3A_627 = vector.load %arg2[%swap3A_625, %swap3A_626] : memref<256x32xi32, #tpu.memory_space<vmem>>, vector<256x1xi32>
    %swap3A_628 = vector.shape_cast %swap3A_627 : vector<256x1xi32> to vector<256xi32>
    %swap3A_629 = vector.shape_cast %convert_element_type3A_624 : vector<256xi32> to vector<256x1xi32>
    tpu.vector_store %arg2[%swap3A_625, %swap3A_626], %swap3A_629 {strides = array<i32>} : memref<256x32xi32, #tpu.memory_space<vmem>>, vector<256x1xi32>,
    %get3A_630 = arith.constant 0 : index
    %get3A_631 = arith.constant 5120 : index
    %get3A_632 = vector.load %arg1[%get3A_630, %get3A_631] : memref<256x8192xf32, #tpu.memory_space<vmem>>, vector<256x256xf32>
    %mul3A_633 = vector.broadcast %select_n3A : vector<1x256xf32> to vector<256x256xf32>
    %mul3A_634 = arith.mulf %get3A_632, %mul3A_633 : vector<256x256xf32>
    %reduce_sum3A_635 = arith.constant dense<0.000000e+00> : vector<256xf32>
    %reduce_sum3A_636 = vector.multi_reduction <add>, %mul3A_634, %reduce_sum3A_635 [1] : vector<256x256xf32> to vector<256xf32>
    %jit3A_637 = arith.constant 1.024000e+03 : f32
    %rem3A_638 = vector.broadcast %jit3A_637 : f32 to vector<256xf32>
    %rem3A_639 = arith.remf %reduce_sum3A_636, %rem3A_638 : vector<256xf32>
    %ne3A_640 = arith.constant 0.000000e+00 : f32
    %ne3A_641 = vector.broadcast %ne3A_640 : f32 to vector<256xf32>
    %ne3A_642 = arith.cmpf one, %rem3A_639, %ne3A_641 : vector<256xf32>
    %lt3A_643 = arith.constant 0.000000e+00 : f32
    %lt3A_644 = vector.broadcast %lt3A_643 : f32 to vector<256xf32>
    %lt3A_645 = arith.cmpf olt, %rem3A_639, %lt3A_644 : vector<256xf32>
    %lt3A_646 = arith.constant 0.000000e+00 : f32
    %lt3A_647 = arith.cmpf olt, %jit3A_637, %lt3A_646 : f32
    %ne3A_648 = vector.broadcast %lt3A_647 : i1 to vector<256xi1>
    %ne3A_649 = vector.broadcast %ne3A_648 : vector<256xi1> to vector<256xi1>
    %ne3A_650 = arith.xori %lt3A_645, %ne3A_649 : vector<256xi1>
    %and3A_651 = arith.andi %ne3A_650, %ne3A_642 : vector<256xi1>
    %add3A_652 = vector.broadcast %jit3A_637 : f32 to vector<256xf32>
    %add3A_653 = arith.addf %rem3A_639, %add3A_652 : vector<256xf32>
    %select_n3A_654 = arith.select %and3A_651, %add3A_653, %rem3A_639 : vector<256xi1>, vector<256xf32>
    %convert_element_type3A_655 = arith.fptosi %select_n3A_654 : vector<256xf32> to vector<256xi32>
    %swap3A_656 = arith.constant 0 : index
    %swap3A_657 = arith.constant 20 : index
    %swap3A_658 = vector.load %arg2[%swap3A_656, %swap3A_657] : memref<256x32xi32, #tpu.memory_space<vmem>>, vector<256x1xi32>
    %swap3A_659 = vector.shape_cast %swap3A_658 : vector<256x1xi32> to vector<256xi32>
    %swap3A_660 = vector.shape_cast %convert_element_type3A_655 : vector<256xi32> to vector<256x1xi32>
    tpu.vector_store %arg2[%swap3A_656, %swap3A_657], %swap3A_660 {strides = array<i32>} : memref<256x32xi32, #tpu.memory_space<vmem>>, vector<256x1xi32>,
    %get3A_661 = arith.constant 0 : index
    %get3A_662 = arith.constant 5376 : index
    %get3A_663 = vector.load %arg1[%get3A_661, %get3A_662] : memref<256x8192xf32, #tpu.memory_space<vmem>>, vector<256x256xf32>
    %mul3A_664 = vector.broadcast %select_n3A : vector<1x256xf32> to vector<256x256xf32>
    %mul3A_665 = arith.mulf %get3A_663, %mul3A_664 : vector<256x256xf32>
    %reduce_sum3A_666 = arith.constant dense<0.000000e+00> : vector<256xf32>
    %reduce_sum3A_667 = vector.multi_reduction <add>, %mul3A_665, %reduce_sum3A_666 [1] : vector<256x256xf32> to vector<256xf32>
    %jit3A_668 = arith.constant 1.024000e+03 : f32
    %rem3A_669 = vector.broadcast %jit3A_668 : f32 to vector<256xf32>
    %rem3A_670 = arith.remf %reduce_sum3A_667, %rem3A_669 : vector<256xf32>
    %ne3A_671 = arith.constant 0.000000e+00 : f32
    %ne3A_672 = vector.broadcast %ne3A_671 : f32 to vector<256xf32>
    %ne3A_673 = arith.cmpf one, %rem3A_670, %ne3A_672 : vector<256xf32>
    %lt3A_674 = arith.constant 0.000000e+00 : f32
    %lt3A_675 = vector.broadcast %lt3A_674 : f32 to vector<256xf32>
    %lt3A_676 = arith.cmpf olt, %rem3A_670, %lt3A_675 : vector<256xf32>
    %lt3A_677 = arith.constant 0.000000e+00 : f32
    %lt3A_678 = arith.cmpf olt, %jit3A_668, %lt3A_677 : f32
    %ne3A_679 = vector.broadcast %lt3A_678 : i1 to vector<256xi1>
    %ne3A_680 = vector.broadcast %ne3A_679 : vector<256xi1> to vector<256xi1>
    %ne3A_681 = arith.xori %lt3A_676, %ne3A_680 : vector<256xi1>
    %and3A_682 = arith.andi %ne3A_681, %ne3A_673 : vector<256xi1>
    %add3A_683 = vector.broadcast %jit3A_668 : f32 to vector<256xf32>
    %add3A_684 = arith.addf %rem3A_670, %add3A_683 : vector<256xf32>
    %select_n3A_685 = arith.select %and3A_682, %add3A_684, %rem3A_670 : vector<256xi1>, vector<256xf32>
    %convert_element_type3A_686 = arith.fptosi %select_n3A_685 : vector<256xf32> to vector<256xi32>
    %swap3A_687 = arith.constant 0 : index
    %swap3A_688 = arith.constant 21 : index
    %swap3A_689 = vector.load %arg2[%swap3A_687, %swap3A_688] : memref<256x32xi32, #tpu.memory_space<vmem>>, vector<256x1xi32>
    %swap3A_690 = vector.shape_cast %swap3A_689 : vector<256x1xi32> to vector<256xi32>
    %swap3A_691 = vector.shape_cast %convert_element_type3A_686 : vector<256xi32> to vector<256x1xi32>
    tpu.vector_store %arg2[%swap3A_687, %swap3A_688], %swap3A_691 {strides = array<i32>} : memref<256x32xi32, #tpu.memory_space<vmem>>, vector<256x1xi32>,
    %get3A_692 = arith.constant 0 : index
    %get3A_693 = arith.constant 5632 : index
    %get3A_694 = vector.load %arg1[%get3A_692, %get3A_693] : memref<256x8192xf32, #tpu.memory_space<vmem>>, vector<256x256xf32>
    %mul3A_695 = vector.broadcast %select_n3A : vector<1x256xf32> to vector<256x256xf32>
    %mul3A_696 = arith.mulf %get3A_694, %mul3A_695 : vector<256x256xf32>
    %reduce_sum3A_697 = arith.constant dense<0.000000e+00> : vector<256xf32>
    %reduce_sum3A_698 = vector.multi_reduction <add>, %mul3A_696, %reduce_sum3A_697 [1] : vector<256x256xf32> to vector<256xf32>
    %jit3A_699 = arith.constant 1.024000e+03 : f32
    %rem3A_700 = vector.broadcast %jit3A_699 : f32 to vector<256xf32>
    %rem3A_701 = arith.remf %reduce_sum3A_698, %rem3A_700 : vector<256xf32>
    %ne3A_702 = arith.constant 0.000000e+00 : f32
    %ne3A_703 = vector.broadcast %ne3A_702 : f32 to vector<256xf32>
    %ne3A_704 = arith.cmpf one, %rem3A_701, %ne3A_703 : vector<256xf32>
    %lt3A_705 = arith.constant 0.000000e+00 : f32
    %lt3A_706 = vector.broadcast %lt3A_705 : f32 to vector<256xf32>
    %lt3A_707 = arith.cmpf olt, %rem3A_701, %lt3A_706 : vector<256xf32>
    %lt3A_708 = arith.constant 0.000000e+00 : f32
    %lt3A_709 = arith.cmpf olt, %jit3A_699, %lt3A_708 : f32
    %ne3A_710 = vector.broadcast %lt3A_709 : i1 to vector<256xi1>
    %ne3A_711 = vector.broadcast %ne3A_710 : vector<256xi1> to vector<256xi1>
    %ne3A_712 = arith.xori %lt3A_707, %ne3A_711 : vector<256xi1>
    %and3A_713 = arith.andi %ne3A_712, %ne3A_704 : vector<256xi1>
    %add3A_714 = vector.broadcast %jit3A_699 : f32 to vector<256xf32>
    %add3A_715 = arith.addf %rem3A_701, %add3A_714 : vector<256xf32>
    %select_n3A_716 = arith.select %and3A_713, %add3A_715, %rem3A_701 : vector<256xi1>, vector<256xf32>
    %convert_element_type3A_717 = arith.fptosi %select_n3A_716 : vector<256xf32> to vector<256xi32>
    %swap3A_718 = arith.constant 0 : index
    %swap3A_719 = arith.constant 22 : index
    %swap3A_720 = vector.load %arg2[%swap3A_718, %swap3A_719] : memref<256x32xi32, #tpu.memory_space<vmem>>, vector<256x1xi32>
    %swap3A_721 = vector.shape_cast %swap3A_720 : vector<256x1xi32> to vector<256xi32>
    %swap3A_722 = vector.shape_cast %convert_element_type3A_717 : vector<256xi32> to vector<256x1xi32>
    tpu.vector_store %arg2[%swap3A_718, %swap3A_719], %swap3A_722 {strides = array<i32>} : memref<256x32xi32, #tpu.memory_space<vmem>>, vector<256x1xi32>,
    %get3A_723 = arith.constant 0 : index
    %get3A_724 = arith.constant 5888 : index
    %get3A_725 = vector.load %arg1[%get3A_723, %get3A_724] : memref<256x8192xf32, #tpu.memory_space<vmem>>, vector<256x256xf32>
    %mul3A_726 = vector.broadcast %select_n3A : vector<1x256xf32> to vector<256x256xf32>
    %mul3A_727 = arith.mulf %get3A_725, %mul3A_726 : vector<256x256xf32>
    %reduce_sum3A_728 = arith.constant dense<0.000000e+00> : vector<256xf32>
    %reduce_sum3A_729 = vector.multi_reduction <add>, %mul3A_727, %reduce_sum3A_728 [1] : vector<256x256xf32> to vector<256xf32>
    %jit3A_730 = arith.constant 1.024000e+03 : f32
    %rem3A_731 = vector.broadcast %jit3A_730 : f32 to vector<256xf32>
    %rem3A_732 = arith.remf %reduce_sum3A_729, %rem3A_731 : vector<256xf32>
    %ne3A_733 = arith.constant 0.000000e+00 : f32
    %ne3A_734 = vector.broadcast %ne3A_733 : f32 to vector<256xf32>
    %ne3A_735 = arith.cmpf one, %rem3A_732, %ne3A_734 : vector<256xf32>
    %lt3A_736 = arith.constant 0.000000e+00 : f32
    %lt3A_737 = vector.broadcast %lt3A_736 : f32 to vector<256xf32>
    %lt3A_738 = arith.cmpf olt, %rem3A_732, %lt3A_737 : vector<256xf32>
    %lt3A_739 = arith.constant 0.000000e+00 : f32
    %lt3A_740 = arith.cmpf olt, %jit3A_730, %lt3A_739 : f32
    %ne3A_741 = vector.broadcast %lt3A_740 : i1 to vector<256xi1>
    %ne3A_742 = vector.broadcast %ne3A_741 : vector<256xi1> to vector<256xi1>
    %ne3A_743 = arith.xori %lt3A_738, %ne3A_742 : vector<256xi1>
    %and3A_744 = arith.andi %ne3A_743, %ne3A_735 : vector<256xi1>
    %add3A_745 = vector.broadcast %jit3A_730 : f32 to vector<256xf32>
    %add3A_746 = arith.addf %rem3A_732, %add3A_745 : vector<256xf32>
    %select_n3A_747 = arith.select %and3A_744, %add3A_746, %rem3A_732 : vector<256xi1>, vector<256xf32>
    %convert_element_type3A_748 = arith.fptosi %select_n3A_747 : vector<256xf32> to vector<256xi32>
    %swap3A_749 = arith.constant 0 : index
    %swap3A_750 = arith.constant 23 : index
    %swap3A_751 = vector.load %arg2[%swap3A_749, %swap3A_750] : memref<256x32xi32, #tpu.memory_space<vmem>>, vector<256x1xi32>
    %swap3A_752 = vector.shape_cast %swap3A_751 : vector<256x1xi32> to vector<256xi32>
    %swap3A_753 = vector.shape_cast %convert_element_type3A_748 : vector<256xi32> to vector<256x1xi32>
    tpu.vector_store %arg2[%swap3A_749, %swap3A_750], %swap3A_753 {strides = array<i32>} : memref<256x32xi32, #tpu.memory_space<vmem>>, vector<256x1xi32>,
    %get3A_754 = arith.constant 0 : index
    %get3A_755 = arith.constant 6144 : index
    %get3A_756 = vector.load %arg1[%get3A_754, %get3A_755] : memref<256x8192xf32, #tpu.memory_space<vmem>>, vector<256x256xf32>
    %mul3A_757 = vector.broadcast %select_n3A : vector<1x256xf32> to vector<256x256xf32>
    %mul3A_758 = arith.mulf %get3A_756, %mul3A_757 : vector<256x256xf32>
    %reduce_sum3A_759 = arith.constant dense<0.000000e+00> : vector<256xf32>
    %reduce_sum3A_760 = vector.multi_reduction <add>, %mul3A_758, %reduce_sum3A_759 [1] : vector<256x256xf32> to vector<256xf32>
    %jit3A_761 = arith.constant 1.024000e+03 : f32
    %rem3A_762 = vector.broadcast %jit3A_761 : f32 to vector<256xf32>
    %rem3A_763 = arith.remf %reduce_sum3A_760, %rem3A_762 : vector<256xf32>
    %ne3A_764 = arith.constant 0.000000e+00 : f32
    %ne3A_765 = vector.broadcast %ne3A_764 : f32 to vector<256xf32>
    %ne3A_766 = arith.cmpf one, %rem3A_763, %ne3A_765 : vector<256xf32>
    %lt3A_767 = arith.constant 0.000000e+00 : f32
    %lt3A_768 = vector.broadcast %lt3A_767 : f32 to vector<256xf32>
    %lt3A_769 = arith.cmpf olt, %rem3A_763, %lt3A_768 : vector<256xf32>
    %lt3A_770 = arith.constant 0.000000e+00 : f32
    %lt3A_771 = arith.cmpf olt, %jit3A_761, %lt3A_770 : f32
    %ne3A_772 = vector.broadcast %lt3A_771 : i1 to vector<256xi1>
    %ne3A_773 = vector.broadcast %ne3A_772 : vector<256xi1> to vector<256xi1>
    %ne3A_774 = arith.xori %lt3A_769, %ne3A_773 : vector<256xi1>
    %and3A_775 = arith.andi %ne3A_774, %ne3A_766 : vector<256xi1>
    %add3A_776 = vector.broadcast %jit3A_761 : f32 to vector<256xf32>
    %add3A_777 = arith.addf %rem3A_763, %add3A_776 : vector<256xf32>
    %select_n3A_778 = arith.select %and3A_775, %add3A_777, %rem3A_763 : vector<256xi1>, vector<256xf32>
    %convert_element_type3A_779 = arith.fptosi %select_n3A_778 : vector<256xf32> to vector<256xi32>
    %swap3A_780 = arith.constant 0 : index
    %swap3A_781 = arith.constant 24 : index
    %swap3A_782 = vector.load %arg2[%swap3A_780, %swap3A_781] : memref<256x32xi32, #tpu.memory_space<vmem>>, vector<256x1xi32>
    %swap3A_783 = vector.shape_cast %swap3A_782 : vector<256x1xi32> to vector<256xi32>
    %swap3A_784 = vector.shape_cast %convert_element_type3A_779 : vector<256xi32> to vector<256x1xi32>
    tpu.vector_store %arg2[%swap3A_780, %swap3A_781], %swap3A_784 {strides = array<i32>} : memref<256x32xi32, #tpu.memory_space<vmem>>, vector<256x1xi32>,
    %get3A_785 = arith.constant 0 : index
    %get3A_786 = arith.constant 6400 : index
    %get3A_787 = vector.load %arg1[%get3A_785, %get3A_786] : memref<256x8192xf32, #tpu.memory_space<vmem>>, vector<256x256xf32>
    %mul3A_788 = vector.broadcast %select_n3A : vector<1x256xf32> to vector<256x256xf32>
    %mul3A_789 = arith.mulf %get3A_787, %mul3A_788 : vector<256x256xf32>
    %reduce_sum3A_790 = arith.constant dense<0.000000e+00> : vector<256xf32>
    %reduce_sum3A_791 = vector.multi_reduction <add>, %mul3A_789, %reduce_sum3A_790 [1] : vector<256x256xf32> to vector<256xf32>
    %jit3A_792 = arith.constant 1.024000e+03 : f32
    %rem3A_793 = vector.broadcast %jit3A_792 : f32 to vector<256xf32>
    %rem3A_794 = arith.remf %reduce_sum3A_791, %rem3A_793 : vector<256xf32>
    %ne3A_795 = arith.constant 0.000000e+00 : f32
    %ne3A_796 = vector.broadcast %ne3A_795 : f32 to vector<256xf32>
    %ne3A_797 = arith.cmpf one, %rem3A_794, %ne3A_796 : vector<256xf32>
    %lt3A_798 = arith.constant 0.000000e+00 : f32
    %lt3A_799 = vector.broadcast %lt3A_798 : f32 to vector<256xf32>
    %lt3A_800 = arith.cmpf olt, %rem3A_794, %lt3A_799 : vector<256xf32>
    %lt3A_801 = arith.constant 0.000000e+00 : f32
    %lt3A_802 = arith.cmpf olt, %jit3A_792, %lt3A_801 : f32
    %ne3A_803 = vector.broadcast %lt3A_802 : i1 to vector<256xi1>
    %ne3A_804 = vector.broadcast %ne3A_803 : vector<256xi1> to vector<256xi1>
    %ne3A_805 = arith.xori %lt3A_800, %ne3A_804 : vector<256xi1>
    %and3A_806 = arith.andi %ne3A_805, %ne3A_797 : vector<256xi1>
    %add3A_807 = vector.broadcast %jit3A_792 : f32 to vector<256xf32>
    %add3A_808 = arith.addf %rem3A_794, %add3A_807 : vector<256xf32>
    %select_n3A_809 = arith.select %and3A_806, %add3A_808, %rem3A_794 : vector<256xi1>, vector<256xf32>
    %convert_element_type3A_810 = arith.fptosi %select_n3A_809 : vector<256xf32> to vector<256xi32>
    %swap3A_811 = arith.constant 0 : index
    %swap3A_812 = arith.constant 25 : index
    %swap3A_813 = vector.load %arg2[%swap3A_811, %swap3A_812] : memref<256x32xi32, #tpu.memory_space<vmem>>, vector<256x1xi32>
    %swap3A_814 = vector.shape_cast %swap3A_813 : vector<256x1xi32> to vector<256xi32>
    %swap3A_815 = vector.shape_cast %convert_element_type3A_810 : vector<256xi32> to vector<256x1xi32>
    tpu.vector_store %arg2[%swap3A_811, %swap3A_812], %swap3A_815 {strides = array<i32>} : memref<256x32xi32, #tpu.memory_space<vmem>>, vector<256x1xi32>,
    %get3A_816 = arith.constant 0 : index
    %get3A_817 = arith.constant 6656 : index
    %get3A_818 = vector.load %arg1[%get3A_816, %get3A_817] : memref<256x8192xf32, #tpu.memory_space<vmem>>, vector<256x256xf32>
    %mul3A_819 = vector.broadcast %select_n3A : vector<1x256xf32> to vector<256x256xf32>
    %mul3A_820 = arith.mulf %get3A_818, %mul3A_819 : vector<256x256xf32>
    %reduce_sum3A_821 = arith.constant dense<0.000000e+00> : vector<256xf32>
    %reduce_sum3A_822 = vector.multi_reduction <add>, %mul3A_820, %reduce_sum3A_821 [1] : vector<256x256xf32> to vector<256xf32>
    %jit3A_823 = arith.constant 1.024000e+03 : f32
    %rem3A_824 = vector.broadcast %jit3A_823 : f32 to vector<256xf32>
    %rem3A_825 = arith.remf %reduce_sum3A_822, %rem3A_824 : vector<256xf32>
    %ne3A_826 = arith.constant 0.000000e+00 : f32
    %ne3A_827 = vector.broadcast %ne3A_826 : f32 to vector<256xf32>
    %ne3A_828 = arith.cmpf one, %rem3A_825, %ne3A_827 : vector<256xf32>
    %lt3A_829 = arith.constant 0.000000e+00 : f32
    %lt3A_830 = vector.broadcast %lt3A_829 : f32 to vector<256xf32>
    %lt3A_831 = arith.cmpf olt, %rem3A_825, %lt3A_830 : vector<256xf32>
    %lt3A_832 = arith.constant 0.000000e+00 : f32
    %lt3A_833 = arith.cmpf olt, %jit3A_823, %lt3A_832 : f32
    %ne3A_834 = vector.broadcast %lt3A_833 : i1 to vector<256xi1>
    %ne3A_835 = vector.broadcast %ne3A_834 : vector<256xi1> to vector<256xi1>
    %ne3A_836 = arith.xori %lt3A_831, %ne3A_835 : vector<256xi1>
    %and3A_837 = arith.andi %ne3A_836, %ne3A_828 : vector<256xi1>
    %add3A_838 = vector.broadcast %jit3A_823 : f32 to vector<256xf32>
    %add3A_839 = arith.addf %rem3A_825, %add3A_838 : vector<256xf32>
    %select_n3A_840 = arith.select %and3A_837, %add3A_839, %rem3A_825 : vector<256xi1>, vector<256xf32>
    %convert_element_type3A_841 = arith.fptosi %select_n3A_840 : vector<256xf32> to vector<256xi32>
    %swap3A_842 = arith.constant 0 : index
    %swap3A_843 = arith.constant 26 : index
    %swap3A_844 = vector.load %arg2[%swap3A_842, %swap3A_843] : memref<256x32xi32, #tpu.memory_space<vmem>>, vector<256x1xi32>
    %swap3A_845 = vector.shape_cast %swap3A_844 : vector<256x1xi32> to vector<256xi32>
    %swap3A_846 = vector.shape_cast %convert_element_type3A_841 : vector<256xi32> to vector<256x1xi32>
    tpu.vector_store %arg2[%swap3A_842, %swap3A_843], %swap3A_846 {strides = array<i32>} : memref<256x32xi32, #tpu.memory_space<vmem>>, vector<256x1xi32>,
    %get3A_847 = arith.constant 0 : index
    %get3A_848 = arith.constant 6912 : index
    %get3A_849 = vector.load %arg1[%get3A_847, %get3A_848] : memref<256x8192xf32, #tpu.memory_space<vmem>>, vector<256x256xf32>
    %mul3A_850 = vector.broadcast %select_n3A : vector<1x256xf32> to vector<256x256xf32>
    %mul3A_851 = arith.mulf %get3A_849, %mul3A_850 : vector<256x256xf32>
    %reduce_sum3A_852 = arith.constant dense<0.000000e+00> : vector<256xf32>
    %reduce_sum3A_853 = vector.multi_reduction <add>, %mul3A_851, %reduce_sum3A_852 [1] : vector<256x256xf32> to vector<256xf32>
    %jit3A_854 = arith.constant 1.024000e+03 : f32
    %rem3A_855 = vector.broadcast %jit3A_854 : f32 to vector<256xf32>
    %rem3A_856 = arith.remf %reduce_sum3A_853, %rem3A_855 : vector<256xf32>
    %ne3A_857 = arith.constant 0.000000e+00 : f32
    %ne3A_858 = vector.broadcast %ne3A_857 : f32 to vector<256xf32>
    %ne3A_859 = arith.cmpf one, %rem3A_856, %ne3A_858 : vector<256xf32>
    %lt3A_860 = arith.constant 0.000000e+00 : f32
    %lt3A_861 = vector.broadcast %lt3A_860 : f32 to vector<256xf32>
    %lt3A_862 = arith.cmpf olt, %rem3A_856, %lt3A_861 : vector<256xf32>
    %lt3A_863 = arith.constant 0.000000e+00 : f32
    %lt3A_864 = arith.cmpf olt, %jit3A_854, %lt3A_863 : f32
    %ne3A_865 = vector.broadcast %lt3A_864 : i1 to vector<256xi1>
    %ne3A_866 = vector.broadcast %ne3A_865 : vector<256xi1> to vector<256xi1>
    %ne3A_867 = arith.xori %lt3A_862, %ne3A_866 : vector<256xi1>
    %and3A_868 = arith.andi %ne3A_867, %ne3A_859 : vector<256xi1>
    %add3A_869 = vector.broadcast %jit3A_854 : f32 to vector<256xf32>
    %add3A_870 = arith.addf %rem3A_856, %add3A_869 : vector<256xf32>
    %select_n3A_871 = arith.select %and3A_868, %add3A_870, %rem3A_856 : vector<256xi1>, vector<256xf32>
    %convert_element_type3A_872 = arith.fptosi %select_n3A_871 : vector<256xf32> to vector<256xi32>
    %swap3A_873 = arith.constant 0 : index
    %swap3A_874 = arith.constant 27 : index
    %swap3A_875 = vector.load %arg2[%swap3A_873, %swap3A_874] : memref<256x32xi32, #tpu.memory_space<vmem>>, vector<256x1xi32>
    %swap3A_876 = vector.shape_cast %swap3A_875 : vector<256x1xi32> to vector<256xi32>
    %swap3A_877 = vector.shape_cast %convert_element_type3A_872 : vector<256xi32> to vector<256x1xi32>
    tpu.vector_store %arg2[%swap3A_873, %swap3A_874], %swap3A_877 {strides = array<i32>} : memref<256x32xi32, #tpu.memory_space<vmem>>, vector<256x1xi32>,
    %get3A_878 = arith.constant 0 : index
    %get3A_879 = arith.constant 7168 : index
    %get3A_880 = vector.load %arg1[%get3A_878, %get3A_879] : memref<256x8192xf32, #tpu.memory_space<vmem>>, vector<256x256xf32>
    %mul3A_881 = vector.broadcast %select_n3A : vector<1x256xf32> to vector<256x256xf32>
    %mul3A_882 = arith.mulf %get3A_880, %mul3A_881 : vector<256x256xf32>
    %reduce_sum3A_883 = arith.constant dense<0.000000e+00> : vector<256xf32>
    %reduce_sum3A_884 = vector.multi_reduction <add>, %mul3A_882, %reduce_sum3A_883 [1] : vector<256x256xf32> to vector<256xf32>
    %jit3A_885 = arith.constant 1.024000e+03 : f32
    %rem3A_886 = vector.broadcast %jit3A_885 : f32 to vector<256xf32>
    %rem3A_887 = arith.remf %reduce_sum3A_884, %rem3A_886 : vector<256xf32>
    %ne3A_888 = arith.constant 0.000000e+00 : f32
    %ne3A_889 = vector.broadcast %ne3A_888 : f32 to vector<256xf32>
    %ne3A_890 = arith.cmpf one, %rem3A_887, %ne3A_889 : vector<256xf32>
    %lt3A_891 = arith.constant 0.000000e+00 : f32
    %lt3A_892 = vector.broadcast %lt3A_891 : f32 to vector<256xf32>
    %lt3A_893 = arith.cmpf olt, %rem3A_887, %lt3A_892 : vector<256xf32>
    %lt3A_894 = arith.constant 0.000000e+00 : f32
    %lt3A_895 = arith.cmpf olt, %jit3A_885, %lt3A_894 : f32
    %ne3A_896 = vector.broadcast %lt3A_895 : i1 to vector<256xi1>
    %ne3A_897 = vector.broadcast %ne3A_896 : vector<256xi1> to vector<256xi1>
    %ne3A_898 = arith.xori %lt3A_893, %ne3A_897 : vector<256xi1>
    %and3A_899 = arith.andi %ne3A_898, %ne3A_890 : vector<256xi1>
    %add3A_900 = vector.broadcast %jit3A_885 : f32 to vector<256xf32>
    %add3A_901 = arith.addf %rem3A_887, %add3A_900 : vector<256xf32>
    %select_n3A_902 = arith.select %and3A_899, %add3A_901, %rem3A_887 : vector<256xi1>, vector<256xf32>
    %convert_element_type3A_903 = arith.fptosi %select_n3A_902 : vector<256xf32> to vector<256xi32>
    %swap3A_904 = arith.constant 0 : index
    %swap3A_905 = arith.constant 28 : index
    %swap3A_906 = vector.load %arg2[%swap3A_904, %swap3A_905] : memref<256x32xi32, #tpu.memory_space<vmem>>, vector<256x1xi32>
    %swap3A_907 = vector.shape_cast %swap3A_906 : vector<256x1xi32> to vector<256xi32>
    %swap3A_908 = vector.shape_cast %convert_element_type3A_903 : vector<256xi32> to vector<256x1xi32>
    tpu.vector_store %arg2[%swap3A_904, %swap3A_905], %swap3A_908 {strides = array<i32>} : memref<256x32xi32, #tpu.memory_space<vmem>>, vector<256x1xi32>,
    %get3A_909 = arith.constant 0 : index
    %get3A_910 = arith.constant 7424 : index
    %get3A_911 = vector.load %arg1[%get3A_909, %get3A_910] : memref<256x8192xf32, #tpu.memory_space<vmem>>, vector<256x256xf32>
    %mul3A_912 = vector.broadcast %select_n3A : vector<1x256xf32> to vector<256x256xf32>
    %mul3A_913 = arith.mulf %get3A_911, %mul3A_912 : vector<256x256xf32>
    %reduce_sum3A_914 = arith.constant dense<0.000000e+00> : vector<256xf32>
    %reduce_sum3A_915 = vector.multi_reduction <add>, %mul3A_913, %reduce_sum3A_914 [1] : vector<256x256xf32> to vector<256xf32>
    %jit3A_916 = arith.constant 1.024000e+03 : f32
    %rem3A_917 = vector.broadcast %jit3A_916 : f32 to vector<256xf32>
    %rem3A_918 = arith.remf %reduce_sum3A_915, %rem3A_917 : vector<256xf32>
    %ne3A_919 = arith.constant 0.000000e+00 : f32
    %ne3A_920 = vector.broadcast %ne3A_919 : f32 to vector<256xf32>
    %ne3A_921 = arith.cmpf one, %rem3A_918, %ne3A_920 : vector<256xf32>
    %lt3A_922 = arith.constant 0.000000e+00 : f32
    %lt3A_923 = vector.broadcast %lt3A_922 : f32 to vector<256xf32>
    %lt3A_924 = arith.cmpf olt, %rem3A_918, %lt3A_923 : vector<256xf32>
    %lt3A_925 = arith.constant 0.000000e+00 : f32
    %lt3A_926 = arith.cmpf olt, %jit3A_916, %lt3A_925 : f32
    %ne3A_927 = vector.broadcast %lt3A_926 : i1 to vector<256xi1>
    %ne3A_928 = vector.broadcast %ne3A_927 : vector<256xi1> to vector<256xi1>
    %ne3A_929 = arith.xori %lt3A_924, %ne3A_928 : vector<256xi1>
    %and3A_930 = arith.andi %ne3A_929, %ne3A_921 : vector<256xi1>
    %add3A_931 = vector.broadcast %jit3A_916 : f32 to vector<256xf32>
    %add3A_932 = arith.addf %rem3A_918, %add3A_931 : vector<256xf32>
    %select_n3A_933 = arith.select %and3A_930, %add3A_932, %rem3A_918 : vector<256xi1>, vector<256xf32>
    %convert_element_type3A_934 = arith.fptosi %select_n3A_933 : vector<256xf32> to vector<256xi32>
    %swap3A_935 = arith.constant 0 : index
    %swap3A_936 = arith.constant 29 : index
    %swap3A_937 = vector.load %arg2[%swap3A_935, %swap3A_936] : memref<256x32xi32, #tpu.memory_space<vmem>>, vector<256x1xi32>
    %swap3A_938 = vector.shape_cast %swap3A_937 : vector<256x1xi32> to vector<256xi32>
    %swap3A_939 = vector.shape_cast %convert_element_type3A_934 : vector<256xi32> to vector<256x1xi32>
    tpu.vector_store %arg2[%swap3A_935, %swap3A_936], %swap3A_939 {strides = array<i32>} : memref<256x32xi32, #tpu.memory_space<vmem>>, vector<256x1xi32>,
    %get3A_940 = arith.constant 0 : index
    %get3A_941 = arith.constant 7680 : index
    %get3A_942 = vector.load %arg1[%get3A_940, %get3A_941] : memref<256x8192xf32, #tpu.memory_space<vmem>>, vector<256x256xf32>
    %mul3A_943 = vector.broadcast %select_n3A : vector<1x256xf32> to vector<256x256xf32>
    %mul3A_944 = arith.mulf %get3A_942, %mul3A_943 : vector<256x256xf32>
    %reduce_sum3A_945 = arith.constant dense<0.000000e+00> : vector<256xf32>
    %reduce_sum3A_946 = vector.multi_reduction <add>, %mul3A_944, %reduce_sum3A_945 [1] : vector<256x256xf32> to vector<256xf32>
    %jit3A_947 = arith.constant 1.024000e+03 : f32
    %rem3A_948 = vector.broadcast %jit3A_947 : f32 to vector<256xf32>
    %rem3A_949 = arith.remf %reduce_sum3A_946, %rem3A_948 : vector<256xf32>
    %ne3A_950 = arith.constant 0.000000e+00 : f32
    %ne3A_951 = vector.broadcast %ne3A_950 : f32 to vector<256xf32>
    %ne3A_952 = arith.cmpf one, %rem3A_949, %ne3A_951 : vector<256xf32>
    %lt3A_953 = arith.constant 0.000000e+00 : f32
    %lt3A_954 = vector.broadcast %lt3A_953 : f32 to vector<256xf32>
    %lt3A_955 = arith.cmpf olt, %rem3A_949, %lt3A_954 : vector<256xf32>
    %lt3A_956 = arith.constant 0.000000e+00 : f32
    %lt3A_957 = arith.cmpf olt, %jit3A_947, %lt3A_956 : f32
    %ne3A_958 = vector.broadcast %lt3A_957 : i1 to vector<256xi1>
    %ne3A_959 = vector.broadcast %ne3A_958 : vector<256xi1> to vector<256xi1>
    %ne3A_960 = arith.xori %lt3A_955, %ne3A_959 : vector<256xi1>
    %and3A_961 = arith.andi %ne3A_960, %ne3A_952 : vector<256xi1>
    %add3A_962 = vector.broadcast %jit3A_947 : f32 to vector<256xf32>
    %add3A_963 = arith.addf %rem3A_949, %add3A_962 : vector<256xf32>
    %select_n3A_964 = arith.select %and3A_961, %add3A_963, %rem3A_949 : vector<256xi1>, vector<256xf32>
    %convert_element_type3A_965 = arith.fptosi %select_n3A_964 : vector<256xf32> to vector<256xi32>
    %swap3A_966 = arith.constant 0 : index
    %swap3A_967 = arith.constant 30 : index
    %swap3A_968 = vector.load %arg2[%swap3A_966, %swap3A_967] : memref<256x32xi32, #tpu.memory_space<vmem>>, vector<256x1xi32>
    %swap3A_969 = vector.shape_cast %swap3A_968 : vector<256x1xi32> to vector<256xi32>
    %swap3A_970 = vector.shape_cast %convert_element_type3A_965 : vector<256xi32> to vector<256x1xi32>
    tpu.vector_store %arg2[%swap3A_966, %swap3A_967], %swap3A_970 {strides = array<i32>} : memref<256x32xi32, #tpu.memory_space<vmem>>, vector<256x1xi32>,
    %get3A_971 = arith.constant 0 : index
    %get3A_972 = arith.constant 7936 : index
    %get3A_973 = vector.load %arg1[%get3A_971, %get3A_972] : memref<256x8192xf32, #tpu.memory_space<vmem>>, vector<256x256xf32>
    %mul3A_974 = vector.broadcast %select_n3A : vector<1x256xf32> to vector<256x256xf32>
    %mul3A_975 = arith.mulf %get3A_973, %mul3A_974 : vector<256x256xf32>
    %reduce_sum3A_976 = arith.constant dense<0.000000e+00> : vector<256xf32>
    %reduce_sum3A_977 = vector.multi_reduction <add>, %mul3A_975, %reduce_sum3A_976 [1] : vector<256x256xf32> to vector<256xf32>
    %jit3A_978 = arith.constant 1.024000e+03 : f32
    %rem3A_979 = vector.broadcast %jit3A_978 : f32 to vector<256xf32>
    %rem3A_980 = arith.remf %reduce_sum3A_977, %rem3A_979 : vector<256xf32>
    %ne3A_981 = arith.constant 0.000000e+00 : f32
    %ne3A_982 = vector.broadcast %ne3A_981 : f32 to vector<256xf32>
    %ne3A_983 = arith.cmpf one, %rem3A_980, %ne3A_982 : vector<256xf32>
    %lt3A_984 = arith.constant 0.000000e+00 : f32
    %lt3A_985 = vector.broadcast %lt3A_984 : f32 to vector<256xf32>
    %lt3A_986 = arith.cmpf olt, %rem3A_980, %lt3A_985 : vector<256xf32>
    %lt3A_987 = arith.constant 0.000000e+00 : f32
    %lt3A_988 = arith.cmpf olt, %jit3A_978, %lt3A_987 : f32
    %ne3A_989 = vector.broadcast %lt3A_988 : i1 to vector<256xi1>
    %ne3A_990 = vector.broadcast %ne3A_989 : vector<256xi1> to vector<256xi1>
    %ne3A_991 = arith.xori %lt3A_986, %ne3A_990 : vector<256xi1>
    %and3A_992 = arith.andi %ne3A_991, %ne3A_983 : vector<256xi1>
    %add3A_993 = vector.broadcast %jit3A_978 : f32 to vector<256xf32>
    %add3A_994 = arith.addf %rem3A_980, %add3A_993 : vector<256xf32>
    %select_n3A_995 = arith.select %and3A_992, %add3A_994, %rem3A_980 : vector<256xi1>, vector<256xf32>
    %convert_element_type3A_996 = arith.fptosi %select_n3A_995 : vector<256xf32> to vector<256xi32>
    %swap3A_997 = arith.constant 0 : index
    %swap3A_998 = arith.constant 31 : index
    %swap3A_999 = vector.load %arg2[%swap3A_997, %swap3A_998] : memref<256x32xi32, #tpu.memory_space<vmem>>, vector<256x1xi32>
    %swap3A_1000 = vector.shape_cast %swap3A_999 : vector<256x1xi32> to vector<256xi32>
    %swap3A_1001 = vector.shape_cast %convert_element_type3A_996 : vector<256xi32> to vector<256x1xi32>
    tpu.vector_store %arg2[%swap3A_997, %swap3A_998], %swap3A_1001 {strides = array<i32>} : memref<256x32xi32, #tpu.memory_space<vmem>>, vector<256x1xi32>,
    return
  }
  func.func @transform_0(%arg0: i32) -> (i32, i32) {
    %add3A = arith.constant 7 : i32
    %add3A_0 = arith.addi %arg0, %add3A : i32
    %c0_i32 = arith.constant 0 : i32
    %c0_i32_1 = arith.constant 0 : i32
    return %add3A_0, %c0_i32 : i32, i32
  }
  func.func @transform_1(%arg0: i32) -> (i32, i32) {
    %c0_i32 = arith.constant 0 : i32
    %c0_i32_0 = arith.constant 0 : i32
    return %arg0, %c0_i32 : i32, i32
  }
}

</mosaic_0001>

<sc_bundles>
// kernel: kernel.4.cloned.1.call-start
scs
__scs_entry_jumppad:
0x0: {  	(pc) =	sbr.rel $0x88, $3  }
0x1: {  	(tag) =	ssettag $0x0;
	lr =	simm.s32 $0x1  }
0x2: {  	[smem:$0x3FA0] =	sst lr;
	_ =	strace $0xD0000000  }
0x3: {  	_ = 	snop  }
0x4: {  	_ = 	snop  }
0x5: {  	_ = 	snop  }
0x6: {  	_ = 	snop  }
0x7: {  	_ = 	snop  }
__scs_overlays_trampoline_lowered:
0x8: {  	[smem:$0x3FAF] =	sst s0  }
0x9: {  	[smem:$0x3FB0] =	sst s1  }
0xa: {  	[smem:$0x3FB1] =	sst s2  }
0xb: {  	[smem:$0x3FB2] =	sst s3  }
0xc: {  	[smem:$0x3FB3] =	sst s4  }
0xd: {  	[smem:$0x3FB4] =	sst s5  }
0xe: {  	[smem:$0x3FB5] =	sst s6  }
0xf: {  	[smem:$0x3FB6] =	sst s7  }
0x10: {  	[smem:$0x3FB7] =	sst s8  }
0x11: {  	[smem:$0x3FB8] =	sst s9;
	s0 =	simm.s32 @!p0 $0x0  }
0x12: {  	s1 =	sld [smem:$0x3F9E];
	s0 =	simm.s32 @p0 $0x1  }
0x13: {  	[smem:$0x3FB9] =	sst s0;
	s0 =	simm.s32 @!p1 $0x0  }
0x14: {  	s2 =	sld [smem:$0x3F9D];
	s0 =	simm.s32 @p1 $0x1  }
0x15: {  	[smem:$0x3FBA] =	sst s0;
	s0 =	simm.s32 @!p2 $0x0  }
0x16: {  	s3 =	sld [smem:$0x3FDB];
	s0 =	simm.s32 @p2 $0x1  }
0x17: {  	s4 =	simm.s32 $0x1BF5;
	[smem:$0x3FBC] =	sst s0  }
0x18: {  	s0 =	sld [smem:$0x3F9F];
	_ =	swait.ge [sflag:s4], $0x0  }
0x19: {  	s7 =	sld [smem:$0x3FA0]  }
0x1a: {  	s8 =	sadd.s32 $0xFFFFE003, lr  }
0x1b: {  	s9 =	sadd.s32 $0xFFFFFEF7, lr;
	s5 =	simm.s32 $0xFFFFFFFF;
	p2 =	slt.u32 s8, $0xFFFFF086  }
0x1c: {  	p1 =	slt.u32 s9, $0xF7A;
	s5 =	simm.s32 @!p2 $0x0  }
0x1d: {  	s5 =	simm.s32 @p1 $0x1;
	p0 =	seq.s32 s7, s2  }
0x1e: {  	s7 =	smul.u32 @!p0 $0xF7A, s2;
	p2 =	seq.s32 @!p0 s5, $0x0  }
0x1f: {  	s9 =	smul.u32 $0xF7A, s1;
	s8 =	simm.s32 @!p0 $0x1BF5;
	p2 =	por !p2, p0  }
0x20: {  	[sflag:s8] =	ssyncset.s32 @!p0 $0xFFFFF086;
	s6 =	sadd.s32 @!p0 s3, s7;
	s7 =	simm.s32 @!p0 $0x108  }
0x21: {  	s3 =	sadd.s32 s3, s9;
	s6 =	sadd.s32 @!p0 $0x88, s6;
	s7 =	simm.s32 @p2 $0x1082  }
0x22: {  	[simem:s7], [sflag:s8] =	dma.local @!p0 [hbm:s6], $0xF7A  }
0x23: {  	s9 =	sor.u32 $0xD0000000, s2;
	s6 =	simm.s32 $0x108;
	_ =	swait.ge @!p0 [sflag:s8], $0x0  }
0x24: {  	s3 =	sadd.s32 $0x88, s3;
	s6 =	simm.s32 @!p1 $0x1082;
	[sflag:s4] =	ssyncset.s32 $0xFFFFF086  }
0x25: {  	[simem:s6], [sflag:s4] =	dma.local [hbm:s3], $0xF7A  }
0x26: {  	[smem:$0x3FA0] =	sst s1;
	(tag) =	ssettag s2;
	_ =	strace s9  }
0x27: {  	s1 =	sld [smem:$0x3FB0]  }
0x28: {  	s2 =	sld [smem:$0x3FB1]  }
0x29: {  	s4 =	sld [smem:$0x3FB3]  }
0x2a: {  	p0 =	seq.s32 s5, $0x0;
	s5 =	sld [smem:$0x3FB4]  }
0x2b: {  	s6 =	sld [smem:$0x3FB5]  }
0x2c: {  	s7 =	sld [smem:$0x3FB6]  }
0x2d: {  	s3 =	simm.s32 $0x108;
	s8 =	sld [smem:$0x3FB7]  }
0x2e: {  	s3 =	simm.s32 @!p0 $0x1082;
	s9 =	sld [smem:$0x3FB8]  }
0x2f: {  	lr =	sadd.s32 s0, s3;
	s0 =	sld [smem:$0x3FAF]  }
0x30: {  	s3 =	sld [smem:$0x3FB2]  }
0x31: {  	[smem:$0x3FBB] =	sst s10  }
0x32: {  	s10 =	sld [smem:$0x3FB9];
	_ =	sdelay $0x3  }
0x33: {  	p0 =	seq.s32 s10, $0x1;
	s10 =	sld [smem:$0x3FBB];
	_ =	sdelay $0x3  }
0x34: {  	[smem:$0x3FBB] =	sst s10  }
0x35: {  	s10 =	sld [smem:$0x3FBA];
	_ =	sdelay $0x3  }
0x36: {  	p1 =	seq.s32 s10, $0x1;
	s10 =	sld [smem:$0x3FBB];
	_ =	sdelay $0x3  }
0x37: {  	[smem:$0x3FBB] =	sst s10  }
0x38: {  	s10 =	sld [smem:$0x3FBC]  }
0x39: {  	_ = 	snop;
	(pc) =	sbr.ind lr, $3  }
0x3a: {  	_ = 	snop  }
0x3b: {  	_ = 	snop  }
0x3c: {  	p2 =	seq.s32 s10, $0x1;
	s10 =	sld [smem:$0x3FBB]  }
0x3d: {  	_ =	shalt  }
0x3e: {  	_ =	shalt  }
0x3f: {  	_ =	shalt  }
0x40: {  	_ =	shalt  }
0x41: {  	_ =	shalt  }
0x42: {  	_ =	shalt  }
0x43: {  	_ =	shalt  }
0x44: {  	_ =	shalt  }
0x45: {  	_ =	shalt  }
0x46: {  	_ =	shalt  }
0x47: {  	_ =	shalt  }
0x48: {  	_ =	shalt  }
0x49: {  	_ =	shalt  }
0x4a: {  	_ =	shalt  }
0x4b: {  	_ =	shalt  }
0x4c: {  	_ =	shalt  }
0x4d: {  	_ =	shalt  }
0x4e: {  	_ =	shalt  }
0x4f: {  	_ =	shalt  }
0x50: {  	_ =	shalt  }
0x51: {  	_ =	shalt  }
0x52: {  	_ =	shalt  }
0x53: {  	_ =	shalt  }
0x54: {  	_ =	shalt  }
0x55: {  	_ =	shalt  }
0x56: {  	_ =	shalt  }
0x57: {  	_ =	shalt  }
0x58: {  	_ =	shalt  }
0x59: {  	_ =	shalt  }
0x5a: {  	_ =	shalt  }
0x5b: {  	_ =	shalt  }
0x5c: {  	_ =	shalt  }
0x5d: {  	_ =	shalt  }
0x5e: {  	_ =	shalt  }
0x5f: {  	_ =	shalt  }
0x60: {  	_ =	shalt  }
0x61: {  	_ =	shalt  }
0x62: {  	_ =	shalt  }
0x63: {  	_ =	shalt  }
0x64: {  	_ =	shalt  }
0x65: {  	_ =	shalt  }
0x66: {  	_ =	shalt  }
0x67: {  	_ =	shalt  }
0x68: {  	_ =	shalt  }
0x69: {  	_ =	shalt  }
0x6a: {  	_ =	shalt  }
0x6b: {  	_ =	shalt  }
0x6c: {  	_ =	shalt  }
0x6d: {  	_ =	shalt  }
0x6e: {  	_ =	shalt  }
0x6f: {  	_ =	shalt  }
0x70: {  	_ =	shalt  }
0x71: {  	_ =	shalt  }
0x72: {  	_ =	shalt  }
0x73: {  	_ =	shalt  }
0x74: {  	_ =	shalt  }
0x75: {  	_ =	shalt  }
0x76: {  	_ =	shalt  }
0x77: {  	_ =	shalt  }
0x78: {  	_ =	shalt  }
0x79: {  	_ =	shalt  }
0x7a: {  	_ =	shalt  }
0x7b: {  	_ =	shalt  }
0x7c: {  	_ =	shalt  }
0x7d: {  	_ =	shalt  }
0x7e: {  	_ =	shalt  }
0x7f: {  	_ =	shalt  }
0x80: {  	_ =	shalt  }
0x81: {  	_ =	shalt  }
0x82: {  	_ =	shalt  }
0x83: {  	_ =	shalt  }
0x84: {  	_ =	shalt  }
0x85: {  	_ =	shalt  }
0x86: {  	_ =	shalt  }
0x87: {  	_ =	shalt  }
.Lfunc_end0:
.L_simem_size_0:
called_computation_lowered:
.L_overlay_start_0:
0x88: {  	s2 =	sld [smem:$0x3FD9]  }
0x89: {  	s3 =	sld [smem:$0x3FFE];
	_ =	sdelay $0x1  }
0x8a: {  	s1 =	srdreg.scid  }
0x8b: {  	s0 =	sand.u32 $0x1, s1  }
0x8c: {  	s17 =	sshll.u32 s0, $0xA;
	s2 =	sadd.s32 s3, s2  }
0x8d: {  	s2 =	sadd.s32 s2, s17  }
0x8e: {  	[smem:$0x3FC7] =	sst s2  }
0x8f: {  	_ = 	snop  }
0x90: {  	s2 =	sld [smem:$0x3FC9];
	(tm) =	ssettm $0x1  }
0x91: {  	s18 =	sld [smem:$0x3FFB];
	_ =	sdelay $0x3  }
0x92: {  	_ =	strace s18  }
0x93: {  	s3 =	sld [smem:$0x3FFC];
	_ =	sdelay $0x3  }
0x94: {  	_ =	strace s3  }
0x95: {  	s3 =	sld [smem:$0x3FFD];
	_ =	sdelay $0x3  }
0x96: {  	_ =	strace s3  }
0x97: {  	_ =	strace $0x8FFFFFFF  }
0x98: {  	s19 =	sld [smem:$0x3FDB];
	_ =	sdelay $0x1  }
0x99: {  	s4 =	simm.s32 $_scs_section_size  }
0x9a: {  	s5 =	simm.s32 $_size__tile_overlayer_lowered;
	s6 =	simm.s32 $_tile_overlayer_lowered  }
0x9b: {  	s22 =	simm.s32 $0x1BFF;
	s21 =	sshll.u32 s6, $0x1;
	s3 =	sadd.s32 s4, s19  }
0x9c: {  	s7 =	simm.s32 $0x0;
	s20 =	sshll.u32 s5, $0x1;
	s5 =	sadd.s32 s21, s3  }
0x9d: {  	[timem:s7], [sflag:s22] =	dma.local [hbm:s5], s20  }
0x9e: {  	_ =	swait.ge [sflag:s22], s20  }
0x9f: {  	s4 =	ssub.s32 $0x0, s20;
	[sflag:s22] =	ssyncset.done $0x0  }
0xa0: {  	[sflag:s22] =	ssyncadd.s32 s4;
	_ =	sdelay $0x1  }
0xa1: {  	s23 =	simm.s32 $0x1B8B  }
0xa2: {  	_ =	swait.ge [sflag:s23], $0x1  }
0xa3: {  	[sflag:s23] =	ssyncset.done $0x0  }
0xa4: {  	s25 =	simm.s32 $0x1B8E;
	s24 =	sld [smem:$0x3FFE];
	[sflag:s23] =	ssyncadd.s32 $0xFFFFFFFF  }
0xa5: {  	s26 =	simm.s32 $execute0_lowered;
	[smem:$0x3FD2] =	sst s25  }
0xa6: {  	s5 =	sshll.u32 s26, $0x1;
	_ =	strace $0x80000046;
	[dreg:$0x1] =	wrdreg $0xFFFFFFFF  }
0xa7: {  	s28 =	simm.s32 $_size_execute0_lowered;
	s3 =	sadd.s32 s3, s5;
	[dreg:$0x0] =	wrdreg $0x0  }
0xa8: {  	s5 =	sshll.u32 s28, $0x1;
	[dreg:$0x2] =	wrdreg s3  }
0xa9: {  	[dreg:$0x3] =	wrdreg s5  }
0xaa: {  	[dreg:$0x4] =	wrdreg $0xC0  }
0xab: {  	_ =	task [dreg:s7], $0x5FFFF  }
0xac: {  	[dreg:$0x1] =	wrdreg $0xFFFFFFFF  }
0xad: {  	[dreg:$0x0] =	wrdreg $0x60  }
0xae: {  	[dreg:$0x2] =	wrdreg s2  }
0xaf: {  	[dreg:$0x3] =	wrdreg s24  }
0xb0: {  	[dreg:$0x4] =	wrdreg $0x9  }
0xb1: {  	_ =	task.clear_ibuf [dreg:s7], $0x5FFFF;
	_ =	strace $0x90000046  }
0xb2: {  	s29 =	simm.s32 $0x9;
	_ =	strace $0x80000048  }
0xb3: {  	_ =	swait.ge [sflag:s29], $0x1  }
0xb4: {  	[sflag:s29] =	ssyncadd.s32 $0xFFFFFFFF  }
0xb5: {  	_ =	strace $0x90000048  }
0xb6: {  	_ =	sfence  }
0xb7: {  	s30 =	sld [smem:$0x0];
	_ =	sdelay $0x2  }
0xb8: {  	s31 =	sshll.u32 s1, $0xD;
	s1 =	sshrl.u32 s1, $0x2  }
0xb9: {  	s3 =	sand.u32 $0x4000, s31;
	s1 =	sadd.s32 s1, s30  }
0xba: {  	s0 =	sor.u32 s3, s0;
	s1 =	sshll.u32 s1, $0x11  }
0xbb: {  	s0 =	sor.u32 s1, s0  }
0xbc: {  	s0 =	sadd.s32 $0x8F2B, s0  }
0xbd: {  	[sflag:s0] =	ssyncadd.remote.s32 $0x1  }
0xbe: {  	_ =	sfence.sel $0xFFFF  }
0xbf: {  	[dreg:$0x0] =	wrdreg $0xFFFFFFFF;
	(pc) =	sbr.abs _section_cstart, $3  }
0xc0: {  	[dreg:$0x1] =	wrdreg $0xFFFFFFFF  }
0xc1: {  	_ =	task.clear_ibuf [dreg:s7], $0x2FFFF;
	_ =	strace $0x9FFFFFFF  }
0xc2: {  	(tm) =	ssettm $0x7FFFFFFF  }
0xc3: {  	_ =	shalt  }
tec
execute0_lowered:
.L_overlay_start_1:
0x0: {  	(tag) =	ssettag $0x1  }
0x1: {  	v0 =	vimm.f32 $3.981653610e+10  }
0x2: {  	vm6 =	vcmask $0x300;
	vm0 =	vcmask $0x704;
	vm1 =	vcmask $0xB08  }
0x3: {  	vm2 =	vcmask $0xF0C;
	vm7 =	vcmask $0x1310;
	vm8 =	vcmask $0x1714  }
0x4: {  	vm9 =	vcmask $0x1B18;
	v1 =	vimm.f32 $1.000000000e+09;
	vm10 =	vcmask $0x1F1C  }
0x5: {  	vm11 =	vcmask $0x2320;
	vm3 =	vcmask $0x2724;
	vm4 =	vcmask $0x2B28  }
0x6: {  	s1 =	rddreg [dreg:$0x0];
	vm5 =	vcmask $0x2F2C;
	v2 =	vimm.f32 $1.247584830e+11;
	vm12 =	vcmask $0x3330  }
0x7: {  	s4 =	rddreg [dreg:$0x1];
	s2 =	simm.s32 $0x0;
	vm13 =	vcmask $0x3734;
	vm14 =	vcmask $0x3B38;
	v4 =	vimm.f32 $1.672294560e+11  }
0x8: {  	v7 =	vimm.f32 $2.946423850e+11;
	v9 =	vimm.f32 $3.795843150e+11;
	v0 =	vsel vm6, $0x0, v0;
	[smem:$0x7FF] =	sst s2  }
0x9: {  	s0 =	rddreg [dreg:$0x2];
	v11 =	vimm.f32 $4.220553130e+11;
	v0 =	vsel vm0, $0x4F1E377A, v0;
	_ =	strace $0x80000047  }
0xa: {  	v0 =	vsel vm1, $0x4F9E377A, v0;
	(erf) = vrcp.f32 v1;
	v1 =	vimm.f32 $8.228750950e+10  }
0xb: {  	v15 =	vimm.f32 $5.919391740e+11;
	v0 =	vsel vm2, $0x4FED5337, v0;
	v1 =	vsel vm6, $0x511E377A, v1  }
0xc: {  	v2 =	vsel vm6, $0x519E377A, v2;
	v0 =	vsel vm7, $0x501E377A, v0;
	v1 =	vsel vm0, $0x51281AF2, v1  }
0xd: {  	v4 =	vsel vm6, $0x51ED5337, v4;
	v0 =	vsel vm8, $0x5045C558, v0;
	v1 =	vsel vm1, $0x5131FE69, v1  }
0xe: {  	v2 =	vsel vm0, $0x51A32936, v2;
	v0 =	vsel vm9, $0x506D5337, v0;
	v1 =	vsel vm2, $0x513BE1E1, v1  }
0xf: {  	v2 =	vsel vm1, $0x51A81AF2, v2;
	v0 =	vsel vm10, $0x508A708B, v0;
	v1 =	vsel vm7, $0x5145C558, v1  }
0x10: {  	v2 =	vsel vm2, $0x51AD0CAD, v2;
	v0 =	vsel vm11, $0x509E377A, v0;
	v1 =	vsel vm8, $0x514FA8D0, v1  }
0x11: {  	v2 =	vsel vm7, $0x51B1FE69, v2;
	v0 =	vsel vm3, $0x50B1FE69, v0;
	v1 =	vsel vm9, $0x51598C48, v1  }
0x12: {  	v2 =	vsel vm8, $0x51B6F025, v2;
	v0 =	vsel vm4, $0x50C5C558, v0;
	v1 =	vsel vm10, $0x51636FBF, v1  }
0x13: {  	v2 =	vsel vm9, $0x51BBE1E1, v2;
	v0 =	vsel vm5, $0x50D98C48, v0;
	v1 =	vsel vm11, $0x516D5337, v1  }
0x14: {  	v2 =	vsel vm10, $0x51C0D39D, v2;
	v0 =	vsel vm12, $0x50ED5337, v0;
	v1 =	vsel vm3, $0x517736AF, v1  }
0x15: {  	v2 =	vsel vm11, $0x51C5C558, v2;
	v0 =	vsel vm13, $0x51008D13, v0;
	v1 =	vsel vm4, $0x51808D13, v1  }
0x16: {  	v2 =	vsel vm3, $0x51CAB714, v2;
	v10 =	vpop (erf);
	v0 =	vsel vm14, $0x510A708B, v0;
	v1 =	vsel vm5, $0x51857ECF, v1  }
0x17: {  	v2 =	vsel vm4, $0x51CFA8D0, v2;
	v3 =	vmul.f32 v0, v10;
	v1 =	vsel vm12, $0x518A708B, v1  }
0x18: {  	v7 =	vsel vm6, $0x526D5337, v7;
	v2 =	vsel vm5, $0x51D49A8C, v2;
	v1 =	vsel vm13, $0x518F6247, v1  }
0x19: {  	v2 =	vsel vm12, $0x51D98C48, v2;
	v3 =	vfloor.f32 v3;
	v1 =	vsel vm14, $0x51945402, v1  }
0x1a: {  	v2 =	vsel vm13, $0x51DE7E04, v2;
	v3 =	vmul.f32 $1.000000000e+09, v3;
	v5 =	vmul.f32 v1, v10  }
0x1b: {  	v9 =	vsel vm6, $0x529E377A, v9;
	v4 =	vsel vm0, $0x51F244F3, v4;
	v2 =	vsel vm14, $0x51E36FBF, v2  }
0x1c: {  	v0 =	vsub.f32 v0, v3;
	v3 =	vsel vm1, $0x51F736AF, v4;
	v4 =	vfloor.f32 v5  }
0x1d: {  	v11 =	vsel vm6, $0x52B1FE69, v11;
	v5 =	vmul.f32 v2, v10;
	v4 =	vmul.f32 $1.000000000e+09, v4  }
0x1e: {  	v7 =	vsel vm0, $0x526FCC15, v7;
	v9 =	vsel vm0, $0x529F73E9, v9;
	v11 =	vsel vm0, $0x52B33AD8, v11  }
0x1f: {  	v7 =	vsel vm1, $0x527244F3, v7;
	v1 =	vsub.f32 v1, v4;
	v4 =	vfloor.f32 v5  }
0x20: {  	v9 =	vsel vm1, $0x52A0B058, v9;
	v11 =	vsel vm1, $0x52B47747, v11;
	v4 =	vmul.f32 $1.000000000e+09, v4  }
0x21: {  	v7 =	vsel vm2, $0x5274BDD1, v7;
	v9 =	vsel vm2, $0x52A1ECC7, v9;
	v11 =	vsel vm2, $0x52B5B3B6, v11  }
0x22: {  	v3 =	vsel vm2, $0x51FC286A, v3;
	v2 =	vsub.f32 v2, v4;
	v4 =	vimm.f32 $2.097004380e+11  }
0x23: {  	v7 =	vsel vm7, $0x527736AF, v7;
	v3 =	vsel vm7, $0x52008D13, v3;
	v4 =	vsel vm6, $0x521E377A, v4  }
0x24: {  	v9 =	vsel vm7, $0x52A32936, v9;
	v3 =	vsel vm8, $0x520305F1, v3;
	v4 =	vsel vm0, $0x5220B058, v4  }
0x25: {  	v5 =	vimm.f32 $2.521714030e+11;
	v3 =	vsel vm9, $0x52057ECF, v3;
	v4 =	vsel vm1, $0x52232936, v4  }
0x26: {  	v5 =	vsel vm6, $0x5245C558, v5;
	v3 =	vsel vm10, $0x5207F7AD, v3;
	v4 =	vsel vm2, $0x5225A214, v4  }
0x27: {  	v5 =	vsel vm0, $0x52483E36, v5;
	v3 =	vsel vm11, $0x520A708B, v3;
	v4 =	vsel vm7, $0x52281AF2, v4  }
0x28: {  	v5 =	vsel vm1, $0x524AB714, v5;
	v3 =	vsel vm3, $0x520CE969, v3;
	v4 =	vsel vm8, $0x522A93D0, v4  }
0x29: {  	v5 =	vsel vm2, $0x524D2FF2, v5;
	v3 =	vsel vm4, $0x520F6247, v3;
	v4 =	vsel vm9, $0x522D0CAD, v4  }
0x2a: {  	v5 =	vsel vm7, $0x524FA8D0, v5;
	v3 =	vsel vm5, $0x5211DB24, v3;
	v4 =	vsel vm10, $0x522F858B, v4  }
0x2b: {  	v5 =	vsel vm8, $0x525221AE, v5;
	v3 =	vsel vm12, $0x52145402, v3;
	v4 =	vsel vm11, $0x5231FE69, v4  }
0x2c: {  	v5 =	vsel vm9, $0x52549A8C, v5;
	v3 =	vsel vm13, $0x5216CCE0, v3;
	v4 =	vsel vm3, $0x52347747, v4  }
0x2d: {  	v5 =	vsel vm10, $0x5257136A, v5;
	v3 =	vsel vm14, $0x521945BE, v3;
	v4 =	vsel vm4, $0x5236F025, v4  }
0x2e: {  	v5 =	vsel vm11, $0x52598C48, v5;
	v6 =	vmul.f32 v3, v10;
	v4 =	vsel vm5, $0x52396903, v4  }
0x2f: {  	v11 =	vsel vm7, $0x52B6F025, v11;
	v5 =	vsel vm3, $0x525C0526, v5;
	v4 =	vsel vm12, $0x523BE1E1, v4  }
0x30: {  	v5 =	vsel vm4, $0x525E7E04, v5;
	v6 =	vfloor.f32 v6;
	v4 =	vsel vm13, $0x523E5ABF, v4  }
0x31: {  	v5 =	vsel vm5, $0x5260F6E1, v5;
	v6 =	vmul.f32 $1.000000000e+09, v6;
	v4 =	vsel vm14, $0x5240D39D, v4  }
0x32: {  	v7 =	vsel vm8, $0x5279AF8D, v7;
	v5 =	vsel vm12, $0x52636FBF, v5;
	v8 =	vmul.f32 v4, v10  }
0x33: {  	v9 =	vsel vm8, $0x52A465A5, v9;
	v5 =	vsel vm13, $0x5265E89D, v5;
	v3 =	vsub.f32 v3, v6  }
0x34: {  	v6 =	vsel vm9, $0x527C286A, v7;
	v5 =	vsel vm14, $0x5268617B, v5;
	v7 =	vfloor.f32 v8  }
0x35: {  	v11 =	vsel vm8, $0x52B82C94, v11;
	v8 =	vmul.f32 v5, v10;
	v7 =	vmul.f32 $1.000000000e+09, v7  }
0x36: {  	v15 =	vsel vm6, $0x53008D13, v15;
	v9 =	vsel vm9, $0x52A5A214, v9;
	v11 =	vsel vm9, $0x52B96903, v11  }
0x37: {  	v9 =	vsel vm10, $0x52A6DE83, v9;
	v4 =	vsub.f32 v4, v7;
	v7 =	vfloor.f32 v8  }
0x38: {  	v11 =	vsel vm10, $0x52BAA572, v11;
	v9 =	vsel vm11, $0x52A81AF2, v9;
	v7 =	vmul.f32 $1.000000000e+09, v7  }
0x39: {  	v11 =	vsel vm11, $0x52BBE1E1, v11;
	v9 =	vsel vm3, $0x52A95761, v9;
	v8 =	vimm.f32 $3.371133500e+11  }
0x3a: {  	v9 =	vsel vm4, $0x52AA93D0, v9;
	v5 =	vsub.f32 v5, v7;
	v7 =	vsel vm6, $0x528A708B, v8  }
0x3b: {  	v11 =	vsel vm3, $0x52BD1E50, v11;
	v9 =	vsel vm5, $0x52ABD03E, v9;
	v7 =	vsel vm0, $0x528BACFA, v7  }
0x3c: {  	vm15 =	veq.f32 v0, $1.000000000e+09;
	v0 =	vand.u32 $0x7FFFFFFF, v0;
	v7 =	vsel vm1, $0x528CE969, v7  }
0x3d: {  	v0 =	vsel vm15, $0x0, v0;
	v6 =	vsel vm10, $0x527EA148, v6;
	v7 =	vsel vm2, $0x528E25D8, v7  }
0x3e: {  	vm15 =	veq.f32 v1, $1.000000000e+09;
	v6 =	vsel vm11, $0x52808D13, v6;
	v7 =	vsel vm7, $0x528F6247, v7  }
0x3f: {  	v1 =	vand.u32 $0x7FFFFFFF, v1;
	v6 =	vsel vm3, $0x5281C982, v6;
	v7 =	vsel vm8, $0x52909EB6, v7  }
0x40: {  	v1 =	vsel vm15, $0x0, v1;
	v6 =	vsel vm4, $0x528305F1, v6;
	v7 =	vsel vm9, $0x5291DB24, v7  }
0x41: {  	vm15 =	veq.f32 v2, $1.000000000e+09;
	v6 =	vsel vm5, $0x52844260, v6;
	v7 =	vsel vm10, $0x52931793, v7  }
0x42: {  	v2 =	vand.u32 $0x7FFFFFFF, v2;
	v6 =	vsel vm12, $0x52857ECF, v6;
	v7 =	vsel vm11, $0x52945402, v7  }
0x43: {  	v2 =	vsel vm15, $0x0, v2;
	v6 =	vsel vm13, $0x5286BB3E, v6;
	v7 =	vsel vm3, $0x52959071, v7  }
0x44: {  	vm15 =	veq.f32 v3, $1.000000000e+09;
	v6 =	vsel vm14, $0x5287F7AD, v6;
	v7 =	vsel vm4, $0x5296CCE0, v7  }
0x45: {  	v3 =	vand.u32 $0x7FFFFFFF, v3;
	v8 =	vmul.f32 v6, v10;
	v7 =	vsel vm5, $0x5298094F, v7  }
0x46: {  	v9 =	vsel vm12, $0x52AD0CAD, v9;
	v3 =	vsel vm15, $0x0, v3;
	v7 =	vsel vm12, $0x529945BE, v7  }
0x47: {  	vm15 =	veq.f32 v4, $1.000000000e+09;
	v8 =	vfloor.f32 v8;
	v7 =	vsel vm13, $0x529A822D, v7  }
0x48: {  	v4 =	vand.u32 $0x7FFFFFFF, v4;
	v8 =	vmul.f32 $1.000000000e+09, v8;
	v7 =	vsel vm14, $0x529BBE9C, v7  }
0x49: {  	v4 =	vsel vm15, $0x0, v4;
	vm15 =	veq.f32 v5, $1.000000000e+09;
	v12 =	vmul.f32 v7, v10  }
0x4a: {  	v6 =	vsub.f32 v6, v8;
	v8 =	vsel vm13, $0x52AE491C, v9;
	v9 =	vsel vm4, $0x52BE5ABF, v11  }
0x4b: {  	v8 =	vsel vm14, $0x52AF858B, v8;
	v9 =	vsel vm5, $0x52BF972E, v9;
	v11 =	vfloor.f32 v12  }
0x4c: {  	v9 =	vsel vm12, $0x52C0D39D, v9;
	v12 =	vmul.f32 v8, v10;
	v11 =	vmul.f32 $1.000000000e+09, v11  }
0x4d: {  	v5 =	vand.u32 $0x7FFFFFFF, v5;
	v13 =	vand.u32 $0x7FFFFFFF, v6;
	v9 =	vsel vm13, $0x52C2100C, v9  }
0x4e: {  	v9 =	vsel vm14, $0x52C34C7B, v9;
	v7 =	vsub.f32 v7, v11;
	v11 =	vfloor.f32 v12  }
0x4f: {  	vm0 =	veq.f32 v6, $1.000000000e+09;
	v12 =	vmul.f32 v9, v10;
	v11 =	vmul.f32 $1.000000000e+09, v11  }
0x50: {  	v5 =	vsel vm15, $0x0, v5;
	v6 =	vsel vm0, $0x0, v13;
	vm0 =	vcmask $0x704  }
0x51: {  	v13 =	vimm.f32 $5.494682090e+11;
	v8 =	vsub.f32 v8, v11;
	v11 =	vfloor.f32 v12  }
0x52: {  	v13 =	vsel vm6, $0x52ED5337, v13;
	v12 =	vimm.f32 $4.645262790e+11;
	v11 =	vmul.f32 $1.000000000e+09, v11  }
0x53: {  	v15 =	vsel vm0, $0x53012B4B, v15;
	v13 =	vsel vm0, $0x52EE8FA6, v13;
	v12 =	vsel vm6, $0x52C5C558, v12  }
0x54: {  	v9 =	vsub.f32 v9, v11;
	v11 =	vsel vm0, $0x52C701C7, v12;
	v12 =	vimm.f32 $5.069972440e+11  }
0x55: {  	v15 =	vsel vm1, $0x5301C982, v15;
	v11 =	vsel vm1, $0x52C83E36, v11;
	v12 =	vsel vm6, $0x52D98C48, v12  }
0x56: {  	v13 =	vsel vm1, $0x52EFCC15, v13;
	v11 =	vsel vm2, $0x52C97AA5, v11;
	v12 =	vsel vm0, $0x52DAC8B7, v12  }
0x57: {  	v13 =	vsel vm2, $0x52F10884, v13;
	v11 =	vsel vm7, $0x52CAB714, v11;
	v12 =	vsel vm1, $0x52DC0526, v12  }
0x58: {  	v13 =	vsel vm7, $0x52F244F3, v13;
	v11 =	vsel vm8, $0x52CBF383, v11;
	v12 =	vsel vm2, $0x52DD4195, v12  }
0x59: {  	v13 =	vsel vm8, $0x52F38162, v13;
	v11 =	vsel vm9, $0x52CD2FF2, v11;
	v12 =	vsel vm7, $0x52DE7E04, v12  }
0x5a: {  	v13 =	vsel vm9, $0x52F4BDD1, v13;
	v11 =	vsel vm10, $0x52CE6C61, v11;
	v12 =	vsel vm8, $0x52DFBA73, v12  }
0x5b: {  	v13 =	vsel vm10, $0x52F5FA40, v13;
	v11 =	vsel vm11, $0x52CFA8D0, v11;
	v12 =	vsel vm9, $0x52E0F6E1, v12  }
0x5c: {  	v13 =	vsel vm11, $0x52F736AF, v13;
	v11 =	vsel vm3, $0x52D0E53F, v11;
	v12 =	vsel vm10, $0x52E23350, v12  }
0x5d: {  	v13 =	vsel vm3, $0x52F8731E, v13;
	v11 =	vsel vm4, $0x52D221AE, v11;
	v12 =	vsel vm11, $0x52E36FBF, v12  }
0x5e: {  	v13 =	vsel vm4, $0x52F9AF8D, v13;
	v11 =	vsel vm5, $0x52D35E1D, v11;
	v12 =	vsel vm3, $0x52E4AC2E, v12  }
0x5f: {  	v13 =	vsel vm5, $0x52FAEBFB, v13;
	v11 =	vsel vm12, $0x52D49A8C, v11;
	v12 =	vsel vm4, $0x52E5E89D, v12  }
0x60: {  	v13 =	vsel vm12, $0x52FC286A, v13;
	v11 =	vsel vm13, $0x52D5D6FB, v11;
	v12 =	vsel vm5, $0x52E7250C, v12  }
0x61: {  	v13 =	vsel vm13, $0x52FD64D9, v13;
	v11 =	vsel vm14, $0x52D7136A, v11;
	v12 =	vsel vm12, $0x52E8617B, v12  }
0x62: {  	v13 =	vsel vm14, $0x52FEA148, v13;
	v14 =	vmul.f32 v11, v10;
	v12 =	vsel vm13, $0x52E99DEA, v12  }
0x63: {  	v15 =	vsel vm2, $0x530267BA, v15;
	v17 =	vmul.f32 v13, v10;
	v12 =	vsel vm14, $0x52EADA59, v12  }
0x64: {  	v15 =	vsel vm7, $0x530305F1, v15;
	v16 =	vmul.f32 v12, v10;
	v14 =	vfloor.f32 v14  }
0x65: {  	vm15 =	veq.f32 v7, $1.000000000e+09;
	v17 =	vfloor.f32 v17;
	v14 =	vmul.f32 $1.000000000e+09, v14  }
0x66: {  	v7 =	vand.u32 $0x7FFFFFFF, v7;
	v17 =	vmul.f32 $1.000000000e+09, v17;
	v16 =	vfloor.f32 v16  }
0x67: {  	v16 =	vmul.f32 $1.000000000e+09, v16;
	v11 =	vsub.f32 v11, v14;
	v14 =	vsel vm8, $0x5303A429, v15  }
0x68: {  	v13 =	vsub.f32 v13, v17;
	v15 =	vimm.f32 $6.344101720e+11;
	v14 =	vsel vm9, $0x53044260, v14  }
0x69: {  	v15 =	vsel vm6, $0x530A708B, v15;
	v12 =	vsub.f32 v12, v16;
	v16 =	vimm.f32 $6.768811700e+11  }
0x6a: {  	v14 =	vsel vm10, $0x5304E097, v14;
	v15 =	vsel vm0, $0x530B0EC2, v15;
	v16 =	vsel vm6, $0x53145402, v16  }
0x6b: {  	v14 =	vsel vm11, $0x53057ECF, v14;
	v15 =	vsel vm1, $0x530BACFA, v15;
	v16 =	vsel vm0, $0x5314F23A, v16  }
0x6c: {  	v14 =	vsel vm3, $0x53061D06, v14;
	v15 =	vsel vm2, $0x530C4B31, v15;
	v16 =	vsel vm1, $0x53159071, v16  }
0x6d: {  	v14 =	vsel vm4, $0x5306BB3E, v14;
	v15 =	vsel vm7, $0x530CE969, v15;
	v16 =	vsel vm2, $0x53162EA9, v16  }
0x6e: {  	v14 =	vsel vm5, $0x53075975, v14;
	v15 =	vsel vm8, $0x530D87A0, v15;
	v16 =	vsel vm7, $0x5316CCE0, v16  }
0x6f: {  	v14 =	vsel vm12, $0x5307F7AD, v14;
	v15 =	vsel vm9, $0x530E25D8, v15;
	v16 =	vsel vm8, $0x53176B18, v16  }
0x70: {  	v14 =	vsel vm13, $0x530895E4, v14;
	v15 =	vsel vm10, $0x530EC40F, v15;
	v16 =	vsel vm9, $0x5318094F, v16  }
0x71: {  	v14 =	vsel vm14, $0x5309341C, v14;
	v15 =	vsel vm11, $0x530F6247, v15;
	v16 =	vsel vm10, $0x5318A787, v16  }
0x72: {  	v17 =	vmul.f32 v14, v10;
	v15 =	vsel vm3, $0x5310007E, v15;
	v16 =	vsel vm11, $0x531945BE, v16  }
0x73: {  	v7 =	vsel vm15, $0x0, v7;
	v15 =	vsel vm4, $0x53109EB6, v15;
	v16 =	vsel vm3, $0x5319E3F6, v16  }
0x74: {  	v17 =	vfloor.f32 v17;
	v15 =	vsel vm5, $0x53113CED, v15;
	v16 =	vsel vm4, $0x531A822D, v16  }
0x75: {  	v17 =	vmul.f32 $1.000000000e+09, v17;
	v15 =	vsel vm12, $0x5311DB24, v15;
	v16 =	vsel vm5, $0x531B2065, v16  }
0x76: {  	vm15 =	veq.f32 v8, $1.000000000e+09;
	v15 =	vsel vm13, $0x5312795C, v15;
	v16 =	vsel vm12, $0x531BBE9C, v16  }
0x77: {  	v14 =	vsub.f32 v14, v17;
	v17 =	vimm.f32 $1.024000000e+03;
	v16 =	vsel vm13, $0x531C5CD4, v16  }
0x78: {  	v15 =	vsel vm14, $0x53131793, v15;
	(erf) = vrcp.f32 v17;
	v16 =	vsel vm14, $0x531CFB0B, v16  }
0x79: {  	v8 =	vand.u32 $0x7FFFFFFF, v8;
	v17 =	vmul.f32 v15, v10;
	v10 =	vmul.f32 v16, v10  }
0x7a: {  	s5 =	srdreg.scid;
	s3 =	stileid.u32;
	vm10 =	veq.f32 v11, $1.000000000e+09;
	v11 =	vand.u32 $0x7FFFFFFF, v11;
	vm11 =	veq.f32 v12, $1.000000000e+09  }
0x7b: {  	s5 =	sand.u32 $0x1, s5;
	s6 =	sshll.u32 s3, $0x1;
	v12 =	vand.u32 $0x7FFFFFFF, v12;
	v17 =	vfloor.f32 v17;
	v18 =	vfloor.f32 v10  }
0x7c: {  	s11 =	simm.s32 $0x400;
	s6 =	sor.u32 s5, s6;
	v10 =	vsel vm10, $0x0, v11;
	v11 =	vsel vm11, $0x0, v12;
	v12 =	vmul.f32 $1.000000000e+09, v18  }
0x7d: {  	s12 =	simm.s32 $0x8000;
	s13 =	simm.s32 $0x1;
	s7 =	smul.u32 $0x380, s6;
	v8 =	vsel vm15, $0x0, v8;
	v17 =	vmul.f32 $1.000000000e+09, v17  }
0x7e: {  	s14 =	simm.s32 $0x2;
	s15 =	simm.s32 $0x10000;
	s8 =	smul.u32 $0xE000, s6;
	vm9 =	veq.f32 v9, $1.000000000e+09;
	v9 =	vand.u32 $0x7FFFFFFF, v9;
	v16 =	vsub.f32 v16, v12  }
.Ltmp0:
0x7f: {  	s16 =	simm.s32 $0x3;
	s5 =	ssub.s32 $0x2, s5;
	v9 =	vsel vm9, $0x0, v9;
	vm12 =	veq.f32 v13, $1.000000000e+09;
	v15 =	vsub.f32 v15, v17;
	(pc) =	sbr.rel .LBB2_1-.Ltmp0, $4  }
0x80: {  	s17 =	simm.s32 $0x0;
	s30 =	sshrl.u32 s5, $0x1;
	s31 =	smul.u32 $0x70000, s6;
	v13 =	vand.u32 $0x7FFFFFFF, v13;
	vm13 =	veq.f32 v14, $1.000000000e+09;
	v14 =	vand.u32 $0x7FFFFFFF, v14  }
0x81: {  	s10 =	ssub.s32 s5, s30;
	s5 =	sadd.s32 $0x40, s1;
	s9 =	sadd.s32 s7, s4;
	v12 =	vsel vm12, $0x0, v13;
	v13 =	vsel vm13, $0x0, v14;
	vm14 =	veq.f32 v15, $1.000000000e+09  }
0x82: {  	s4 =	sadd.s32 s1, s8;
	s6 =	sadd.s32 s8, s5;
	s7 =	sadd.s32 $0x10000, s31;
	v14 =	vand.u32 $0x7FFFFFFF, v15;
	vm15 =	veq.f32 v16, $1.000000000e+09;
	v15 =	vand.u32 $0x7FFFFFFF, v16;
	v16 =	vpop (erf)  }
0x83: {  	s8 =	sadd.s32 $0x400, s9;
	s9 =	smax.u32 s10, $0x1;
	s10 =	simm.s32 $0x200;
	v17 =	vlaneseq.u32;
	v14 =	vsel vm14, $0x0, v14;
	v15 =	vsel vm15, $0x0, v15;
	[tilespmem:$0x1FFF0] =	vst v16  }
.LBB2_12:
0x84: {  	s17 =	sadd.s32 $0x1, s17  }
0x85: {  	p0 =	sne.s32 s17, s9  }
.Ltmp1:
0x86: {  	_ = 	snop;
	(pc) =	sbr.rel @!p0 .LBB2_13-.Ltmp1, $4  }
0x87: {  	[hbm4b:s8+s2] =	stream.linear.scatter [tilespmem:s15], [sflag:$0x3], $0x1C00, $0x38;
	[tilespmem:$0x11C00] =	vst v63  }
0x88: {  	_ =	swait.ge [sflag:s16], $0x1C00  }
0x89: {  	[sflag:s16] =	ssyncset.done $0x0  }
0x8a: {  	[sflag:s16] =	ssyncadd.s32 $0xFFFFE400  }
.LBB2_1:
0x8b: {  	[tilespmem:s2], [sflag:$0x1] =	stream.strided.gather [hbm4b:s4+s10], $0x8000, s11, s10, $0x38;
	[tilespmem:$0x11C00] =	vst v63  }
0x8c: {  	s18 =	simm.s32 $0x0  }
0x8d: {  	[tilespmem:s12], [sflag:$0x2] =	stream.strided.gather [hbm4b:s6+s10], $0x8000, s11, s10, $0x38;
	[tilespmem:$0x11C00] =	vst v63  }
.LBB2_2:
0x8e: {  	s19 =	sshll.u32 s18, $0xA  }
0x8f: {  	s19 =	sand.u32 $0x3FFFFC00, s19  }
0x90: {  	_ =	swait.ge [sflag:s13], $0x8000;
	s21 =	sadd.s32 $0x10000, s19  }
0x91: {  	s20 =	simm.s32 $0x4E70;
	[sflag:s13] =	ssyncset.done $0x0;
	v16 =	vmov s21  }
0x92: {  	[sflag:s13] =	ssyncadd.s32 $0xFFFF8000;
	s19 =	simm.s32 $0x0;
	s21 =	simm.s32 $0x0;
	[tilespmem:$0x1FFE0] =	vst v16  }
.LBB2_3:
0x93: {  	v16 =	vld [tilespmem:s20+$0xFFFFBF90]  }
0x94: {  	v25 =	vld [tilespmem:s20+$0xFFFFBDF0]  }
0x95: {  	v24 =	vld [tilespmem:s20+$0xFFFFBDE0]  }
0x96: {  	v19 =	vld [tilespmem:s20+$0xFFFFBC00]  }
0x97: {  	v28 =	vld [tilespmem:s20+$0xFFFFBBF0]  }
0x98: {  	v30 =	vld [tilespmem:s20+$0xFFFFBBE0]  }
0x99: {  	v31 =	vld [tilespmem:s20+$0xFFFFBBD0]  }
0x9a: {  	v32 =	vld [tilespmem:s20+$0xFFFFBBC0]  }
0x9b: {  	v33 =	vld [tilespmem:s20+$0xFFFFBBB0]  }
0x9c: {  	v34 =	vld [tilespmem:s20+$0xFFFFBBA0]  }
0x9d: {  	v35 =	vld [tilespmem:s20+$0xFFFFBB90]  }
0x9e: {  	v36 =	vld [tilespmem:s20+$0xFFFFBA00]  }
0x9f: {  	v37 =	vld [tilespmem:s20+$0xFFFFB9F0]  }
0xa0: {  	v38 =	vld [tilespmem:s20+$0xFFFFB9E0]  }
0xa1: {  	v39 =	vld [tilespmem:s20+$0xFFFFB9D0]  }
0xa2: {  	v40 =	vld [tilespmem:s20+$0xFFFFB800]  }
0xa3: {  	v41 =	vld [tilespmem:s20+$0xFFFFB7F0]  }
0xa4: {  	v42 =	vld [tilespmem:s20+$0xFFFFB7E0]  }
0xa5: {  	v43 =	vld [tilespmem:s20+$0xFFFFB7D0]  }
0xa6: {  	v44 =	vld [tilespmem:s20+$0xFFFFB7C0]  }
0xa7: {  	v45 =	vld [tilespmem:s20+$0xFFFFB7B0]  }
0xa8: {  	v46 =	vld [tilespmem:s20+$0xFFFFB7A0]  }
0xa9: {  	v47 =	vld [tilespmem:s20+$0xFFFFB790]  }
0xaa: {  	v48 =	vld [tilespmem:s20+$0xFFFFB600]  }
0xab: {  	v49 =	vld [tilespmem:s20+$0xFFFFB5F0]  }
0xac: {  	v50 =	vld [tilespmem:s20+$0xFFFFB5E0]  }
0xad: {  	v51 =	vld [tilespmem:s20+$0xFFFFB5D0]  }
0xae: {  	v27 =	vld [tilespmem:s20+$0xFFFFB5C0]  }
0xaf: {  	v29 =	vld [tilespmem:s20+$0xFFFFB5B0]  }
0xb0: {  	v26 =	vld [tilespmem:s20+$0xFFFFB5A0]  }
0xb1: {  	v52 =	vld [tilespmem:s20+$0x0]  }
0xb2: {  	v53 =	vld [tilespmem:s20+$0xFFFFFFF0]  }
0xb3: {  	v54 =	vld [tilespmem:s20+$0xFFFFFFE0]  }
0xb4: {  	v55 =	vld [tilespmem:s20+$0xFFFFFFD0]  }
0xb5: {  	v56 =	vld [tilespmem:s20+$0xFFFFFFC0]  }
0xb6: {  	v57 =	vld [tilespmem:s20+$0xFFFFFFB0]  }
0xb7: {  	v58 =	vld [tilespmem:s20+$0xFFFFFFA0]  }
0xb8: {  	v59 =	vld [tilespmem:s20+$0xFFFFFF90]  }
0xb9: {  	v60 =	vld [tilespmem:s20+$0xFFFFFE00]  }
0xba: {  	v21 =	vld [tilespmem:s20+$0xFFFFFDC0]  }
0xbb: {  	v18 =	vld [tilespmem:s20+$0xFFFFFDB0]  }
0xbc: {  	v23 =	vld [tilespmem:s20+$0xFFFFFDA0]  }
0xbd: {  	v20 =	vld [tilespmem:s20+$0xFFFFFD90]  }
0xbe: {  	v61 =	vld [tilespmem:s20+$0xFFFFFDF0]  }
0xbf: {  	v62 =	vld [tilespmem:s20+$0xFFFFFDE0];
	v19 =	vmul.f32 v19, v15;
	v28 =	vmul.f32 v28, v14  }
0xc0: {  	v63 =	vld [tilespmem:s20+$0xFFFFFDD0];
	v30 =	vmul.f32 v30, v13;
	v31 =	vmul.f32 v31, v12  }
0xc1: {  	v22 =	vld [tilespmem:s20+$0xFFFFFC00];
	v21 =	vmul.f32 v21, v3;
	v18 =	vmul.f32 v18, v2  }
0xc2: {  	[tilespmem:$0x1FFD0] =	vst v16;
	v16 =	vld [tilespmem:s20+$0xFFFFBE00];
	v23 =	vmul.f32 v23, v1;
	v20 =	vmul.f32 v20, v0  }
0xc3: {  	v19 =	vadd.f32 v19, v28;
	v28 =	vmul.f32 v32, v11;
	v32 =	vmul.f32 v33, v10;
	v33 =	vld [tilespmem:s20+$0xFFFFFBF0]  }
0xc4: {  	v29 =	vmul.f32 v29, v2;
	v27 =	vmul.f32 v27, v3;
	v18 =	vadd.f32 v21, v18;
	v21 =	vld [tilespmem:s20+$0xFFFFF790]  }
0xc5: {  	v34 =	vmul.f32 v34, v9;
	v20 =	vadd.f32 v23, v20;
	v23 =	vld [tilespmem:s20+$0xFFFFF600]  }
0xc6: {  	v35 =	vmul.f32 v35, v8;
	v30 =	vadd.f32 v30, v31;
	v27 =	vadd.f32 v27, v29;
	v29 =	vld [tilespmem:s20+$0xFFFFBFA0]  }
0xc7: {  	v31 =	vadd.f32 v28, v32;
	v28 =	vmul.f32 v37, v6;
	v32 =	vmul.f32 v36, v7;
	v36 =	vld [tilespmem:s20+$0xFFFFFBD0]  }
0xc8: {  	v30 =	vadd.f32 v19, v30;
	v19 =	vmul.f32 v38, v5;
	v38 =	vmul.f32 v39, v4;
	v39 =	vld [tilespmem:s20+$0xFFFFFBC0]  }
0xc9: {  	v37 =	vadd.f32 v34, v35;
	v34 =	vmul.f32 v41, v14;
	v35 =	vmul.f32 v40, v15;
	v40 =	vld [tilespmem:s20+$0xFFFFFBB0]  }
0xca: {  	v41 =	vmul.f32 v43, v12;
	v43 =	vmul.f32 v47, v8;
	v47 =	vld [tilespmem:s20+$0xFFFFF9E0]  }
0xcb: {  	v18 =	vadd.f32 v18, v20;
	v20 =	vld [tilespmem:s20+$0xFFFFF5E0]  }
0xcc: {  	[tilespmem:$0x1FFA0] =	vst v16;
	v16 =	vld [tilespmem:s20+$0xFFFFB9C0]  }
0xcd: {  	v28 =	vadd.f32 v32, v28;
	v32 =	vmul.f32 v42, v13;
	v42 =	vld [tilespmem:s20+$0xFFFFFBA0]  }
0xce: {  	v19 =	vadd.f32 v19, v38;
	v38 =	vmul.f32 v46, v9;
	v46 =	vld [tilespmem:s20+$0xFFFFFB90]  }
0xcf: {  	v34 =	vadd.f32 v35, v34;
	v35 =	vmul.f32 v45, v10;
	v45 =	vld [tilespmem:s20+$0xFFFFFA00]  }
0xd0: {  	v44 =	vmul.f32 v44, v11;
	v32 =	vadd.f32 v32, v41;
	v41 =	vld [tilespmem:s20+$0xFFFFF9F0]  }
0xd1: {  	v38 =	vadd.f32 v38, v43;
	v43 =	vmul.f32 v49, v6;
	v49 =	vld [tilespmem:s20+$0xFFFFF9D0]  }
0xd2: {  	v35 =	vadd.f32 v44, v35;
	v44 =	vmul.f32 v48, v7;
	v48 =	vmul.f32 v50, v5;
	v50 =	vld [tilespmem:s20+$0xFFFFF9A0]  }
0xd3: {  	v28 =	vadd.f32 v28, v19;
	v19 =	vmul.f32 v51, v4;
	[tilespmem:$0x1FFC0] =	vst v16;
	v16 =	vld [tilespmem:s20+$0xFFFFB9B0]  }
0xd4: {  	v32 =	vadd.f32 v34, v32;
	v51 =	vadd.f32 v35, v38;
	v38 =	vld [tilespmem:s20+$0xFFFFF9C0]  }
0xd5: {  	v19 =	vadd.f32 v48, v19;
	v35 =	vadd.f32 v44, v43;
	v43 =	vld [tilespmem:s20+$0xFFFFF9B0]  }
0xd6: {  	v44 =	vmul.f32 v55, v12;
	v48 =	vmul.f32 v54, v13;
	v55 =	vld [tilespmem:s20+$0xFFFFF7F0]  }
0xd7: {  	v57 =	vmul.f32 v57, v10;
	v32 =	vadd.f32 v32, v51;
	v34 =	vadd.f32 v35, v19;
	v51 =	vld [tilespmem:s20+$0xFFFFF990]  }
0xd8: {  	v35 =	vmul.f32 v52, v15;
	v52 =	vmul.f32 v56, v11;
	v44 =	vadd.f32 v48, v44;
	v48 =	vld [tilespmem:s20+$0xFFFFF800]  }
0xd9: {  	v19 =	vmul.f32 v53, v14;
	v56 =	vld [tilespmem:s20+$0xFFFFF7C0]  }
0xda: {  	v52 =	vadd.f32 v52, v57;
	v57 =	vld [tilespmem:s20+$0xFFFFF7E0]  }
0xdb: {  	v60 =	vmul.f32 v60, v7;
	v19 =	vadd.f32 v35, v19;
	v35 =	vmul.f32 v58, v9;
	v58 =	vld [tilespmem:s20+$0xFFFFF7A0]  }
0xdc: {  	v62 =	vmul.f32 v62, v5;
	v63 =	vmul.f32 v63, v4;
	[tilespmem:$0x1FFB0] =	vst v16;
	v16 =	vld [tilespmem:s20+$0xFFFFFBE0]  }
0xdd: {  	v54 =	vmul.f32 v59, v8;
	v59 =	vmul.f32 v43, v2;
	v43 =	vld [tilespmem:s20+$0xFFFFF590]  }
0xde: {  	v61 =	vmul.f32 v61, v6;
	v22 =	vmul.f32 v22, v15;
	v19 =	vadd.f32 v19, v44;
	v44 =	vld [tilespmem:s20+$0xFFFFF7D0]  }
0xdf: {  	v35 =	vadd.f32 v35, v54;
	v54 =	vadd.f32 v62, v63;
	v63 =	vmul.f32 v42, v9;
	v42 =	vld [tilespmem:s20+$0xFFFFF5D0]  }
0xe0: {  	v33 =	vmul.f32 v33, v14;
	v53 =	vadd.f32 v60, v61;
	v62 =	vmul.f32 v40, v10;
	v40 =	vld [tilespmem:s20+$0xFFFFF5B0]  }
0xe1: {  	v61 =	vmul.f32 v39, v11;
	v38 =	vmul.f32 v38, v3;
	v35 =	vadd.f32 v52, v35;
	v52 =	vld [tilespmem:s20+$0xFFFFF7B0]  }
0xe2: {  	v22 =	vadd.f32 v22, v33;
	v53 =	vadd.f32 v53, v54;
	v54 =	vld [tilespmem:s20+$0xFFFFF5F0]  }
0xe3: {  	v33 =	vadd.f32 v61, v62;
	v62 =	vadd.f32 v38, v59;
	v38 =	vld [tilespmem:s20+$0xFFFFF3C0]  }
0xe4: {  	v61 =	vmul.f32 v51, v0;
	v51 =	vld [tilespmem:s20+$0xFFFFF3B0]  }
0xe5: {  	v19 =	vadd.f32 v19, v35;
	v35 =	vld [tilespmem:s20+$0xFFFFB190];
	v18 =	vadd.f32 v53, v18  }
0xe6: {  	v60 =	vmul.f32 v36, v12;
	v53 =	vmul.f32 v46, v8;
	v46 =	vld [tilespmem:s20+$0xFFFFF5A0]  }
0xe7: {  	v16 =	vmul.f32 v16, v13;
	v36 =	vadd.f32 v19, v18;
	v19 =	vmul.f32 v49, v4;
	v49 =	vld [tilespmem:s20+$0xFFFFF400]  }
0xe8: {  	v18 =	vmul.f32 v47, v5;
	v47 =	vld [tilespmem:s20+$0xFFFFF3D0]  }
0xe9: {  	v16 =	vadd.f32 v16, v60;
	v60 =	vmul.f32 v50, v1;
	v50 =	vld [tilespmem:s20+$0xFFFFF390]  }
0xea: {  	v39 =	vadd.f32 v63, v53;
	v53 =	vmul.f32 v55, v14;
	v55 =	vmul.f32 v48, v15;
	v48 =	vld [tilespmem:s20+$0xFFFFF1E0]  }
0xeb: {  	v16 =	vadd.f32 v22, v16;
	v22 =	vld [tilespmem:s20+$0xFFFFF5C0]  }
0xec: {  	v18 =	vadd.f32 v18, v19;
	v19 =	vld [tilespmem:s20+$0xFFFFF3F0]  }
0xed: {  	v45 =	vmul.f32 v45, v7;
	v41 =	vmul.f32 v41, v6;
	v33 =	vadd.f32 v33, v39;
	v39 =	vld [tilespmem:s20+$0xFFFFF3E0]  }
0xee: {  	v63 =	vadd.f32 v60, v61;
	v60 =	vmul.f32 v52, v10;
	v52 =	vld [tilespmem:s20+$0xFFFFF200]  }
0xef: {  	v25 =	vmul.f32 v25, v6;
	v41 =	vadd.f32 v45, v41;
	v61 =	vmul.f32 v56, v11;
	v56 =	vld [tilespmem:s20+$0xFFFFF1F0]  }
0xf0: {  	v16 =	vadd.f32 v16, v33;
	v33 =	vadd.f32 v62, v63;
	v62 =	vmul.f32 v58, v9;
	v58 =	vld [tilespmem:s20+$0xFFFFF1D0]  }
0xf1: {  	v59 =	vmul.f32 v57, v13;
	v43 =	vmul.f32 v43, v0;
	v45 =	vadd.f32 v61, v60;
	v60 =	vld [tilespmem:s20+$0xFFFFF1B0]  }
0xf2: {  	v57 =	vmul.f32 v46, v1;
	v18 =	vadd.f32 v41, v18;
	v41 =	vadd.f32 v55, v53;
	v53 =	vld [tilespmem:s20+$0xFFFFB3E0]  }
0xf3: {  	v44 =	vmul.f32 v44, v12;
	v63 =	vmul.f32 v54, v6;
	v54 =	vld [tilespmem:s20+$0xFFFFB3D0]  }
0xf4: {  	v21 =	vmul.f32 v21, v8;
	v23 =	vmul.f32 v23, v7;
	v43 =	vadd.f32 v57, v43;
	v57 =	vld [tilespmem:s20+$0xFFFFB3B0]  }
0xf5: {  	v44 =	vadd.f32 v59, v44;
	v38 =	vmul.f32 v38, v11;
	v18 =	vadd.f32 v18, v33;
	v33 =	vld [tilespmem:s20+$0xFFFFF3A0]  }
0xf6: {  	v59 =	vmul.f32 v49, v15;
	v49 =	vmul.f32 v51, v10;
	v21 =	vadd.f32 v62, v21;
	v62 =	vld [tilespmem:s20+$0xFFFFF1A0]  }
0xf7: {  	v24 =	vmul.f32 v24, v5;
	v61 =	vmul.f32 v47, v12;
	v23 =	vadd.f32 v23, v63;
	v63 =	vld [tilespmem:s20+$0xFFFFB400]  }
0xf8: {  	v19 =	vmul.f32 v19, v14;
	v39 =	vmul.f32 v39, v13;
	v38 =	vadd.f32 v38, v49;
	v49 =	vld [tilespmem:s20+$0xFFFFB1E0]  }
0xf9: {  	v16 =	vadd.f32 v16, v18;
	v18 =	vmul.f32 v42, v4;
	v42 =	vmul.f32 v56, v6;
	v56 =	vld [tilespmem:s20+$0xFFFFB3C0]  }
0xfa: {  	v20 =	vmul.f32 v20, v5;
	v40 =	vmul.f32 v40, v2;
	v19 =	vadd.f32 v59, v19;
	v59 =	vld [tilespmem:s20+$0xFFFFB3A0]  }
0xfb: {  	v51 =	vmul.f32 v50, v8;
	v22 =	vmul.f32 v22, v3;
	v39 =	vadd.f32 v39, v61;
	v61 =	vld [tilespmem:s20+$0xFFFFB390]  }
0xfc: {  	v41 =	vadd.f32 v41, v44;
	v55 =	vmul.f32 v52, v7;
	v50 =	vmul.f32 v53, v13;
	v53 =	vld [tilespmem:s20+$0xFFFFB1C0]  }
0xfd: {  	v26 =	vmul.f32 v26, v1;
	v18 =	vadd.f32 v20, v18;
	v20 =	vadd.f32 v22, v40;
	v22 =	vld [tilespmem:s20+$0xFFFFF1C0]  }
0xfe: {  	v21 =	vadd.f32 v45, v21;
	v46 =	vmul.f32 v58, v4;
	v42 =	vadd.f32 v55, v42;
	v55 =	vld [tilespmem:s20+$0xFFFFB1A0]  }
0xff: {  	v58 =	vmul.f32 v60, v2;
	v52 =	vmul.f32 v57, v10;
	v57 =	vld [tilespmem:s20+$0xFFFFB590]  }
0x100: {  	v21 =	vadd.f32 v41, v21;
	v33 =	vmul.f32 v33, v9;
	v18 =	vadd.f32 v23, v18;
	v23 =	vld [tilespmem:s20+$0xFFFFF190]  }
0x101: {  	v19 =	vadd.f32 v19, v39;
	v60 =	vmul.f32 v62, v1;
	v62 =	vld [tilespmem:s20+$0xFFFFB200];
	v39 =	vmul.f32 v54, v12  }
0x102: {  	v35 =	vmul.f32 v35, v0;
	v54 =	vld [tilespmem:s20+$0xFFFFB1B0];
	v20 =	vadd.f32 v20, v43;
	v33 =	vadd.f32 v33, v51  }
0x103: {  	v40 =	vmul.f32 v49, v5;
	v49 =	vld [tilespmem:s20+$0xFFFFBD90];
	v51 =	vmul.f32 v56, v11;
	v39 =	vadd.f32 v50, v39  }
0x104: {  	v50 =	vld [tilespmem:s20+$0xFFFFBDD0];
	v18 =	vadd.f32 v18, v20;
	v44 =	vmul.f32 v59, v9;
	v33 =	vadd.f32 v38, v33  }
0x105: {  	v31 =	vadd.f32 v31, v37;
	v20 =	vld [tilespmem:s20+$0xFFFFB3F0];
	v22 =	vmul.f32 v22, v3;
	v23 =	vmul.f32 v23, v0  }
0x106: {  	v59 =	vld [tilespmem:$0x1FFA0];
	v18 =	vadd.f32 v21, v18;
	v21 =	vmul.f32 v48, v5;
	v33 =	vadd.f32 v19, v33  }
0x107: {  	v56 =	vmul.f32 v61, v8;
	v61 =	vld [tilespmem:s20+$0xFFFFBDC0];
	v19 =	vadd.f32 v22, v58;
	v22 =	vadd.f32 v60, v23  }
0x108: {  	v63 =	vmul.f32 v63, v15;
	v38 =	vadd.f32 v51, v52;
	v21 =	vadd.f32 v21, v46;
	v23 =	vld [tilespmem:s20+$0xFFFFB1F0]  }
0x109: {  	v43 =	vmul.f32 v53, v3;
	v44 =	vadd.f32 v44, v56;
	v19 =	vadd.f32 v19, v22;
	v22 =	vld [tilespmem:s20+$0xFFFFB1D0]  }
0x10a: {  	(xrf2) =	vadd.scan.msk.f32 $0xffff, v36;
	v51 =	vld [tilespmem:$0x1FFB0];
	v48 =	vmul.f32 v55, v1;
	v46 =	vmul.f32 v62, v7;
	v21 =	vadd.f32 v42, v21  }
0x10b: {  	v38 =	vadd.f32 v38, v44;
	(xrf2) =	vadd.scan.msk.f32 $0xffff, v18;
	v18 =	vld [tilespmem:$0x1FFC0];
	v20 =	vmul.f32 v20, v14;
	v45 =	vmul.f32 v59, v7  }
0x10c: {  	v35 =	vadd.f32 v48, v35;
	v60 =	vld [tilespmem:s20+$0xFFFFB990];
	v42 =	vmul.f32 v54, v2;
	v21 =	vadd.f32 v21, v19  }
0x10d: {  	v58 =	vld [tilespmem:s20+$0xFFFFB9A0];
	v20 =	vadd.f32 v63, v20;
	v25 =	vadd.f32 v45, v25;
	v23 =	vmul.f32 v23, v6  }
0x10e: {  	v52 =	vld [tilespmem:s20+$0xFFFFBFB0];
	v21 =	vadd.f32 v33, v21;
	v33 =	vmul.f32 v57, v0;
	v22 =	vmul.f32 v22, v4  }
0x10f: {  	v29 =	vmul.f32 v29, v9;
	v56 =	vld [tilespmem:$0x1FFD0];
	v42 =	vadd.f32 v43, v42;
	v23 =	vadd.f32 v46, v23  }
0x110: {  	v62 =	vld [tilespmem:s20+$0xFFFFBDB0];
	(xrf2) =	vadd.scan.msk.f32 $0xffff, v16;
	v36 =	vmul.f32 v51, v2;
	v26 =	vadd.f32 v26, v33;
	v22 =	vadd.f32 v40, v22  }
0x111: {  	v55 =	vld [tilespmem:s20+$0xFFFFC000];
	v20 =	vadd.f32 v20, v39;
	v18 =	vmul.f32 v18, v3;
	(xrf2) =	vadd.scan.msk.f32 $0xffff, v21;
	v21 =	vmul.f32 v60, v0  }
0x112: {  	v63 =	vld [tilespmem:s20+$0xFFFFBDA0];
	v26 =	vadd.f32 v27, v26;
	v16 =	vadd.f32 v23, v22;
	v22 =	vmul.f32 v58, v1  }
0x113: {  	v53 =	vmul.f32 v61, v3;
	v18 =	vadd.f32 v18, v36;
	v57 =	vld [tilespmem:s20+$0xFFFFBFD0];
	v20 =	vadd.f32 v20, v38  }
0x114: {  	v39 =	vmul.f32 v56, v8;
	v27 =	vld [tilespmem:s20+$0xFFFFBFE0];
	v21 =	vadd.f32 v22, v21;
	v22 =	vadd.f32 v34, v26  }
0x115: {  	v54 =	vmul.f32 v62, v2;
	v23 =	vadd.f32 v30, v31;
	v30 =	vld [tilespmem:s20+$0xFFFFBFC0];
	v31 =	vadd.f32 v42, v35  }
0x116: {  	v29 =	vadd.f32 v29, v39;
	v58 =	vmul.f32 v50, v4;
	v26 =	vld [tilespmem:s20+$0xFFFFBFF0];
	v22 =	vadd.f32 v32, v22  }
0x117: {  	v59 =	vmul.f32 v52, v10;
	v33 =	vadd.f32 v53, v54;
	v16 =	vadd.f32 v16, v31  }
0x118: {  	v31 =	vmul.f32 v63, v1;
	v24 =	vadd.f32 v24, v58;
	v18 =	vadd.f32 v18, v21  }
0x119: {  	v21 =	vmul.f32 v49, v0;
	v27 =	vmul.f32 v27, v13;
	v16 =	vadd.f32 v20, v16;
	(xrf2) =	vadd.scan.msk.f32 $0xffff, v22  }
0x11a: {  	v30 =	vmul.f32 v30, v11;
	v18 =	vadd.f32 v28, v18;
	v28 =	vmul.f32 v55, v15;
	v22, _, _ =	vpop (xrf2)  }
0x11b: {  	v21 =	vadd.f32 v31, v21;
	v31 =	vmul.f32 v57, v12;
	v26 =	vmul.f32 v26, v14;
	v60, _, _ =	vpop (xrf2)  }
0x11c: {  	v61 =	vmov s19;
	v24 =	vadd.f32 v25, v24;
	v30 =	vadd.f32 v30, v59;
	v62, _, _ =	vpop (xrf2)  }
0x11d: {  	vm0 =	veq.s32 v61, v17;
	v27 =	vadd.f32 v27, v31;
	v26 =	vadd.f32 v28, v26;
	(xrf2) =	vadd.scan.msk.f32 $0xffff, v16;
	v63, _, _ =	vpop (xrf2)  }
0x11e: {  	v21 =	vadd.f32 v33, v21;
	v18 =	vadd.f32 v23, v18;
	v28 =	vbroadcast v63, $0xF  }
0x11f: {  	s22 =	simm.s32 $0x1;
	v19 =	vimm.f32 $0.0e+00;
	v29 =	vadd.f32 v30, v29;
	v26 =	vadd.f32 v26, v27  }
0x120: {  	v25 =	vmov s22;
	(xrf2) =	vadd.scan.msk.f32 $0xffff, v18;
	v20 =	vsel vm0, v28, v19  }
0x121: {  	v23 =	vadd.f32 v24, v21;
	v27 =	vbroadcast v60, $0xF;
	v24 =	vadd.f32 v26, v29  }
0x122: {  	s31 =	simm.s32 $0x2;
	vm1 =	veq.s32 v25, v17;
	v21 =	vbroadcast v22, $0xF;
	v26 =	vbroadcast v62, $0xF  }
0x123: {  	s23 =	simm.s32 $0x4;
	s24 =	sadd.s32 $0x1000, s20;
	s22 =	simm.s32 $0x0;
	v28 =	vmov s31;
	v27 =	vsel vm1, v27, v20;
	v22 =	vadd.f32 v24, v23;
	v20, _, _ =	vpop (xrf2)  }
.LBB2_4:
0x124: {  	v25 =	vld [tilespmem:s24+$0xFFFFBF90];
	p0 =	slt.u32 s23, $0xC;
	s25 =	smov.u32 s23;
	s23 =	sadd.s32 $0x4, s23  }
0x125: {  	v16 =	vld [tilespmem:s24+$0xFFFFBDF0];
	(xrf2) =	vadd.scan.msk.f32 $0xffff, v22  }
0x126: {  	v18 =	vbroadcast v20, $0xF;
	v23 =	vld [tilespmem:s24+$0xFFFFBE00]  }
0x127: {  	v20 =	vld [tilespmem:s24+$0xFFFFBDE0];
	v22, _, _ =	vpop (xrf2)  }
0x128: {  	v29 =	vld [tilespmem:s24+$0xFFFFBC00];
	v24 =	vbroadcast v22, $0xF  }
0x129: {  	v30 =	vld [tilespmem:s24+$0xFFFFBBF0]  }
0x12a: {  	v31 =	vld [tilespmem:s24+$0xFFFFBBE0];
	v19 =	vsel vm0, v24, v19;
	v22, _, _ =	vpop (xrf2)  }
0x12b: {  	v24 =	vmul.f32 v16, v6;
	v32 =	vld [tilespmem:s24+$0xFFFFBBD0];
	v16 =	vsel vm1, v18, v19  }
0x12c: {  	v18 =	vld [tilespmem:s24+$0xFFFFBBC0];
	v20 =	vmul.f32 v20, v5  }
0x12d: {  	v22 =	vbroadcast v22, $0xF;
	v19 =	vld [tilespmem:s24+$0xFFFFBBB0];
	v29 =	vmul.f32 v29, v15  }
0x12e: {  	s26 =	sadd.s32 $0x3, s22;
	s22 =	smov.u32 s25;
	vm0 =	veq.s32 v28, v17;
	v33 =	vld [tilespmem:s24+$0xFFFFBBA0];
	v30 =	vmul.f32 v30, v14  }
0x12f: {  	v16 =	vsel vm0, v22, v16;
	v22 =	vsel vm0, v26, v27;
	v28 =	vld [tilespmem:s24+$0xFFFFBB90];
	v31 =	vmul.f32 v31, v13;
	v26, _, _ =	vpop (xrf2)  }
0x130: {  	v27 =	vld [tilespmem:s24+$0xFFFFBA00];
	v32 =	vmul.f32 v32, v12;
	v29 =	vadd.f32 v29, v30;
	v30 =	vmov s26  }
0x131: {  	v26 =	vbroadcast v26, $0xF;
	v34 =	vld [tilespmem:s24+$0xFFFFB9F0];
	v18 =	vmul.f32 v18, v11  }
0x132: {  	vm0 =	veq.s32 v30, v17;
	v35 =	vld [tilespmem:s24+$0xFFFFB9E0];
	v36 =	vmul.f32 v19, v10;
	v32 =	vadd.f32 v31, v32  }
0x133: {  	v19 =	vsel vm0, v26, v16;
	v21 =	vsel vm0, v21, v22;
	v30 =	vld [tilespmem:s24+$0xFFFFB9D0];
	v33 =	vmul.f32 v33, v9  }
0x134: {  	v31 =	vld [tilespmem:s24+$0xFFFFB9C0];
	v16 =	vmul.f32 v28, v8;
	v28 =	vadd.f32 v18, v36;
	v26 =	vadd.f32 v29, v32  }
0x135: {  	v18 =	vld [tilespmem:s24+$0xFFFFB9B0]  }
0x136: {  	v27 =	vmul.f32 v27, v7;
	v22 =	vld [tilespmem:s24+$0xFFFFB800];
	v32 =	vmul.f32 v34, v6;
	v29 =	vadd.f32 v33, v16  }
0x137: {  	v16 =	vld [tilespmem:s24+$0xFFFFB7F0];
	v33 =	vmul.f32 v35, v5  }
0x138: {  	v34 =	vld [tilespmem:s24+$0xFFFFB7E0];
	v30 =	vmul.f32 v30, v4;
	v32 =	vadd.f32 v27, v32  }
0x139: {  	v35 =	vld [tilespmem:s24+$0xFFFFB7D0]  }
0x13a: {  	v36 =	vld [tilespmem:s24+$0xFFFFB7C0];
	v27 =	vmul.f32 v18, v2;
	v18 =	vadd.f32 v33, v30  }
0x13b: {  	v30 =	vld [tilespmem:s24+$0xFFFFB7B0]  }
0x13c: {  	v37 =	vmul.f32 v22, v15;
	v33 =	vld [tilespmem:s24+$0xFFFFB7A0];
	v16 =	vmul.f32 v16, v14;
	v22 =	vadd.f32 v32, v18  }
0x13d: {  	v18 =	vld [tilespmem:s24+$0xFFFFB790];
	v32 =	vmul.f32 v34, v13  }
0x13e: {  	v38 =	vld [tilespmem:s24+$0xFFFFB600];
	v34 =	vmul.f32 v35, v12;
	v16 =	vadd.f32 v37, v16  }
0x13f: {  	v37 =	vld [tilespmem:s24+$0xFFFFB5F0]  }
0x140: {  	v39 =	vld [tilespmem:s24+$0xFFFFB5E0];
	v30 =	vmul.f32 v30, v10;
	v32 =	vadd.f32 v32, v34  }
0x141: {  	v40 =	vld [tilespmem:s24+$0xFFFFB5D0];
	v33 =	vmul.f32 v33, v9  }
0x142: {  	v36 =	vmul.f32 v36, v11;
	v35 =	vld [tilespmem:s24+$0xFFFFB5C0];
	v18 =	vmul.f32 v18, v8;
	v16 =	vadd.f32 v16, v32  }
0x143: {  	v32 =	vld [tilespmem:s24+$0xFFFFB5B0]  }
0x144: {  	v30 =	vadd.f32 v36, v30;
	v34 =	vld [tilespmem:s24+$0xFFFFB5A0];
	v37 =	vmul.f32 v37, v6;
	v18 =	vadd.f32 v33, v18  }
0x145: {  	v36 =	vmul.f32 v38, v7;
	v38 =	vld [tilespmem:s24+$0x0]  }
0x146: {  	v39 =	vmul.f32 v39, v5;
	v40 =	vmul.f32 v40, v4;
	v18 =	vadd.f32 v30, v18;
	v41 =	vld [tilespmem:s24+$0xFFFFFFF0]  }
0x147: {  	v42 =	vld [tilespmem:s24+$0xFFFFFFE0]  }
0x148: {  	v36 =	vadd.f32 v36, v37;
	v33 =	vmul.f32 v32, v2;
	v32 =	vadd.f32 v39, v40;
	v37 =	vld [tilespmem:s24+$0xFFFFFFD0]  }
0x149: {  	v30 =	vadd.f32 v16, v18;
	v16 =	vld [tilespmem:s24+$0xFFFFFFC0]  }
0x14a: {  	v32 =	vadd.f32 v36, v32;
	v18 =	vld [tilespmem:s24+$0xFFFFFFB0]  }
0x14b: {  	v36 =	vld [tilespmem:s24+$0xFFFFFFA0];
	v39 =	vmul.f32 v41, v14  }
0x14c: {  	v38 =	vmul.f32 v38, v15;
	v40 =	vld [tilespmem:s24+$0xFFFFFF90]  }
0x14d: {  	v42 =	vmul.f32 v42, v13;
	v41 =	vld [tilespmem:s24+$0xFFFFFE00];
	v37 =	vmul.f32 v37, v12  }
0x14e: {  	v43 =	vld [tilespmem:s24+$0xFFFFFDF0];
	v16 =	vmul.f32 v16, v11  }
0x14f: {  	v38 =	vadd.f32 v38, v39;
	v44 =	vld [tilespmem:s24+$0xFFFFFDE0];
	v18 =	vmul.f32 v18, v10;
	v37 =	vadd.f32 v42, v37  }
0x150: {  	v39 =	vld [tilespmem:s24+$0xFFFFFDD0];
	v36 =	vmul.f32 v36, v9  }
0x151: {  	v42 =	vld [tilespmem:s24+$0xFFFFFDC0];
	v40 =	vmul.f32 v40, v8;
	v16 =	vadd.f32 v16, v18;
	v18 =	vadd.f32 v38, v37  }
0x152: {  	v37 =	vld [tilespmem:s24+$0xFFFFFDB0];
	v38 =	vmul.f32 v41, v7  }
0x153: {  	v41 =	vld [tilespmem:s24+$0xFFFFFDA0];
	v43 =	vmul.f32 v43, v6;
	v36 =	vadd.f32 v36, v40  }
0x154: {  	v40 =	vld [tilespmem:s24+$0xFFFFFD90];
	v44 =	vmul.f32 v44, v5  }
0x155: {  	v45 =	vld [tilespmem:s24+$0xFFFFFC00];
	v39 =	vmul.f32 v39, v4;
	v38 =	vadd.f32 v38, v43;
	v16 =	vadd.f32 v16, v36  }
0x156: {  	v36 =	vld [tilespmem:s24+$0xFFFFFBF0];
	v42 =	vmul.f32 v42, v3  }
0x157: {  	v43 =	vld [tilespmem:s24+$0xFFFFFBE0];
	v37 =	vmul.f32 v37, v2;
	v39 =	vadd.f32 v44, v39;
	v16 =	vadd.f32 v18, v16  }
0x158: {  	v18 =	vld [tilespmem:s24+$0xFFFFFBD0];
	v41 =	vmul.f32 v41, v1  }
0x159: {  	v44 =	vld [tilespmem:s24+$0xFFFFFBC0];
	v40 =	vmul.f32 v40, v0;
	v37 =	vadd.f32 v42, v37;
	v38 =	vadd.f32 v38, v39  }
0x15a: {  	v39 =	vld [tilespmem:s24+$0xFFFFFBB0];
	v42 =	vmul.f32 v45, v15  }
0x15b: {  	v45 =	vld [tilespmem:s24+$0xFFFFFBA0];
	v36 =	vmul.f32 v36, v14;
	v40 =	vadd.f32 v41, v40  }
0x15c: {  	v41 =	vld [tilespmem:s24+$0xFFFFFB90];
	v43 =	vmul.f32 v43, v13  }
0x15d: {  	v46 =	vld [tilespmem:s24+$0xFFFFFA00];
	v18 =	vmul.f32 v18, v12;
	v36 =	vadd.f32 v42, v36  }
0x15e: {  	v37 =	vadd.f32 v37, v40;
	v42 =	vld [tilespmem:s24+$0xFFFFF9F0];
	v44 =	vmul.f32 v44, v11  }
0x15f: {  	v40 =	vld [tilespmem:s24+$0xFFFFF9E0];
	v39 =	vmul.f32 v39, v10;
	v18 =	vadd.f32 v43, v18  }
0x160: {  	v37 =	vadd.f32 v38, v37;
	v43 =	vld [tilespmem:s24+$0xFFFFF9D0];
	v45 =	vmul.f32 v45, v9  }
0x161: {  	v38 =	vld [tilespmem:s24+$0xFFFFF9C0];
	v41 =	vmul.f32 v41, v8;
	v39 =	vadd.f32 v44, v39;
	v18 =	vadd.f32 v36, v18  }
0x162: {  	v16 =	vadd.f32 v16, v37;
	v36 =	vld [tilespmem:s24+$0xFFFFF9B0];
	v44 =	vmul.f32 v46, v7  }
0x163: {  	v37 =	vld [tilespmem:s24+$0xFFFFF9A0];
	v42 =	vmul.f32 v42, v6;
	v41 =	vadd.f32 v45, v41  }
0x164: {  	v45 =	vld [tilespmem:s24+$0xFFFFF990];
	v40 =	vmul.f32 v40, v5;
	(xrf2) =	vadd.scan.msk.f32 $0xffff, v16  }
0x165: {  	v16 =	vld [tilespmem:s24+$0xFFFFF800];
	v43 =	vmul.f32 v43, v4;
	v42 =	vadd.f32 v44, v42;
	v39 =	vadd.f32 v39, v41  }
0x166: {  	v41 =	vld [tilespmem:s24+$0xFFFFF7F0];
	v38 =	vmul.f32 v38, v3  }
0x167: {  	v44 =	vld [tilespmem:s24+$0xFFFFF7E0];
	v36 =	vmul.f32 v36, v2;
	v40 =	vadd.f32 v40, v43;
	v18 =	vadd.f32 v18, v39  }
0x168: {  	v39 =	vld [tilespmem:s24+$0xFFFFF7D0];
	v37 =	vmul.f32 v37, v1  }
0x169: {  	v43 =	vld [tilespmem:s24+$0xFFFFF7C0];
	v45 =	vmul.f32 v45, v0;
	v36 =	vadd.f32 v38, v36;
	v38 =	vadd.f32 v42, v40  }
0x16a: {  	v40 =	vld [tilespmem:s24+$0xFFFFF7B0]  }
0x16b: {  	v16 =	vmul.f32 v16, v15;
	v42 =	vld [tilespmem:s24+$0xFFFFF7A0];
	v41 =	vmul.f32 v41, v14;
	v37 =	vadd.f32 v37, v45  }
0x16c: {  	v45 =	vld [tilespmem:s24+$0xFFFFF790]  }
0x16d: {  	v44 =	vmul.f32 v44, v13;
	v46 =	vld [tilespmem:s24+$0xFFFFF600];
	v39 =	vmul.f32 v39, v12;
	v16 =	vadd.f32 v16, v41  }
0x16e: {  	v47 =	vadd.f32 v36, v37;
	v41 =	vld [tilespmem:s24+$0xFFFFF5F0];
	v36, _, _ =	vpop (xrf2)  }
0x16f: {  	v43 =	vmul.f32 v43, v11;
	v48 =	vld [tilespmem:s24+$0xFFFFF5E0];
	v40 =	vmul.f32 v40, v10;
	v39 =	vadd.f32 v44, v39  }
0x170: {  	v38 =	vadd.f32 v38, v47;
	v37 =	vld [tilespmem:s24+$0xFFFFB190];
	v42 =	vmul.f32 v42, v9  }
0x171: {  	v44 =	vld [tilespmem:s24+$0xFFFFF5D0];
	v45 =	vmul.f32 v45, v8;
	v40 =	vadd.f32 v43, v40;
	v16 =	vadd.f32 v16, v39  }
0x172: {  	v18 =	vadd.f32 v18, v38;
	v39 =	vld [tilespmem:s24+$0xFFFFF5C0];
	v43 =	vmul.f32 v46, v7  }
0x173: {  	v38 =	vld [tilespmem:s24+$0xFFFFF5B0];
	v41 =	vmul.f32 v41, v6;
	v42 =	vadd.f32 v42, v45  }
0x174: {  	v45 =	vld [tilespmem:s24+$0xFFFFF5A0]  }
0x175: {  	v46 =	vld [tilespmem:s24+$0xFFFFF590];
	v41 =	vadd.f32 v43, v41;
	v40 =	vadd.f32 v40, v42  }
0x176: {  	v42 =	vld [tilespmem:s24+$0xFFFFF400];
	v43 =	vmul.f32 v44, v4;
	v44 =	vmul.f32 v48, v5  }
0x177: {  	v47 =	vld [tilespmem:s24+$0xFFFFF3F0];
	v39 =	vmul.f32 v39, v3  }
0x178: {  	v48 =	vld [tilespmem:s24+$0xFFFFF3E0];
	v38 =	vmul.f32 v38, v2;
	v43 =	vadd.f32 v44, v43  }
0x179: {  	v44 =	vld [tilespmem:s24+$0xFFFFF3D0];
	v45 =	vmul.f32 v45, v1  }
0x17a: {  	v49 =	vld [tilespmem:s24+$0xFFFFF3C0];
	v46 =	vmul.f32 v46, v0;
	v38 =	vadd.f32 v39, v38  }
0x17b: {  	v39 =	vld [tilespmem:s24+$0xFFFFF3B0]  }
0x17c: {  	v42 =	vmul.f32 v42, v15;
	v50 =	vld [tilespmem:s24+$0xFFFFF3A0];
	v47 =	vmul.f32 v47, v14;
	v45 =	vadd.f32 v45, v46  }
0x17d: {  	v41 =	vadd.f32 v41, v43;
	v46 =	vld [tilespmem:s24+$0xFFFFF390];
	v48 =	vmul.f32 v48, v13  }
0x17e: {  	v43 =	vld [tilespmem:s24+$0xFFFFF200];
	v44 =	vmul.f32 v44, v12;
	v42 =	vadd.f32 v42, v47;
	v38 =	vadd.f32 v38, v45  }
0x17f: {  	v45 =	vld [tilespmem:s24+$0xFFFFF1F0];
	v47 =	vmul.f32 v49, v11  }
0x180: {  	v49 =	vld [tilespmem:s24+$0xFFFFF1E0];
	v39 =	vmul.f32 v39, v10;
	v44 =	vadd.f32 v48, v44;
	v38 =	vadd.f32 v41, v38  }
0x181: {  	v16 =	vadd.f32 v16, v40;
	v41 =	vld [tilespmem:s24+$0xFFFFF1D0];
	v48 =	vmul.f32 v50, v9  }
0x182: {  	v40 =	vld [tilespmem:s24+$0xFFFFF1C0];
	v46 =	vmul.f32 v46, v8;
	v39 =	vadd.f32 v47, v39;
	v42 =	vadd.f32 v42, v44  }
0x183: {  	v16 =	vadd.f32 v16, v38;
	v44 =	vld [tilespmem:s24+$0xFFFFF1B0];
	v43 =	vmul.f32 v43, v7  }
0x184: {  	v38 =	vld [tilespmem:s24+$0xFFFFF1A0];
	v45 =	vmul.f32 v45, v6;
	v46 =	vadd.f32 v48, v46  }
0x185: {  	v47 =	vld [tilespmem:s24+$0xFFFFF190];
	v48 =	vmul.f32 v49, v5;
	(xrf2) =	vadd.scan.msk.f32 $0xffff, v16  }
0x186: {  	v16 =	vld [tilespmem:s24+$0xFFFFB400];
	v41 =	vmul.f32 v41, v4;
	v43 =	vadd.f32 v43, v45;
	v39 =	vadd.f32 v39, v46  }
0x187: {  	v45 =	vld [tilespmem:s24+$0xFFFFB3F0];
	v40 =	vmul.f32 v40, v3  }
0x188: {  	v46 =	vld [tilespmem:s24+$0xFFFFB3E0];
	v44 =	vmul.f32 v44, v2;
	v41 =	vadd.f32 v48, v41;
	v39 =	vadd.f32 v42, v39  }
0x189: {  	v42 =	vld [tilespmem:s24+$0xFFFFB3D0];
	v38 =	vmul.f32 v38, v1  }
0x18a: {  	v48 =	vld [tilespmem:s24+$0xFFFFB3C0];
	v47 =	vmul.f32 v47, v0;
	v40 =	vadd.f32 v40, v44;
	v41 =	vadd.f32 v43, v41  }
0x18b: {  	v43 =	vld [tilespmem:s24+$0xFFFFB3B0];
	v16 =	vmul.f32 v16, v15  }
0x18c: {  	v44 =	vld [tilespmem:s24+$0xFFFFB3A0];
	v45 =	vmul.f32 v45, v14;
	v38 =	vadd.f32 v38, v47  }
0x18d: {  	v47 =	vld [tilespmem:s24+$0xFFFFB390];
	v46 =	vmul.f32 v46, v13  }
0x18e: {  	v49 =	vld [tilespmem:s24+$0xFFFFB200];
	v42 =	vmul.f32 v42, v12;
	v16 =	vadd.f32 v16, v45;
	v38 =	vadd.f32 v40, v38  }
0x18f: {  	v40 =	vld [tilespmem:s24+$0xFFFFB1F0];
	v45 =	vmul.f32 v48, v11;
	v48, _, _ =	vpop (xrf2)  }
0x190: {  	v50 =	vld [tilespmem:s24+$0xFFFFB1E0];
	v43 =	vmul.f32 v43, v10;
	v42 =	vadd.f32 v46, v42;
	v38 =	vadd.f32 v41, v38  }
0x191: {  	v25 =	vmul.f32 v25, v8;
	v41 =	vld [tilespmem:s24+$0xFFFFB1D0];
	v44 =	vmul.f32 v44, v9;
	(xrf2) =	vadd.scan.msk.f32 $0xffff, v18  }
0x192: {  	v18 =	vld [tilespmem:s24+$0xFFFFB1C0];
	v46 =	vmul.f32 v47, v8;
	v43 =	vadd.f32 v45, v43;
	v38 =	vadd.f32 v39, v38  }
0x193: {  	v31 =	vmul.f32 v31, v3;
	v16 =	vadd.f32 v16, v42;
	v39 =	vld [tilespmem:s24+$0xFFFFB1B0];
	v45 =	vmul.f32 v49, v7  }
0x194: {  	v23 =	vmul.f32 v23, v7;
	v42 =	vld [tilespmem:s24+$0xFFFFB1A0];
	v40 =	vmul.f32 v40, v6;
	v44 =	vadd.f32 v44, v46;
	(xrf2) =	vadd.scan.msk.f32 $0xffff, v38  }
0x195: {  	v35 =	vmul.f32 v35, v3;
	v46 =	vmov s22;
	v38 =	vmul.f32 v50, v5;
	v47 =	vld [tilespmem:s24+$0xFFFFB590]  }
0x196: {  	v23 =	vadd.f32 v23, v24;
	v41 =	vmul.f32 v41, v4;
	v40 =	vadd.f32 v45, v40;
	v45 =	vld [tilespmem:s24+$0xFFFFB9A0]  }
0x197: {  	v34 =	vmul.f32 v34, v1;
	v24 =	vadd.f32 v43, v44;
	v18 =	vmul.f32 v18, v3;
	v43 =	vld [tilespmem:s24+$0xFFFFB990]  }
0x198: {  	vm0 =	veq.s32 v46, v17;
	v39 =	vmul.f32 v39, v2;
	v38 =	vadd.f32 v38, v41;
	v41 =	vld [tilespmem:s24+$0xFFFFBDC0]  }
0x199: {  	v28 =	vadd.f32 v28, v29;
	v37 =	vmul.f32 v37, v0;
	v42 =	vmul.f32 v42, v1;
	v29 =	vld [tilespmem:s24+$0xFFFFBDB0]  }
0x19a: {  	v18 =	vadd.f32 v18, v39;
	v38 =	vadd.f32 v40, v38;
	v39 =	vmul.f32 v47, v0;
	v40 =	vld [tilespmem:s24+$0xFFFFBDA0]  }
0x19b: {  	v44 =	vadd.f32 v26, v28;
	v37 =	vadd.f32 v42, v37;
	v42 =	vmul.f32 v45, v1;
	v45 =	vld [tilespmem:s24+$0xFFFFBD90];
	v26, _, _ =	vpop (xrf2)  }
0x19c: {  	v33 =	vadd.f32 v35, v33;
	v28 =	vadd.f32 v34, v39;
	v34 =	vmul.f32 v43, v0;
	v35 =	vld [tilespmem:s24+$0xFFFFBDD0]  }
0x19d: {  	v27 =	vadd.f32 v31, v27;
	v18 =	vadd.f32 v18, v37;
	v31 =	vmul.f32 v41, v3;
	v37 =	vld [tilespmem:s24+$0xFFFFBFB0]  }
0x19e: {  	v28 =	vadd.f32 v33, v28;
	v33 =	vadd.f32 v42, v34;
	v29 =	vmul.f32 v29, v2;
	v34 =	vld [tilespmem:s24+$0xFFFFBFA0];
	v39, _, _ =	vpop (xrf2)  }
0x19f: {  	s25 =	sadd.s32 $0x1, s22;
	v18 =	vadd.f32 v38, v18;
	v38 =	vbroadcast v39, $0xF;
	v39 =	vmul.f32 v40, v1;
	v40 =	vld [tilespmem:s24+$0xFFFFBFC0]  }
0x1a0: {  	v41 =	vbroadcast v48, $0xF;
	v28 =	vadd.f32 v32, v28;
	v32 =	vmov s25;
	v42 =	vld [tilespmem:s24+$0xFFFFBFE0]  }
0x1a1: {  	v26 =	vbroadcast v26, $0xF;
	v29 =	vadd.f32 v31, v29;
	v38 =	vsel vm0, v38, v21;
	v43 =	vld [tilespmem:s24+$0xFFFFBFD0]  }
0x1a2: {  	v16 =	vadd.f32 v16, v24;
	s25 =	sadd.s32 $0x2, s22;
	vm1 =	veq.s32 v32, v17;
	v21 =	vbroadcast v36, $0xF;
	v24 =	vld [tilespmem:s24+$0xFFFFC000]  }
0x1a3: {  	v31 =	vmul.f32 v35, v4;
	v30 =	vadd.f32 v30, v28;
	v32 =	vmul.f32 v37, v10;
	v35 =	vld [tilespmem:s24+$0xFFFFBFF0]  }
0x1a4: {  	v33 =	vadd.f32 v27, v33;
	v36 =	vmul.f32 v45, v0;
	v28 =	vmov s25  }
0x1a5: {  	v27 =	vsel vm1, v41, v38;
	v20 =	vadd.f32 v20, v31;
	v37 =	vmul.f32 v40, v11  }
0x1a6: {  	v22 =	vadd.f32 v22, v33;
	v31 =	vmul.f32 v34, v9;
	v33 =	vadd.f32 v39, v36  }
0x1a7: {  	v20 =	vadd.f32 v23, v20;
	v32 =	vadd.f32 v37, v32;
	v24 =	vmul.f32 v24, v15  }
0x1a8: {  	v16 =	vadd.f32 v16, v18;
	v18 =	vadd.f32 v44, v22;
	v22 =	vmul.f32 v35, v14;
	(xrf2) =	vadd.scan.msk.f32 $0xffff, v30  }
0x1a9: {  	v25 =	vadd.f32 v31, v25;
	v29 =	vadd.f32 v29, v33;
	v23 =	vmul.f32 v43, v12  }
0x1aa: {  	v30 =	vmul.f32 v42, v13;
	v22 =	vadd.f32 v24, v22  }
0x1ab: {  	v20 =	vadd.f32 v20, v29  }
0x1ac: {  	v23 =	vadd.f32 v30, v23;
	v24 =	vadd.f32 v32, v25;
	(xrf2) =	vadd.scan.msk.f32 $0xffff, v16;
	_ =	sdelay $0x1  }
.Ltmp2:
0x1ad: {  	v16 =	vadd.f32 v22, v23;
	(pc) =	sbr.rel @p0 .LBB2_4-.Ltmp2, $3  }
0x1ae: {  	(xrf2) =	vadd.scan.msk.f32 $0xffff, v18  }
0x1af: {  	v16 =	vadd.f32 v16, v24;
	_ =	sdelay $0x1  }
0x1b0: {  	s24 =	sadd.s32 $0x1000, s24;
	v22 =	vadd.f32 v16, v20;
	v20, _, _ =	vpop (xrf2)  }
0x1b1: {  	_ = 	snop  }
0x1b2: {  	(xrf2) =	vadd.scan.msk.f32 $0xffff, v22;
	_ =	sdelay $0x5  }
0x1b3: {  	v16, _, _ =	vpop (xrf2)  }
0x1b4: {  	v16 =	vbroadcast v16, $0xF  }
0x1b5: {  	v18 =	vbroadcast v20, $0xF  }
0x1b6: {  	v16 =	vsel vm0, v16, v19;
	v19, _, _ =	vpop (xrf2)  }
0x1b7: {  	s22 =	sadd.s32 $0x3, s22;
	v60 =	vld [tilespmem:$0x1FFF0];
	v16 =	vsel vm1, v18, v16;
	v18 =	vbroadcast v19, $0xF;
	v19, _, _ =	vpop (xrf2)  }
0x1b8: {  	vm10 =	veq.s32 v28, v17;
	v59 =	vmov s22;
	v19 =	vbroadcast v19, $0xF  }
0x1b9: {  	vm11 =	veq.s32 v59, v17;
	v16 =	vsel vm10, v18, v16  }
0x1ba: {  	v18 =	vsel vm10, v26, v27;
	v16 =	vsel vm11, v19, v16  }
0x1bb: {  	v18 =	vsel vm11, v21, v18;
	v19 =	vand.u32 $0x7FFFFFFF, v16  }
0x1bc: {  	v21 =	vand.u32 $0x7FFFFFFF, v18;
	v61 =	vmul.f32 v19, v60  }
0x1bd: {  	v22 =	vmul.f32 v21, v60  }
0x1be: {  	v20 =	vfloor.f32 v61  }
0x1bf: {  	v22 =	vfloor.f32 v22;
	v20 =	vmul.f32 $1.024000000e+03, v20  }
0x1c0: {  	v22 =	vmul.f32 $1.024000000e+03, v22  }
0x1c1: {  	v19 =	vsub.f32 v19, v20  }
0x1c2: {  	v62 =	vsub.f32 v21, v22  }
0x1c3: {  	vm12 =	veq.f32 v19, $1.024000000e+03  }
0x1c4: {  	vm13 =	veq.f32 v62, $1.024000000e+03;
	v19 =	vsel vm12, $0x0, v19  }
0x1c5: {  	v16 =	vand.u32 $0x80000000, v16;
	v20 =	vsel vm13, $0x0, v62;
	v19 =	vand.u32 $0x7FFFFFFF, v19  }
0x1c6: {  	v18 =	vand.u32 $0x80000000, v18;
	v16 =	vor.u32 v16, v19;
	v19 =	vand.u32 $0x7FFFFFFF, v20  }
0x1c7: {  	v18 =	vor.u32 v18, v19  }
0x1c8: {  	v19 =	vadd.f32 $1.024000000e+03, v18  }
0x1c9: {  	vm15 =	vlt.f32 v18, $0.0e+00  }
0x1ca: {  	v18 =	vsel vm15, v19, v18;
	v19 =	vld [tilespmem:$0x1FFE0];
	_ =	sdelay $0x1  }
0x1cb: {  	v63 =	vadd.f32 $1.024000000e+03, v16  }
0x1cc: {  	s31 =	sshll.u32 s21, $0x7;
	s21 =	sadd.s32 $0x1, s21;
	vm14 =	vlt.f32 v16, $0.0e+00  }
0x1cd: {  	p0 =	sne.s32 s21, $0x4;
	v16 =	vsel vm14, v63, v16  }
.Ltmp3:
0x1ce: {  	v16 =	vtrunc.f32 v16;
	(pc) =	sbr.rel @p0 .LBB2_3-.Ltmp3, $4  }
0x1cf: {  	v16 =	vcvt.f32.s32 v16;
	v18 =	vtrunc.f32 v18  }
0x1d0: {  	s22 =	sand.u32 $0x3FFFFF80, s31;
	v18 =	vcvt.f32.s32 v18  }
0x1d1: {  	[tilespmem:v19+s22+$0x0 ss:$0x1] =	vst.idx.msk $0xffff, v16  }
0x1d2: {  	s20 =	sadd.s32 $0x80, s20;
	[tilespmem:v19+s22+$0x10 ss:$0x1] =	vst.idx.msk $0xffff, v18  }
0x1d3: {  	s19 =	sshll.u32 s18, $0x10;
	p0 =	seq.s32 s18, $0x6  }
0x1d4: {  	s20 =	sadd.s32 @!p0 s19, s7  }
0x1d5: {  	s21 =	simm.s32 @!p0 $0x200;
	s20 =	sshrl.u32 @!p0 s20, $0x3  }
0x1d6: {  	s22 =	simm.s32 @!p0 $0x400;
	s23 =	simm.s32 @!p0 $0x0;
	s20 =	sadd.s32 @!p0 s1, s20  }
0x1d7: {  	[tilespmem:s23], [sflag:$0x1] =	stream.strided.gather @!p0 [hbm4b:s20+s21], $0x8000, s22, s21, $0x38;
	[tilespmem:$0x11C00] =	vst v63  }
0x1d8: {  	_ =	swait.ge [sflag:s14], $0x8000  }
0x1d9: {  	s20 =	simm.s32 $0x0;
	[sflag:s14] =	ssyncset.done $0x0  }
0x1da: {  	s21 =	simm.s32 $0xCE70;
	s22 =	simm.s32 $0x0;
	[sflag:s14] =	ssyncadd.s32 $0xFFFF8000  }
.LBB2_7:
0x1db: {  	v16 =	vld [tilespmem:s21+$0xFFFFBF90]  }
0x1dc: {  	v25 =	vld [tilespmem:s21+$0xFFFFBDF0]  }
0x1dd: {  	v24 =	vld [tilespmem:s21+$0xFFFFBDE0]  }
0x1de: {  	v18 =	vld [tilespmem:s21+$0xFFFFBBF0]  }
0x1df: {  	v19 =	vld [tilespmem:s21+$0xFFFFBBE0]  }
0x1e0: {  	v28 =	vld [tilespmem:s21+$0xFFFFBBD0]  }
0x1e1: {  	v30 =	vld [tilespmem:s21+$0xFFFFBBC0]  }
0x1e2: {  	v31 =	vld [tilespmem:s21+$0xFFFFBBB0]  }
0x1e3: {  	v32 =	vld [tilespmem:s21+$0xFFFFBBA0]  }
0x1e4: {  	v33 =	vld [tilespmem:s21+$0xFFFFBB90]  }
0x1e5: {  	v34 =	vld [tilespmem:s21+$0xFFFFBA00]  }
0x1e6: {  	v35 =	vld [tilespmem:s21+$0xFFFFB9F0]  }
0x1e7: {  	v36 =	vld [tilespmem:s21+$0xFFFFB9E0]  }
0x1e8: {  	v37 =	vld [tilespmem:s21+$0xFFFFB9D0]  }
0x1e9: {  	v20 =	vld [tilespmem:s21+$0xFFFFB9C0]  }
0x1ea: {  	v38 =	vld [tilespmem:s21+$0xFFFFB800]  }
0x1eb: {  	v39 =	vld [tilespmem:s21+$0xFFFFB7F0]  }
0x1ec: {  	v40 =	vld [tilespmem:s21+$0xFFFFB7E0]  }
0x1ed: {  	v41 =	vld [tilespmem:s21+$0xFFFFB7D0]  }
0x1ee: {  	v42 =	vld [tilespmem:s21+$0xFFFFB7C0]  }
0x1ef: {  	v43 =	vld [tilespmem:s21+$0xFFFFB7B0]  }
0x1f0: {  	v44 =	vld [tilespmem:s21+$0xFFFFB7A0]  }
0x1f1: {  	v45 =	vld [tilespmem:s21+$0xFFFFB790]  }
0x1f2: {  	v46 =	vld [tilespmem:s21+$0xFFFFB600]  }
0x1f3: {  	v47 =	vld [tilespmem:s21+$0xFFFFB5F0]  }
0x1f4: {  	v48 =	vld [tilespmem:s21+$0xFFFFB5E0]  }
0x1f5: {  	v49 =	vld [tilespmem:s21+$0xFFFFB5D0]  }
0x1f6: {  	v27 =	vld [tilespmem:s21+$0xFFFFB5C0]  }
0x1f7: {  	v29 =	vld [tilespmem:s21+$0xFFFFB5B0]  }
0x1f8: {  	v26 =	vld [tilespmem:s21+$0xFFFFB5A0]  }
0x1f9: {  	v50 =	vld [tilespmem:s21+$0x0]  }
0x1fa: {  	v51 =	vld [tilespmem:s21+$0xFFFFFFF0]  }
0x1fb: {  	v52 =	vld [tilespmem:s21+$0xFFFFFFE0]  }
0x1fc: {  	v53 =	vld [tilespmem:s21+$0xFFFFFFD0]  }
0x1fd: {  	v54 =	vld [tilespmem:s21+$0xFFFFFFC0]  }
0x1fe: {  	v55 =	vld [tilespmem:s21+$0xFFFFFFB0]  }
0x1ff: {  	v56 =	vld [tilespmem:s21+$0xFFFFFFA0]  }
0x200: {  	v57 =	vld [tilespmem:s21+$0xFFFFFF90]  }
0x201: {  	v58 =	vld [tilespmem:s21+$0xFFFFFE00]  }
0x202: {  	v59 =	vld [tilespmem:s21+$0xFFFFFDF0]  }
0x203: {  	[tilespmem:$0x1FF90] =	vst v16;
	v16 =	vld [tilespmem:s21+$0xFFFFBE00]  }
0x204: {  	[tilespmem:$0x1FF80] =	vst v20;
	v20 =	vld [tilespmem:s21+$0xFFFFB9B0]  }
0x205: {  	v60 =	vld [tilespmem:s21+$0xFFFFFDE0]  }
0x206: {  	v61 =	vld [tilespmem:s21+$0xFFFFFDD0]  }
0x207: {  	v21 =	vld [tilespmem:s21+$0xFFFFFDA0]  }
0x208: {  	[tilespmem:$0x1FF60] =	vst v16;
	v16 =	vld [tilespmem:s21+$0xFFFFBC00]  }
0x209: {  	v18 =	vmul.f32 v18, v14;
	[tilespmem:$0x1FF70] =	vst v20;
	v20 =	vld [tilespmem:s21+$0xFFFFFD90]  }
0x20a: {  	v62 =	vld [tilespmem:s21+$0xFFFFFDC0];
	v19 =	vmul.f32 v19, v13;
	v28 =	vmul.f32 v28, v12  }
0x20b: {  	v63 =	vld [tilespmem:s21+$0xFFFFFDB0];
	v35 =	vmul.f32 v35, v6;
	v34 =	vmul.f32 v34, v7  }
0x20c: {  	v22 =	vld [tilespmem:s21+$0xFFFFFC00];
	v21 =	vmul.f32 v21, v1;
	v19 =	vadd.f32 v19, v28;
	v28 =	vmul.f32 v32, v9  }
0x20d: {  	v32 =	vmul.f32 v33, v8;
	v33 =	vld [tilespmem:s21+$0xFFFFFBE0];
	v16 =	vmul.f32 v16, v15  }
0x20e: {  	v34 =	vadd.f32 v34, v35;
	v35 =	vmul.f32 v40, v13;
	v40 =	vld [tilespmem:s21+$0xFFFFFBA0];
	v20 =	vmul.f32 v20, v0  }
0x20f: {  	v16 =	vadd.f32 v16, v18;
	v18 =	vmul.f32 v30, v11;
	v30 =	vmul.f32 v31, v10;
	v31 =	vld [tilespmem:s21+$0xFFFFFBF0]  }
0x210: {  	v20 =	vadd.f32 v21, v20;
	v21 =	vld [tilespmem:s21+$0xFFFFF600]  }
0x211: {  	v23 =	vadd.f32 v18, v30;
	v18 =	vld [tilespmem:s21+$0xFFFFFBD0];
	v30 =	vadd.f32 v16, v19;
	v19 =	vmul.f32 v36, v5  }
0x212: {  	v36 =	vmul.f32 v37, v4;
	v37 =	vld [tilespmem:s21+$0xFFFFFBC0];
	v16 =	vadd.f32 v28, v32;
	v28 =	vmul.f32 v39, v14  }
0x213: {  	v32 =	vmul.f32 v38, v15;
	v38 =	vld [tilespmem:s21+$0xFFFFFBB0];
	v39 =	vmul.f32 v41, v12  }
0x214: {  	v41 =	vmul.f32 v45, v8;
	v45 =	vmul.f32 v46, v7;
	v46 =	vld [tilespmem:s21+$0xFFFFF9E0]  }
0x215: {  	v19 =	vadd.f32 v19, v36;
	v36 =	vmul.f32 v44, v9;
	v44 =	vld [tilespmem:s21+$0xFFFFFB90]  }
0x216: {  	v32 =	vadd.f32 v32, v28;
	v28 =	vmul.f32 v43, v10;
	v43 =	vld [tilespmem:s21+$0xFFFFFA00]  }
0x217: {  	v35 =	vadd.f32 v35, v39;
	v39 =	vld [tilespmem:s21+$0xFFFFF9F0]  }
0x218: {  	v42 =	vmul.f32 v42, v11;
	v22 =	vmul.f32 v22, v15;
	v16 =	vadd.f32 v23, v16;
	v23 =	vld [tilespmem:s21+$0xFFFFBDD0]  }
0x219: {  	v31 =	vmul.f32 v31, v14;
	v36 =	vadd.f32 v36, v41;
	v41 =	vmul.f32 v47, v6;
	v47 =	vld [tilespmem:s21+$0xFFFFF9D0]  }
0x21a: {  	v42 =	vadd.f32 v42, v28;
	v32 =	vadd.f32 v32, v35;
	v35 =	vmul.f32 v53, v12;
	v53 =	vld [tilespmem:s21+$0xFFFFF7F0]  }
0x21b: {  	v28 =	vadd.f32 v34, v19;
	v16 =	vadd.f32 v30, v16;
	v30 =	vld [tilespmem:s21+$0xFFFFBFC0]  }
0x21c: {  	v19 =	vmul.f32 v49, v4;
	v49 =	vmul.f32 v48, v5;
	v22 =	vadd.f32 v22, v31;
	v31 =	vld [tilespmem:s21+$0xFFFFF5E0]  }
0x21d: {  	v33 =	vmul.f32 v33, v13;
	v48 =	vadd.f32 v42, v36;
	v42 =	vld [tilespmem:s21+$0xFFFFF9C0]  }
0x21e: {  	v18 =	vmul.f32 v18, v12;
	v19 =	vadd.f32 v49, v19;
	v49 =	vadd.f32 v45, v41;
	v41 =	vld [tilespmem:s21+$0xFFFFF9B0]  }
0x21f: {  	v36 =	vmul.f32 v52, v13;
	v45 =	vld [tilespmem:s21+$0xFFFFF9A0]  }
0x220: {  	v52 =	vld [tilespmem:s21+$0xFFFFF800];
	v18 =	vadd.f32 v33, v18;
	v34 =	vadd.f32 v49, v19;
	v19 =	vmul.f32 v51, v14  }
0x221: {  	v32 =	vadd.f32 v32, v48;
	v48 =	vmul.f32 v50, v15;
	v49 =	vld [tilespmem:s21+$0xFFFFF990];
	v51 =	vmul.f32 v55, v10  }
0x222: {  	v35 =	vadd.f32 v36, v35;
	v36 =	vmul.f32 v56, v9;
	v55 =	vld [tilespmem:s21+$0xFFFFF7E0];
	v56 =	vmul.f32 v61, v4  }
0x223: {  	v61 =	vmul.f32 v63, v2;
	v63 =	vmul.f32 v40, v9;
	v40 =	vld [tilespmem:s21+$0xFFFFF5D0]  }
0x224: {  	v50 =	vmul.f32 v54, v11;
	v18 =	vadd.f32 v22, v18;
	v22 =	vld [tilespmem:s21+$0xFFFFF5C0]  }
0x225: {  	v37 =	vmul.f32 v37, v11;
	v44 =	vmul.f32 v44, v8;
	v19 =	vadd.f32 v48, v19;
	v48 =	vld [tilespmem:s21+$0xFFFFF7D0]  }
0x226: {  	v38 =	vmul.f32 v38, v10;
	v50 =	vadd.f32 v50, v51;
	v51 =	vmul.f32 v58, v7;
	v58 =	vld [tilespmem:s21+$0xFFFFF7B0]  }
0x227: {  	v54 =	vmul.f32 v59, v6;
	v33 =	vadd.f32 v63, v44;
	v44 =	vld [tilespmem:s21+$0xFFFFF5A0]  }
0x228: {  	v57 =	vmul.f32 v57, v8;
	v37 =	vadd.f32 v37, v38;
	v59 =	vmul.f32 v42, v3;
	v42 =	vld [tilespmem:s21+$0xFFFFF590]  }
0x229: {  	v19 =	vadd.f32 v19, v35;
	v51 =	vadd.f32 v51, v54;
	v54 =	vld [tilespmem:s21+$0xFFFFF7C0]  }
0x22a: {  	v35 =	vadd.f32 v36, v57;
	v36 =	vmul.f32 v60, v5;
	v57 =	vmul.f32 v43, v7;
	v43 =	vld [tilespmem:s21+$0xFFFFF5B0]  }
0x22b: {  	v33 =	vadd.f32 v37, v33;
	v37 =	vld [tilespmem:s21+$0xFFFFF3C0]  }
0x22c: {  	v39 =	vmul.f32 v39, v6;
	v36 =	vadd.f32 v36, v56;
	v56 =	vld [tilespmem:s21+$0xFFFFF7A0]  }
0x22d: {  	v60 =	vmul.f32 v62, v3;
	v35 =	vadd.f32 v50, v35;
	v50 =	vld [tilespmem:s21+$0xFFFFF790]  }
0x22e: {  	v38 =	vadd.f32 v57, v39;
	v39 =	vld [tilespmem:s21+$0xFFFFF3E0]  }
0x22f: {  	v62 =	vadd.f32 v60, v61;
	v60 =	vmul.f32 v45, v1;
	v45 =	vld [tilespmem:s21+$0xFFFFF3D0]  }
0x230: {  	v61 =	vmul.f32 v49, v0;
	v49 =	vld [tilespmem:s21+$0xFFFFB1F0]  }
0x231: {  	v41 =	vmul.f32 v41, v2;
	v36 =	vadd.f32 v51, v36;
	v51 =	vld [tilespmem:s21+$0xFFFFF5F0]  }
0x232: {  	v25 =	vmul.f32 v25, v6;
	v19 =	vadd.f32 v19, v35;
	v20 =	vadd.f32 v62, v20;
	v35 =	vld [tilespmem:s21+$0xFFFFB190]  }
0x233: {  	v62 =	vadd.f32 v59, v41;
	v63 =	vadd.f32 v60, v61;
	v59 =	vmul.f32 v52, v15;
	v52 =	vld [tilespmem:s21+$0xFFFFF3B0]  }
0x234: {  	v18 =	vadd.f32 v18, v33;
	v61 =	vmul.f32 v55, v13;
	v55 =	vld [tilespmem:s21+$0xFFFFF390];
	v20 =	vadd.f32 v36, v20  }
0x235: {  	v60 =	vmul.f32 v48, v12;
	v33 =	vadd.f32 v62, v63;
	v62 =	vmul.f32 v58, v10;
	v58 =	vld [tilespmem:s21+$0xFFFFF1F0]  }
0x236: {  	v63 =	vmul.f32 v54, v11;
	v36 =	vadd.f32 v19, v20;
	v19 =	vmul.f32 v46, v5;
	v46 =	vld [tilespmem:s21+$0xFFFFF400]  }
0x237: {  	v24 =	vmul.f32 v24, v5;
	v20 =	vmul.f32 v47, v4;
	v47 =	vadd.f32 v61, v60;
	v60 =	vld [tilespmem:s21+$0xFFFFF1D0]  }
0x238: {  	v54 =	vmul.f32 v56, v9;
	v50 =	vmul.f32 v50, v8;
	v41 =	vadd.f32 v63, v62;
	v62 =	vld [tilespmem:s21+$0xFFFFF1B0]  }
0x239: {  	v21 =	vmul.f32 v21, v7;
	v57 =	vmul.f32 v53, v14;
	v63 =	vld [tilespmem:s21+$0xFFFFF1A0]  }
0x23a: {  	v44 =	vmul.f32 v44, v1;
	v48 =	vadd.f32 v54, v50;
	v54 =	vld [tilespmem:s21+$0xFFFFB3E0];
	v19 =	vadd.f32 v19, v20  }
0x23b: {  	v42 =	vmul.f32 v42, v0;
	v53 =	vmul.f32 v55, v8;
	v55 =	vld [tilespmem:s21+$0xFFFFB3D0]  }
0x23c: {  	v31 =	vmul.f32 v31, v5;
	v56 =	vmul.f32 v51, v6;
	v51 =	vld [tilespmem:s21+$0xFFFFB1E0];
	v19 =	vadd.f32 v38, v19  }
0x23d: {  	v22 =	vmul.f32 v22, v3;
	v43 =	vmul.f32 v43, v2;
	v42 =	vadd.f32 v44, v42;
	v20 =	vld [tilespmem:s21+$0xFFFFF3F0]  }
0x23e: {  	v37 =	vmul.f32 v37, v11;
	v41 =	vadd.f32 v41, v48;
	v48 =	vld [tilespmem:s21+$0xFFFFBD90];
	v19 =	vadd.f32 v19, v33  }
0x23f: {  	v39 =	vmul.f32 v39, v13;
	v45 =	vmul.f32 v45, v12;
	v38 =	vadd.f32 v59, v57;
	v57 =	vld [tilespmem:s21+$0xFFFFF200]  }
0x240: {  	v22 =	vadd.f32 v22, v43;
	v59 =	vld [tilespmem:s21+$0xFFFFF1E0];
	v18 =	vadd.f32 v18, v19;
	v19 =	vmul.f32 v40, v4  }
0x241: {  	v39 =	vadd.f32 v39, v45;
	v52 =	vmul.f32 v52, v10;
	v21 =	vadd.f32 v21, v56;
	v33 =	vld [tilespmem:s21+$0xFFFFF3A0]  }
0x242: {  	v38 =	vadd.f32 v38, v47;
	v47 =	vmul.f32 v60, v4;
	v60 =	vld [tilespmem:s21+$0xFFFFB3A0];
	v19 =	vadd.f32 v31, v19  }
0x243: {  	v37 =	vadd.f32 v37, v52;
	v61 =	vmul.f32 v46, v15;
	v20 =	vmul.f32 v20, v14;
	v31 =	vld [tilespmem:s21+$0xFFFFF1C0]  }
0x244: {  	v29 =	vmul.f32 v29, v2;
	v19 =	vadd.f32 v21, v19;
	v21 =	vadd.f32 v22, v42;
	v22 =	vld [tilespmem:s21+$0xFFFFF190]  }
0x245: {  	v38 =	vadd.f32 v38, v41;
	v40 =	vmul.f32 v58, v6;
	v58 =	vld [tilespmem:s21+$0xFFFFB3B0];
	v20 =	vadd.f32 v61, v20  }
0x246: {  	v56 =	vmul.f32 v57, v7;
	v57 =	vld [tilespmem:s21+$0xFFFFB3C0];
	v61 =	vmul.f32 v63, v1;
	v19 =	vadd.f32 v19, v21  }
0x247: {  	v63 =	vld [tilespmem:s21+$0xFFFFB200];
	v33 =	vmul.f32 v33, v9;
	v20 =	vadd.f32 v20, v39;
	v39 =	vmul.f32 v55, v12  }
0x248: {  	v55 =	vld [tilespmem:s21+$0xFFFFB1C0];
	v31 =	vmul.f32 v31, v3;
	v38 =	vadd.f32 v38, v19;
	v19 =	vmul.f32 v59, v5  }
0x249: {  	v40 =	vadd.f32 v56, v40;
	v56 =	vld [tilespmem:s21+$0xFFFFB1B0];
	v59 =	vmul.f32 v62, v2;
	v22 =	vmul.f32 v22, v0  }
0x24a: {  	v44 =	vmul.f32 v60, v9;
	v60 =	vld [tilespmem:s21+$0xFFFFB990];
	v33 =	vadd.f32 v33, v53;
	v19 =	vadd.f32 v19, v47  }
0x24b: {  	v27 =	vmul.f32 v27, v3;
	v42 =	vld [tilespmem:s21+$0xFFFFB400];
	v31 =	vadd.f32 v31, v59;
	v22 =	vadd.f32 v61, v22  }
0x24c: {  	v52 =	vmul.f32 v54, v13;
	v54 =	vmul.f32 v58, v10;
	v58 =	vld [tilespmem:s21+$0xFFFFB9A0];
	v33 =	vadd.f32 v37, v33  }
0x24d: {  	v26 =	vmul.f32 v26, v1;
	v21 =	vld [tilespmem:s21+$0xFFFFB3F0];
	v19 =	vadd.f32 v40, v19;
	v22 =	vadd.f32 v31, v22  }
0x24e: {  	v23 =	vmul.f32 v23, v4;
	v53 =	vmul.f32 v57, v11;
	v57 =	vld [tilespmem:s21+$0xFFFFB1A0]  }
0x24f: {  	v37 =	vmul.f32 v49, v6;
	v49 =	vld [tilespmem:$0x1FF70];
	v20 =	vadd.f32 v20, v33;
	v22 =	vadd.f32 v19, v22  }
0x250: {  	v30 =	vmul.f32 v30, v11;
	v62 =	vld [tilespmem:s21+$0xFFFFB390];
	v45 =	vmul.f32 v55, v3  }
0x251: {  	v43 =	vmul.f32 v56, v2;
	v50 =	vmul.f32 v42, v15;
	v20 =	vadd.f32 v20, v22;
	v22 =	vld [tilespmem:s21+$0xFFFFB590]  }
0x252: {  	v33 =	vmul.f32 v63, v7;
	v42 =	vmul.f32 v51, v5;
	v51 =	vld [tilespmem:$0x1FF80]  }
0x253: {  	v23 =	vadd.f32 v24, v23;
	v35 =	vmul.f32 v35, v0;
	v39 =	vadd.f32 v52, v39;
	v59 =	vld [tilespmem:$0x1FF60]  }
0x254: {  	v43 =	vadd.f32 v45, v43;
	v21 =	vmul.f32 v21, v14;
	v33 =	vadd.f32 v33, v37;
	v31 =	vld [tilespmem:s21+$0xFFFFB1D0]  }
0x255: {  	v55 =	vld [tilespmem:s21+$0xFFFFC000];
	v41 =	vmul.f32 v57, v1;
	v40 =	vadd.f32 v53, v54;
	v46 =	vmul.f32 v62, v8  }
0x256: {  	(xrf2) =	vadd.scan.msk.f32 $0xffff, v36;
	v61 =	vld [tilespmem:s21+$0xFFFFBDC0];
	v36 =	vmul.f32 v49, v2;
	v21 =	vadd.f32 v50, v21;
	v22 =	vmul.f32 v22, v0  }
0x257: {  	v56 =	vld [tilespmem:$0x1FF90];
	(xrf2) =	vadd.scan.msk.f32 $0xffff, v38;
	v35 =	vadd.f32 v41, v35;
	v38 =	vmul.f32 v51, v3;
	v44 =	vadd.f32 v44, v46  }
0x258: {  	v63 =	vld [tilespmem:s21+$0xFFFFBDA0];
	v46 =	vmul.f32 v59, v7;
	v22 =	vadd.f32 v26, v22;
	v26 =	vadd.f32 v27, v29  }
0x259: {  	v62 =	vld [tilespmem:s21+$0xFFFFBDB0];
	v21 =	vadd.f32 v21, v39;
	v52 =	vadd.f32 v38, v36;
	v31 =	vmul.f32 v31, v4  }
0x25a: {  	(xrf2) =	vadd.scan.msk.f32 $0xffff, v18;
	v57 =	vld [tilespmem:s21+$0xFFFFBFD0];
	v59 =	vmul.f32 v48, v0;
	v25 =	vadd.f32 v46, v25;
	v22 =	vadd.f32 v26, v22  }
0x25b: {  	v50 =	vld [tilespmem:s21+$0xFFFFBFB0];
	v53 =	vmul.f32 v61, v3;
	v40 =	vadd.f32 v40, v44;
	(xrf2) =	vadd.scan.msk.f32 $0xffff, v20;
	v31 =	vadd.f32 v42, v31  }
0x25c: {  	v20 =	vmul.f32 v60, v0;
	v27 =	vld [tilespmem:s21+$0xFFFFBFA0];
	v29 =	vmul.f32 v58, v1;
	v22 =	vadd.f32 v34, v22  }
0x25d: {  	v38 =	vmul.f32 v56, v8;
	v18 =	vadd.f32 v33, v31;
	v31 =	vadd.f32 v43, v35;
	v26 =	vld [tilespmem:s21+$0xFFFFBFE0]  }
0x25e: {  	v54 =	vmul.f32 v62, v2;
	v20 =	vadd.f32 v29, v20;
	v29 =	vld [tilespmem:s21+$0xFFFFBFF0];
	v22 =	vadd.f32 v32, v22  }
0x25f: {  	v21 =	vadd.f32 v21, v40;
	v18 =	vadd.f32 v18, v31;
	v31 =	vmul.f32 v63, v1  }
0x260: {  	v60 =	vmul.f32 v57, v12;
	v23 =	vadd.f32 v25, v23;
	v35 =	vadd.f32 v53, v54  }
0x261: {  	v58 =	vmul.f32 v50, v10;
	v31 =	vadd.f32 v31, v59;
	v20 =	vadd.f32 v52, v20;
	(xrf2) =	vadd.scan.msk.f32 $0xffff, v22  }
0x262: {  	v18 =	vadd.f32 v21, v18;
	v24 =	vmul.f32 v27, v9;
	v27 =	vmul.f32 v55, v15;
	v22, _, _ =	vpop (xrf2)  }
0x263: {  	v20 =	vadd.f32 v28, v20;
	v28 =	vmul.f32 v29, v14;
	v26 =	vmul.f32 v26, v13;
	v29, _, _ =	vpop (xrf2)  }
0x264: {  	v19 =	vimm.f32 $0.0e+00;
	v30 =	vadd.f32 v30, v58;
	v24 =	vadd.f32 v24, v38;
	v62, _, _ =	vpop (xrf2)  }
0x265: {  	v61 =	vmov s20;
	v27 =	vadd.f32 v27, v28;
	v26 =	vadd.f32 v26, v60;
	(xrf2) =	vadd.scan.msk.f32 $0xffff, v18;
	v63, _, _ =	vpop (xrf2)  }
0x266: {  	v25 =	vadd.f32 v35, v31;
	v16 =	vadd.f32 v16, v20;
	v28 =	vbroadcast v63, $0xF  }
0x267: {  	s23 =	simm.s32 $0x1;
	vm0 =	veq.s32 v61, v17;
	v24 =	vadd.f32 v30, v24;
	v26 =	vadd.f32 v27, v26  }
0x268: {  	v31 =	vmov s23;
	(xrf2) =	vadd.scan.msk.f32 $0xffff, v16;
	v20 =	vsel vm0, v28, v19  }
0x269: {  	v23 =	vadd.f32 v23, v25;
	v27 =	vbroadcast v29, $0xF;
	v24 =	vadd.f32 v26, v24  }
0x26a: {  	s31 =	simm.s32 $0x2;
	vm1 =	veq.s32 v31, v17;
	v21 =	vbroadcast v22, $0xF;
	v26 =	vbroadcast v62, $0xF  }
0x26b: {  	s24 =	simm.s32 $0x4;
	s25 =	sadd.s32 $0x1000, s21;
	s23 =	simm.s32 $0x0;
	v22 =	vadd.f32 v24, v23;
	v28 =	vmov s31;
	v27 =	vsel vm1, v27, v20;
	v20, _, _ =	vpop (xrf2)  }
.LBB2_8:
0x26c: {  	v25 =	vld [tilespmem:s25+$0xFFFFBF90];
	p1 =	slt.u32 s24, $0xC;
	s26 =	smov.u32 s24;
	s24 =	sadd.s32 $0x4, s24  }
0x26d: {  	v16 =	vld [tilespmem:s25+$0xFFFFBDF0];
	(xrf2) =	vadd.scan.msk.f32 $0xffff, v22  }
0x26e: {  	v18 =	vbroadcast v20, $0xF;
	v23 =	vld [tilespmem:s25+$0xFFFFBE00]  }
0x26f: {  	v20 =	vld [tilespmem:s25+$0xFFFFBDE0];
	v22, _, _ =	vpop (xrf2)  }
0x270: {  	v29 =	vld [tilespmem:s25+$0xFFFFBC00];
	v24 =	vbroadcast v22, $0xF  }
0x271: {  	v30 =	vld [tilespmem:s25+$0xFFFFBBF0]  }
0x272: {  	v31 =	vld [tilespmem:s25+$0xFFFFBBE0];
	v19 =	vsel vm0, v24, v19;
	v22, _, _ =	vpop (xrf2)  }
0x273: {  	v24 =	vmul.f32 v16, v6;
	v32 =	vld [tilespmem:s25+$0xFFFFBBD0];
	v16 =	vsel vm1, v18, v19  }
0x274: {  	v18 =	vld [tilespmem:s25+$0xFFFFBBC0];
	v20 =	vmul.f32 v20, v5  }
0x275: {  	v22 =	vbroadcast v22, $0xF;
	v19 =	vld [tilespmem:s25+$0xFFFFBBB0];
	v29 =	vmul.f32 v29, v15  }
0x276: {  	s28 =	sadd.s32 $0x3, s23;
	s23 =	smov.u32 s26;
	vm0 =	veq.s32 v28, v17;
	v33 =	vld [tilespmem:s25+$0xFFFFBBA0];
	v30 =	vmul.f32 v30, v14  }
0x277: {  	v16 =	vsel vm0, v22, v16;
	v22 =	vsel vm0, v26, v27;
	v28 =	vld [tilespmem:s25+$0xFFFFBB90];
	v31 =	vmul.f32 v31, v13;
	v26, _, _ =	vpop (xrf2)  }
0x278: {  	v27 =	vld [tilespmem:s25+$0xFFFFBA00];
	v32 =	vmul.f32 v32, v12;
	v29 =	vadd.f32 v29, v30;
	v30 =	vmov s28  }
0x279: {  	v26 =	vbroadcast v26, $0xF;
	v34 =	vld [tilespmem:s25+$0xFFFFB9F0];
	v18 =	vmul.f32 v18, v11  }
0x27a: {  	vm0 =	veq.s32 v30, v17;
	v35 =	vld [tilespmem:s25+$0xFFFFB9E0];
	v36 =	vmul.f32 v19, v10;
	v32 =	vadd.f32 v31, v32  }
0x27b: {  	v19 =	vsel vm0, v26, v16;
	v21 =	vsel vm0, v21, v22;
	v30 =	vld [tilespmem:s25+$0xFFFFB9D0];
	v33 =	vmul.f32 v33, v9  }
0x27c: {  	v31 =	vld [tilespmem:s25+$0xFFFFB9C0];
	v16 =	vmul.f32 v28, v8;
	v28 =	vadd.f32 v18, v36;
	v26 =	vadd.f32 v29, v32  }
0x27d: {  	v18 =	vld [tilespmem:s25+$0xFFFFB9B0]  }
0x27e: {  	v27 =	vmul.f32 v27, v7;
	v22 =	vld [tilespmem:s25+$0xFFFFB800];
	v32 =	vmul.f32 v34, v6;
	v29 =	vadd.f32 v33, v16  }
0x27f: {  	v16 =	vld [tilespmem:s25+$0xFFFFB7F0];
	v33 =	vmul.f32 v35, v5  }
0x280: {  	v34 =	vld [tilespmem:s25+$0xFFFFB7E0];
	v30 =	vmul.f32 v30, v4;
	v32 =	vadd.f32 v27, v32  }
0x281: {  	v35 =	vld [tilespmem:s25+$0xFFFFB7D0]  }
0x282: {  	v36 =	vld [tilespmem:s25+$0xFFFFB7C0];
	v27 =	vmul.f32 v18, v2;
	v18 =	vadd.f32 v33, v30  }
0x283: {  	v30 =	vld [tilespmem:s25+$0xFFFFB7B0]  }
0x284: {  	v37 =	vmul.f32 v22, v15;
	v33 =	vld [tilespmem:s25+$0xFFFFB7A0];
	v16 =	vmul.f32 v16, v14;
	v22 =	vadd.f32 v32, v18  }
0x285: {  	v18 =	vld [tilespmem:s25+$0xFFFFB790];
	v32 =	vmul.f32 v34, v13  }
0x286: {  	v38 =	vld [tilespmem:s25+$0xFFFFB600];
	v34 =	vmul.f32 v35, v12;
	v16 =	vadd.f32 v37, v16  }
0x287: {  	v37 =	vld [tilespmem:s25+$0xFFFFB5F0]  }
0x288: {  	v39 =	vld [tilespmem:s25+$0xFFFFB5E0];
	v30 =	vmul.f32 v30, v10;
	v32 =	vadd.f32 v32, v34  }
0x289: {  	v40 =	vld [tilespmem:s25+$0xFFFFB5D0];
	v33 =	vmul.f32 v33, v9  }
0x28a: {  	v36 =	vmul.f32 v36, v11;
	v35 =	vld [tilespmem:s25+$0xFFFFB5C0];
	v18 =	vmul.f32 v18, v8;
	v16 =	vadd.f32 v16, v32  }
0x28b: {  	v32 =	vld [tilespmem:s25+$0xFFFFB5B0]  }
0x28c: {  	v30 =	vadd.f32 v36, v30;
	v34 =	vld [tilespmem:s25+$0xFFFFB5A0];
	v37 =	vmul.f32 v37, v6;
	v18 =	vadd.f32 v33, v18  }
0x28d: {  	v36 =	vmul.f32 v38, v7;
	v38 =	vld [tilespmem:s25+$0x0]  }
0x28e: {  	v39 =	vmul.f32 v39, v5;
	v40 =	vmul.f32 v40, v4;
	v18 =	vadd.f32 v30, v18;
	v41 =	vld [tilespmem:s25+$0xFFFFFFF0]  }
0x28f: {  	v42 =	vld [tilespmem:s25+$0xFFFFFFE0]  }
0x290: {  	v36 =	vadd.f32 v36, v37;
	v33 =	vmul.f32 v32, v2;
	v32 =	vadd.f32 v39, v40;
	v37 =	vld [tilespmem:s25+$0xFFFFFFD0]  }
0x291: {  	v30 =	vadd.f32 v16, v18;
	v16 =	vld [tilespmem:s25+$0xFFFFFFC0]  }
0x292: {  	v32 =	vadd.f32 v36, v32;
	v18 =	vld [tilespmem:s25+$0xFFFFFFB0]  }
0x293: {  	v36 =	vld [tilespmem:s25+$0xFFFFFFA0];
	v39 =	vmul.f32 v41, v14  }
0x294: {  	v38 =	vmul.f32 v38, v15;
	v40 =	vld [tilespmem:s25+$0xFFFFFF90]  }
0x295: {  	v42 =	vmul.f32 v42, v13;
	v41 =	vld [tilespmem:s25+$0xFFFFFE00];
	v37 =	vmul.f32 v37, v12  }
0x296: {  	v43 =	vld [tilespmem:s25+$0xFFFFFDF0];
	v16 =	vmul.f32 v16, v11  }
0x297: {  	v38 =	vadd.f32 v38, v39;
	v44 =	vld [tilespmem:s25+$0xFFFFFDE0];
	v18 =	vmul.f32 v18, v10;
	v37 =	vadd.f32 v42, v37  }
0x298: {  	v39 =	vld [tilespmem:s25+$0xFFFFFDD0];
	v36 =	vmul.f32 v36, v9  }
0x299: {  	v42 =	vld [tilespmem:s25+$0xFFFFFDC0];
	v40 =	vmul.f32 v40, v8;
	v16 =	vadd.f32 v16, v18;
	v18 =	vadd.f32 v38, v37  }
0x29a: {  	v37 =	vld [tilespmem:s25+$0xFFFFFDB0];
	v38 =	vmul.f32 v41, v7  }
0x29b: {  	v41 =	vld [tilespmem:s25+$0xFFFFFDA0];
	v43 =	vmul.f32 v43, v6;
	v36 =	vadd.f32 v36, v40  }
0x29c: {  	v40 =	vld [tilespmem:s25+$0xFFFFFD90];
	v44 =	vmul.f32 v44, v5  }
0x29d: {  	v45 =	vld [tilespmem:s25+$0xFFFFFC00];
	v39 =	vmul.f32 v39, v4;
	v38 =	vadd.f32 v38, v43;
	v16 =	vadd.f32 v16, v36  }
0x29e: {  	v36 =	vld [tilespmem:s25+$0xFFFFFBF0];
	v42 =	vmul.f32 v42, v3  }
0x29f: {  	v43 =	vld [tilespmem:s25+$0xFFFFFBE0];
	v37 =	vmul.f32 v37, v2;
	v39 =	vadd.f32 v44, v39;
	v16 =	vadd.f32 v18, v16  }
0x2a0: {  	v18 =	vld [tilespmem:s25+$0xFFFFFBD0];
	v41 =	vmul.f32 v41, v1  }
0x2a1: {  	v44 =	vld [tilespmem:s25+$0xFFFFFBC0];
	v40 =	vmul.f32 v40, v0;
	v37 =	vadd.f32 v42, v37;
	v38 =	vadd.f32 v38, v39  }
0x2a2: {  	v39 =	vld [tilespmem:s25+$0xFFFFFBB0];
	v42 =	vmul.f32 v45, v15  }
0x2a3: {  	v45 =	vld [tilespmem:s25+$0xFFFFFBA0];
	v36 =	vmul.f32 v36, v14;
	v40 =	vadd.f32 v41, v40  }
0x2a4: {  	v41 =	vld [tilespmem:s25+$0xFFFFFB90];
	v43 =	vmul.f32 v43, v13  }
0x2a5: {  	v46 =	vld [tilespmem:s25+$0xFFFFFA00];
	v18 =	vmul.f32 v18, v12;
	v36 =	vadd.f32 v42, v36  }
0x2a6: {  	v37 =	vadd.f32 v37, v40;
	v42 =	vld [tilespmem:s25+$0xFFFFF9F0];
	v44 =	vmul.f32 v44, v11  }
0x2a7: {  	v40 =	vld [tilespmem:s25+$0xFFFFF9E0];
	v39 =	vmul.f32 v39, v10;
	v18 =	vadd.f32 v43, v18  }
0x2a8: {  	v37 =	vadd.f32 v38, v37;
	v43 =	vld [tilespmem:s25+$0xFFFFF9D0];
	v45 =	vmul.f32 v45, v9  }
0x2a9: {  	v38 =	vld [tilespmem:s25+$0xFFFFF9C0];
	v41 =	vmul.f32 v41, v8;
	v39 =	vadd.f32 v44, v39;
	v18 =	vadd.f32 v36, v18  }
0x2aa: {  	v16 =	vadd.f32 v16, v37;
	v36 =	vld [tilespmem:s25+$0xFFFFF9B0];
	v44 =	vmul.f32 v46, v7  }
0x2ab: {  	v37 =	vld [tilespmem:s25+$0xFFFFF9A0];
	v42 =	vmul.f32 v42, v6;
	v41 =	vadd.f32 v45, v41  }
0x2ac: {  	v45 =	vld [tilespmem:s25+$0xFFFFF990];
	v40 =	vmul.f32 v40, v5;
	(xrf2) =	vadd.scan.msk.f32 $0xffff, v16  }
0x2ad: {  	v16 =	vld [tilespmem:s25+$0xFFFFF800];
	v43 =	vmul.f32 v43, v4;
	v42 =	vadd.f32 v44, v42;
	v39 =	vadd.f32 v39, v41  }
0x2ae: {  	v41 =	vld [tilespmem:s25+$0xFFFFF7F0];
	v38 =	vmul.f32 v38, v3  }
0x2af: {  	v44 =	vld [tilespmem:s25+$0xFFFFF7E0];
	v36 =	vmul.f32 v36, v2;
	v40 =	vadd.f32 v40, v43;
	v18 =	vadd.f32 v18, v39  }
0x2b0: {  	v39 =	vld [tilespmem:s25+$0xFFFFF7D0];
	v37 =	vmul.f32 v37, v1  }
0x2b1: {  	v43 =	vld [tilespmem:s25+$0xFFFFF7C0];
	v45 =	vmul.f32 v45, v0;
	v36 =	vadd.f32 v38, v36;
	v38 =	vadd.f32 v42, v40  }
0x2b2: {  	v40 =	vld [tilespmem:s25+$0xFFFFF7B0]  }
0x2b3: {  	v16 =	vmul.f32 v16, v15;
	v42 =	vld [tilespmem:s25+$0xFFFFF7A0];
	v41 =	vmul.f32 v41, v14;
	v37 =	vadd.f32 v37, v45  }
0x2b4: {  	v45 =	vld [tilespmem:s25+$0xFFFFF790]  }
0x2b5: {  	v44 =	vmul.f32 v44, v13;
	v46 =	vld [tilespmem:s25+$0xFFFFF600];
	v39 =	vmul.f32 v39, v12;
	v16 =	vadd.f32 v16, v41  }
0x2b6: {  	v47 =	vadd.f32 v36, v37;
	v41 =	vld [tilespmem:s25+$0xFFFFF5F0];
	v36, _, _ =	vpop (xrf2)  }
0x2b7: {  	v43 =	vmul.f32 v43, v11;
	v48 =	vld [tilespmem:s25+$0xFFFFF5E0];
	v40 =	vmul.f32 v40, v10;
	v39 =	vadd.f32 v44, v39  }
0x2b8: {  	v38 =	vadd.f32 v38, v47;
	v37 =	vld [tilespmem:s25+$0xFFFFB190];
	v42 =	vmul.f32 v42, v9  }
0x2b9: {  	v44 =	vld [tilespmem:s25+$0xFFFFF5D0];
	v45 =	vmul.f32 v45, v8;
	v40 =	vadd.f32 v43, v40;
	v16 =	vadd.f32 v16, v39  }
0x2ba: {  	v18 =	vadd.f32 v18, v38;
	v39 =	vld [tilespmem:s25+$0xFFFFF5C0];
	v43 =	vmul.f32 v46, v7  }
0x2bb: {  	v38 =	vld [tilespmem:s25+$0xFFFFF5B0];
	v41 =	vmul.f32 v41, v6;
	v42 =	vadd.f32 v42, v45  }
0x2bc: {  	v45 =	vld [tilespmem:s25+$0xFFFFF5A0]  }
0x2bd: {  	v46 =	vld [tilespmem:s25+$0xFFFFF590];
	v41 =	vadd.f32 v43, v41;
	v40 =	vadd.f32 v40, v42  }
0x2be: {  	v42 =	vld [tilespmem:s25+$0xFFFFF400];
	v43 =	vmul.f32 v44, v4;
	v44 =	vmul.f32 v48, v5  }
0x2bf: {  	v47 =	vld [tilespmem:s25+$0xFFFFF3F0];
	v39 =	vmul.f32 v39, v3  }
0x2c0: {  	v48 =	vld [tilespmem:s25+$0xFFFFF3E0];
	v38 =	vmul.f32 v38, v2;
	v43 =	vadd.f32 v44, v43  }
0x2c1: {  	v44 =	vld [tilespmem:s25+$0xFFFFF3D0];
	v45 =	vmul.f32 v45, v1  }
0x2c2: {  	v49 =	vld [tilespmem:s25+$0xFFFFF3C0];
	v46 =	vmul.f32 v46, v0;
	v38 =	vadd.f32 v39, v38  }
0x2c3: {  	v39 =	vld [tilespmem:s25+$0xFFFFF3B0]  }
0x2c4: {  	v42 =	vmul.f32 v42, v15;
	v50 =	vld [tilespmem:s25+$0xFFFFF3A0];
	v47 =	vmul.f32 v47, v14;
	v45 =	vadd.f32 v45, v46  }
0x2c5: {  	v41 =	vadd.f32 v41, v43;
	v46 =	vld [tilespmem:s25+$0xFFFFF390];
	v48 =	vmul.f32 v48, v13  }
0x2c6: {  	v43 =	vld [tilespmem:s25+$0xFFFFF200];
	v44 =	vmul.f32 v44, v12;
	v42 =	vadd.f32 v42, v47;
	v38 =	vadd.f32 v38, v45  }
0x2c7: {  	v45 =	vld [tilespmem:s25+$0xFFFFF1F0];
	v47 =	vmul.f32 v49, v11  }
0x2c8: {  	v49 =	vld [tilespmem:s25+$0xFFFFF1E0];
	v39 =	vmul.f32 v39, v10;
	v44 =	vadd.f32 v48, v44;
	v38 =	vadd.f32 v41, v38  }
0x2c9: {  	v16 =	vadd.f32 v16, v40;
	v41 =	vld [tilespmem:s25+$0xFFFFF1D0];
	v48 =	vmul.f32 v50, v9  }
0x2ca: {  	v40 =	vld [tilespmem:s25+$0xFFFFF1C0];
	v46 =	vmul.f32 v46, v8;
	v39 =	vadd.f32 v47, v39;
	v42 =	vadd.f32 v42, v44  }
0x2cb: {  	v16 =	vadd.f32 v16, v38;
	v44 =	vld [tilespmem:s25+$0xFFFFF1B0];
	v43 =	vmul.f32 v43, v7  }
0x2cc: {  	v38 =	vld [tilespmem:s25+$0xFFFFF1A0];
	v45 =	vmul.f32 v45, v6;
	v46 =	vadd.f32 v48, v46  }
0x2cd: {  	v47 =	vld [tilespmem:s25+$0xFFFFF190];
	v48 =	vmul.f32 v49, v5;
	(xrf2) =	vadd.scan.msk.f32 $0xffff, v16  }
0x2ce: {  	v16 =	vld [tilespmem:s25+$0xFFFFB400];
	v41 =	vmul.f32 v41, v4;
	v43 =	vadd.f32 v43, v45;
	v39 =	vadd.f32 v39, v46  }
0x2cf: {  	v45 =	vld [tilespmem:s25+$0xFFFFB3F0];
	v40 =	vmul.f32 v40, v3  }
0x2d0: {  	v46 =	vld [tilespmem:s25+$0xFFFFB3E0];
	v44 =	vmul.f32 v44, v2;
	v41 =	vadd.f32 v48, v41;
	v39 =	vadd.f32 v42, v39  }
0x2d1: {  	v42 =	vld [tilespmem:s25+$0xFFFFB3D0];
	v38 =	vmul.f32 v38, v1  }
0x2d2: {  	v48 =	vld [tilespmem:s25+$0xFFFFB3C0];
	v47 =	vmul.f32 v47, v0;
	v40 =	vadd.f32 v40, v44;
	v41 =	vadd.f32 v43, v41  }
0x2d3: {  	v43 =	vld [tilespmem:s25+$0xFFFFB3B0];
	v16 =	vmul.f32 v16, v15  }
0x2d4: {  	v44 =	vld [tilespmem:s25+$0xFFFFB3A0];
	v45 =	vmul.f32 v45, v14;
	v38 =	vadd.f32 v38, v47  }
0x2d5: {  	v47 =	vld [tilespmem:s25+$0xFFFFB390];
	v46 =	vmul.f32 v46, v13  }
0x2d6: {  	v49 =	vld [tilespmem:s25+$0xFFFFB200];
	v42 =	vmul.f32 v42, v12;
	v16 =	vadd.f32 v16, v45;
	v38 =	vadd.f32 v40, v38  }
0x2d7: {  	v40 =	vld [tilespmem:s25+$0xFFFFB1F0];
	v45 =	vmul.f32 v48, v11;
	v48, _, _ =	vpop (xrf2)  }
0x2d8: {  	v50 =	vld [tilespmem:s25+$0xFFFFB1E0];
	v43 =	vmul.f32 v43, v10;
	v42 =	vadd.f32 v46, v42;
	v38 =	vadd.f32 v41, v38  }
0x2d9: {  	v25 =	vmul.f32 v25, v8;
	v41 =	vld [tilespmem:s25+$0xFFFFB1D0];
	v44 =	vmul.f32 v44, v9;
	(xrf2) =	vadd.scan.msk.f32 $0xffff, v18  }
0x2da: {  	v18 =	vld [tilespmem:s25+$0xFFFFB1C0];
	v46 =	vmul.f32 v47, v8;
	v43 =	vadd.f32 v45, v43;
	v38 =	vadd.f32 v39, v38  }
0x2db: {  	v31 =	vmul.f32 v31, v3;
	v16 =	vadd.f32 v16, v42;
	v39 =	vld [tilespmem:s25+$0xFFFFB1B0];
	v45 =	vmul.f32 v49, v7  }
0x2dc: {  	v23 =	vmul.f32 v23, v7;
	v42 =	vld [tilespmem:s25+$0xFFFFB1A0];
	v40 =	vmul.f32 v40, v6;
	v44 =	vadd.f32 v44, v46;
	(xrf2) =	vadd.scan.msk.f32 $0xffff, v38  }
0x2dd: {  	v35 =	vmul.f32 v35, v3;
	v46 =	vmov s23;
	v38 =	vmul.f32 v50, v5;
	v47 =	vld [tilespmem:s25+$0xFFFFB590]  }
0x2de: {  	v23 =	vadd.f32 v23, v24;
	v41 =	vmul.f32 v41, v4;
	v40 =	vadd.f32 v45, v40;
	v45 =	vld [tilespmem:s25+$0xFFFFB9A0]  }
0x2df: {  	v34 =	vmul.f32 v34, v1;
	v24 =	vadd.f32 v43, v44;
	v18 =	vmul.f32 v18, v3;
	v43 =	vld [tilespmem:s25+$0xFFFFB990]  }
0x2e0: {  	vm0 =	veq.s32 v46, v17;
	v39 =	vmul.f32 v39, v2;
	v38 =	vadd.f32 v38, v41;
	v41 =	vld [tilespmem:s25+$0xFFFFBDC0]  }
0x2e1: {  	v28 =	vadd.f32 v28, v29;
	v37 =	vmul.f32 v37, v0;
	v42 =	vmul.f32 v42, v1;
	v29 =	vld [tilespmem:s25+$0xFFFFBDB0]  }
0x2e2: {  	v18 =	vadd.f32 v18, v39;
	v38 =	vadd.f32 v40, v38;
	v39 =	vmul.f32 v47, v0;
	v40 =	vld [tilespmem:s25+$0xFFFFBDA0]  }
0x2e3: {  	v44 =	vadd.f32 v26, v28;
	v37 =	vadd.f32 v42, v37;
	v42 =	vmul.f32 v45, v1;
	v45 =	vld [tilespmem:s25+$0xFFFFBD90];
	v26, _, _ =	vpop (xrf2)  }
0x2e4: {  	v33 =	vadd.f32 v35, v33;
	v28 =	vadd.f32 v34, v39;
	v34 =	vmul.f32 v43, v0;
	v35 =	vld [tilespmem:s25+$0xFFFFBDD0]  }
0x2e5: {  	v27 =	vadd.f32 v31, v27;
	v18 =	vadd.f32 v18, v37;
	v31 =	vmul.f32 v41, v3;
	v37 =	vld [tilespmem:s25+$0xFFFFBFB0]  }
0x2e6: {  	v28 =	vadd.f32 v33, v28;
	v33 =	vadd.f32 v42, v34;
	v29 =	vmul.f32 v29, v2;
	v34 =	vld [tilespmem:s25+$0xFFFFBFA0];
	v39, _, _ =	vpop (xrf2)  }
0x2e7: {  	s26 =	sadd.s32 $0x1, s23;
	v18 =	vadd.f32 v38, v18;
	v38 =	vbroadcast v39, $0xF;
	v39 =	vmul.f32 v40, v1;
	v40 =	vld [tilespmem:s25+$0xFFFFBFC0]  }
0x2e8: {  	v41 =	vbroadcast v48, $0xF;
	v28 =	vadd.f32 v32, v28;
	v32 =	vmov s26;
	v42 =	vld [tilespmem:s25+$0xFFFFBFE0]  }
0x2e9: {  	v26 =	vbroadcast v26, $0xF;
	v29 =	vadd.f32 v31, v29;
	v38 =	vsel vm0, v38, v21;
	v43 =	vld [tilespmem:s25+$0xFFFFBFD0]  }
0x2ea: {  	v16 =	vadd.f32 v16, v24;
	s26 =	sadd.s32 $0x2, s23;
	vm1 =	veq.s32 v32, v17;
	v21 =	vbroadcast v36, $0xF;
	v24 =	vld [tilespmem:s25+$0xFFFFC000]  }
0x2eb: {  	v31 =	vmul.f32 v35, v4;
	v30 =	vadd.f32 v30, v28;
	v32 =	vmul.f32 v37, v10;
	v35 =	vld [tilespmem:s25+$0xFFFFBFF0]  }
0x2ec: {  	v33 =	vadd.f32 v27, v33;
	v36 =	vmul.f32 v45, v0;
	v28 =	vmov s26  }
0x2ed: {  	v27 =	vsel vm1, v41, v38;
	v20 =	vadd.f32 v20, v31;
	v37 =	vmul.f32 v40, v11  }
0x2ee: {  	v22 =	vadd.f32 v22, v33;
	v31 =	vmul.f32 v34, v9;
	v33 =	vadd.f32 v39, v36  }
0x2ef: {  	v20 =	vadd.f32 v23, v20;
	v32 =	vadd.f32 v37, v32;
	v24 =	vmul.f32 v24, v15  }
0x2f0: {  	v16 =	vadd.f32 v16, v18;
	v18 =	vadd.f32 v44, v22;
	v22 =	vmul.f32 v35, v14;
	(xrf2) =	vadd.scan.msk.f32 $0xffff, v30  }
0x2f1: {  	v25 =	vadd.f32 v31, v25;
	v29 =	vadd.f32 v29, v33;
	v23 =	vmul.f32 v43, v12  }
0x2f2: {  	v30 =	vmul.f32 v42, v13;
	v22 =	vadd.f32 v24, v22  }
0x2f3: {  	v20 =	vadd.f32 v20, v29  }
0x2f4: {  	v23 =	vadd.f32 v30, v23;
	v24 =	vadd.f32 v32, v25;
	(xrf2) =	vadd.scan.msk.f32 $0xffff, v16;
	_ =	sdelay $0x1  }
.Ltmp4:
0x2f5: {  	v16 =	vadd.f32 v22, v23;
	(pc) =	sbr.rel @p1 .LBB2_8-.Ltmp4, $3  }
0x2f6: {  	(xrf2) =	vadd.scan.msk.f32 $0xffff, v18  }
0x2f7: {  	v16 =	vadd.f32 v16, v24;
	_ =	sdelay $0x1  }
0x2f8: {  	s25 =	sadd.s32 $0x1000, s25;
	v22 =	vadd.f32 v16, v20;
	v20, _, _ =	vpop (xrf2)  }
0x2f9: {  	_ = 	snop  }
0x2fa: {  	(xrf2) =	vadd.scan.msk.f32 $0xffff, v22;
	_ =	sdelay $0x5  }
0x2fb: {  	v16, _, _ =	vpop (xrf2)  }
0x2fc: {  	v16 =	vbroadcast v16, $0xF  }
0x2fd: {  	v18 =	vbroadcast v20, $0xF  }
0x2fe: {  	v16 =	vsel vm0, v16, v19;
	v19, _, _ =	vpop (xrf2)  }
0x2ff: {  	s23 =	sadd.s32 $0x3, s23;
	v60 =	vld [tilespmem:$0x1FFF0];
	v16 =	vsel vm1, v18, v16;
	v18 =	vbroadcast v19, $0xF;
	v19, _, _ =	vpop (xrf2)  }
0x300: {  	vm10 =	veq.s32 v28, v17;
	v59 =	vmov s23;
	v19 =	vbroadcast v19, $0xF  }
0x301: {  	vm11 =	veq.s32 v59, v17;
	v16 =	vsel vm10, v18, v16  }
0x302: {  	v18 =	vsel vm10, v26, v27;
	v16 =	vsel vm11, v19, v16  }
0x303: {  	v18 =	vsel vm11, v21, v18;
	v19 =	vand.u32 $0x7FFFFFFF, v16  }
0x304: {  	v21 =	vand.u32 $0x7FFFFFFF, v18;
	v61 =	vmul.f32 v19, v60  }
0x305: {  	v22 =	vmul.f32 v21, v60  }
0x306: {  	v20 =	vfloor.f32 v61  }
0x307: {  	v22 =	vfloor.f32 v22;
	v20 =	vmul.f32 $1.024000000e+03, v20  }
0x308: {  	v22 =	vmul.f32 $1.024000000e+03, v22  }
0x309: {  	v19 =	vsub.f32 v19, v20  }
0x30a: {  	v62 =	vsub.f32 v21, v22  }
0x30b: {  	vm12 =	veq.f32 v19, $1.024000000e+03  }
0x30c: {  	vm13 =	veq.f32 v62, $1.024000000e+03;
	v19 =	vsel vm12, $0x0, v19  }
0x30d: {  	v16 =	vand.u32 $0x80000000, v16;
	v20 =	vsel vm13, $0x0, v62;
	v19 =	vand.u32 $0x7FFFFFFF, v19  }
0x30e: {  	v18 =	vand.u32 $0x80000000, v18;
	v16 =	vor.u32 v16, v19;
	v19 =	vand.u32 $0x7FFFFFFF, v20  }
0x30f: {  	v18 =	vor.u32 v18, v19  }
0x310: {  	v19 =	vadd.f32 $1.024000000e+03, v18  }
0x311: {  	vm15 =	vlt.f32 v18, $0.0e+00  }
0x312: {  	v18 =	vsel vm15, v19, v18;
	v19 =	vld [tilespmem:$0x1FFE0];
	_ =	sdelay $0x1  }
0x313: {  	v63 =	vadd.f32 $1.024000000e+03, v16  }
0x314: {  	s31 =	sshll.u32 s22, $0x7;
	s22 =	sadd.s32 $0x1, s22;
	vm14 =	vlt.f32 v16, $0.0e+00  }
0x315: {  	p1 =	sne.s32 s22, $0x4;
	v16 =	vsel vm14, v63, v16  }
.Ltmp5:
0x316: {  	v16 =	vtrunc.f32 v16;
	(pc) =	sbr.rel @p1 .LBB2_7-.Ltmp5, $4  }
0x317: {  	v16 =	vcvt.f32.s32 v16;
	v18 =	vtrunc.f32 v18  }
0x318: {  	s23 =	sand.u32 $0x3FFFFF80, s31;
	v18 =	vcvt.f32.s32 v18  }
0x319: {  	[tilespmem:v19+s23+$0x200 ss:$0x1] =	vst.idx.msk $0xffff, v16  }
0x31a: {  	s21 =	sadd.s32 $0x80, s21;
	[tilespmem:v19+s23+$0x210 ss:$0x1] =	vst.idx.msk $0xffff, v18  }
.Ltmp6:
0x31b: {  	(pc) =	sbr.rel @p0 .LBB2_12-.Ltmp6, $1  }
0x31c: {  	_ =	sdelay $0x3  }
.Ltmp7:
0x31d: {  	(pc) =	sbr.rel .LBB2_2-.Ltmp7, $4  }
0x31e: {  	s19 =	sadd.s32 s19, s7  }
0x31f: {  	s19 =	sshrl.u32 s19, $0x3  }
0x320: {  	s18 =	sadd.s32 $0x1, s18;
	s19 =	sadd.s32 s19, s5  }
0x321: {  	[tilespmem:s12], [sflag:$0x2] =	stream.strided.gather [hbm4b:s19+s10], $0x8000, s11, s10, $0x38;
	[tilespmem:$0x11C00] =	vst v63  }
.LBB2_13:
0x322: {  	_ =	sfence.sel $0x180000  }
0x323: {  	[bflag:$0x0] =	sbarrier.arrive $0xFFFF  }
0x324: {  	p0 =	sne.s32 s3, $0x0;
	_ =	strace $0x90000047  }
0x325: {  	s0 =	sadd.s32 @!p0 $0x100000, s0;
	[bflag:$0x2] =	sbarrier.arrive $0xFFFF  }
0x326: {  	[sflag:s0] =	ssyncadd.tile.s32 @!p0 $0x1;
	_ =	shalt  }
.Lfunc_end2:
_tile_overlayer_lowered:
.L_overlay_start_2:
0x327: {  	(tag) =	ssettag $0x2  }
0x328: {  	s0 =	rddreg [dreg:$0x0];
	s2 =	stileid.u32  }
0x329: {  	s1 =	rddreg [dreg:$0x1];
	p0 =	sne.s32 s2, $0x0  }
0x32a: {  	s3 =	rddreg [dreg:$0x2];
	[bflag:$0x3] =	sbarrier.arrive $0xFFFF;
	s2 =	simm.s32 @!p0 $0x1C03  }
0x32b: {  	[timem:s3], [sflag:s2] =	dma.local @!p0 [hbm:s0], s1  }
0x32c: {  	s0 =	simm.s32 @!p0 $0x3  }
0x32d: {  	_ =	swait.ge @!p0 [sflag:s0], s1  }
0x32e: {  	s1 =	ssub.s32 @!p0 $0x0, s1;
	[sflag:s0] =	ssyncset.done @!p0 $0x0  }
0x32f: {  	[sflag:s0] =	ssyncadd.s32 @!p0 s1  }
0x330: {  	[bflag:$0x3] =	sbarrier.arrive $0xFFFF  }
0x331: {  	_ =	shalt  }

</sc_bundles>
